<compile_context>
chip_gen: v7x
topology: tpu7x:2x2x1
jax: 0.10.2.dev20260603
libtpu: 0.0.44.dev20260713+nightly
codegen_flags: <defaults>
</compile_context>

<pallas_src>
import functools

import jax
import jax.numpy as jnp
from jax import lax
from jax.experimental import pallas as pl
from jax.experimental.pallas import tpu as pltpu
from jax.experimental.pallas import tpu_sc as plsc

N_NODES = 10000
N_EDGES = 320000
D = 128

NC = 2
NS = 16
NW = NC * NS

NP = 10240
ROWS_PER_TILE = NP // NS
CHUNK = 128
GK = 16
G = 5
CHUNKS = G * GK
EW = CHUNKS * CHUNK
E_PAD = NW * EW

NB = 5
BR = NP // NB


def _sc_mesh():
    return plsc.VectorSubcoreMesh(core_axis_name="c", subcore_axis_name="s",
                                  num_cores=NC, num_subcores=NS)


@functools.cache
def _build_deg_kernel():
    return functools.partial(
        pl.kernel,
        out_type=jax.ShapeDtypeStruct((NC, NP), jnp.float32),
        mesh=_sc_mesh(),
        scratch_types=[
            pltpu.VMEM((CHUNKS, CHUNK), jnp.int32),
            pltpu.VMEM((CHUNK,), jnp.float32),
            pltpu.VMEM_SHARED((NP,), jnp.float32),
            pltpu.SemaphoreType.DMA,
        ],
    )(_deg_body)


def _deg_body(dst_hbm, ones_hbm, zeros1_hbm, out_hbm, idx_v, ones_v, acc_sh, sem):
    c = lax.axis_index("c")
    s = lax.axis_index("s")
    wid = s * NC + c
    pltpu.sync_copy(ones_hbm, ones_v)
    pltpu.sync_copy(zeros1_hbm.at[pl.ds(s * ROWS_PER_TILE, ROWS_PER_TILE)],
                    acc_sh.at[pl.ds(s * ROWS_PER_TILE, ROWS_PER_TILE)])
    pltpu.sync_copy(dst_hbm.at[wid], idx_v)
    plsc.subcore_barrier()

    AHEAD = 8

    def fire(j):
        pltpu.async_copy(ones_v, acc_sh.at[idx_v.at[j]], sem, add=True)

    def drain(j, carry):
        pltpu.make_async_copy(ones_v, acc_sh.at[idx_v.at[0]], sem).wait()
        return carry

    for j in range(AHEAD):
        fire(j)

    def body(j, carry):
        pltpu.make_async_copy(ones_v, acc_sh.at[idx_v.at[0]], sem).wait()
        fire(j + AHEAD)
        return carry

    lax.fori_loop(0, CHUNKS - AHEAD, body, 0)
    lax.fori_loop(0, AHEAD, drain, 0)
    plsc.subcore_barrier()
    pltpu.sync_copy(acc_sh.at[pl.ds(s * ROWS_PER_TILE, ROWS_PER_TILE)],
                    out_hbm.at[c, pl.ds(s * ROWS_PER_TILE, ROWS_PER_TILE)])


@functools.cache
def _build_edge_sum_kernel():
    return functools.partial(
        pl.kernel,
        out_type=jax.ShapeDtypeStruct((NC, NP, D), jnp.float32),
        mesh=_sc_mesh(),
        scratch_types=[
            pltpu.VMEM((2, GK, CHUNK), jnp.int32),
            pltpu.VMEM((CHUNK, D), jnp.float32),
            pltpu.VMEM((CHUNK, D), jnp.float32),
            pltpu.VMEM_SHARED((NP, D), jnp.float32),
            pltpu.SemaphoreType.DMA,
            pltpu.SemaphoreType.DMA,
            pltpu.SemaphoreType.DMA,
        ],
    )(_edge_sum_body)


def _edge_sum_body(y_hbm, src_hbm, dst_hbm, zeros2_hbm, out_hbm,
                   idxw, rows0, rows1, acc_sh, g0sem, g1sem, ssem):
    c = lax.axis_index("c")
    s = lax.axis_index("s")
    wid = s * NC + c
    pltpu.sync_copy(zeros2_hbm,
                    acc_sh.at[pl.ds(s * ROWS_PER_TILE, ROWS_PER_TILE)])
    plsc.subcore_barrier()

    bufs = ((rows0, g0sem), (rows1, g1sem))

    def group(g, carry):
        pltpu.sync_copy(src_hbm.at[wid, g], idxw.at[0])
        pltpu.sync_copy(dst_hbm.at[wid, g], idxw.at[1])
        pltpu.async_copy(y_hbm.at[idxw.at[0, 0]], rows0, g0sem)
        for k in range(GK):
            rbuf, rsem = bufs[k % 2]
            if k > 0:
                pbuf = bufs[(k - 1) % 2][0]
                pltpu.make_async_copy(pbuf, acc_sh.at[idxw.at[1, k - 1]],
                                      ssem).wait()
            if k + 1 < GK:
                nbuf, nsem = bufs[(k + 1) % 2]
                pltpu.async_copy(y_hbm.at[idxw.at[0, k + 1]], nbuf, nsem)
            pltpu.make_async_copy(y_hbm.at[idxw.at[0, k]], rbuf, rsem).wait()
            pltpu.async_copy(rbuf, acc_sh.at[idxw.at[1, k]], ssem, add=True)
        last = bufs[(GK - 1) % 2][0]
        pltpu.make_async_copy(last, acc_sh.at[idxw.at[1, GK - 1]],
                              ssem).wait()
        return carry

    lax.fori_loop(0, G, group, 0)

    plsc.subcore_barrier()
    pltpu.sync_copy(acc_sh.at[pl.ds(s * ROWS_PER_TILE, ROWS_PER_TILE)],
                    out_hbm.at[c, pl.ds(s * ROWS_PER_TILE, ROWS_PER_TILE)])



def _tc_a1_body(x_ref, w1_ref, xw_ref):
    xw_ref[...] = jnp.dot(x_ref[...], w1_ref[...],
                          preferred_element_type=jnp.float32)


def _tc_a2_body(xw_ref, p0_ref, p1_ref, y_ref, dinv_ref):
    deg = p0_ref[0] + p1_ref[0] + 1.0
    dinv = lax.rsqrt(jnp.maximum(deg, 1.0))
    y_ref[...] = xw_ref[...] * dinv
    dinv_ref[...] = dinv


def _tc_b_body(a0_ref, a1_ref, y1_ref, dinv_ref, b1_ref, w2_ref, y2_ref):
    dinv = dinv_ref[...]
    acc = a0_ref[0] + a1_ref[0] + y1_ref[...]
    h1 = jnp.maximum(acc * dinv + b1_ref[...], 0.0)
    y2_ref[...] = jnp.dot(h1, w2_ref[...],
                          preferred_element_type=jnp.float32) * dinv


def _tc_c_body(a0_ref, a1_ref, y2_ref, dinv_ref, b2_ref, wfc_ref, bfc_ref,
               out_ref, acc_scr):
    i = pl.program_id(0)
    acc = a0_ref[0] + a1_ref[0] + y2_ref[...]
    h2 = jnp.maximum(acc * dinv_ref[...] + b2_ref[...], 0.0)
    row = lax.broadcasted_iota(jnp.int32, (BR, D), 0) + i * BR
    h2 = jnp.where(row < N_NODES, h2, 0.0)
    psum = jnp.sum(h2, axis=0, keepdims=True)

    @pl.when(i == 0)
    def _():
        acc_scr[...] = psum

    @pl.when(i > 0)
    def _():
        acc_scr[...] = acc_scr[...] + psum

    @pl.when(i == NB - 1)
    def _():
        pooled = acc_scr[...] / float(N_NODES)
        tot = jnp.sum(pooled * wfc_ref[...], axis=1, keepdims=True)
        out_ref[...] = jax.nn.sigmoid(jnp.broadcast_to(tot, (1, D))
                                      + bfc_ref[...])


def _row_spec(shape):
    return pl.BlockSpec(shape, lambda i: (i, 0))


def _full_spec(shape):
    return pl.BlockSpec(shape, lambda i: (0, 0))


def _part_spec(c):
    if c == 0:
        return pl.BlockSpec((1, BR, D), lambda i: (0, i, 0))
    return pl.BlockSpec((1, BR, D), lambda i: (1, i, 0))


def _deg_spec(c):
    if c == 0:
        return pl.BlockSpec((1, BR, 1), lambda i: (0, i, 0))
    return pl.BlockSpec((1, BR, 1), lambda i: (1, i, 0))


_tc_a1 = pl.pallas_call(
    _tc_a1_body,
    grid=(NB,),
    in_specs=[_row_spec((BR, D)), _full_spec((D, D))],
    out_specs=_row_spec((BR, D)),
    out_shape=jax.ShapeDtypeStruct((NP, D), jnp.float32),
)

_tc_a2 = pl.pallas_call(
    _tc_a2_body,
    grid=(NB,),
    in_specs=[_row_spec((BR, D)), _deg_spec(0), _deg_spec(1)],
    out_specs=[_row_spec((BR, D)), _row_spec((BR, 1))],
    out_shape=[jax.ShapeDtypeStruct((NP, D), jnp.float32),
               jax.ShapeDtypeStruct((NP, 1), jnp.float32)],
)

_tc_b = pl.pallas_call(
    _tc_b_body,
    grid=(NB,),
    in_specs=[_part_spec(0), _part_spec(1), _row_spec((BR, D)),
              _row_spec((BR, 1)), _full_spec((1, D)), _full_spec((D, D))],
    out_specs=_row_spec((BR, D)),
    out_shape=jax.ShapeDtypeStruct((NP, D), jnp.float32),
)

_tc_c = pl.pallas_call(
    _tc_c_body,
    grid=(NB,),
    in_specs=[_part_spec(0), _part_spec(1), _row_spec((BR, D)),
              _row_spec((BR, 1)), _full_spec((1, D)), _full_spec((1, D)),
              _full_spec((1, D))],
    out_specs=_full_spec((1, D)),
    out_shape=jax.ShapeDtypeStruct((1, D), jnp.float32),
    scratch_shapes=[pltpu.VMEM((1, D), jnp.float32)],
)



def kernel(x, edge_index, W1, b1, W2, b2, Wfc, bfc):
    src = edge_index[0].astype(jnp.int32)
    dst = edge_index[1].astype(jnp.int32)

    n_dummy = E_PAD - N_EDGES
    pad_rows = N_NODES + (jnp.arange(n_dummy, dtype=jnp.int32) % (NP - N_NODES))
    src_flat = jnp.concatenate([src, pad_rows])
    dst_flat = jnp.concatenate([dst, pad_rows])
    src_p = src_flat.reshape(NW, G, GK, CHUNK)
    dst_p = dst_flat.reshape(NW, G, GK, CHUNK)
    dst_deg = dst_flat.reshape(NW, CHUNKS, CHUNK)

    x_p = jnp.pad(x, ((0, NP - N_NODES), (0, 0)))
    ones = jnp.ones((CHUNK,), jnp.float32)
    zeros1 = jnp.zeros((NP,), jnp.float32)
    zeros2 = jnp.zeros((ROWS_PER_TILE, D), jnp.float32)

    xw1 = _tc_a1(x_p, W1)
    degs = _build_deg_kernel()(dst_deg, ones, zeros1)
    degs3 = degs.reshape(NC, NP, 1)

    y1, dinv = _tc_a2(xw1, degs3, degs3)

    edge_sum = _build_edge_sum_kernel()
    acc1 = edge_sum(y1, src_p, dst_p, zeros2)
    y2 = _tc_b(acc1, acc1, y1, dinv, b1.reshape(1, D), W2)

    acc2 = edge_sum(y2, src_p, dst_p, zeros2)
    out = _tc_c(acc2, acc2, y2, dinv, b2.reshape(1, D),
                Wfc.reshape(1, D), jnp.broadcast_to(bfc.reshape(1, 1), (1, D)))
    return out[0, :1]

# --- scband reference (transcript-rebuilt; emitter-appended) ---
"""Pipeline reference for scband-simple-gnn-9431748182297 (READ-ONLY COPY).

The authoritative reference and input builder live on the scoring server;
editing this copy changes nothing except your own understanding.
"""

import jax, jax.numpy as jnp
import numpy as np

N_NODES = 10000
N_EDGES = 320000
IN_DIM = 128
HID_DIM = 128
OUT_DIM = 1


def setup_inputs(seed: int = 0) -> dict:
    key = jax.random.key(seed)
    ks = jax.random.split(key, 8)
    x = jax.random.normal(ks[0], (N_NODES, IN_DIM), dtype=jnp.float32)
    edge_index = jax.random.randint(ks[1], (2, N_EDGES), 0, N_NODES, dtype=jnp.int64)
    W1 = jax.random.normal(ks[2], (IN_DIM, HID_DIM), dtype=jnp.float32) / np.sqrt(IN_DIM)
    b1 = jnp.zeros((HID_DIM,), dtype=jnp.float32)
    W2 = jax.random.normal(ks[3], (HID_DIM, HID_DIM), dtype=jnp.float32) / np.sqrt(HID_DIM)
    b2 = jnp.zeros((HID_DIM,), dtype=jnp.float32)
    Wfc = jax.random.normal(ks[4], (HID_DIM, OUT_DIM), dtype=jnp.float32) / np.sqrt(HID_DIM)
    bfc = jnp.zeros((OUT_DIM,), dtype=jnp.float32)
    return {"x": x, "edge_index": edge_index, "W1": W1, "b1": b1, "W2": W2, "b2": b2, "Wfc": Wfc, "bfc": bfc}


def _gcn_conv(x, edge_index, W, b):
    # PyG GCNConv: add self-loops, symmetric normalization D^-1/2 (A+I) D^-1/2, then X W + b
    N = x.shape[0]
    loop = jnp.arange(N, dtype=edge_index.dtype)
    src = jnp.concatenate([edge_index[0], loop])
    dst = jnp.concatenate([edge_index[1], loop])
    deg = jnp.zeros((N,), dtype=x.dtype).at[dst].add(1.0)
    dinv = 1.0 / jnp.sqrt(jnp.maximum(deg, 1.0))
    norm = dinv[src] * dinv[dst]
    xw = x @ W
    msgs = xw[src] * norm[:, None]
    out = jnp.zeros_like(xw).at[dst].add(msgs)
    return out + b


def reference(x, edge_index, W1, b1, W2, b2, Wfc, bfc):
    h = jax.nn.relu(_gcn_conv(x, edge_index, W1, b1))
    h = jax.nn.relu(_gcn_conv(h, edge_index, W2, b2))
    pooled = jnp.mean(h, axis=0)
    out = pooled @ Wfc + bfc
    return jax.nn.sigmoid(out)

if __name__ == "__main__":
    import jax
    _d = setup_inputs()
    print(jax.jit(kernel)(*tuple(_d.values())))

</pallas_src>

<mosaic_0001>
#map = affine_map<(d0, d1) -> (0, 0)>
#map1 = affine_map<(d0, d1) -> (0, 0, 0, 0)>
#map2 = affine_map<(d0, d1) -> (0, 0, 0)>
module attributes {stable_mosaic.version = 14 : i64} {
  func.func @_edge_sum_body(%arg0: i32, %arg1: i32, %arg2: memref<10240x128xf32, #tpu.memory_space<hbm>>, %arg3: memref<32x5x16x128xi32, #tpu.memory_space<hbm>>, %arg4: memref<32x5x16x128xi32, #tpu.memory_space<hbm>>, %arg5: memref<640x128xf32, #tpu.memory_space<hbm>>, %arg6: memref<2x10240x128xf32, #tpu.memory_space<hbm>>, %arg7: memref<2x16x128xi32, #tpu.memory_space<vmem>>, %arg8: memref<128x128xf32, #tpu.memory_space<vmem>>, %arg9: memref<128x128xf32, #tpu.memory_space<vmem>>, %arg10: memref<10240x128xf32, #tpu.memory_space<vmem_shared>>, %arg11: memref<!tpu.dma_semaphore, #tpu.memory_space<semaphore_mem>>, %arg12: memref<!tpu.dma_semaphore, #tpu.memory_space<semaphore_mem>>, %arg13: memref<!tpu.dma_semaphore, #tpu.memory_space<semaphore_mem>>) attributes {dimension_semantics = [#tpu.dimension_semantics<core_parallel>, #tpu.dimension_semantics<subcore_parallel>], iteration_bounds = array<i64: 2, 16>, scalar_prefetch = 0 : i64, scratch_operands = 7 : i64, tpu.core_type = #tpu.core_type<sc_vector_subcore>, window_params = [{transform_indices = #map}, {transform_indices = #map1}, {transform_indices = #map1}, {transform_indices = #map}, {transform_indices = #map2}]} {
    %mul3A = arith.constant 2 : i32
    %mul3A_0 = arith.muli %arg1, %mul3A : i32
    %add3A = arith.addi %mul3A_0, %arg0 : i32
    %mul3A_1 = arith.constant 640 : i32
    %mul3A_2 = arith.muli %arg1, %mul3A_1 : i32
    "tpu.region"() ({
      %run_scoped3A = tpu.sem_alloc : memref<!tpu.dma_semaphore, #tpu.memory_space<semaphore_mem>>
      %dma_start3A = arith.constant 0 : i32
      %dma_start3A_13 = tpu.memref_slice %arg10[%mul3A_2, %dma_start3A] : memref<10240x128xf32, #tpu.memory_space<vmem_shared>> -> memref<640x128xf32, #tpu.memory_space<vmem_shared>>
      tpu.enqueue_dma source(%arg5 : memref<640x128xf32, #tpu.memory_space<hbm>>) target(%dma_start3A_13 : memref<640x128xf32, #tpu.memory_space<vmem_shared>>) target_semaphore(%run_scoped3A : memref<!tpu.dma_semaphore, #tpu.memory_space<semaphore_mem>>)
      %dma_wait3A = arith.constant 0 : i32
      %dma_wait3A_14 = tpu.memref_slice %arg10[%mul3A_2, %dma_wait3A] : memref<10240x128xf32, #tpu.memory_space<vmem_shared>> -> memref<640x128xf32, #tpu.memory_space<vmem_shared>>
      tpu.wait_dma2 semaphore(%run_scoped3A : memref<!tpu.dma_semaphore, #tpu.memory_space<semaphore_mem>>) src(%arg5 : memref<640x128xf32, #tpu.memory_space<hbm>>) dst(%dma_wait3A_14 : memref<640x128xf32, #tpu.memory_space<vmem_shared>>)
      tpu.yield
    }) : () -> ()
    %barrier3A = arith.constant 0 : index
    tpu.barrier barrier_id(%barrier3A)
    %scan3A = arith.constant 0 : i32
    %scan3A_3 = arith.constant 0 : i32
    %scan3A_4 = arith.constant 5 : i32
    %scan3A_5 = arith.addi %scan3A_3, %scan3A_4 : i32
    %scan3A_6 = arith.constant 1 : i32
    scf.for %scan3A_13 = %scan3A_3 to %scan3A_5 step %scan3A_6  : i32 {
      %run_scoped3A = arith.constant 0 : i32
      "tpu.region"() ({
        %run_scoped3A_525 = tpu.sem_alloc : memref<!tpu.dma_semaphore, #tpu.memory_space<semaphore_mem>>
        %dma_start3A_526 = arith.constant 0 : i32
        %dma_start3A_527 = arith.constant 0 : i32
        %dma_start3A_528 = tpu.memref_slice %arg7[%run_scoped3A, %dma_start3A_526, %dma_start3A_527] : memref<2x16x128xi32, #tpu.memory_space<vmem>> -> memref<1x16x128xi32, #tpu.memory_space<vmem>>
        %dma_start3A_529 = tpu.memref_squeeze %dma_start3A_528 : memref<1x16x128xi32, #tpu.memory_space<vmem>> -> memref<16x128xi32, #tpu.memory_space<vmem>>
        %dma_start3A_530 = arith.constant 0 : i32
        %dma_start3A_531 = arith.constant 0 : i32
        %dma_start3A_532 = tpu.memref_slice %arg3[%add3A, %scan3A_13, %dma_start3A_530, %dma_start3A_531] : memref<32x5x16x128xi32, #tpu.memory_space<hbm>> -> memref<1x1x16x128xi32, #tpu.memory_space<hbm>>
        %dma_start3A_533 = tpu.memref_squeeze %dma_start3A_532 : memref<1x1x16x128xi32, #tpu.memory_space<hbm>> -> memref<16x128xi32, #tpu.memory_space<hbm>>
        %dma_start3A_534 = arith.constant 0 : i32
        %dma_start3A_535 = arith.constant 0 : i32
        %dma_start3A_536 = tpu.memref_slice %arg7[%run_scoped3A, %dma_start3A_534, %dma_start3A_535] : memref<2x16x128xi32, #tpu.memory_space<vmem>> -> memref<1x16x128xi32, #tpu.memory_space<vmem>>
        %dma_start3A_537 = tpu.memref_squeeze %dma_start3A_536 : memref<1x16x128xi32, #tpu.memory_space<vmem>> -> memref<16x128xi32, #tpu.memory_space<vmem>>
        %dma_start3A_538 = arith.constant 0 : i32
        %dma_start3A_539 = arith.constant 0 : i32
        %dma_start3A_540 = tpu.memref_slice %arg3[%add3A, %scan3A_13, %dma_start3A_538, %dma_start3A_539] : memref<32x5x16x128xi32, #tpu.memory_space<hbm>> -> memref<1x1x16x128xi32, #tpu.memory_space<hbm>>
        %dma_start3A_541 = tpu.memref_squeeze %dma_start3A_540 : memref<1x1x16x128xi32, #tpu.memory_space<hbm>> -> memref<16x128xi32, #tpu.memory_space<hbm>>
        tpu.enqueue_dma source(%dma_start3A_541 : memref<16x128xi32, #tpu.memory_space<hbm>>) target(%dma_start3A_537 : memref<16x128xi32, #tpu.memory_space<vmem>>) target_semaphore(%run_scoped3A_525 : memref<!tpu.dma_semaphore, #tpu.memory_space<semaphore_mem>>)
        %dma_wait3A_542 = arith.constant 0 : i32
        %dma_wait3A_543 = arith.constant 0 : i32
        %dma_wait3A_544 = tpu.memref_slice %arg7[%run_scoped3A, %dma_wait3A_542, %dma_wait3A_543] : memref<2x16x128xi32, #tpu.memory_space<vmem>> -> memref<1x16x128xi32, #tpu.memory_space<vmem>>
        %dma_wait3A_545 = tpu.memref_squeeze %dma_wait3A_544 : memref<1x16x128xi32, #tpu.memory_space<vmem>> -> memref<16x128xi32, #tpu.memory_space<vmem>>
        %dma_wait3A_546 = arith.constant 0 : i32
        %dma_wait3A_547 = arith.constant 0 : i32
        %dma_wait3A_548 = tpu.memref_slice %arg3[%add3A, %scan3A_13, %dma_wait3A_546, %dma_wait3A_547] : memref<32x5x16x128xi32, #tpu.memory_space<hbm>> -> memref<1x1x16x128xi32, #tpu.memory_space<hbm>>
        %dma_wait3A_549 = tpu.memref_squeeze %dma_wait3A_548 : memref<1x1x16x128xi32, #tpu.memory_space<hbm>> -> memref<16x128xi32, #tpu.memory_space<hbm>>
        %dma_wait3A_550 = arith.constant 0 : i32
        %dma_wait3A_551 = arith.constant 0 : i32
        %dma_wait3A_552 = tpu.memref_slice %arg7[%run_scoped3A, %dma_wait3A_550, %dma_wait3A_551] : memref<2x16x128xi32, #tpu.memory_space<vmem>> -> memref<1x16x128xi32, #tpu.memory_space<vmem>>
        %dma_wait3A_553 = tpu.memref_squeeze %dma_wait3A_552 : memref<1x16x128xi32, #tpu.memory_space<vmem>> -> memref<16x128xi32, #tpu.memory_space<vmem>>
        %dma_wait3A_554 = arith.constant 0 : i32
        %dma_wait3A_555 = arith.constant 0 : i32
        %dma_wait3A_556 = tpu.memref_slice %arg3[%add3A, %scan3A_13, %dma_wait3A_554, %dma_wait3A_555] : memref<32x5x16x128xi32, #tpu.memory_space<hbm>> -> memref<1x1x16x128xi32, #tpu.memory_space<hbm>>
        %dma_wait3A_557 = tpu.memref_squeeze %dma_wait3A_556 : memref<1x1x16x128xi32, #tpu.memory_space<hbm>> -> memref<16x128xi32, #tpu.memory_space<hbm>>
        tpu.wait_dma2 semaphore(%run_scoped3A_525 : memref<!tpu.dma_semaphore, #tpu.memory_space<semaphore_mem>>) src(%dma_wait3A_557 : memref<16x128xi32, #tpu.memory_space<hbm>>) dst(%dma_wait3A_553 : memref<16x128xi32, #tpu.memory_space<vmem>>)
        tpu.yield
      }) : () -> ()
      %run_scoped3A_14 = arith.constant 1 : i32
      "tpu.region"() ({
        %run_scoped3A_525 = tpu.sem_alloc : memref<!tpu.dma_semaphore, #tpu.memory_space<semaphore_mem>>
        %dma_start3A_526 = arith.constant 0 : i32
        %dma_start3A_527 = arith.constant 0 : i32
        %dma_start3A_528 = tpu.memref_slice %arg7[%run_scoped3A_14, %dma_start3A_526, %dma_start3A_527] : memref<2x16x128xi32, #tpu.memory_space<vmem>> -> memref<1x16x128xi32, #tpu.memory_space<vmem>>
        %dma_start3A_529 = tpu.memref_squeeze %dma_start3A_528 : memref<1x16x128xi32, #tpu.memory_space<vmem>> -> memref<16x128xi32, #tpu.memory_space<vmem>>
        %dma_start3A_530 = arith.constant 0 : i32
        %dma_start3A_531 = arith.constant 0 : i32
        %dma_start3A_532 = tpu.memref_slice %arg4[%add3A, %scan3A_13, %dma_start3A_530, %dma_start3A_531] : memref<32x5x16x128xi32, #tpu.memory_space<hbm>> -> memref<1x1x16x128xi32, #tpu.memory_space<hbm>>
        %dma_start3A_533 = tpu.memref_squeeze %dma_start3A_532 : memref<1x1x16x128xi32, #tpu.memory_space<hbm>> -> memref<16x128xi32, #tpu.memory_space<hbm>>
        %dma_start3A_534 = arith.constant 0 : i32
        %dma_start3A_535 = arith.constant 0 : i32
        %dma_start3A_536 = tpu.memref_slice %arg7[%run_scoped3A_14, %dma_start3A_534, %dma_start3A_535] : memref<2x16x128xi32, #tpu.memory_space<vmem>> -> memref<1x16x128xi32, #tpu.memory_space<vmem>>
        %dma_start3A_537 = tpu.memref_squeeze %dma_start3A_536 : memref<1x16x128xi32, #tpu.memory_space<vmem>> -> memref<16x128xi32, #tpu.memory_space<vmem>>
        %dma_start3A_538 = arith.constant 0 : i32
        %dma_start3A_539 = arith.constant 0 : i32
        %dma_start3A_540 = tpu.memref_slice %arg4[%add3A, %scan3A_13, %dma_start3A_538, %dma_start3A_539] : memref<32x5x16x128xi32, #tpu.memory_space<hbm>> -> memref<1x1x16x128xi32, #tpu.memory_space<hbm>>
        %dma_start3A_541 = tpu.memref_squeeze %dma_start3A_540 : memref<1x1x16x128xi32, #tpu.memory_space<hbm>> -> memref<16x128xi32, #tpu.memory_space<hbm>>
        tpu.enqueue_dma source(%dma_start3A_541 : memref<16x128xi32, #tpu.memory_space<hbm>>) target(%dma_start3A_537 : memref<16x128xi32, #tpu.memory_space<vmem>>) target_semaphore(%run_scoped3A_525 : memref<!tpu.dma_semaphore, #tpu.memory_space<semaphore_mem>>)
        %dma_wait3A_542 = arith.constant 0 : i32
        %dma_wait3A_543 = arith.constant 0 : i32
        %dma_wait3A_544 = tpu.memref_slice %arg7[%run_scoped3A_14, %dma_wait3A_542, %dma_wait3A_543] : memref<2x16x128xi32, #tpu.memory_space<vmem>> -> memref<1x16x128xi32, #tpu.memory_space<vmem>>
        %dma_wait3A_545 = tpu.memref_squeeze %dma_wait3A_544 : memref<1x16x128xi32, #tpu.memory_space<vmem>> -> memref<16x128xi32, #tpu.memory_space<vmem>>
        %dma_wait3A_546 = arith.constant 0 : i32
        %dma_wait3A_547 = arith.constant 0 : i32
        %dma_wait3A_548 = tpu.memref_slice %arg4[%add3A, %scan3A_13, %dma_wait3A_546, %dma_wait3A_547] : memref<32x5x16x128xi32, #tpu.memory_space<hbm>> -> memref<1x1x16x128xi32, #tpu.memory_space<hbm>>
        %dma_wait3A_549 = tpu.memref_squeeze %dma_wait3A_548 : memref<1x1x16x128xi32, #tpu.memory_space<hbm>> -> memref<16x128xi32, #tpu.memory_space<hbm>>
        %dma_wait3A_550 = arith.constant 0 : i32
        %dma_wait3A_551 = arith.constant 0 : i32
        %dma_wait3A_552 = tpu.memref_slice %arg7[%run_scoped3A_14, %dma_wait3A_550, %dma_wait3A_551] : memref<2x16x128xi32, #tpu.memory_space<vmem>> -> memref<1x16x128xi32, #tpu.memory_space<vmem>>
        %dma_wait3A_553 = tpu.memref_squeeze %dma_wait3A_552 : memref<1x16x128xi32, #tpu.memory_space<vmem>> -> memref<16x128xi32, #tpu.memory_space<vmem>>
        %dma_wait3A_554 = arith.constant 0 : i32
        %dma_wait3A_555 = arith.constant 0 : i32
        %dma_wait3A_556 = tpu.memref_slice %arg4[%add3A, %scan3A_13, %dma_wait3A_554, %dma_wait3A_555] : memref<32x5x16x128xi32, #tpu.memory_space<hbm>> -> memref<1x1x16x128xi32, #tpu.memory_space<hbm>>
        %dma_wait3A_557 = tpu.memref_squeeze %dma_wait3A_556 : memref<1x1x16x128xi32, #tpu.memory_space<hbm>> -> memref<16x128xi32, #tpu.memory_space<hbm>>
        tpu.wait_dma2 semaphore(%run_scoped3A_525 : memref<!tpu.dma_semaphore, #tpu.memory_space<semaphore_mem>>) src(%dma_wait3A_557 : memref<16x128xi32, #tpu.memory_space<hbm>>) dst(%dma_wait3A_553 : memref<16x128xi32, #tpu.memory_space<vmem>>)
        tpu.yield
      }) : () -> ()
      %dma_start3A = arith.constant 0 : i32
      %dma_start3A_15 = arith.constant 0 : i32
      %dma_start3A_16 = arith.constant 0 : i32
      %dma_start3A_17 = tpu.memref_slice %arg7[%dma_start3A, %dma_start3A_15, %dma_start3A_16] : memref<2x16x128xi32, #tpu.memory_space<vmem>> -> memref<1x1x128xi32, #tpu.memory_space<vmem>>
      %dma_start3A_18 = tpu.memref_squeeze %dma_start3A_17 : memref<1x1x128xi32, #tpu.memory_space<vmem>> -> memref<128xi32, #tpu.memory_space<vmem>>
      %dma_start3A_19 = arith.constant 0 : i32
      %dma_start3A_20 = arith.constant 0 : i32
      %dma_start3A_21 = tpu.memref_slice %arg2[%dma_start3A_19, %dma_start3A_20] : memref<10240x128xf32, #tpu.memory_space<hbm>> -> memref<10240x128xf32, #tpu.memory_space<hbm>>
      tpu.enqueue_indirect_dma source(%dma_start3A_21 : memref<10240x128xf32, #tpu.memory_space<hbm>>) target(%arg8 : memref<128x128xf32, #tpu.memory_space<vmem>>) offsets(%dma_start3A_18 : memref<128xi32, #tpu.memory_space<vmem>>) semaphore(%arg11 : memref<!tpu.dma_semaphore, #tpu.memory_space<semaphore_mem>>)
      %dma_start3A_22 = arith.constant 0 : i32
      %dma_start3A_23 = arith.constant 1 : i32
      %dma_start3A_24 = arith.constant 0 : i32
      %dma_start3A_25 = tpu.memref_slice %arg7[%dma_start3A_22, %dma_start3A_23, %dma_start3A_24] : memref<2x16x128xi32, #tpu.memory_space<vmem>> -> memref<1x1x128xi32, #tpu.memory_space<vmem>>
      %dma_start3A_26 = tpu.memref_squeeze %dma_start3A_25 : memref<1x1x128xi32, #tpu.memory_space<vmem>> -> memref<128xi32, #tpu.memory_space<vmem>>
      %dma_start3A_27 = arith.constant 0 : i32
      %dma_start3A_28 = arith.constant 0 : i32
      %dma_start3A_29 = tpu.memref_slice %arg2[%dma_start3A_27, %dma_start3A_28] : memref<10240x128xf32, #tpu.memory_space<hbm>> -> memref<10240x128xf32, #tpu.memory_space<hbm>>
      tpu.enqueue_indirect_dma source(%dma_start3A_29 : memref<10240x128xf32, #tpu.memory_space<hbm>>) target(%arg9 : memref<128x128xf32, #tpu.memory_space<vmem>>) offsets(%dma_start3A_26 : memref<128xi32, #tpu.memory_space<vmem>>) semaphore(%arg12 : memref<!tpu.dma_semaphore, #tpu.memory_space<semaphore_mem>>)
      %dma_wait3A = arith.constant 0 : i32
      %dma_wait3A_30 = arith.constant 0 : i32
      %dma_wait3A_31 = arith.constant 0 : i32
      %dma_wait3A_32 = tpu.memref_slice %arg7[%dma_wait3A, %dma_wait3A_30, %dma_wait3A_31] : memref<2x16x128xi32, #tpu.memory_space<vmem>> -> memref<1x1x128xi32, #tpu.memory_space<vmem>>
      %dma_wait3A_33 = tpu.memref_squeeze %dma_wait3A_32 : memref<1x1x128xi32, #tpu.memory_space<vmem>> -> memref<128xi32, #tpu.memory_space<vmem>>
      %dma_wait3A_34 = arith.constant 0 : i32
      %dma_wait3A_35 = arith.constant 0 : i32
      %dma_wait3A_36 = tpu.memref_slice %arg2[%dma_wait3A_34, %dma_wait3A_35] : memref<10240x128xf32, #tpu.memory_space<hbm>> -> memref<10240x128xf32, #tpu.memory_space<hbm>>
      tpu.wait_indirect_dma semaphore(%arg11 : memref<!tpu.dma_semaphore, #tpu.memory_space<semaphore_mem>>) src(%dma_wait3A_36 : memref<10240x128xf32, #tpu.memory_space<hbm>>) dst(%arg8 : memref<128x128xf32, #tpu.memory_space<vmem>>)
      %dma_start3A_37 = arith.constant 1 : i32
      %dma_start3A_38 = arith.constant 0 : i32
      %dma_start3A_39 = arith.constant 0 : i32
      %dma_start3A_40 = tpu.memref_slice %arg7[%dma_start3A_37, %dma_start3A_38, %dma_start3A_39] : memref<2x16x128xi32, #tpu.memory_space<vmem>> -> memref<1x1x128xi32, #tpu.memory_space<vmem>>
      %dma_start3A_41 = tpu.memref_squeeze %dma_start3A_40 : memref<1x1x128xi32, #tpu.memory_space<vmem>> -> memref<128xi32, #tpu.memory_space<vmem>>
      %dma_start3A_42 = arith.constant 0 : i32
      %dma_start3A_43 = arith.constant 0 : i32
      %dma_start3A_44 = tpu.memref_slice %arg10[%dma_start3A_42, %dma_start3A_43] : memref<10240x128xf32, #tpu.memory_space<vmem_shared>> -> memref<10240x128xf32, #tpu.memory_space<vmem_shared>>
      tpu.enqueue_indirect_dma source(%arg8 : memref<128x128xf32, #tpu.memory_space<vmem>>) target(%dma_start3A_44 : memref<10240x128xf32, #tpu.memory_space<vmem_shared>>) offsets(%dma_start3A_41 : memref<128xi32, #tpu.memory_space<vmem>>) semaphore(%arg13 : memref<!tpu.dma_semaphore, #tpu.memory_space<semaphore_mem>>) {add = true}
      %dma_wait3A_45 = arith.constant 1 : i32
      %dma_wait3A_46 = arith.constant 0 : i32
      %dma_wait3A_47 = arith.constant 0 : i32
      %dma_wait3A_48 = tpu.memref_slice %arg7[%dma_wait3A_45, %dma_wait3A_46, %dma_wait3A_47] : memref<2x16x128xi32, #tpu.memory_space<vmem>> -> memref<1x1x128xi32, #tpu.memory_space<vmem>>
      %dma_wait3A_49 = tpu.memref_squeeze %dma_wait3A_48 : memref<1x1x128xi32, #tpu.memory_space<vmem>> -> memref<128xi32, #tpu.memory_space<vmem>>
      %dma_wait3A_50 = arith.constant 0 : i32
      %dma_wait3A_51 = arith.constant 0 : i32
      %dma_wait3A_52 = tpu.memref_slice %arg10[%dma_wait3A_50, %dma_wait3A_51] : memref<10240x128xf32, #tpu.memory_space<vmem_shared>> -> memref<10240x128xf32, #tpu.memory_space<vmem_shared>>
      tpu.wait_indirect_dma semaphore(%arg13 : memref<!tpu.dma_semaphore, #tpu.memory_space<semaphore_mem>>) src(%arg8 : memref<128x128xf32, #tpu.memory_space<vmem>>) dst(%dma_wait3A_52 : memref<10240x128xf32, #tpu.memory_space<vmem_shared>>)
      %dma_start3A_53 = arith.constant 0 : i32
      %dma_start3A_54 = arith.constant 2 : i32
      %dma_start3A_55 = arith.constant 0 : i32
      %dma_start3A_56 = tpu.memref_slice %arg7[%dma_start3A_53, %dma_start3A_54, %dma_start3A_55] : memref<2x16x128xi32, #tpu.memory_space<vmem>> -> memref<1x1x128xi32, #tpu.memory_space<vmem>>
      %dma_start3A_57 = tpu.memref_squeeze %dma_start3A_56 : memref<1x1x128xi32, #tpu.memory_space<vmem>> -> memref<128xi32, #tpu.memory_space<vmem>>
      %dma_start3A_58 = arith.constant 0 : i32
      %dma_start3A_59 = arith.constant 0 : i32
      %dma_start3A_60 = tpu.memref_slice %arg2[%dma_start3A_58, %dma_start3A_59] : memref<10240x128xf32, #tpu.memory_space<hbm>> -> memref<10240x128xf32, #tpu.memory_space<hbm>>
      tpu.enqueue_indirect_dma source(%dma_start3A_60 : memref<10240x128xf32, #tpu.memory_space<hbm>>) target(%arg8 : memref<128x128xf32, #tpu.memory_space<vmem>>) offsets(%dma_start3A_57 : memref<128xi32, #tpu.memory_space<vmem>>) semaphore(%arg11 : memref<!tpu.dma_semaphore, #tpu.memory_space<semaphore_mem>>)
      %dma_wait3A_61 = arith.constant 0 : i32
      %dma_wait3A_62 = arith.constant 1 : i32
      %dma_wait3A_63 = arith.constant 0 : i32
      %dma_wait3A_64 = tpu.memref_slice %arg7[%dma_wait3A_61, %dma_wait3A_62, %dma_wait3A_63] : memref<2x16x128xi32, #tpu.memory_space<vmem>> -> memref<1x1x128xi32, #tpu.memory_space<vmem>>
      %dma_wait3A_65 = tpu.memref_squeeze %dma_wait3A_64 : memref<1x1x128xi32, #tpu.memory_space<vmem>> -> memref<128xi32, #tpu.memory_space<vmem>>
      %dma_wait3A_66 = arith.constant 0 : i32
      %dma_wait3A_67 = arith.constant 0 : i32
      %dma_wait3A_68 = tpu.memref_slice %arg2[%dma_wait3A_66, %dma_wait3A_67] : memref<10240x128xf32, #tpu.memory_space<hbm>> -> memref<10240x128xf32, #tpu.memory_space<hbm>>
      tpu.wait_indirect_dma semaphore(%arg12 : memref<!tpu.dma_semaphore, #tpu.memory_space<semaphore_mem>>) src(%dma_wait3A_68 : memref<10240x128xf32, #tpu.memory_space<hbm>>) dst(%arg9 : memref<128x128xf32, #tpu.memory_space<vmem>>)
      %dma_start3A_69 = arith.constant 1 : i32
      %dma_start3A_70 = arith.constant 1 : i32
      %dma_start3A_71 = arith.constant 0 : i32
      %dma_start3A_72 = tpu.memref_slice %arg7[%dma_start3A_69, %dma_start3A_70, %dma_start3A_71] : memref<2x16x128xi32, #tpu.memory_space<vmem>> -> memref<1x1x128xi32, #tpu.memory_space<vmem>>
      %dma_start3A_73 = tpu.memref_squeeze %dma_start3A_72 : memref<1x1x128xi32, #tpu.memory_space<vmem>> -> memref<128xi32, #tpu.memory_space<vmem>>
      %dma_start3A_74 = arith.constant 0 : i32
      %dma_start3A_75 = arith.constant 0 : i32
      %dma_start3A_76 = tpu.memref_slice %arg10[%dma_start3A_74, %dma_start3A_75] : memref<10240x128xf32, #tpu.memory_space<vmem_shared>> -> memref<10240x128xf32, #tpu.memory_space<vmem_shared>>
      tpu.enqueue_indirect_dma source(%arg9 : memref<128x128xf32, #tpu.memory_space<vmem>>) target(%dma_start3A_76 : memref<10240x128xf32, #tpu.memory_space<vmem_shared>>) offsets(%dma_start3A_73 : memref<128xi32, #tpu.memory_space<vmem>>) semaphore(%arg13 : memref<!tpu.dma_semaphore, #tpu.memory_space<semaphore_mem>>) {add = true}
      %dma_wait3A_77 = arith.constant 1 : i32
      %dma_wait3A_78 = arith.constant 1 : i32
      %dma_wait3A_79 = arith.constant 0 : i32
      %dma_wait3A_80 = tpu.memref_slice %arg7[%dma_wait3A_77, %dma_wait3A_78, %dma_wait3A_79] : memref<2x16x128xi32, #tpu.memory_space<vmem>> -> memref<1x1x128xi32, #tpu.memory_space<vmem>>
      %dma_wait3A_81 = tpu.memref_squeeze %dma_wait3A_80 : memref<1x1x128xi32, #tpu.memory_space<vmem>> -> memref<128xi32, #tpu.memory_space<vmem>>
      %dma_wait3A_82 = arith.constant 0 : i32
      %dma_wait3A_83 = arith.constant 0 : i32
      %dma_wait3A_84 = tpu.memref_slice %arg10[%dma_wait3A_82, %dma_wait3A_83] : memref<10240x128xf32, #tpu.memory_space<vmem_shared>> -> memref<10240x128xf32, #tpu.memory_space<vmem_shared>>
      tpu.wait_indirect_dma semaphore(%arg13 : memref<!tpu.dma_semaphore, #tpu.memory_space<semaphore_mem>>) src(%arg9 : memref<128x128xf32, #tpu.memory_space<vmem>>) dst(%dma_wait3A_84 : memref<10240x128xf32, #tpu.memory_space<vmem_shared>>)
      %dma_start3A_85 = arith.constant 0 : i32
      %dma_start3A_86 = arith.constant 3 : i32
      %dma_start3A_87 = arith.constant 0 : i32
      %dma_start3A_88 = tpu.memref_slice %arg7[%dma_start3A_85, %dma_start3A_86, %dma_start3A_87] : memref<2x16x128xi32, #tpu.memory_space<vmem>> -> memref<1x1x128xi32, #tpu.memory_space<vmem>>
      %dma_start3A_89 = tpu.memref_squeeze %dma_start3A_88 : memref<1x1x128xi32, #tpu.memory_space<vmem>> -> memref<128xi32, #tpu.memory_space<vmem>>
      %dma_start3A_90 = arith.constant 0 : i32
      %dma_start3A_91 = arith.constant 0 : i32
      %dma_start3A_92 = tpu.memref_slice %arg2[%dma_start3A_90, %dma_start3A_91] : memref<10240x128xf32, #tpu.memory_space<hbm>> -> memref<10240x128xf32, #tpu.memory_space<hbm>>
      tpu.enqueue_indirect_dma source(%dma_start3A_92 : memref<10240x128xf32, #tpu.memory_space<hbm>>) target(%arg9 : memref<128x128xf32, #tpu.memory_space<vmem>>) offsets(%dma_start3A_89 : memref<128xi32, #tpu.memory_space<vmem>>) semaphore(%arg12 : memref<!tpu.dma_semaphore, #tpu.memory_space<semaphore_mem>>)
      %dma_wait3A_93 = arith.constant 0 : i32
      %dma_wait3A_94 = arith.constant 2 : i32
      %dma_wait3A_95 = arith.constant 0 : i32
      %dma_wait3A_96 = tpu.memref_slice %arg7[%dma_wait3A_93, %dma_wait3A_94, %dma_wait3A_95] : memref<2x16x128xi32, #tpu.memory_space<vmem>> -> memref<1x1x128xi32, #tpu.memory_space<vmem>>
      %dma_wait3A_97 = tpu.memref_squeeze %dma_wait3A_96 : memref<1x1x128xi32, #tpu.memory_space<vmem>> -> memref<128xi32, #tpu.memory_space<vmem>>
      %dma_wait3A_98 = arith.constant 0 : i32
      %dma_wait3A_99 = arith.constant 0 : i32
      %dma_wait3A_100 = tpu.memref_slice %arg2[%dma_wait3A_98, %dma_wait3A_99] : memref<10240x128xf32, #tpu.memory_space<hbm>> -> memref<10240x128xf32, #tpu.memory_space<hbm>>
      tpu.wait_indirect_dma semaphore(%arg11 : memref<!tpu.dma_semaphore, #tpu.memory_space<semaphore_mem>>) src(%dma_wait3A_100 : memref<10240x128xf32, #tpu.memory_space<hbm>>) dst(%arg8 : memref<128x128xf32, #tpu.memory_space<vmem>>)
      %dma_start3A_101 = arith.constant 1 : i32
      %dma_start3A_102 = arith.constant 2 : i32
      %dma_start3A_103 = arith.constant 0 : i32
      %dma_start3A_104 = tpu.memref_slice %arg7[%dma_start3A_101, %dma_start3A_102, %dma_start3A_103] : memref<2x16x128xi32, #tpu.memory_space<vmem>> -> memref<1x1x128xi32, #tpu.memory_space<vmem>>
      %dma_start3A_105 = tpu.memref_squeeze %dma_start3A_104 : memref<1x1x128xi32, #tpu.memory_space<vmem>> -> memref<128xi32, #tpu.memory_space<vmem>>
      %dma_start3A_106 = arith.constant 0 : i32
      %dma_start3A_107 = arith.constant 0 : i32
      %dma_start3A_108 = tpu.memref_slice %arg10[%dma_start3A_106, %dma_start3A_107] : memref<10240x128xf32, #tpu.memory_space<vmem_shared>> -> memref<10240x128xf32, #tpu.memory_space<vmem_shared>>
      tpu.enqueue_indirect_dma source(%arg8 : memref<128x128xf32, #tpu.memory_space<vmem>>) target(%dma_start3A_108 : memref<10240x128xf32, #tpu.memory_space<vmem_shared>>) offsets(%dma_start3A_105 : memref<128xi32, #tpu.memory_space<vmem>>) semaphore(%arg13 : memref<!tpu.dma_semaphore, #tpu.memory_space<semaphore_mem>>) {add = true}
      %dma_wait3A_109 = arith.constant 1 : i32
      %dma_wait3A_110 = arith.constant 2 : i32
      %dma_wait3A_111 = arith.constant 0 : i32
      %dma_wait3A_112 = tpu.memref_slice %arg7[%dma_wait3A_109, %dma_wait3A_110, %dma_wait3A_111] : memref<2x16x128xi32, #tpu.memory_space<vmem>> -> memref<1x1x128xi32, #tpu.memory_space<vmem>>
      %dma_wait3A_113 = tpu.memref_squeeze %dma_wait3A_112 : memref<1x1x128xi32, #tpu.memory_space<vmem>> -> memref<128xi32, #tpu.memory_space<vmem>>
      %dma_wait3A_114 = arith.constant 0 : i32
      %dma_wait3A_115 = arith.constant 0 : i32
      %dma_wait3A_116 = tpu.memref_slice %arg10[%dma_wait3A_114, %dma_wait3A_115] : memref<10240x128xf32, #tpu.memory_space<vmem_shared>> -> memref<10240x128xf32, #tpu.memory_space<vmem_shared>>
      tpu.wait_indirect_dma semaphore(%arg13 : memref<!tpu.dma_semaphore, #tpu.memory_space<semaphore_mem>>) src(%arg8 : memref<128x128xf32, #tpu.memory_space<vmem>>) dst(%dma_wait3A_116 : memref<10240x128xf32, #tpu.memory_space<vmem_shared>>)
      %dma_start3A_117 = arith.constant 0 : i32
      %dma_start3A_118 = arith.constant 4 : i32
      %dma_start3A_119 = arith.constant 0 : i32
      %dma_start3A_120 = tpu.memref_slice %arg7[%dma_start3A_117, %dma_start3A_118, %dma_start3A_119] : memref<2x16x128xi32, #tpu.memory_space<vmem>> -> memref<1x1x128xi32, #tpu.memory_space<vmem>>
      %dma_start3A_121 = tpu.memref_squeeze %dma_start3A_120 : memref<1x1x128xi32, #tpu.memory_space<vmem>> -> memref<128xi32, #tpu.memory_space<vmem>>
      %dma_start3A_122 = arith.constant 0 : i32
      %dma_start3A_123 = arith.constant 0 : i32
      %dma_start3A_124 = tpu.memref_slice %arg2[%dma_start3A_122, %dma_start3A_123] : memref<10240x128xf32, #tpu.memory_space<hbm>> -> memref<10240x128xf32, #tpu.memory_space<hbm>>
      tpu.enqueue_indirect_dma source(%dma_start3A_124 : memref<10240x128xf32, #tpu.memory_space<hbm>>) target(%arg8 : memref<128x128xf32, #tpu.memory_space<vmem>>) offsets(%dma_start3A_121 : memref<128xi32, #tpu.memory_space<vmem>>) semaphore(%arg11 : memref<!tpu.dma_semaphore, #tpu.memory_space<semaphore_mem>>)
      %dma_wait3A_125 = arith.constant 0 : i32
      %dma_wait3A_126 = arith.constant 3 : i32
      %dma_wait3A_127 = arith.constant 0 : i32
      %dma_wait3A_128 = tpu.memref_slice %arg7[%dma_wait3A_125, %dma_wait3A_126, %dma_wait3A_127] : memref<2x16x128xi32, #tpu.memory_space<vmem>> -> memref<1x1x128xi32, #tpu.memory_space<vmem>>
      %dma_wait3A_129 = tpu.memref_squeeze %dma_wait3A_128 : memref<1x1x128xi32, #tpu.memory_space<vmem>> -> memref<128xi32, #tpu.memory_space<vmem>>
      %dma_wait3A_130 = arith.constant 0 : i32
      %dma_wait3A_131 = arith.constant 0 : i32
      %dma_wait3A_132 = tpu.memref_slice %arg2[%dma_wait3A_130, %dma_wait3A_131] : memref<10240x128xf32, #tpu.memory_space<hbm>> -> memref<10240x128xf32, #tpu.memory_space<hbm>>
      tpu.wait_indirect_dma semaphore(%arg12 : memref<!tpu.dma_semaphore, #tpu.memory_space<semaphore_mem>>) src(%dma_wait3A_132 : memref<10240x128xf32, #tpu.memory_space<hbm>>) dst(%arg9 : memref<128x128xf32, #tpu.memory_space<vmem>>)
      %dma_start3A_133 = arith.constant 1 : i32
      %dma_start3A_134 = arith.constant 3 : i32
      %dma_start3A_135 = arith.constant 0 : i32
      %dma_start3A_136 = tpu.memref_slice %arg7[%dma_start3A_133, %dma_start3A_134, %dma_start3A_135] : memref<2x16x128xi32, #tpu.memory_space<vmem>> -> memref<1x1x128xi32, #tpu.memory_space<vmem>>
      %dma_start3A_137 = tpu.memref_squeeze %dma_start3A_136 : memref<1x1x128xi32, #tpu.memory_space<vmem>> -> memref<128xi32, #tpu.memory_space<vmem>>
      %dma_start3A_138 = arith.constant 0 : i32
      %dma_start3A_139 = arith.constant 0 : i32
      %dma_start3A_140 = tpu.memref_slice %arg10[%dma_start3A_138, %dma_start3A_139] : memref<10240x128xf32, #tpu.memory_space<vmem_shared>> -> memref<10240x128xf32, #tpu.memory_space<vmem_shared>>
      tpu.enqueue_indirect_dma source(%arg9 : memref<128x128xf32, #tpu.memory_space<vmem>>) target(%dma_start3A_140 : memref<10240x128xf32, #tpu.memory_space<vmem_shared>>) offsets(%dma_start3A_137 : memref<128xi32, #tpu.memory_space<vmem>>) semaphore(%arg13 : memref<!tpu.dma_semaphore, #tpu.memory_space<semaphore_mem>>) {add = true}
      %dma_wait3A_141 = arith.constant 1 : i32
      %dma_wait3A_142 = arith.constant 3 : i32
      %dma_wait3A_143 = arith.constant 0 : i32
      %dma_wait3A_144 = tpu.memref_slice %arg7[%dma_wait3A_141, %dma_wait3A_142, %dma_wait3A_143] : memref<2x16x128xi32, #tpu.memory_space<vmem>> -> memref<1x1x128xi32, #tpu.memory_space<vmem>>
      %dma_wait3A_145 = tpu.memref_squeeze %dma_wait3A_144 : memref<1x1x128xi32, #tpu.memory_space<vmem>> -> memref<128xi32, #tpu.memory_space<vmem>>
      %dma_wait3A_146 = arith.constant 0 : i32
      %dma_wait3A_147 = arith.constant 0 : i32
      %dma_wait3A_148 = tpu.memref_slice %arg10[%dma_wait3A_146, %dma_wait3A_147] : memref<10240x128xf32, #tpu.memory_space<vmem_shared>> -> memref<10240x128xf32, #tpu.memory_space<vmem_shared>>
      tpu.wait_indirect_dma semaphore(%arg13 : memref<!tpu.dma_semaphore, #tpu.memory_space<semaphore_mem>>) src(%arg9 : memref<128x128xf32, #tpu.memory_space<vmem>>) dst(%dma_wait3A_148 : memref<10240x128xf32, #tpu.memory_space<vmem_shared>>)
      %dma_start3A_149 = arith.constant 0 : i32
      %dma_start3A_150 = arith.constant 5 : i32
      %dma_start3A_151 = arith.constant 0 : i32
      %dma_start3A_152 = tpu.memref_slice %arg7[%dma_start3A_149, %dma_start3A_150, %dma_start3A_151] : memref<2x16x128xi32, #tpu.memory_space<vmem>> -> memref<1x1x128xi32, #tpu.memory_space<vmem>>
      %dma_start3A_153 = tpu.memref_squeeze %dma_start3A_152 : memref<1x1x128xi32, #tpu.memory_space<vmem>> -> memref<128xi32, #tpu.memory_space<vmem>>
      %dma_start3A_154 = arith.constant 0 : i32
      %dma_start3A_155 = arith.constant 0 : i32
      %dma_start3A_156 = tpu.memref_slice %arg2[%dma_start3A_154, %dma_start3A_155] : memref<10240x128xf32, #tpu.memory_space<hbm>> -> memref<10240x128xf32, #tpu.memory_space<hbm>>
      tpu.enqueue_indirect_dma source(%dma_start3A_156 : memref<10240x128xf32, #tpu.memory_space<hbm>>) target(%arg9 : memref<128x128xf32, #tpu.memory_space<vmem>>) offsets(%dma_start3A_153 : memref<128xi32, #tpu.memory_space<vmem>>) semaphore(%arg12 : memref<!tpu.dma_semaphore, #tpu.memory_space<semaphore_mem>>)
      %dma_wait3A_157 = arith.constant 0 : i32
      %dma_wait3A_158 = arith.constant 4 : i32
      %dma_wait3A_159 = arith.constant 0 : i32
      %dma_wait3A_160 = tpu.memref_slice %arg7[%dma_wait3A_157, %dma_wait3A_158, %dma_wait3A_159] : memref<2x16x128xi32, #tpu.memory_space<vmem>> -> memref<1x1x128xi32, #tpu.memory_space<vmem>>
      %dma_wait3A_161 = tpu.memref_squeeze %dma_wait3A_160 : memref<1x1x128xi32, #tpu.memory_space<vmem>> -> memref<128xi32, #tpu.memory_space<vmem>>
      %dma_wait3A_162 = arith.constant 0 : i32
      %dma_wait3A_163 = arith.constant 0 : i32
      %dma_wait3A_164 = tpu.memref_slice %arg2[%dma_wait3A_162, %dma_wait3A_163] : memref<10240x128xf32, #tpu.memory_space<hbm>> -> memref<10240x128xf32, #tpu.memory_space<hbm>>
      tpu.wait_indirect_dma semaphore(%arg11 : memref<!tpu.dma_semaphore, #tpu.memory_space<semaphore_mem>>) src(%dma_wait3A_164 : memref<10240x128xf32, #tpu.memory_space<hbm>>) dst(%arg8 : memref<128x128xf32, #tpu.memory_space<vmem>>)
      %dma_start3A_165 = arith.constant 1 : i32
      %dma_start3A_166 = arith.constant 4 : i32
      %dma_start3A_167 = arith.constant 0 : i32
      %dma_start3A_168 = tpu.memref_slice %arg7[%dma_start3A_165, %dma_start3A_166, %dma_start3A_167] : memref<2x16x128xi32, #tpu.memory_space<vmem>> -> memref<1x1x128xi32, #tpu.memory_space<vmem>>
      %dma_start3A_169 = tpu.memref_squeeze %dma_start3A_168 : memref<1x1x128xi32, #tpu.memory_space<vmem>> -> memref<128xi32, #tpu.memory_space<vmem>>
      %dma_start3A_170 = arith.constant 0 : i32
      %dma_start3A_171 = arith.constant 0 : i32
      %dma_start3A_172 = tpu.memref_slice %arg10[%dma_start3A_170, %dma_start3A_171] : memref<10240x128xf32, #tpu.memory_space<vmem_shared>> -> memref<10240x128xf32, #tpu.memory_space<vmem_shared>>
      tpu.enqueue_indirect_dma source(%arg8 : memref<128x128xf32, #tpu.memory_space<vmem>>) target(%dma_start3A_172 : memref<10240x128xf32, #tpu.memory_space<vmem_shared>>) offsets(%dma_start3A_169 : memref<128xi32, #tpu.memory_space<vmem>>) semaphore(%arg13 : memref<!tpu.dma_semaphore, #tpu.memory_space<semaphore_mem>>) {add = true}
      %dma_wait3A_173 = arith.constant 1 : i32
      %dma_wait3A_174 = arith.constant 4 : i32
      %dma_wait3A_175 = arith.constant 0 : i32
      %dma_wait3A_176 = tpu.memref_slice %arg7[%dma_wait3A_173, %dma_wait3A_174, %dma_wait3A_175] : memref<2x16x128xi32, #tpu.memory_space<vmem>> -> memref<1x1x128xi32, #tpu.memory_space<vmem>>
      %dma_wait3A_177 = tpu.memref_squeeze %dma_wait3A_176 : memref<1x1x128xi32, #tpu.memory_space<vmem>> -> memref<128xi32, #tpu.memory_space<vmem>>
      %dma_wait3A_178 = arith.constant 0 : i32
      %dma_wait3A_179 = arith.constant 0 : i32
      %dma_wait3A_180 = tpu.memref_slice %arg10[%dma_wait3A_178, %dma_wait3A_179] : memref<10240x128xf32, #tpu.memory_space<vmem_shared>> -> memref<10240x128xf32, #tpu.memory_space<vmem_shared>>
      tpu.wait_indirect_dma semaphore(%arg13 : memref<!tpu.dma_semaphore, #tpu.memory_space<semaphore_mem>>) src(%arg8 : memref<128x128xf32, #tpu.memory_space<vmem>>) dst(%dma_wait3A_180 : memref<10240x128xf32, #tpu.memory_space<vmem_shared>>)
      %dma_start3A_181 = arith.constant 0 : i32
      %dma_start3A_182 = arith.constant 6 : i32
      %dma_start3A_183 = arith.constant 0 : i32
      %dma_start3A_184 = tpu.memref_slice %arg7[%dma_start3A_181, %dma_start3A_182, %dma_start3A_183] : memref<2x16x128xi32, #tpu.memory_space<vmem>> -> memref<1x1x128xi32, #tpu.memory_space<vmem>>
      %dma_start3A_185 = tpu.memref_squeeze %dma_start3A_184 : memref<1x1x128xi32, #tpu.memory_space<vmem>> -> memref<128xi32, #tpu.memory_space<vmem>>
      %dma_start3A_186 = arith.constant 0 : i32
      %dma_start3A_187 = arith.constant 0 : i32
      %dma_start3A_188 = tpu.memref_slice %arg2[%dma_start3A_186, %dma_start3A_187] : memref<10240x128xf32, #tpu.memory_space<hbm>> -> memref<10240x128xf32, #tpu.memory_space<hbm>>
      tpu.enqueue_indirect_dma source(%dma_start3A_188 : memref<10240x128xf32, #tpu.memory_space<hbm>>) target(%arg8 : memref<128x128xf32, #tpu.memory_space<vmem>>) offsets(%dma_start3A_185 : memref<128xi32, #tpu.memory_space<vmem>>) semaphore(%arg11 : memref<!tpu.dma_semaphore, #tpu.memory_space<semaphore_mem>>)
      %dma_wait3A_189 = arith.constant 0 : i32
      %dma_wait3A_190 = arith.constant 5 : i32
      %dma_wait3A_191 = arith.constant 0 : i32
      %dma_wait3A_192 = tpu.memref_slice %arg7[%dma_wait3A_189, %dma_wait3A_190, %dma_wait3A_191] : memref<2x16x128xi32, #tpu.memory_space<vmem>> -> memref<1x1x128xi32, #tpu.memory_space<vmem>>
      %dma_wait3A_193 = tpu.memref_squeeze %dma_wait3A_192 : memref<1x1x128xi32, #tpu.memory_space<vmem>> -> memref<128xi32, #tpu.memory_space<vmem>>
      %dma_wait3A_194 = arith.constant 0 : i32
      %dma_wait3A_195 = arith.constant 0 : i32
      %dma_wait3A_196 = tpu.memref_slice %arg2[%dma_wait3A_194, %dma_wait3A_195] : memref<10240x128xf32, #tpu.memory_space<hbm>> -> memref<10240x128xf32, #tpu.memory_space<hbm>>
      tpu.wait_indirect_dma semaphore(%arg12 : memref<!tpu.dma_semaphore, #tpu.memory_space<semaphore_mem>>) src(%dma_wait3A_196 : memref<10240x128xf32, #tpu.memory_space<hbm>>) dst(%arg9 : memref<128x128xf32, #tpu.memory_space<vmem>>)
      %dma_start3A_197 = arith.constant 1 : i32
      %dma_start3A_198 = arith.constant 5 : i32
      %dma_start3A_199 = arith.constant 0 : i32
      %dma_start3A_200 = tpu.memref_slice %arg7[%dma_start3A_197, %dma_start3A_198, %dma_start3A_199] : memref<2x16x128xi32, #tpu.memory_space<vmem>> -> memref<1x1x128xi32, #tpu.memory_space<vmem>>
      %dma_start3A_201 = tpu.memref_squeeze %dma_start3A_200 : memref<1x1x128xi32, #tpu.memory_space<vmem>> -> memref<128xi32, #tpu.memory_space<vmem>>
      %dma_start3A_202 = arith.constant 0 : i32
      %dma_start3A_203 = arith.constant 0 : i32
      %dma_start3A_204 = tpu.memref_slice %arg10[%dma_start3A_202, %dma_start3A_203] : memref<10240x128xf32, #tpu.memory_space<vmem_shared>> -> memref<10240x128xf32, #tpu.memory_space<vmem_shared>>
      tpu.enqueue_indirect_dma source(%arg9 : memref<128x128xf32, #tpu.memory_space<vmem>>) target(%dma_start3A_204 : memref<10240x128xf32, #tpu.memory_space<vmem_shared>>) offsets(%dma_start3A_201 : memref<128xi32, #tpu.memory_space<vmem>>) semaphore(%arg13 : memref<!tpu.dma_semaphore, #tpu.memory_space<semaphore_mem>>) {add = true}
      %dma_wait3A_205 = arith.constant 1 : i32
      %dma_wait3A_206 = arith.constant 5 : i32
      %dma_wait3A_207 = arith.constant 0 : i32
      %dma_wait3A_208 = tpu.memref_slice %arg7[%dma_wait3A_205, %dma_wait3A_206, %dma_wait3A_207] : memref<2x16x128xi32, #tpu.memory_space<vmem>> -> memref<1x1x128xi32, #tpu.memory_space<vmem>>
      %dma_wait3A_209 = tpu.memref_squeeze %dma_wait3A_208 : memref<1x1x128xi32, #tpu.memory_space<vmem>> -> memref<128xi32, #tpu.memory_space<vmem>>
      %dma_wait3A_210 = arith.constant 0 : i32
      %dma_wait3A_211 = arith.constant 0 : i32
      %dma_wait3A_212 = tpu.memref_slice %arg10[%dma_wait3A_210, %dma_wait3A_211] : memref<10240x128xf32, #tpu.memory_space<vmem_shared>> -> memref<10240x128xf32, #tpu.memory_space<vmem_shared>>
      tpu.wait_indirect_dma semaphore(%arg13 : memref<!tpu.dma_semaphore, #tpu.memory_space<semaphore_mem>>) src(%arg9 : memref<128x128xf32, #tpu.memory_space<vmem>>) dst(%dma_wait3A_212 : memref<10240x128xf32, #tpu.memory_space<vmem_shared>>)
      %dma_start3A_213 = arith.constant 0 : i32
      %dma_start3A_214 = arith.constant 7 : i32
      %dma_start3A_215 = arith.constant 0 : i32
      %dma_start3A_216 = tpu.memref_slice %arg7[%dma_start3A_213, %dma_start3A_214, %dma_start3A_215] : memref<2x16x128xi32, #tpu.memory_space<vmem>> -> memref<1x1x128xi32, #tpu.memory_space<vmem>>
      %dma_start3A_217 = tpu.memref_squeeze %dma_start3A_216 : memref<1x1x128xi32, #tpu.memory_space<vmem>> -> memref<128xi32, #tpu.memory_space<vmem>>
      %dma_start3A_218 = arith.constant 0 : i32
      %dma_start3A_219 = arith.constant 0 : i32
      %dma_start3A_220 = tpu.memref_slice %arg2[%dma_start3A_218, %dma_start3A_219] : memref<10240x128xf32, #tpu.memory_space<hbm>> -> memref<10240x128xf32, #tpu.memory_space<hbm>>
      tpu.enqueue_indirect_dma source(%dma_start3A_220 : memref<10240x128xf32, #tpu.memory_space<hbm>>) target(%arg9 : memref<128x128xf32, #tpu.memory_space<vmem>>) offsets(%dma_start3A_217 : memref<128xi32, #tpu.memory_space<vmem>>) semaphore(%arg12 : memref<!tpu.dma_semaphore, #tpu.memory_space<semaphore_mem>>)
      %dma_wait3A_221 = arith.constant 0 : i32
      %dma_wait3A_222 = arith.constant 6 : i32
      %dma_wait3A_223 = arith.constant 0 : i32
      %dma_wait3A_224 = tpu.memref_slice %arg7[%dma_wait3A_221, %dma_wait3A_222, %dma_wait3A_223] : memref<2x16x128xi32, #tpu.memory_space<vmem>> -> memref<1x1x128xi32, #tpu.memory_space<vmem>>
      %dma_wait3A_225 = tpu.memref_squeeze %dma_wait3A_224 : memref<1x1x128xi32, #tpu.memory_space<vmem>> -> memref<128xi32, #tpu.memory_space<vmem>>
      %dma_wait3A_226 = arith.constant 0 : i32
      %dma_wait3A_227 = arith.constant 0 : i32
      %dma_wait3A_228 = tpu.memref_slice %arg2[%dma_wait3A_226, %dma_wait3A_227] : memref<10240x128xf32, #tpu.memory_space<hbm>> -> memref<10240x128xf32, #tpu.memory_space<hbm>>
      tpu.wait_indirect_dma semaphore(%arg11 : memref<!tpu.dma_semaphore, #tpu.memory_space<semaphore_mem>>) src(%dma_wait3A_228 : memref<10240x128xf32, #tpu.memory_space<hbm>>) dst(%arg8 : memref<128x128xf32, #tpu.memory_space<vmem>>)
      %dma_start3A_229 = arith.constant 1 : i32
      %dma_start3A_230 = arith.constant 6 : i32
      %dma_start3A_231 = arith.constant 0 : i32
      %dma_start3A_232 = tpu.memref_slice %arg7[%dma_start3A_229, %dma_start3A_230, %dma_start3A_231] : memref<2x16x128xi32, #tpu.memory_space<vmem>> -> memref<1x1x128xi32, #tpu.memory_space<vmem>>
      %dma_start3A_233 = tpu.memref_squeeze %dma_start3A_232 : memref<1x1x128xi32, #tpu.memory_space<vmem>> -> memref<128xi32, #tpu.memory_space<vmem>>
      %dma_start3A_234 = arith.constant 0 : i32
      %dma_start3A_235 = arith.constant 0 : i32
      %dma_start3A_236 = tpu.memref_slice %arg10[%dma_start3A_234, %dma_start3A_235] : memref<10240x128xf32, #tpu.memory_space<vmem_shared>> -> memref<10240x128xf32, #tpu.memory_space<vmem_shared>>
      tpu.enqueue_indirect_dma source(%arg8 : memref<128x128xf32, #tpu.memory_space<vmem>>) target(%dma_start3A_236 : memref<10240x128xf32, #tpu.memory_space<vmem_shared>>) offsets(%dma_start3A_233 : memref<128xi32, #tpu.memory_space<vmem>>) semaphore(%arg13 : memref<!tpu.dma_semaphore, #tpu.memory_space<semaphore_mem>>) {add = true}
      %dma_wait3A_237 = arith.constant 1 : i32
      %dma_wait3A_238 = arith.constant 6 : i32
      %dma_wait3A_239 = arith.constant 0 : i32
      %dma_wait3A_240 = tpu.memref_slice %arg7[%dma_wait3A_237, %dma_wait3A_238, %dma_wait3A_239] : memref<2x16x128xi32, #tpu.memory_space<vmem>> -> memref<1x1x128xi32, #tpu.memory_space<vmem>>
      %dma_wait3A_241 = tpu.memref_squeeze %dma_wait3A_240 : memref<1x1x128xi32, #tpu.memory_space<vmem>> -> memref<128xi32, #tpu.memory_space<vmem>>
      %dma_wait3A_242 = arith.constant 0 : i32
      %dma_wait3A_243 = arith.constant 0 : i32
      %dma_wait3A_244 = tpu.memref_slice %arg10[%dma_wait3A_242, %dma_wait3A_243] : memref<10240x128xf32, #tpu.memory_space<vmem_shared>> -> memref<10240x128xf32, #tpu.memory_space<vmem_shared>>
      tpu.wait_indirect_dma semaphore(%arg13 : memref<!tpu.dma_semaphore, #tpu.memory_space<semaphore_mem>>) src(%arg8 : memref<128x128xf32, #tpu.memory_space<vmem>>) dst(%dma_wait3A_244 : memref<10240x128xf32, #tpu.memory_space<vmem_shared>>)
      %dma_start3A_245 = arith.constant 0 : i32
      %dma_start3A_246 = arith.constant 8 : i32
      %dma_start3A_247 = arith.constant 0 : i32
      %dma_start3A_248 = tpu.memref_slice %arg7[%dma_start3A_245, %dma_start3A_246, %dma_start3A_247] : memref<2x16x128xi32, #tpu.memory_space<vmem>> -> memref<1x1x128xi32, #tpu.memory_space<vmem>>
      %dma_start3A_249 = tpu.memref_squeeze %dma_start3A_248 : memref<1x1x128xi32, #tpu.memory_space<vmem>> -> memref<128xi32, #tpu.memory_space<vmem>>
      %dma_start3A_250 = arith.constant 0 : i32
      %dma_start3A_251 = arith.constant 0 : i32
      %dma_start3A_252 = tpu.memref_slice %arg2[%dma_start3A_250, %dma_start3A_251] : memref<10240x128xf32, #tpu.memory_space<hbm>> -> memref<10240x128xf32, #tpu.memory_space<hbm>>
      tpu.enqueue_indirect_dma source(%dma_start3A_252 : memref<10240x128xf32, #tpu.memory_space<hbm>>) target(%arg8 : memref<128x128xf32, #tpu.memory_space<vmem>>) offsets(%dma_start3A_249 : memref<128xi32, #tpu.memory_space<vmem>>) semaphore(%arg11 : memref<!tpu.dma_semaphore, #tpu.memory_space<semaphore_mem>>)
      %dma_wait3A_253 = arith.constant 0 : i32
      %dma_wait3A_254 = arith.constant 7 : i32
      %dma_wait3A_255 = arith.constant 0 : i32
      %dma_wait3A_256 = tpu.memref_slice %arg7[%dma_wait3A_253, %dma_wait3A_254, %dma_wait3A_255] : memref<2x16x128xi32, #tpu.memory_space<vmem>> -> memref<1x1x128xi32, #tpu.memory_space<vmem>>
      %dma_wait3A_257 = tpu.memref_squeeze %dma_wait3A_256 : memref<1x1x128xi32, #tpu.memory_space<vmem>> -> memref<128xi32, #tpu.memory_space<vmem>>
      %dma_wait3A_258 = arith.constant 0 : i32
      %dma_wait3A_259 = arith.constant 0 : i32
      %dma_wait3A_260 = tpu.memref_slice %arg2[%dma_wait3A_258, %dma_wait3A_259] : memref<10240x128xf32, #tpu.memory_space<hbm>> -> memref<10240x128xf32, #tpu.memory_space<hbm>>
      tpu.wait_indirect_dma semaphore(%arg12 : memref<!tpu.dma_semaphore, #tpu.memory_space<semaphore_mem>>) src(%dma_wait3A_260 : memref<10240x128xf32, #tpu.memory_space<hbm>>) dst(%arg9 : memref<128x128xf32, #tpu.memory_space<vmem>>)
      %dma_start3A_261 = arith.constant 1 : i32
      %dma_start3A_262 = arith.constant 7 : i32
      %dma_start3A_263 = arith.constant 0 : i32
      %dma_start3A_264 = tpu.memref_slice %arg7[%dma_start3A_261, %dma_start3A_262, %dma_start3A_263] : memref<2x16x128xi32, #tpu.memory_space<vmem>> -> memref<1x1x128xi32, #tpu.memory_space<vmem>>
      %dma_start3A_265 = tpu.memref_squeeze %dma_start3A_264 : memref<1x1x128xi32, #tpu.memory_space<vmem>> -> memref<128xi32, #tpu.memory_space<vmem>>
      %dma_start3A_266 = arith.constant 0 : i32
      %dma_start3A_267 = arith.constant 0 : i32
      %dma_start3A_268 = tpu.memref_slice %arg10[%dma_start3A_266, %dma_start3A_267] : memref<10240x128xf32, #tpu.memory_space<vmem_shared>> -> memref<10240x128xf32, #tpu.memory_space<vmem_shared>>
      tpu.enqueue_indirect_dma source(%arg9 : memref<128x128xf32, #tpu.memory_space<vmem>>) target(%dma_start3A_268 : memref<10240x128xf32, #tpu.memory_space<vmem_shared>>) offsets(%dma_start3A_265 : memref<128xi32, #tpu.memory_space<vmem>>) semaphore(%arg13 : memref<!tpu.dma_semaphore, #tpu.memory_space<semaphore_mem>>) {add = true}
      %dma_wait3A_269 = arith.constant 1 : i32
      %dma_wait3A_270 = arith.constant 7 : i32
      %dma_wait3A_271 = arith.constant 0 : i32
      %dma_wait3A_272 = tpu.memref_slice %arg7[%dma_wait3A_269, %dma_wait3A_270, %dma_wait3A_271] : memref<2x16x128xi32, #tpu.memory_space<vmem>> -> memref<1x1x128xi32, #tpu.memory_space<vmem>>
      %dma_wait3A_273 = tpu.memref_squeeze %dma_wait3A_272 : memref<1x1x128xi32, #tpu.memory_space<vmem>> -> memref<128xi32, #tpu.memory_space<vmem>>
      %dma_wait3A_274 = arith.constant 0 : i32
      %dma_wait3A_275 = arith.constant 0 : i32
      %dma_wait3A_276 = tpu.memref_slice %arg10[%dma_wait3A_274, %dma_wait3A_275] : memref<10240x128xf32, #tpu.memory_space<vmem_shared>> -> memref<10240x128xf32, #tpu.memory_space<vmem_shared>>
      tpu.wait_indirect_dma semaphore(%arg13 : memref<!tpu.dma_semaphore, #tpu.memory_space<semaphore_mem>>) src(%arg9 : memref<128x128xf32, #tpu.memory_space<vmem>>) dst(%dma_wait3A_276 : memref<10240x128xf32, #tpu.memory_space<vmem_shared>>)
      %dma_start3A_277 = arith.constant 0 : i32
      %dma_start3A_278 = arith.constant 9 : i32
      %dma_start3A_279 = arith.constant 0 : i32
      %dma_start3A_280 = tpu.memref_slice %arg7[%dma_start3A_277, %dma_start3A_278, %dma_start3A_279] : memref<2x16x128xi32, #tpu.memory_space<vmem>> -> memref<1x1x128xi32, #tpu.memory_space<vmem>>
      %dma_start3A_281 = tpu.memref_squeeze %dma_start3A_280 : memref<1x1x128xi32, #tpu.memory_space<vmem>> -> memref<128xi32, #tpu.memory_space<vmem>>
      %dma_start3A_282 = arith.constant 0 : i32
      %dma_start3A_283 = arith.constant 0 : i32
      %dma_start3A_284 = tpu.memref_slice %arg2[%dma_start3A_282, %dma_start3A_283] : memref<10240x128xf32, #tpu.memory_space<hbm>> -> memref<10240x128xf32, #tpu.memory_space<hbm>>
      tpu.enqueue_indirect_dma source(%dma_start3A_284 : memref<10240x128xf32, #tpu.memory_space<hbm>>) target(%arg9 : memref<128x128xf32, #tpu.memory_space<vmem>>) offsets(%dma_start3A_281 : memref<128xi32, #tpu.memory_space<vmem>>) semaphore(%arg12 : memref<!tpu.dma_semaphore, #tpu.memory_space<semaphore_mem>>)
      %dma_wait3A_285 = arith.constant 0 : i32
      %dma_wait3A_286 = arith.constant 8 : i32
      %dma_wait3A_287 = arith.constant 0 : i32
      %dma_wait3A_288 = tpu.memref_slice %arg7[%dma_wait3A_285, %dma_wait3A_286, %dma_wait3A_287] : memref<2x16x128xi32, #tpu.memory_space<vmem>> -> memref<1x1x128xi32, #tpu.memory_space<vmem>>
      %dma_wait3A_289 = tpu.memref_squeeze %dma_wait3A_288 : memref<1x1x128xi32, #tpu.memory_space<vmem>> -> memref<128xi32, #tpu.memory_space<vmem>>
      %dma_wait3A_290 = arith.constant 0 : i32
      %dma_wait3A_291 = arith.constant 0 : i32
      %dma_wait3A_292 = tpu.memref_slice %arg2[%dma_wait3A_290, %dma_wait3A_291] : memref<10240x128xf32, #tpu.memory_space<hbm>> -> memref<10240x128xf32, #tpu.memory_space<hbm>>
      tpu.wait_indirect_dma semaphore(%arg11 : memref<!tpu.dma_semaphore, #tpu.memory_space<semaphore_mem>>) src(%dma_wait3A_292 : memref<10240x128xf32, #tpu.memory_space<hbm>>) dst(%arg8 : memref<128x128xf32, #tpu.memory_space<vmem>>)
      %dma_start3A_293 = arith.constant 1 : i32
      %dma_start3A_294 = arith.constant 8 : i32
      %dma_start3A_295 = arith.constant 0 : i32
      %dma_start3A_296 = tpu.memref_slice %arg7[%dma_start3A_293, %dma_start3A_294, %dma_start3A_295] : memref<2x16x128xi32, #tpu.memory_space<vmem>> -> memref<1x1x128xi32, #tpu.memory_space<vmem>>
      %dma_start3A_297 = tpu.memref_squeeze %dma_start3A_296 : memref<1x1x128xi32, #tpu.memory_space<vmem>> -> memref<128xi32, #tpu.memory_space<vmem>>
      %dma_start3A_298 = arith.constant 0 : i32
      %dma_start3A_299 = arith.constant 0 : i32
      %dma_start3A_300 = tpu.memref_slice %arg10[%dma_start3A_298, %dma_start3A_299] : memref<10240x128xf32, #tpu.memory_space<vmem_shared>> -> memref<10240x128xf32, #tpu.memory_space<vmem_shared>>
      tpu.enqueue_indirect_dma source(%arg8 : memref<128x128xf32, #tpu.memory_space<vmem>>) target(%dma_start3A_300 : memref<10240x128xf32, #tpu.memory_space<vmem_shared>>) offsets(%dma_start3A_297 : memref<128xi32, #tpu.memory_space<vmem>>) semaphore(%arg13 : memref<!tpu.dma_semaphore, #tpu.memory_space<semaphore_mem>>) {add = true}
      %dma_wait3A_301 = arith.constant 1 : i32
      %dma_wait3A_302 = arith.constant 8 : i32
      %dma_wait3A_303 = arith.constant 0 : i32
      %dma_wait3A_304 = tpu.memref_slice %arg7[%dma_wait3A_301, %dma_wait3A_302, %dma_wait3A_303] : memref<2x16x128xi32, #tpu.memory_space<vmem>> -> memref<1x1x128xi32, #tpu.memory_space<vmem>>
      %dma_wait3A_305 = tpu.memref_squeeze %dma_wait3A_304 : memref<1x1x128xi32, #tpu.memory_space<vmem>> -> memref<128xi32, #tpu.memory_space<vmem>>
      %dma_wait3A_306 = arith.constant 0 : i32
      %dma_wait3A_307 = arith.constant 0 : i32
      %dma_wait3A_308 = tpu.memref_slice %arg10[%dma_wait3A_306, %dma_wait3A_307] : memref<10240x128xf32, #tpu.memory_space<vmem_shared>> -> memref<10240x128xf32, #tpu.memory_space<vmem_shared>>
      tpu.wait_indirect_dma semaphore(%arg13 : memref<!tpu.dma_semaphore, #tpu.memory_space<semaphore_mem>>) src(%arg8 : memref<128x128xf32, #tpu.memory_space<vmem>>) dst(%dma_wait3A_308 : memref<10240x128xf32, #tpu.memory_space<vmem_shared>>)
      %dma_start3A_309 = arith.constant 0 : i32
      %dma_start3A_310 = arith.constant 10 : i32
      %dma_start3A_311 = arith.constant 0 : i32
      %dma_start3A_312 = tpu.memref_slice %arg7[%dma_start3A_309, %dma_start3A_310, %dma_start3A_311] : memref<2x16x128xi32, #tpu.memory_space<vmem>> -> memref<1x1x128xi32, #tpu.memory_space<vmem>>
      %dma_start3A_313 = tpu.memref_squeeze %dma_start3A_312 : memref<1x1x128xi32, #tpu.memory_space<vmem>> -> memref<128xi32, #tpu.memory_space<vmem>>
      %dma_start3A_314 = arith.constant 0 : i32
      %dma_start3A_315 = arith.constant 0 : i32
      %dma_start3A_316 = tpu.memref_slice %arg2[%dma_start3A_314, %dma_start3A_315] : memref<10240x128xf32, #tpu.memory_space<hbm>> -> memref<10240x128xf32, #tpu.memory_space<hbm>>
      tpu.enqueue_indirect_dma source(%dma_start3A_316 : memref<10240x128xf32, #tpu.memory_space<hbm>>) target(%arg8 : memref<128x128xf32, #tpu.memory_space<vmem>>) offsets(%dma_start3A_313 : memref<128xi32, #tpu.memory_space<vmem>>) semaphore(%arg11 : memref<!tpu.dma_semaphore, #tpu.memory_space<semaphore_mem>>)
      %dma_wait3A_317 = arith.constant 0 : i32
      %dma_wait3A_318 = arith.constant 9 : i32
      %dma_wait3A_319 = arith.constant 0 : i32
      %dma_wait3A_320 = tpu.memref_slice %arg7[%dma_wait3A_317, %dma_wait3A_318, %dma_wait3A_319] : memref<2x16x128xi32, #tpu.memory_space<vmem>> -> memref<1x1x128xi32, #tpu.memory_space<vmem>>
      %dma_wait3A_321 = tpu.memref_squeeze %dma_wait3A_320 : memref<1x1x128xi32, #tpu.memory_space<vmem>> -> memref<128xi32, #tpu.memory_space<vmem>>
      %dma_wait3A_322 = arith.constant 0 : i32
      %dma_wait3A_323 = arith.constant 0 : i32
      %dma_wait3A_324 = tpu.memref_slice %arg2[%dma_wait3A_322, %dma_wait3A_323] : memref<10240x128xf32, #tpu.memory_space<hbm>> -> memref<10240x128xf32, #tpu.memory_space<hbm>>
      tpu.wait_indirect_dma semaphore(%arg12 : memref<!tpu.dma_semaphore, #tpu.memory_space<semaphore_mem>>) src(%dma_wait3A_324 : memref<10240x128xf32, #tpu.memory_space<hbm>>) dst(%arg9 : memref<128x128xf32, #tpu.memory_space<vmem>>)
      %dma_start3A_325 = arith.constant 1 : i32
      %dma_start3A_326 = arith.constant 9 : i32
      %dma_start3A_327 = arith.constant 0 : i32
      %dma_start3A_328 = tpu.memref_slice %arg7[%dma_start3A_325, %dma_start3A_326, %dma_start3A_327] : memref<2x16x128xi32, #tpu.memory_space<vmem>> -> memref<1x1x128xi32, #tpu.memory_space<vmem>>
      %dma_start3A_329 = tpu.memref_squeeze %dma_start3A_328 : memref<1x1x128xi32, #tpu.memory_space<vmem>> -> memref<128xi32, #tpu.memory_space<vmem>>
      %dma_start3A_330 = arith.constant 0 : i32
      %dma_start3A_331 = arith.constant 0 : i32
      %dma_start3A_332 = tpu.memref_slice %arg10[%dma_start3A_330, %dma_start3A_331] : memref<10240x128xf32, #tpu.memory_space<vmem_shared>> -> memref<10240x128xf32, #tpu.memory_space<vmem_shared>>
      tpu.enqueue_indirect_dma source(%arg9 : memref<128x128xf32, #tpu.memory_space<vmem>>) target(%dma_start3A_332 : memref<10240x128xf32, #tpu.memory_space<vmem_shared>>) offsets(%dma_start3A_329 : memref<128xi32, #tpu.memory_space<vmem>>) semaphore(%arg13 : memref<!tpu.dma_semaphore, #tpu.memory_space<semaphore_mem>>) {add = true}
      %dma_wait3A_333 = arith.constant 1 : i32
      %dma_wait3A_334 = arith.constant 9 : i32
      %dma_wait3A_335 = arith.constant 0 : i32
      %dma_wait3A_336 = tpu.memref_slice %arg7[%dma_wait3A_333, %dma_wait3A_334, %dma_wait3A_335] : memref<2x16x128xi32, #tpu.memory_space<vmem>> -> memref<1x1x128xi32, #tpu.memory_space<vmem>>
      %dma_wait3A_337 = tpu.memref_squeeze %dma_wait3A_336 : memref<1x1x128xi32, #tpu.memory_space<vmem>> -> memref<128xi32, #tpu.memory_space<vmem>>
      %dma_wait3A_338 = arith.constant 0 : i32
      %dma_wait3A_339 = arith.constant 0 : i32
      %dma_wait3A_340 = tpu.memref_slice %arg10[%dma_wait3A_338, %dma_wait3A_339] : memref<10240x128xf32, #tpu.memory_space<vmem_shared>> -> memref<10240x128xf32, #tpu.memory_space<vmem_shared>>
      tpu.wait_indirect_dma semaphore(%arg13 : memref<!tpu.dma_semaphore, #tpu.memory_space<semaphore_mem>>) src(%arg9 : memref<128x128xf32, #tpu.memory_space<vmem>>) dst(%dma_wait3A_340 : memref<10240x128xf32, #tpu.memory_space<vmem_shared>>)
      %dma_start3A_341 = arith.constant 0 : i32
      %dma_start3A_342 = arith.constant 11 : i32
      %dma_start3A_343 = arith.constant 0 : i32
      %dma_start3A_344 = tpu.memref_slice %arg7[%dma_start3A_341, %dma_start3A_342, %dma_start3A_343] : memref<2x16x128xi32, #tpu.memory_space<vmem>> -> memref<1x1x128xi32, #tpu.memory_space<vmem>>
      %dma_start3A_345 = tpu.memref_squeeze %dma_start3A_344 : memref<1x1x128xi32, #tpu.memory_space<vmem>> -> memref<128xi32, #tpu.memory_space<vmem>>
      %dma_start3A_346 = arith.constant 0 : i32
      %dma_start3A_347 = arith.constant 0 : i32
      %dma_start3A_348 = tpu.memref_slice %arg2[%dma_start3A_346, %dma_start3A_347] : memref<10240x128xf32, #tpu.memory_space<hbm>> -> memref<10240x128xf32, #tpu.memory_space<hbm>>
      tpu.enqueue_indirect_dma source(%dma_start3A_348 : memref<10240x128xf32, #tpu.memory_space<hbm>>) target(%arg9 : memref<128x128xf32, #tpu.memory_space<vmem>>) offsets(%dma_start3A_345 : memref<128xi32, #tpu.memory_space<vmem>>) semaphore(%arg12 : memref<!tpu.dma_semaphore, #tpu.memory_space<semaphore_mem>>)
      %dma_wait3A_349 = arith.constant 0 : i32
      %dma_wait3A_350 = arith.constant 10 : i32
      %dma_wait3A_351 = arith.constant 0 : i32
      %dma_wait3A_352 = tpu.memref_slice %arg7[%dma_wait3A_349, %dma_wait3A_350, %dma_wait3A_351] : memref<2x16x128xi32, #tpu.memory_space<vmem>> -> memref<1x1x128xi32, #tpu.memory_space<vmem>>
      %dma_wait3A_353 = tpu.memref_squeeze %dma_wait3A_352 : memref<1x1x128xi32, #tpu.memory_space<vmem>> -> memref<128xi32, #tpu.memory_space<vmem>>
      %dma_wait3A_354 = arith.constant 0 : i32
      %dma_wait3A_355 = arith.constant 0 : i32
      %dma_wait3A_356 = tpu.memref_slice %arg2[%dma_wait3A_354, %dma_wait3A_355] : memref<10240x128xf32, #tpu.memory_space<hbm>> -> memref<10240x128xf32, #tpu.memory_space<hbm>>
      tpu.wait_indirect_dma semaphore(%arg11 : memref<!tpu.dma_semaphore, #tpu.memory_space<semaphore_mem>>) src(%dma_wait3A_356 : memref<10240x128xf32, #tpu.memory_space<hbm>>) dst(%arg8 : memref<128x128xf32, #tpu.memory_space<vmem>>)
      %dma_start3A_357 = arith.constant 1 : i32
      %dma_start3A_358 = arith.constant 10 : i32
      %dma_start3A_359 = arith.constant 0 : i32
      %dma_start3A_360 = tpu.memref_slice %arg7[%dma_start3A_357, %dma_start3A_358, %dma_start3A_359] : memref<2x16x128xi32, #tpu.memory_space<vmem>> -> memref<1x1x128xi32, #tpu.memory_space<vmem>>
      %dma_start3A_361 = tpu.memref_squeeze %dma_start3A_360 : memref<1x1x128xi32, #tpu.memory_space<vmem>> -> memref<128xi32, #tpu.memory_space<vmem>>
      %dma_start3A_362 = arith.constant 0 : i32
      %dma_start3A_363 = arith.constant 0 : i32
      %dma_start3A_364 = tpu.memref_slice %arg10[%dma_start3A_362, %dma_start3A_363] : memref<10240x128xf32, #tpu.memory_space<vmem_shared>> -> memref<10240x128xf32, #tpu.memory_space<vmem_shared>>
      tpu.enqueue_indirect_dma source(%arg8 : memref<128x128xf32, #tpu.memory_space<vmem>>) target(%dma_start3A_364 : memref<10240x128xf32, #tpu.memory_space<vmem_shared>>) offsets(%dma_start3A_361 : memref<128xi32, #tpu.memory_space<vmem>>) semaphore(%arg13 : memref<!tpu.dma_semaphore, #tpu.memory_space<semaphore_mem>>) {add = true}
      %dma_wait3A_365 = arith.constant 1 : i32
      %dma_wait3A_366 = arith.constant 10 : i32
      %dma_wait3A_367 = arith.constant 0 : i32
      %dma_wait3A_368 = tpu.memref_slice %arg7[%dma_wait3A_365, %dma_wait3A_366, %dma_wait3A_367] : memref<2x16x128xi32, #tpu.memory_space<vmem>> -> memref<1x1x128xi32, #tpu.memory_space<vmem>>
      %dma_wait3A_369 = tpu.memref_squeeze %dma_wait3A_368 : memref<1x1x128xi32, #tpu.memory_space<vmem>> -> memref<128xi32, #tpu.memory_space<vmem>>
      %dma_wait3A_370 = arith.constant 0 : i32
      %dma_wait3A_371 = arith.constant 0 : i32
      %dma_wait3A_372 = tpu.memref_slice %arg10[%dma_wait3A_370, %dma_wait3A_371] : memref<10240x128xf32, #tpu.memory_space<vmem_shared>> -> memref<10240x128xf32, #tpu.memory_space<vmem_shared>>
      tpu.wait_indirect_dma semaphore(%arg13 : memref<!tpu.dma_semaphore, #tpu.memory_space<semaphore_mem>>) src(%arg8 : memref<128x128xf32, #tpu.memory_space<vmem>>) dst(%dma_wait3A_372 : memref<10240x128xf32, #tpu.memory_space<vmem_shared>>)
      %dma_start3A_373 = arith.constant 0 : i32
      %dma_start3A_374 = arith.constant 12 : i32
      %dma_start3A_375 = arith.constant 0 : i32
      %dma_start3A_376 = tpu.memref_slice %arg7[%dma_start3A_373, %dma_start3A_374, %dma_start3A_375] : memref<2x16x128xi32, #tpu.memory_space<vmem>> -> memref<1x1x128xi32, #tpu.memory_space<vmem>>
      %dma_start3A_377 = tpu.memref_squeeze %dma_start3A_376 : memref<1x1x128xi32, #tpu.memory_space<vmem>> -> memref<128xi32, #tpu.memory_space<vmem>>
      %dma_start3A_378 = arith.constant 0 : i32
      %dma_start3A_379 = arith.constant 0 : i32
      %dma_start3A_380 = tpu.memref_slice %arg2[%dma_start3A_378, %dma_start3A_379] : memref<10240x128xf32, #tpu.memory_space<hbm>> -> memref<10240x128xf32, #tpu.memory_space<hbm>>
      tpu.enqueue_indirect_dma source(%dma_start3A_380 : memref<10240x128xf32, #tpu.memory_space<hbm>>) target(%arg8 : memref<128x128xf32, #tpu.memory_space<vmem>>) offsets(%dma_start3A_377 : memref<128xi32, #tpu.memory_space<vmem>>) semaphore(%arg11 : memref<!tpu.dma_semaphore, #tpu.memory_space<semaphore_mem>>)
      %dma_wait3A_381 = arith.constant 0 : i32
      %dma_wait3A_382 = arith.constant 11 : i32
      %dma_wait3A_383 = arith.constant 0 : i32
      %dma_wait3A_384 = tpu.memref_slice %arg7[%dma_wait3A_381, %dma_wait3A_382, %dma_wait3A_383] : memref<2x16x128xi32, #tpu.memory_space<vmem>> -> memref<1x1x128xi32, #tpu.memory_space<vmem>>
      %dma_wait3A_385 = tpu.memref_squeeze %dma_wait3A_384 : memref<1x1x128xi32, #tpu.memory_space<vmem>> -> memref<128xi32, #tpu.memory_space<vmem>>
      %dma_wait3A_386 = arith.constant 0 : i32
      %dma_wait3A_387 = arith.constant 0 : i32
      %dma_wait3A_388 = tpu.memref_slice %arg2[%dma_wait3A_386, %dma_wait3A_387] : memref<10240x128xf32, #tpu.memory_space<hbm>> -> memref<10240x128xf32, #tpu.memory_space<hbm>>
      tpu.wait_indirect_dma semaphore(%arg12 : memref<!tpu.dma_semaphore, #tpu.memory_space<semaphore_mem>>) src(%dma_wait3A_388 : memref<10240x128xf32, #tpu.memory_space<hbm>>) dst(%arg9 : memref<128x128xf32, #tpu.memory_space<vmem>>)
      %dma_start3A_389 = arith.constant 1 : i32
      %dma_start3A_390 = arith.constant 11 : i32
      %dma_start3A_391 = arith.constant 0 : i32
      %dma_start3A_392 = tpu.memref_slice %arg7[%dma_start3A_389, %dma_start3A_390, %dma_start3A_391] : memref<2x16x128xi32, #tpu.memory_space<vmem>> -> memref<1x1x128xi32, #tpu.memory_space<vmem>>
      %dma_start3A_393 = tpu.memref_squeeze %dma_start3A_392 : memref<1x1x128xi32, #tpu.memory_space<vmem>> -> memref<128xi32, #tpu.memory_space<vmem>>
      %dma_start3A_394 = arith.constant 0 : i32
      %dma_start3A_395 = arith.constant 0 : i32
      %dma_start3A_396 = tpu.memref_slice %arg10[%dma_start3A_394, %dma_start3A_395] : memref<10240x128xf32, #tpu.memory_space<vmem_shared>> -> memref<10240x128xf32, #tpu.memory_space<vmem_shared>>
      tpu.enqueue_indirect_dma source(%arg9 : memref<128x128xf32, #tpu.memory_space<vmem>>) target(%dma_start3A_396 : memref<10240x128xf32, #tpu.memory_space<vmem_shared>>) offsets(%dma_start3A_393 : memref<128xi32, #tpu.memory_space<vmem>>) semaphore(%arg13 : memref<!tpu.dma_semaphore, #tpu.memory_space<semaphore_mem>>) {add = true}
      %dma_wait3A_397 = arith.constant 1 : i32
      %dma_wait3A_398 = arith.constant 11 : i32
      %dma_wait3A_399 = arith.constant 0 : i32
      %dma_wait3A_400 = tpu.memref_slice %arg7[%dma_wait3A_397, %dma_wait3A_398, %dma_wait3A_399] : memref<2x16x128xi32, #tpu.memory_space<vmem>> -> memref<1x1x128xi32, #tpu.memory_space<vmem>>
      %dma_wait3A_401 = tpu.memref_squeeze %dma_wait3A_400 : memref<1x1x128xi32, #tpu.memory_space<vmem>> -> memref<128xi32, #tpu.memory_space<vmem>>
      %dma_wait3A_402 = arith.constant 0 : i32
      %dma_wait3A_403 = arith.constant 0 : i32
      %dma_wait3A_404 = tpu.memref_slice %arg10[%dma_wait3A_402, %dma_wait3A_403] : memref<10240x128xf32, #tpu.memory_space<vmem_shared>> -> memref<10240x128xf32, #tpu.memory_space<vmem_shared>>
      tpu.wait_indirect_dma semaphore(%arg13 : memref<!tpu.dma_semaphore, #tpu.memory_space<semaphore_mem>>) src(%arg9 : memref<128x128xf32, #tpu.memory_space<vmem>>) dst(%dma_wait3A_404 : memref<10240x128xf32, #tpu.memory_space<vmem_shared>>)
      %dma_start3A_405 = arith.constant 0 : i32
      %dma_start3A_406 = arith.constant 13 : i32
      %dma_start3A_407 = arith.constant 0 : i32
      %dma_start3A_408 = tpu.memref_slice %arg7[%dma_start3A_405, %dma_start3A_406, %dma_start3A_407] : memref<2x16x128xi32, #tpu.memory_space<vmem>> -> memref<1x1x128xi32, #tpu.memory_space<vmem>>
      %dma_start3A_409 = tpu.memref_squeeze %dma_start3A_408 : memref<1x1x128xi32, #tpu.memory_space<vmem>> -> memref<128xi32, #tpu.memory_space<vmem>>
      %dma_start3A_410 = arith.constant 0 : i32
      %dma_start3A_411 = arith.constant 0 : i32
      %dma_start3A_412 = tpu.memref_slice %arg2[%dma_start3A_410, %dma_start3A_411] : memref<10240x128xf32, #tpu.memory_space<hbm>> -> memref<10240x128xf32, #tpu.memory_space<hbm>>
      tpu.enqueue_indirect_dma source(%dma_start3A_412 : memref<10240x128xf32, #tpu.memory_space<hbm>>) target(%arg9 : memref<128x128xf32, #tpu.memory_space<vmem>>) offsets(%dma_start3A_409 : memref<128xi32, #tpu.memory_space<vmem>>) semaphore(%arg12 : memref<!tpu.dma_semaphore, #tpu.memory_space<semaphore_mem>>)
      %dma_wait3A_413 = arith.constant 0 : i32
      %dma_wait3A_414 = arith.constant 12 : i32
      %dma_wait3A_415 = arith.constant 0 : i32
      %dma_wait3A_416 = tpu.memref_slice %arg7[%dma_wait3A_413, %dma_wait3A_414, %dma_wait3A_415] : memref<2x16x128xi32, #tpu.memory_space<vmem>> -> memref<1x1x128xi32, #tpu.memory_space<vmem>>
      %dma_wait3A_417 = tpu.memref_squeeze %dma_wait3A_416 : memref<1x1x128xi32, #tpu.memory_space<vmem>> -> memref<128xi32, #tpu.memory_space<vmem>>
      %dma_wait3A_418 = arith.constant 0 : i32
      %dma_wait3A_419 = arith.constant 0 : i32
      %dma_wait3A_420 = tpu.memref_slice %arg2[%dma_wait3A_418, %dma_wait3A_419] : memref<10240x128xf32, #tpu.memory_space<hbm>> -> memref<10240x128xf32, #tpu.memory_space<hbm>>
      tpu.wait_indirect_dma semaphore(%arg11 : memref<!tpu.dma_semaphore, #tpu.memory_space<semaphore_mem>>) src(%dma_wait3A_420 : memref<10240x128xf32, #tpu.memory_space<hbm>>) dst(%arg8 : memref<128x128xf32, #tpu.memory_space<vmem>>)
      %dma_start3A_421 = arith.constant 1 : i32
      %dma_start3A_422 = arith.constant 12 : i32
      %dma_start3A_423 = arith.constant 0 : i32
      %dma_start3A_424 = tpu.memref_slice %arg7[%dma_start3A_421, %dma_start3A_422, %dma_start3A_423] : memref<2x16x128xi32, #tpu.memory_space<vmem>> -> memref<1x1x128xi32, #tpu.memory_space<vmem>>
      %dma_start3A_425 = tpu.memref_squeeze %dma_start3A_424 : memref<1x1x128xi32, #tpu.memory_space<vmem>> -> memref<128xi32, #tpu.memory_space<vmem>>
      %dma_start3A_426 = arith.constant 0 : i32
      %dma_start3A_427 = arith.constant 0 : i32
      %dma_start3A_428 = tpu.memref_slice %arg10[%dma_start3A_426, %dma_start3A_427] : memref<10240x128xf32, #tpu.memory_space<vmem_shared>> -> memref<10240x128xf32, #tpu.memory_space<vmem_shared>>
      tpu.enqueue_indirect_dma source(%arg8 : memref<128x128xf32, #tpu.memory_space<vmem>>) target(%dma_start3A_428 : memref<10240x128xf32, #tpu.memory_space<vmem_shared>>) offsets(%dma_start3A_425 : memref<128xi32, #tpu.memory_space<vmem>>) semaphore(%arg13 : memref<!tpu.dma_semaphore, #tpu.memory_space<semaphore_mem>>) {add = true}
      %dma_wait3A_429 = arith.constant 1 : i32
      %dma_wait3A_430 = arith.constant 12 : i32
      %dma_wait3A_431 = arith.constant 0 : i32
      %dma_wait3A_432 = tpu.memref_slice %arg7[%dma_wait3A_429, %dma_wait3A_430, %dma_wait3A_431] : memref<2x16x128xi32, #tpu.memory_space<vmem>> -> memref<1x1x128xi32, #tpu.memory_space<vmem>>
      %dma_wait3A_433 = tpu.memref_squeeze %dma_wait3A_432 : memref<1x1x128xi32, #tpu.memory_space<vmem>> -> memref<128xi32, #tpu.memory_space<vmem>>
      %dma_wait3A_434 = arith.constant 0 : i32
      %dma_wait3A_435 = arith.constant 0 : i32
      %dma_wait3A_436 = tpu.memref_slice %arg10[%dma_wait3A_434, %dma_wait3A_435] : memref<10240x128xf32, #tpu.memory_space<vmem_shared>> -> memref<10240x128xf32, #tpu.memory_space<vmem_shared>>
      tpu.wait_indirect_dma semaphore(%arg13 : memref<!tpu.dma_semaphore, #tpu.memory_space<semaphore_mem>>) src(%arg8 : memref<128x128xf32, #tpu.memory_space<vmem>>) dst(%dma_wait3A_436 : memref<10240x128xf32, #tpu.memory_space<vmem_shared>>)
      %dma_start3A_437 = arith.constant 0 : i32
      %dma_start3A_438 = arith.constant 14 : i32
      %dma_start3A_439 = arith.constant 0 : i32
      %dma_start3A_440 = tpu.memref_slice %arg7[%dma_start3A_437, %dma_start3A_438, %dma_start3A_439] : memref<2x16x128xi32, #tpu.memory_space<vmem>> -> memref<1x1x128xi32, #tpu.memory_space<vmem>>
      %dma_start3A_441 = tpu.memref_squeeze %dma_start3A_440 : memref<1x1x128xi32, #tpu.memory_space<vmem>> -> memref<128xi32, #tpu.memory_space<vmem>>
      %dma_start3A_442 = arith.constant 0 : i32
      %dma_start3A_443 = arith.constant 0 : i32
      %dma_start3A_444 = tpu.memref_slice %arg2[%dma_start3A_442, %dma_start3A_443] : memref<10240x128xf32, #tpu.memory_space<hbm>> -> memref<10240x128xf32, #tpu.memory_space<hbm>>
      tpu.enqueue_indirect_dma source(%dma_start3A_444 : memref<10240x128xf32, #tpu.memory_space<hbm>>) target(%arg8 : memref<128x128xf32, #tpu.memory_space<vmem>>) offsets(%dma_start3A_441 : memref<128xi32, #tpu.memory_space<vmem>>) semaphore(%arg11 : memref<!tpu.dma_semaphore, #tpu.memory_space<semaphore_mem>>)
      %dma_wait3A_445 = arith.constant 0 : i32
      %dma_wait3A_446 = arith.constant 13 : i32
      %dma_wait3A_447 = arith.constant 0 : i32
      %dma_wait3A_448 = tpu.memref_slice %arg7[%dma_wait3A_445, %dma_wait3A_446, %dma_wait3A_447] : memref<2x16x128xi32, #tpu.memory_space<vmem>> -> memref<1x1x128xi32, #tpu.memory_space<vmem>>
      %dma_wait3A_449 = tpu.memref_squeeze %dma_wait3A_448 : memref<1x1x128xi32, #tpu.memory_space<vmem>> -> memref<128xi32, #tpu.memory_space<vmem>>
      %dma_wait3A_450 = arith.constant 0 : i32
      %dma_wait3A_451 = arith.constant 0 : i32
      %dma_wait3A_452 = tpu.memref_slice %arg2[%dma_wait3A_450, %dma_wait3A_451] : memref<10240x128xf32, #tpu.memory_space<hbm>> -> memref<10240x128xf32, #tpu.memory_space<hbm>>
      tpu.wait_indirect_dma semaphore(%arg12 : memref<!tpu.dma_semaphore, #tpu.memory_space<semaphore_mem>>) src(%dma_wait3A_452 : memref<10240x128xf32, #tpu.memory_space<hbm>>) dst(%arg9 : memref<128x128xf32, #tpu.memory_space<vmem>>)
      %dma_start3A_453 = arith.constant 1 : i32
      %dma_start3A_454 = arith.constant 13 : i32
      %dma_start3A_455 = arith.constant 0 : i32
      %dma_start3A_456 = tpu.memref_slice %arg7[%dma_start3A_453, %dma_start3A_454, %dma_start3A_455] : memref<2x16x128xi32, #tpu.memory_space<vmem>> -> memref<1x1x128xi32, #tpu.memory_space<vmem>>
      %dma_start3A_457 = tpu.memref_squeeze %dma_start3A_456 : memref<1x1x128xi32, #tpu.memory_space<vmem>> -> memref<128xi32, #tpu.memory_space<vmem>>
      %dma_start3A_458 = arith.constant 0 : i32
      %dma_start3A_459 = arith.constant 0 : i32
      %dma_start3A_460 = tpu.memref_slice %arg10[%dma_start3A_458, %dma_start3A_459] : memref<10240x128xf32, #tpu.memory_space<vmem_shared>> -> memref<10240x128xf32, #tpu.memory_space<vmem_shared>>
      tpu.enqueue_indirect_dma source(%arg9 : memref<128x128xf32, #tpu.memory_space<vmem>>) target(%dma_start3A_460 : memref<10240x128xf32, #tpu.memory_space<vmem_shared>>) offsets(%dma_start3A_457 : memref<128xi32, #tpu.memory_space<vmem>>) semaphore(%arg13 : memref<!tpu.dma_semaphore, #tpu.memory_space<semaphore_mem>>) {add = true}
      %dma_wait3A_461 = arith.constant 1 : i32
      %dma_wait3A_462 = arith.constant 13 : i32
      %dma_wait3A_463 = arith.constant 0 : i32
      %dma_wait3A_464 = tpu.memref_slice %arg7[%dma_wait3A_461, %dma_wait3A_462, %dma_wait3A_463] : memref<2x16x128xi32, #tpu.memory_space<vmem>> -> memref<1x1x128xi32, #tpu.memory_space<vmem>>
      %dma_wait3A_465 = tpu.memref_squeeze %dma_wait3A_464 : memref<1x1x128xi32, #tpu.memory_space<vmem>> -> memref<128xi32, #tpu.memory_space<vmem>>
      %dma_wait3A_466 = arith.constant 0 : i32
      %dma_wait3A_467 = arith.constant 0 : i32
      %dma_wait3A_468 = tpu.memref_slice %arg10[%dma_wait3A_466, %dma_wait3A_467] : memref<10240x128xf32, #tpu.memory_space<vmem_shared>> -> memref<10240x128xf32, #tpu.memory_space<vmem_shared>>
      tpu.wait_indirect_dma semaphore(%arg13 : memref<!tpu.dma_semaphore, #tpu.memory_space<semaphore_mem>>) src(%arg9 : memref<128x128xf32, #tpu.memory_space<vmem>>) dst(%dma_wait3A_468 : memref<10240x128xf32, #tpu.memory_space<vmem_shared>>)
      %dma_start3A_469 = arith.constant 0 : i32
      %dma_start3A_470 = arith.constant 15 : i32
      %dma_start3A_471 = arith.constant 0 : i32
      %dma_start3A_472 = tpu.memref_slice %arg7[%dma_start3A_469, %dma_start3A_470, %dma_start3A_471] : memref<2x16x128xi32, #tpu.memory_space<vmem>> -> memref<1x1x128xi32, #tpu.memory_space<vmem>>
      %dma_start3A_473 = tpu.memref_squeeze %dma_start3A_472 : memref<1x1x128xi32, #tpu.memory_space<vmem>> -> memref<128xi32, #tpu.memory_space<vmem>>
      %dma_start3A_474 = arith.constant 0 : i32
      %dma_start3A_475 = arith.constant 0 : i32
      %dma_start3A_476 = tpu.memref_slice %arg2[%dma_start3A_474, %dma_start3A_475] : memref<10240x128xf32, #tpu.memory_space<hbm>> -> memref<10240x128xf32, #tpu.memory_space<hbm>>
      tpu.enqueue_indirect_dma source(%dma_start3A_476 : memref<10240x128xf32, #tpu.memory_space<hbm>>) target(%arg9 : memref<128x128xf32, #tpu.memory_space<vmem>>) offsets(%dma_start3A_473 : memref<128xi32, #tpu.memory_space<vmem>>) semaphore(%arg12 : memref<!tpu.dma_semaphore, #tpu.memory_space<semaphore_mem>>)
      %dma_wait3A_477 = arith.constant 0 : i32
      %dma_wait3A_478 = arith.constant 14 : i32
      %dma_wait3A_479 = arith.constant 0 : i32
      %dma_wait3A_480 = tpu.memref_slice %arg7[%dma_wait3A_477, %dma_wait3A_478, %dma_wait3A_479] : memref<2x16x128xi32, #tpu.memory_space<vmem>> -> memref<1x1x128xi32, #tpu.memory_space<vmem>>
      %dma_wait3A_481 = tpu.memref_squeeze %dma_wait3A_480 : memref<1x1x128xi32, #tpu.memory_space<vmem>> -> memref<128xi32, #tpu.memory_space<vmem>>
      %dma_wait3A_482 = arith.constant 0 : i32
      %dma_wait3A_483 = arith.constant 0 : i32
      %dma_wait3A_484 = tpu.memref_slice %arg2[%dma_wait3A_482, %dma_wait3A_483] : memref<10240x128xf32, #tpu.memory_space<hbm>> -> memref<10240x128xf32, #tpu.memory_space<hbm>>
      tpu.wait_indirect_dma semaphore(%arg11 : memref<!tpu.dma_semaphore, #tpu.memory_space<semaphore_mem>>) src(%dma_wait3A_484 : memref<10240x128xf32, #tpu.memory_space<hbm>>) dst(%arg8 : memref<128x128xf32, #tpu.memory_space<vmem>>)
      %dma_start3A_485 = arith.constant 1 : i32
      %dma_start3A_486 = arith.constant 14 : i32
      %dma_start3A_487 = arith.constant 0 : i32
      %dma_start3A_488 = tpu.memref_slice %arg7[%dma_start3A_485, %dma_start3A_486, %dma_start3A_487] : memref<2x16x128xi32, #tpu.memory_space<vmem>> -> memref<1x1x128xi32, #tpu.memory_space<vmem>>
      %dma_start3A_489 = tpu.memref_squeeze %dma_start3A_488 : memref<1x1x128xi32, #tpu.memory_space<vmem>> -> memref<128xi32, #tpu.memory_space<vmem>>
      %dma_start3A_490 = arith.constant 0 : i32
      %dma_start3A_491 = arith.constant 0 : i32
      %dma_start3A_492 = tpu.memref_slice %arg10[%dma_start3A_490, %dma_start3A_491] : memref<10240x128xf32, #tpu.memory_space<vmem_shared>> -> memref<10240x128xf32, #tpu.memory_space<vmem_shared>>
      tpu.enqueue_indirect_dma source(%arg8 : memref<128x128xf32, #tpu.memory_space<vmem>>) target(%dma_start3A_492 : memref<10240x128xf32, #tpu.memory_space<vmem_shared>>) offsets(%dma_start3A_489 : memref<128xi32, #tpu.memory_space<vmem>>) semaphore(%arg13 : memref<!tpu.dma_semaphore, #tpu.memory_space<semaphore_mem>>) {add = true}
      %dma_wait3A_493 = arith.constant 1 : i32
      %dma_wait3A_494 = arith.constant 14 : i32
      %dma_wait3A_495 = arith.constant 0 : i32
      %dma_wait3A_496 = tpu.memref_slice %arg7[%dma_wait3A_493, %dma_wait3A_494, %dma_wait3A_495] : memref<2x16x128xi32, #tpu.memory_space<vmem>> -> memref<1x1x128xi32, #tpu.memory_space<vmem>>
      %dma_wait3A_497 = tpu.memref_squeeze %dma_wait3A_496 : memref<1x1x128xi32, #tpu.memory_space<vmem>> -> memref<128xi32, #tpu.memory_space<vmem>>
      %dma_wait3A_498 = arith.constant 0 : i32
      %dma_wait3A_499 = arith.constant 0 : i32
      %dma_wait3A_500 = tpu.memref_slice %arg10[%dma_wait3A_498, %dma_wait3A_499] : memref<10240x128xf32, #tpu.memory_space<vmem_shared>> -> memref<10240x128xf32, #tpu.memory_space<vmem_shared>>
      tpu.wait_indirect_dma semaphore(%arg13 : memref<!tpu.dma_semaphore, #tpu.memory_space<semaphore_mem>>) src(%arg8 : memref<128x128xf32, #tpu.memory_space<vmem>>) dst(%dma_wait3A_500 : memref<10240x128xf32, #tpu.memory_space<vmem_shared>>)
      %dma_wait3A_501 = arith.constant 0 : i32
      %dma_wait3A_502 = arith.constant 15 : i32
      %dma_wait3A_503 = arith.constant 0 : i32
      %dma_wait3A_504 = tpu.memref_slice %arg7[%dma_wait3A_501, %dma_wait3A_502, %dma_wait3A_503] : memref<2x16x128xi32, #tpu.memory_space<vmem>> -> memref<1x1x128xi32, #tpu.memory_space<vmem>>
      %dma_wait3A_505 = tpu.memref_squeeze %dma_wait3A_504 : memref<1x1x128xi32, #tpu.memory_space<vmem>> -> memref<128xi32, #tpu.memory_space<vmem>>
      %dma_wait3A_506 = arith.constant 0 : i32
      %dma_wait3A_507 = arith.constant 0 : i32
      %dma_wait3A_508 = tpu.memref_slice %arg2[%dma_wait3A_506, %dma_wait3A_507] : memref<10240x128xf32, #tpu.memory_space<hbm>> -> memref<10240x128xf32, #tpu.memory_space<hbm>>
      tpu.wait_indirect_dma semaphore(%arg12 : memref<!tpu.dma_semaphore, #tpu.memory_space<semaphore_mem>>) src(%dma_wait3A_508 : memref<10240x128xf32, #tpu.memory_space<hbm>>) dst(%arg9 : memref<128x128xf32, #tpu.memory_space<vmem>>)
      %dma_start3A_509 = arith.constant 1 : i32
      %dma_start3A_510 = arith.constant 15 : i32
      %dma_start3A_511 = arith.constant 0 : i32
      %dma_start3A_512 = tpu.memref_slice %arg7[%dma_start3A_509, %dma_start3A_510, %dma_start3A_511] : memref<2x16x128xi32, #tpu.memory_space<vmem>> -> memref<1x1x128xi32, #tpu.memory_space<vmem>>
      %dma_start3A_513 = tpu.memref_squeeze %dma_start3A_512 : memref<1x1x128xi32, #tpu.memory_space<vmem>> -> memref<128xi32, #tpu.memory_space<vmem>>
      %dma_start3A_514 = arith.constant 0 : i32
      %dma_start3A_515 = arith.constant 0 : i32
      %dma_start3A_516 = tpu.memref_slice %arg10[%dma_start3A_514, %dma_start3A_515] : memref<10240x128xf32, #tpu.memory_space<vmem_shared>> -> memref<10240x128xf32, #tpu.memory_space<vmem_shared>>
      tpu.enqueue_indirect_dma source(%arg9 : memref<128x128xf32, #tpu.memory_space<vmem>>) target(%dma_start3A_516 : memref<10240x128xf32, #tpu.memory_space<vmem_shared>>) offsets(%dma_start3A_513 : memref<128xi32, #tpu.memory_space<vmem>>) semaphore(%arg13 : memref<!tpu.dma_semaphore, #tpu.memory_space<semaphore_mem>>) {add = true}
      %dma_wait3A_517 = arith.constant 1 : i32
      %dma_wait3A_518 = arith.constant 15 : i32
      %dma_wait3A_519 = arith.constant 0 : i32
      %dma_wait3A_520 = tpu.memref_slice %arg7[%dma_wait3A_517, %dma_wait3A_518, %dma_wait3A_519] : memref<2x16x128xi32, #tpu.memory_space<vmem>> -> memref<1x1x128xi32, #tpu.memory_space<vmem>>
      %dma_wait3A_521 = tpu.memref_squeeze %dma_wait3A_520 : memref<1x1x128xi32, #tpu.memory_space<vmem>> -> memref<128xi32, #tpu.memory_space<vmem>>
      %dma_wait3A_522 = arith.constant 0 : i32
      %dma_wait3A_523 = arith.constant 0 : i32
      %dma_wait3A_524 = tpu.memref_slice %arg10[%dma_wait3A_522, %dma_wait3A_523] : memref<10240x128xf32, #tpu.memory_space<vmem_shared>> -> memref<10240x128xf32, #tpu.memory_space<vmem_shared>>
      tpu.wait_indirect_dma semaphore(%arg13 : memref<!tpu.dma_semaphore, #tpu.memory_space<semaphore_mem>>) src(%arg9 : memref<128x128xf32, #tpu.memory_space<vmem>>) dst(%dma_wait3A_524 : memref<10240x128xf32, #tpu.memory_space<vmem_shared>>)
    }
    %scan3A_7 = arith.constant 5 : i32
    %barrier3A_8 = arith.constant 0 : index
    tpu.barrier barrier_id(%barrier3A_8)
    %mul3A_9 = arith.constant 640 : i32
    %mul3A_10 = arith.muli %arg1, %mul3A_9 : i32
    %mul3A_11 = arith.constant 640 : i32
    %mul3A_12 = arith.muli %arg1, %mul3A_11 : i32
    "tpu.region"() ({
      %run_scoped3A = tpu.sem_alloc : memref<!tpu.dma_semaphore, #tpu.memory_space<semaphore_mem>>
      %dma_start3A = arith.constant 0 : i32
      %dma_start3A_13 = tpu.memref_slice %arg6[%arg0, %mul3A_12, %dma_start3A] : memref<2x10240x128xf32, #tpu.memory_space<hbm>> -> memref<1x640x128xf32, #tpu.memory_space<hbm>>
      %dma_start3A_14 = tpu.memref_squeeze %dma_start3A_13 : memref<1x640x128xf32, #tpu.memory_space<hbm>> -> memref<640x128xf32, #tpu.memory_space<hbm>>
      %dma_start3A_15 = arith.constant 0 : i32
      %dma_start3A_16 = tpu.memref_slice %arg10[%mul3A_10, %dma_start3A_15] : memref<10240x128xf32, #tpu.memory_space<vmem_shared>> -> memref<640x128xf32, #tpu.memory_space<vmem_shared>>
      tpu.enqueue_dma source(%dma_start3A_16 : memref<640x128xf32, #tpu.memory_space<vmem_shared>>) target(%dma_start3A_14 : memref<640x128xf32, #tpu.memory_space<hbm>>) target_semaphore(%run_scoped3A : memref<!tpu.dma_semaphore, #tpu.memory_space<semaphore_mem>>)
      %dma_wait3A = arith.constant 0 : i32
      %dma_wait3A_17 = tpu.memref_slice %arg6[%arg0, %mul3A_12, %dma_wait3A] : memref<2x10240x128xf32, #tpu.memory_space<hbm>> -> memref<1x640x128xf32, #tpu.memory_space<hbm>>
      %dma_wait3A_18 = tpu.memref_squeeze %dma_wait3A_17 : memref<1x640x128xf32, #tpu.memory_space<hbm>> -> memref<640x128xf32, #tpu.memory_space<hbm>>
      %dma_wait3A_19 = arith.constant 0 : i32
      %dma_wait3A_20 = tpu.memref_slice %arg10[%mul3A_10, %dma_wait3A_19] : memref<10240x128xf32, #tpu.memory_space<vmem_shared>> -> memref<640x128xf32, #tpu.memory_space<vmem_shared>>
      tpu.wait_dma2 semaphore(%run_scoped3A : memref<!tpu.dma_semaphore, #tpu.memory_space<semaphore_mem>>) src(%dma_wait3A_20 : memref<640x128xf32, #tpu.memory_space<vmem_shared>>) dst(%dma_wait3A_18 : memref<640x128xf32, #tpu.memory_space<hbm>>)
      tpu.yield
    }) : () -> ()
    return
  }
}

#map = affine_map<(d0, d1) -> (0, 0, 0)>
#map1 = affine_map<(d0, d1) -> (0)>
#map2 = affine_map<(d0, d1) -> (0, 0)>
module attributes {stable_mosaic.version = 14 : i64} {
  func.func @_deg_body(%arg0: i32, %arg1: i32, %arg2: memref<32x80x128xi32, #tpu.memory_space<hbm>>, %arg3: memref<128xf32, #tpu.memory_space<hbm>>, %arg4: memref<10240xf32, #tpu.memory_space<hbm>>, %arg5: memref<2x10240xf32, #tpu.memory_space<hbm>>, %arg6: memref<80x128xi32, #tpu.memory_space<vmem>>, %arg7: memref<128xf32, #tpu.memory_space<vmem>>, %arg8: memref<10240xf32, #tpu.memory_space<vmem_shared>>, %arg9: memref<!tpu.dma_semaphore, #tpu.memory_space<semaphore_mem>>) attributes {dimension_semantics = [#tpu.dimension_semantics<core_parallel>, #tpu.dimension_semantics<subcore_parallel>], iteration_bounds = array<i64: 2, 16>, scalar_prefetch = 0 : i64, scratch_operands = 4 : i64, tpu.core_type = #tpu.core_type<sc_vector_subcore>, window_params = [{transform_indices = #map}, {transform_indices = #map1}, {transform_indices = #map1}, {transform_indices = #map2}]} {
    %mul3A = arith.constant 2 : i32
    %mul3A_0 = arith.muli %arg1, %mul3A : i32
    %add3A = arith.addi %mul3A_0, %arg0 : i32
    "tpu.region"() ({
      %run_scoped3A = tpu.sem_alloc : memref<!tpu.dma_semaphore, #tpu.memory_space<semaphore_mem>>
      tpu.enqueue_dma source(%arg3 : memref<128xf32, #tpu.memory_space<hbm>>) target(%arg7 : memref<128xf32, #tpu.memory_space<vmem>>) target_semaphore(%run_scoped3A : memref<!tpu.dma_semaphore, #tpu.memory_space<semaphore_mem>>)
      tpu.wait_dma2 semaphore(%run_scoped3A : memref<!tpu.dma_semaphore, #tpu.memory_space<semaphore_mem>>) src(%arg3 : memref<128xf32, #tpu.memory_space<hbm>>) dst(%arg7 : memref<128xf32, #tpu.memory_space<vmem>>)
      tpu.yield
    }) : () -> ()
    %mul3A_1 = arith.constant 640 : i32
    %mul3A_2 = arith.muli %arg1, %mul3A_1 : i32
    %mul3A_3 = arith.constant 640 : i32
    %mul3A_4 = arith.muli %arg1, %mul3A_3 : i32
    "tpu.region"() ({
      %run_scoped3A = tpu.sem_alloc : memref<!tpu.dma_semaphore, #tpu.memory_space<semaphore_mem>>
      %dma_start3A_68 = tpu.memref_slice %arg8[%mul3A_4] : memref<10240xf32, #tpu.memory_space<vmem_shared>> -> memref<640xf32, #tpu.memory_space<vmem_shared>>
      %dma_start3A_69 = tpu.memref_slice %arg4[%mul3A_2] : memref<10240xf32, #tpu.memory_space<hbm>> -> memref<640xf32, #tpu.memory_space<hbm>>
      tpu.enqueue_dma source(%dma_start3A_69 : memref<640xf32, #tpu.memory_space<hbm>>) target(%dma_start3A_68 : memref<640xf32, #tpu.memory_space<vmem_shared>>) target_semaphore(%run_scoped3A : memref<!tpu.dma_semaphore, #tpu.memory_space<semaphore_mem>>)
      %dma_wait3A = tpu.memref_slice %arg8[%mul3A_4] : memref<10240xf32, #tpu.memory_space<vmem_shared>> -> memref<640xf32, #tpu.memory_space<vmem_shared>>
      %dma_wait3A_70 = tpu.memref_slice %arg4[%mul3A_2] : memref<10240xf32, #tpu.memory_space<hbm>> -> memref<640xf32, #tpu.memory_space<hbm>>
      tpu.wait_dma2 semaphore(%run_scoped3A : memref<!tpu.dma_semaphore, #tpu.memory_space<semaphore_mem>>) src(%dma_wait3A_70 : memref<640xf32, #tpu.memory_space<hbm>>) dst(%dma_wait3A : memref<640xf32, #tpu.memory_space<vmem_shared>>)
      tpu.yield
    }) : () -> ()
    "tpu.region"() ({
      %run_scoped3A = tpu.sem_alloc : memref<!tpu.dma_semaphore, #tpu.memory_space<semaphore_mem>>
      %dma_start3A_68 = arith.constant 0 : i32
      %dma_start3A_69 = arith.constant 0 : i32
      %dma_start3A_70 = tpu.memref_slice %arg2[%add3A, %dma_start3A_68, %dma_start3A_69] : memref<32x80x128xi32, #tpu.memory_space<hbm>> -> memref<1x80x128xi32, #tpu.memory_space<hbm>>
      %dma_start3A_71 = tpu.memref_squeeze %dma_start3A_70 : memref<1x80x128xi32, #tpu.memory_space<hbm>> -> memref<80x128xi32, #tpu.memory_space<hbm>>
      %dma_start3A_72 = arith.constant 0 : i32
      %dma_start3A_73 = arith.constant 0 : i32
      %dma_start3A_74 = tpu.memref_slice %arg2[%add3A, %dma_start3A_72, %dma_start3A_73] : memref<32x80x128xi32, #tpu.memory_space<hbm>> -> memref<1x80x128xi32, #tpu.memory_space<hbm>>
      %dma_start3A_75 = tpu.memref_squeeze %dma_start3A_74 : memref<1x80x128xi32, #tpu.memory_space<hbm>> -> memref<80x128xi32, #tpu.memory_space<hbm>>
      tpu.enqueue_dma source(%dma_start3A_75 : memref<80x128xi32, #tpu.memory_space<hbm>>) target(%arg6 : memref<80x128xi32, #tpu.memory_space<vmem>>) target_semaphore(%run_scoped3A : memref<!tpu.dma_semaphore, #tpu.memory_space<semaphore_mem>>)
      %dma_wait3A = arith.constant 0 : i32
      %dma_wait3A_76 = arith.constant 0 : i32
      %dma_wait3A_77 = tpu.memref_slice %arg2[%add3A, %dma_wait3A, %dma_wait3A_76] : memref<32x80x128xi32, #tpu.memory_space<hbm>> -> memref<1x80x128xi32, #tpu.memory_space<hbm>>
      %dma_wait3A_78 = tpu.memref_squeeze %dma_wait3A_77 : memref<1x80x128xi32, #tpu.memory_space<hbm>> -> memref<80x128xi32, #tpu.memory_space<hbm>>
      %dma_wait3A_79 = arith.constant 0 : i32
      %dma_wait3A_80 = arith.constant 0 : i32
      %dma_wait3A_81 = tpu.memref_slice %arg2[%add3A, %dma_wait3A_79, %dma_wait3A_80] : memref<32x80x128xi32, #tpu.memory_space<hbm>> -> memref<1x80x128xi32, #tpu.memory_space<hbm>>
      %dma_wait3A_82 = tpu.memref_squeeze %dma_wait3A_81 : memref<1x80x128xi32, #tpu.memory_space<hbm>> -> memref<80x128xi32, #tpu.memory_space<hbm>>
      tpu.wait_dma2 semaphore(%run_scoped3A : memref<!tpu.dma_semaphore, #tpu.memory_space<semaphore_mem>>) src(%dma_wait3A_82 : memref<80x128xi32, #tpu.memory_space<hbm>>) dst(%arg6 : memref<80x128xi32, #tpu.memory_space<vmem>>)
      tpu.yield
    }) : () -> ()
    %barrier3A = arith.constant 0 : index
    tpu.barrier barrier_id(%barrier3A)
    %dma_start3A = arith.constant 0 : i32
    %dma_start3A_5 = arith.constant 0 : i32
    %dma_start3A_6 = tpu.memref_slice %arg6[%dma_start3A, %dma_start3A_5] : memref<80x128xi32, #tpu.memory_space<vmem>> -> memref<1x128xi32, #tpu.memory_space<vmem>>
    %dma_start3A_7 = tpu.memref_squeeze %dma_start3A_6 : memref<1x128xi32, #tpu.memory_space<vmem>> -> memref<128xi32, #tpu.memory_space<vmem>>
    %dma_start3A_8 = arith.constant 0 : i32
    %dma_start3A_9 = tpu.memref_slice %arg8[%dma_start3A_8] : memref<10240xf32, #tpu.memory_space<vmem_shared>> -> memref<10240xf32, #tpu.memory_space<vmem_shared>>
    tpu.enqueue_indirect_dma source(%arg7 : memref<128xf32, #tpu.memory_space<vmem>>) target(%dma_start3A_9 : memref<10240xf32, #tpu.memory_space<vmem_shared>>) offsets(%dma_start3A_7 : memref<128xi32, #tpu.memory_space<vmem>>) semaphore(%arg9 : memref<!tpu.dma_semaphore, #tpu.memory_space<semaphore_mem>>) {add = true}
    %dma_start3A_10 = arith.constant 1 : i32
    %dma_start3A_11 = arith.constant 0 : i32
    %dma_start3A_12 = tpu.memref_slice %arg6[%dma_start3A_10, %dma_start3A_11] : memref<80x128xi32, #tpu.memory_space<vmem>> -> memref<1x128xi32, #tpu.memory_space<vmem>>
    %dma_start3A_13 = tpu.memref_squeeze %dma_start3A_12 : memref<1x128xi32, #tpu.memory_space<vmem>> -> memref<128xi32, #tpu.memory_space<vmem>>
    %dma_start3A_14 = arith.constant 0 : i32
    %dma_start3A_15 = tpu.memref_slice %arg8[%dma_start3A_14] : memref<10240xf32, #tpu.memory_space<vmem_shared>> -> memref<10240xf32, #tpu.memory_space<vmem_shared>>
    tpu.enqueue_indirect_dma source(%arg7 : memref<128xf32, #tpu.memory_space<vmem>>) target(%dma_start3A_15 : memref<10240xf32, #tpu.memory_space<vmem_shared>>) offsets(%dma_start3A_13 : memref<128xi32, #tpu.memory_space<vmem>>) semaphore(%arg9 : memref<!tpu.dma_semaphore, #tpu.memory_space<semaphore_mem>>) {add = true}
    %dma_start3A_16 = arith.constant 2 : i32
    %dma_start3A_17 = arith.constant 0 : i32
    %dma_start3A_18 = tpu.memref_slice %arg6[%dma_start3A_16, %dma_start3A_17] : memref<80x128xi32, #tpu.memory_space<vmem>> -> memref<1x128xi32, #tpu.memory_space<vmem>>
    %dma_start3A_19 = tpu.memref_squeeze %dma_start3A_18 : memref<1x128xi32, #tpu.memory_space<vmem>> -> memref<128xi32, #tpu.memory_space<vmem>>
    %dma_start3A_20 = arith.constant 0 : i32
    %dma_start3A_21 = tpu.memref_slice %arg8[%dma_start3A_20] : memref<10240xf32, #tpu.memory_space<vmem_shared>> -> memref<10240xf32, #tpu.memory_space<vmem_shared>>
    tpu.enqueue_indirect_dma source(%arg7 : memref<128xf32, #tpu.memory_space<vmem>>) target(%dma_start3A_21 : memref<10240xf32, #tpu.memory_space<vmem_shared>>) offsets(%dma_start3A_19 : memref<128xi32, #tpu.memory_space<vmem>>) semaphore(%arg9 : memref<!tpu.dma_semaphore, #tpu.memory_space<semaphore_mem>>) {add = true}
    %dma_start3A_22 = arith.constant 3 : i32
    %dma_start3A_23 = arith.constant 0 : i32
    %dma_start3A_24 = tpu.memref_slice %arg6[%dma_start3A_22, %dma_start3A_23] : memref<80x128xi32, #tpu.memory_space<vmem>> -> memref<1x128xi32, #tpu.memory_space<vmem>>
    %dma_start3A_25 = tpu.memref_squeeze %dma_start3A_24 : memref<1x128xi32, #tpu.memory_space<vmem>> -> memref<128xi32, #tpu.memory_space<vmem>>
    %dma_start3A_26 = arith.constant 0 : i32
    %dma_start3A_27 = tpu.memref_slice %arg8[%dma_start3A_26] : memref<10240xf32, #tpu.memory_space<vmem_shared>> -> memref<10240xf32, #tpu.memory_space<vmem_shared>>
    tpu.enqueue_indirect_dma source(%arg7 : memref<128xf32, #tpu.memory_space<vmem>>) target(%dma_start3A_27 : memref<10240xf32, #tpu.memory_space<vmem_shared>>) offsets(%dma_start3A_25 : memref<128xi32, #tpu.memory_space<vmem>>) semaphore(%arg9 : memref<!tpu.dma_semaphore, #tpu.memory_space<semaphore_mem>>) {add = true}
    %dma_start3A_28 = arith.constant 4 : i32
    %dma_start3A_29 = arith.constant 0 : i32
    %dma_start3A_30 = tpu.memref_slice %arg6[%dma_start3A_28, %dma_start3A_29] : memref<80x128xi32, #tpu.memory_space<vmem>> -> memref<1x128xi32, #tpu.memory_space<vmem>>
    %dma_start3A_31 = tpu.memref_squeeze %dma_start3A_30 : memref<1x128xi32, #tpu.memory_space<vmem>> -> memref<128xi32, #tpu.memory_space<vmem>>
    %dma_start3A_32 = arith.constant 0 : i32
    %dma_start3A_33 = tpu.memref_slice %arg8[%dma_start3A_32] : memref<10240xf32, #tpu.memory_space<vmem_shared>> -> memref<10240xf32, #tpu.memory_space<vmem_shared>>
    tpu.enqueue_indirect_dma source(%arg7 : memref<128xf32, #tpu.memory_space<vmem>>) target(%dma_start3A_33 : memref<10240xf32, #tpu.memory_space<vmem_shared>>) offsets(%dma_start3A_31 : memref<128xi32, #tpu.memory_space<vmem>>) semaphore(%arg9 : memref<!tpu.dma_semaphore, #tpu.memory_space<semaphore_mem>>) {add = true}
    %dma_start3A_34 = arith.constant 5 : i32
    %dma_start3A_35 = arith.constant 0 : i32
    %dma_start3A_36 = tpu.memref_slice %arg6[%dma_start3A_34, %dma_start3A_35] : memref<80x128xi32, #tpu.memory_space<vmem>> -> memref<1x128xi32, #tpu.memory_space<vmem>>
    %dma_start3A_37 = tpu.memref_squeeze %dma_start3A_36 : memref<1x128xi32, #tpu.memory_space<vmem>> -> memref<128xi32, #tpu.memory_space<vmem>>
    %dma_start3A_38 = arith.constant 0 : i32
    %dma_start3A_39 = tpu.memref_slice %arg8[%dma_start3A_38] : memref<10240xf32, #tpu.memory_space<vmem_shared>> -> memref<10240xf32, #tpu.memory_space<vmem_shared>>
    tpu.enqueue_indirect_dma source(%arg7 : memref<128xf32, #tpu.memory_space<vmem>>) target(%dma_start3A_39 : memref<10240xf32, #tpu.memory_space<vmem_shared>>) offsets(%dma_start3A_37 : memref<128xi32, #tpu.memory_space<vmem>>) semaphore(%arg9 : memref<!tpu.dma_semaphore, #tpu.memory_space<semaphore_mem>>) {add = true}
    %dma_start3A_40 = arith.constant 6 : i32
    %dma_start3A_41 = arith.constant 0 : i32
    %dma_start3A_42 = tpu.memref_slice %arg6[%dma_start3A_40, %dma_start3A_41] : memref<80x128xi32, #tpu.memory_space<vmem>> -> memref<1x128xi32, #tpu.memory_space<vmem>>
    %dma_start3A_43 = tpu.memref_squeeze %dma_start3A_42 : memref<1x128xi32, #tpu.memory_space<vmem>> -> memref<128xi32, #tpu.memory_space<vmem>>
    %dma_start3A_44 = arith.constant 0 : i32
    %dma_start3A_45 = tpu.memref_slice %arg8[%dma_start3A_44] : memref<10240xf32, #tpu.memory_space<vmem_shared>> -> memref<10240xf32, #tpu.memory_space<vmem_shared>>
    tpu.enqueue_indirect_dma source(%arg7 : memref<128xf32, #tpu.memory_space<vmem>>) target(%dma_start3A_45 : memref<10240xf32, #tpu.memory_space<vmem_shared>>) offsets(%dma_start3A_43 : memref<128xi32, #tpu.memory_space<vmem>>) semaphore(%arg9 : memref<!tpu.dma_semaphore, #tpu.memory_space<semaphore_mem>>) {add = true}
    %dma_start3A_46 = arith.constant 7 : i32
    %dma_start3A_47 = arith.constant 0 : i32
    %dma_start3A_48 = tpu.memref_slice %arg6[%dma_start3A_46, %dma_start3A_47] : memref<80x128xi32, #tpu.memory_space<vmem>> -> memref<1x128xi32, #tpu.memory_space<vmem>>
    %dma_start3A_49 = tpu.memref_squeeze %dma_start3A_48 : memref<1x128xi32, #tpu.memory_space<vmem>> -> memref<128xi32, #tpu.memory_space<vmem>>
    %dma_start3A_50 = arith.constant 0 : i32
    %dma_start3A_51 = tpu.memref_slice %arg8[%dma_start3A_50] : memref<10240xf32, #tpu.memory_space<vmem_shared>> -> memref<10240xf32, #tpu.memory_space<vmem_shared>>
    tpu.enqueue_indirect_dma source(%arg7 : memref<128xf32, #tpu.memory_space<vmem>>) target(%dma_start3A_51 : memref<10240xf32, #tpu.memory_space<vmem_shared>>) offsets(%dma_start3A_49 : memref<128xi32, #tpu.memory_space<vmem>>) semaphore(%arg9 : memref<!tpu.dma_semaphore, #tpu.memory_space<semaphore_mem>>) {add = true}
    %scan3A = arith.constant 0 : i32
    %scan3A_52 = arith.constant 0 : i32
    %scan3A_53 = arith.constant 72 : i32
    %scan3A_54 = arith.addi %scan3A_52, %scan3A_53 : i32
    %scan3A_55 = arith.constant 1 : i32
    scf.for %scan3A_68 = %scan3A_52 to %scan3A_54 step %scan3A_55  : i32 {
      %dma_wait3A = arith.constant 0 : i32
      %dma_wait3A_69 = arith.constant 0 : i32
      %dma_wait3A_70 = tpu.memref_slice %arg6[%dma_wait3A, %dma_wait3A_69] : memref<80x128xi32, #tpu.memory_space<vmem>> -> memref<1x128xi32, #tpu.memory_space<vmem>>
      %dma_wait3A_71 = tpu.memref_squeeze %dma_wait3A_70 : memref<1x128xi32, #tpu.memory_space<vmem>> -> memref<128xi32, #tpu.memory_space<vmem>>
      %dma_wait3A_72 = arith.constant 0 : i32
      %dma_wait3A_73 = tpu.memref_slice %arg8[%dma_wait3A_72] : memref<10240xf32, #tpu.memory_space<vmem_shared>> -> memref<10240xf32, #tpu.memory_space<vmem_shared>>
      tpu.wait_indirect_dma semaphore(%arg9 : memref<!tpu.dma_semaphore, #tpu.memory_space<semaphore_mem>>) src(%arg7 : memref<128xf32, #tpu.memory_space<vmem>>) dst(%dma_wait3A_73 : memref<10240xf32, #tpu.memory_space<vmem_shared>>)
      %add3A_74 = arith.constant 8 : i32
      %add3A_75 = arith.addi %scan3A_68, %add3A_74 : i32
      %dma_start3A_76 = arith.constant 0 : i32
      %dma_start3A_77 = tpu.memref_slice %arg6[%add3A_75, %dma_start3A_76] : memref<80x128xi32, #tpu.memory_space<vmem>> -> memref<1x128xi32, #tpu.memory_space<vmem>>
      %dma_start3A_78 = tpu.memref_squeeze %dma_start3A_77 : memref<1x128xi32, #tpu.memory_space<vmem>> -> memref<128xi32, #tpu.memory_space<vmem>>
      %dma_start3A_79 = arith.constant 0 : i32
      %dma_start3A_80 = tpu.memref_slice %arg8[%dma_start3A_79] : memref<10240xf32, #tpu.memory_space<vmem_shared>> -> memref<10240xf32, #tpu.memory_space<vmem_shared>>
      tpu.enqueue_indirect_dma source(%arg7 : memref<128xf32, #tpu.memory_space<vmem>>) target(%dma_start3A_80 : memref<10240xf32, #tpu.memory_space<vmem_shared>>) offsets(%dma_start3A_78 : memref<128xi32, #tpu.memory_space<vmem>>) semaphore(%arg9 : memref<!tpu.dma_semaphore, #tpu.memory_space<semaphore_mem>>) {add = true}
    }
    %scan3A_56 = arith.constant 72 : i32
    %scan3A_57 = arith.constant 0 : i32
    %scan3A_58 = arith.constant 0 : i32
    %scan3A_59 = arith.constant 8 : i32
    %scan3A_60 = arith.addi %scan3A_58, %scan3A_59 : i32
    %scan3A_61 = arith.constant 1 : i32
    scf.for %scan3A_68 = %scan3A_58 to %scan3A_60 step %scan3A_61  : i32 {
      %dma_wait3A = arith.constant 0 : i32
      %dma_wait3A_69 = arith.constant 0 : i32
      %dma_wait3A_70 = tpu.memref_slice %arg6[%dma_wait3A, %dma_wait3A_69] : memref<80x128xi32, #tpu.memory_space<vmem>> -> memref<1x128xi32, #tpu.memory_space<vmem>>
      %dma_wait3A_71 = tpu.memref_squeeze %dma_wait3A_70 : memref<1x128xi32, #tpu.memory_space<vmem>> -> memref<128xi32, #tpu.memory_space<vmem>>
      %dma_wait3A_72 = arith.constant 0 : i32
      %dma_wait3A_73 = tpu.memref_slice %arg8[%dma_wait3A_72] : memref<10240xf32, #tpu.memory_space<vmem_shared>> -> memref<10240xf32, #tpu.memory_space<vmem_shared>>
      tpu.wait_indirect_dma semaphore(%arg9 : memref<!tpu.dma_semaphore, #tpu.memory_space<semaphore_mem>>) src(%arg7 : memref<128xf32, #tpu.memory_space<vmem>>) dst(%dma_wait3A_73 : memref<10240xf32, #tpu.memory_space<vmem_shared>>)
    }
    %scan3A_62 = arith.constant 8 : i32
    %barrier3A_63 = arith.constant 0 : index
    tpu.barrier barrier_id(%barrier3A_63)
    %mul3A_64 = arith.constant 640 : i32
    %mul3A_65 = arith.muli %arg1, %mul3A_64 : i32
    %mul3A_66 = arith.constant 640 : i32
    %mul3A_67 = arith.muli %arg1, %mul3A_66 : i32
    "tpu.region"() ({
      %run_scoped3A = tpu.sem_alloc : memref<!tpu.dma_semaphore, #tpu.memory_space<semaphore_mem>>
      %dma_start3A_68 = tpu.memref_slice %arg5[%arg0, %mul3A_67] : memref<2x10240xf32, #tpu.memory_space<hbm>> -> memref<1x640xf32, #tpu.memory_space<hbm>>
      %dma_start3A_69 = tpu.memref_squeeze %dma_start3A_68 : memref<1x640xf32, #tpu.memory_space<hbm>> -> memref<640xf32, #tpu.memory_space<hbm>>
      %dma_start3A_70 = tpu.memref_slice %arg8[%mul3A_65] : memref<10240xf32, #tpu.memory_space<vmem_shared>> -> memref<640xf32, #tpu.memory_space<vmem_shared>>
      tpu.enqueue_dma source(%dma_start3A_70 : memref<640xf32, #tpu.memory_space<vmem_shared>>) target(%dma_start3A_69 : memref<640xf32, #tpu.memory_space<hbm>>) target_semaphore(%run_scoped3A : memref<!tpu.dma_semaphore, #tpu.memory_space<semaphore_mem>>)
      %dma_wait3A = tpu.memref_slice %arg5[%arg0, %mul3A_67] : memref<2x10240xf32, #tpu.memory_space<hbm>> -> memref<1x640xf32, #tpu.memory_space<hbm>>
      %dma_wait3A_71 = tpu.memref_squeeze %dma_wait3A : memref<1x640xf32, #tpu.memory_space<hbm>> -> memref<640xf32, #tpu.memory_space<hbm>>
      %dma_wait3A_72 = tpu.memref_slice %arg8[%mul3A_65] : memref<10240xf32, #tpu.memory_space<vmem_shared>> -> memref<640xf32, #tpu.memory_space<vmem_shared>>
      tpu.wait_dma2 semaphore(%run_scoped3A : memref<!tpu.dma_semaphore, #tpu.memory_space<semaphore_mem>>) src(%dma_wait3A_72 : memref<640xf32, #tpu.memory_space<vmem_shared>>) dst(%dma_wait3A_71 : memref<640xf32, #tpu.memory_space<hbm>>)
      tpu.yield
    }) : () -> ()
    return
  }
}

#map = affine_map<(d0, d1) -> (0, 0)>
#map1 = affine_map<(d0, d1) -> (0, 0, 0, 0)>
#map2 = affine_map<(d0, d1) -> (0, 0, 0)>
module attributes {stable_mosaic.version = 14 : i64} {
  func.func @_edge_sum_body(%arg0: i32, %arg1: i32, %arg2: memref<10240x128xf32, #tpu.memory_space<hbm>>, %arg3: memref<32x5x16x128xi32, #tpu.memory_space<hbm>>, %arg4: memref<32x5x16x128xi32, #tpu.memory_space<hbm>>, %arg5: memref<640x128xf32, #tpu.memory_space<hbm>>, %arg6: memref<2x10240x128xf32, #tpu.memory_space<hbm>>, %arg7: memref<2x16x128xi32, #tpu.memory_space<vmem>>, %arg8: memref<128x128xf32, #tpu.memory_space<vmem>>, %arg9: memref<128x128xf32, #tpu.memory_space<vmem>>, %arg10: memref<10240x128xf32, #tpu.memory_space<vmem_shared>>, %arg11: memref<!tpu.dma_semaphore, #tpu.memory_space<semaphore_mem>>, %arg12: memref<!tpu.dma_semaphore, #tpu.memory_space<semaphore_mem>>, %arg13: memref<!tpu.dma_semaphore, #tpu.memory_space<semaphore_mem>>) attributes {dimension_semantics = [#tpu.dimension_semantics<core_parallel>, #tpu.dimension_semantics<subcore_parallel>], iteration_bounds = array<i64: 2, 16>, scalar_prefetch = 0 : i64, scratch_operands = 7 : i64, tpu.core_type = #tpu.core_type<sc_vector_subcore>, window_params = [{transform_indices = #map}, {transform_indices = #map1}, {transform_indices = #map1}, {transform_indices = #map}, {transform_indices = #map2}]} {
    %mul3A = arith.constant 2 : i32
    %mul3A_0 = arith.muli %arg1, %mul3A : i32
    %add3A = arith.addi %mul3A_0, %arg0 : i32
    %mul3A_1 = arith.constant 640 : i32
    %mul3A_2 = arith.muli %arg1, %mul3A_1 : i32
    "tpu.region"() ({
      %run_scoped3A = tpu.sem_alloc : memref<!tpu.dma_semaphore, #tpu.memory_space<semaphore_mem>>
      %dma_start3A = arith.constant 0 : i32
      %dma_start3A_13 = tpu.memref_slice %arg10[%mul3A_2, %dma_start3A] : memref<10240x128xf32, #tpu.memory_space<vmem_shared>> -> memref<640x128xf32, #tpu.memory_space<vmem_shared>>
      tpu.enqueue_dma source(%arg5 : memref<640x128xf32, #tpu.memory_space<hbm>>) target(%dma_start3A_13 : memref<640x128xf32, #tpu.memory_space<vmem_shared>>) target_semaphore(%run_scoped3A : memref<!tpu.dma_semaphore, #tpu.memory_space<semaphore_mem>>)
      %dma_wait3A = arith.constant 0 : i32
      %dma_wait3A_14 = tpu.memref_slice %arg10[%mul3A_2, %dma_wait3A] : memref<10240x128xf32, #tpu.memory_space<vmem_shared>> -> memref<640x128xf32, #tpu.memory_space<vmem_shared>>
      tpu.wait_dma2 semaphore(%run_scoped3A : memref<!tpu.dma_semaphore, #tpu.memory_space<semaphore_mem>>) src(%arg5 : memref<640x128xf32, #tpu.memory_space<hbm>>) dst(%dma_wait3A_14 : memref<640x128xf32, #tpu.memory_space<vmem_shared>>)
      tpu.yield
    }) : () -> ()
    %barrier3A = arith.constant 0 : index
    tpu.barrier barrier_id(%barrier3A)
    %scan3A = arith.constant 0 : i32
    %scan3A_3 = arith.constant 0 : i32
    %scan3A_4 = arith.constant 5 : i32
    %scan3A_5 = arith.addi %scan3A_3, %scan3A_4 : i32
    %scan3A_6 = arith.constant 1 : i32
    scf.for %scan3A_13 = %scan3A_3 to %scan3A_5 step %scan3A_6  : i32 {
      %run_scoped3A = arith.constant 0 : i32
      "tpu.region"() ({
        %run_scoped3A_525 = tpu.sem_alloc : memref<!tpu.dma_semaphore, #tpu.memory_space<semaphore_mem>>
        %dma_start3A_526 = arith.constant 0 : i32
        %dma_start3A_527 = arith.constant 0 : i32
        %dma_start3A_528 = tpu.memref_slice %arg7[%run_scoped3A, %dma_start3A_526, %dma_start3A_527] : memref<2x16x128xi32, #tpu.memory_space<vmem>> -> memref<1x16x128xi32, #tpu.memory_space<vmem>>
        %dma_start3A_529 = tpu.memref_squeeze %dma_start3A_528 : memref<1x16x128xi32, #tpu.memory_space<vmem>> -> memref<16x128xi32, #tpu.memory_space<vmem>>
        %dma_start3A_530 = arith.constant 0 : i32
        %dma_start3A_531 = arith.constant 0 : i32
        %dma_start3A_532 = tpu.memref_slice %arg3[%add3A, %scan3A_13, %dma_start3A_530, %dma_start3A_531] : memref<32x5x16x128xi32, #tpu.memory_space<hbm>> -> memref<1x1x16x128xi32, #tpu.memory_space<hbm>>
        %dma_start3A_533 = tpu.memref_squeeze %dma_start3A_532 : memref<1x1x16x128xi32, #tpu.memory_space<hbm>> -> memref<16x128xi32, #tpu.memory_space<hbm>>
        %dma_start3A_534 = arith.constant 0 : i32
        %dma_start3A_535 = arith.constant 0 : i32
        %dma_start3A_536 = tpu.memref_slice %arg7[%run_scoped3A, %dma_start3A_534, %dma_start3A_535] : memref<2x16x128xi32, #tpu.memory_space<vmem>> -> memref<1x16x128xi32, #tpu.memory_space<vmem>>
        %dma_start3A_537 = tpu.memref_squeeze %dma_start3A_536 : memref<1x16x128xi32, #tpu.memory_space<vmem>> -> memref<16x128xi32, #tpu.memory_space<vmem>>
        %dma_start3A_538 = arith.constant 0 : i32
        %dma_start3A_539 = arith.constant 0 : i32
        %dma_start3A_540 = tpu.memref_slice %arg3[%add3A, %scan3A_13, %dma_start3A_538, %dma_start3A_539] : memref<32x5x16x128xi32, #tpu.memory_space<hbm>> -> memref<1x1x16x128xi32, #tpu.memory_space<hbm>>
        %dma_start3A_541 = tpu.memref_squeeze %dma_start3A_540 : memref<1x1x16x128xi32, #tpu.memory_space<hbm>> -> memref<16x128xi32, #tpu.memory_space<hbm>>
        tpu.enqueue_dma source(%dma_start3A_541 : memref<16x128xi32, #tpu.memory_space<hbm>>) target(%dma_start3A_537 : memref<16x128xi32, #tpu.memory_space<vmem>>) target_semaphore(%run_scoped3A_525 : memref<!tpu.dma_semaphore, #tpu.memory_space<semaphore_mem>>)
        %dma_wait3A_542 = arith.constant 0 : i32
        %dma_wait3A_543 = arith.constant 0 : i32
        %dma_wait3A_544 = tpu.memref_slice %arg7[%run_scoped3A, %dma_wait3A_542, %dma_wait3A_543] : memref<2x16x128xi32, #tpu.memory_space<vmem>> -> memref<1x16x128xi32, #tpu.memory_space<vmem>>
        %dma_wait3A_545 = tpu.memref_squeeze %dma_wait3A_544 : memref<1x16x128xi32, #tpu.memory_space<vmem>> -> memref<16x128xi32, #tpu.memory_space<vmem>>
        %dma_wait3A_546 = arith.constant 0 : i32
        %dma_wait3A_547 = arith.constant 0 : i32
        %dma_wait3A_548 = tpu.memref_slice %arg3[%add3A, %scan3A_13, %dma_wait3A_546, %dma_wait3A_547] : memref<32x5x16x128xi32, #tpu.memory_space<hbm>> -> memref<1x1x16x128xi32, #tpu.memory_space<hbm>>
        %dma_wait3A_549 = tpu.memref_squeeze %dma_wait3A_548 : memref<1x1x16x128xi32, #tpu.memory_space<hbm>> -> memref<16x128xi32, #tpu.memory_space<hbm>>
        %dma_wait3A_550 = arith.constant 0 : i32
        %dma_wait3A_551 = arith.constant 0 : i32
        %dma_wait3A_552 = tpu.memref_slice %arg7[%run_scoped3A, %dma_wait3A_550, %dma_wait3A_551] : memref<2x16x128xi32, #tpu.memory_space<vmem>> -> memref<1x16x128xi32, #tpu.memory_space<vmem>>
        %dma_wait3A_553 = tpu.memref_squeeze %dma_wait3A_552 : memref<1x16x128xi32, #tpu.memory_space<vmem>> -> memref<16x128xi32, #tpu.memory_space<vmem>>
        %dma_wait3A_554 = arith.constant 0 : i32
        %dma_wait3A_555 = arith.constant 0 : i32
        %dma_wait3A_556 = tpu.memref_slice %arg3[%add3A, %scan3A_13, %dma_wait3A_554, %dma_wait3A_555] : memref<32x5x16x128xi32, #tpu.memory_space<hbm>> -> memref<1x1x16x128xi32, #tpu.memory_space<hbm>>
        %dma_wait3A_557 = tpu.memref_squeeze %dma_wait3A_556 : memref<1x1x16x128xi32, #tpu.memory_space<hbm>> -> memref<16x128xi32, #tpu.memory_space<hbm>>
        tpu.wait_dma2 semaphore(%run_scoped3A_525 : memref<!tpu.dma_semaphore, #tpu.memory_space<semaphore_mem>>) src(%dma_wait3A_557 : memref<16x128xi32, #tpu.memory_space<hbm>>) dst(%dma_wait3A_553 : memref<16x128xi32, #tpu.memory_space<vmem>>)
        tpu.yield
      }) : () -> ()
      %run_scoped3A_14 = arith.constant 1 : i32
      "tpu.region"() ({
        %run_scoped3A_525 = tpu.sem_alloc : memref<!tpu.dma_semaphore, #tpu.memory_space<semaphore_mem>>
        %dma_start3A_526 = arith.constant 0 : i32
        %dma_start3A_527 = arith.constant 0 : i32
        %dma_start3A_528 = tpu.memref_slice %arg7[%run_scoped3A_14, %dma_start3A_526, %dma_start3A_527] : memref<2x16x128xi32, #tpu.memory_space<vmem>> -> memref<1x16x128xi32, #tpu.memory_space<vmem>>
        %dma_start3A_529 = tpu.memref_squeeze %dma_start3A_528 : memref<1x16x128xi32, #tpu.memory_space<vmem>> -> memref<16x128xi32, #tpu.memory_space<vmem>>
        %dma_start3A_530 = arith.constant 0 : i32
        %dma_start3A_531 = arith.constant 0 : i32
        %dma_start3A_532 = tpu.memref_slice %arg4[%add3A, %scan3A_13, %dma_start3A_530, %dma_start3A_531] : memref<32x5x16x128xi32, #tpu.memory_space<hbm>> -> memref<1x1x16x128xi32, #tpu.memory_space<hbm>>
        %dma_start3A_533 = tpu.memref_squeeze %dma_start3A_532 : memref<1x1x16x128xi32, #tpu.memory_space<hbm>> -> memref<16x128xi32, #tpu.memory_space<hbm>>
        %dma_start3A_534 = arith.constant 0 : i32
        %dma_start3A_535 = arith.constant 0 : i32
        %dma_start3A_536 = tpu.memref_slice %arg7[%run_scoped3A_14, %dma_start3A_534, %dma_start3A_535] : memref<2x16x128xi32, #tpu.memory_space<vmem>> -> memref<1x16x128xi32, #tpu.memory_space<vmem>>
        %dma_start3A_537 = tpu.memref_squeeze %dma_start3A_536 : memref<1x16x128xi32, #tpu.memory_space<vmem>> -> memref<16x128xi32, #tpu.memory_space<vmem>>
        %dma_start3A_538 = arith.constant 0 : i32
        %dma_start3A_539 = arith.constant 0 : i32
        %dma_start3A_540 = tpu.memref_slice %arg4[%add3A, %scan3A_13, %dma_start3A_538, %dma_start3A_539] : memref<32x5x16x128xi32, #tpu.memory_space<hbm>> -> memref<1x1x16x128xi32, #tpu.memory_space<hbm>>
        %dma_start3A_541 = tpu.memref_squeeze %dma_start3A_540 : memref<1x1x16x128xi32, #tpu.memory_space<hbm>> -> memref<16x128xi32, #tpu.memory_space<hbm>>
        tpu.enqueue_dma source(%dma_start3A_541 : memref<16x128xi32, #tpu.memory_space<hbm>>) target(%dma_start3A_537 : memref<16x128xi32, #tpu.memory_space<vmem>>) target_semaphore(%run_scoped3A_525 : memref<!tpu.dma_semaphore, #tpu.memory_space<semaphore_mem>>)
        %dma_wait3A_542 = arith.constant 0 : i32
        %dma_wait3A_543 = arith.constant 0 : i32
        %dma_wait3A_544 = tpu.memref_slice %arg7[%run_scoped3A_14, %dma_wait3A_542, %dma_wait3A_543] : memref<2x16x128xi32, #tpu.memory_space<vmem>> -> memref<1x16x128xi32, #tpu.memory_space<vmem>>
        %dma_wait3A_545 = tpu.memref_squeeze %dma_wait3A_544 : memref<1x16x128xi32, #tpu.memory_space<vmem>> -> memref<16x128xi32, #tpu.memory_space<vmem>>
        %dma_wait3A_546 = arith.constant 0 : i32
        %dma_wait3A_547 = arith.constant 0 : i32
        %dma_wait3A_548 = tpu.memref_slice %arg4[%add3A, %scan3A_13, %dma_wait3A_546, %dma_wait3A_547] : memref<32x5x16x128xi32, #tpu.memory_space<hbm>> -> memref<1x1x16x128xi32, #tpu.memory_space<hbm>>
        %dma_wait3A_549 = tpu.memref_squeeze %dma_wait3A_548 : memref<1x1x16x128xi32, #tpu.memory_space<hbm>> -> memref<16x128xi32, #tpu.memory_space<hbm>>
        %dma_wait3A_550 = arith.constant 0 : i32
        %dma_wait3A_551 = arith.constant 0 : i32
        %dma_wait3A_552 = tpu.memref_slice %arg7[%run_scoped3A_14, %dma_wait3A_550, %dma_wait3A_551] : memref<2x16x128xi32, #tpu.memory_space<vmem>> -> memref<1x16x128xi32, #tpu.memory_space<vmem>>
        %dma_wait3A_553 = tpu.memref_squeeze %dma_wait3A_552 : memref<1x16x128xi32, #tpu.memory_space<vmem>> -> memref<16x128xi32, #tpu.memory_space<vmem>>
        %dma_wait3A_554 = arith.constant 0 : i32
        %dma_wait3A_555 = arith.constant 0 : i32
        %dma_wait3A_556 = tpu.memref_slice %arg4[%add3A, %scan3A_13, %dma_wait3A_554, %dma_wait3A_555] : memref<32x5x16x128xi32, #tpu.memory_space<hbm>> -> memref<1x1x16x128xi32, #tpu.memory_space<hbm>>
        %dma_wait3A_557 = tpu.memref_squeeze %dma_wait3A_556 : memref<1x1x16x128xi32, #tpu.memory_space<hbm>> -> memref<16x128xi32, #tpu.memory_space<hbm>>
        tpu.wait_dma2 semaphore(%run_scoped3A_525 : memref<!tpu.dma_semaphore, #tpu.memory_space<semaphore_mem>>) src(%dma_wait3A_557 : memref<16x128xi32, #tpu.memory_space<hbm>>) dst(%dma_wait3A_553 : memref<16x128xi32, #tpu.memory_space<vmem>>)
        tpu.yield
      }) : () -> ()
      %dma_start3A = arith.constant 0 : i32
      %dma_start3A_15 = arith.constant 0 : i32
      %dma_start3A_16 = arith.constant 0 : i32
      %dma_start3A_17 = tpu.memref_slice %arg7[%dma_start3A, %dma_start3A_15, %dma_start3A_16] : memref<2x16x128xi32, #tpu.memory_space<vmem>> -> memref<1x1x128xi32, #tpu.memory_space<vmem>>
      %dma_start3A_18 = tpu.memref_squeeze %dma_start3A_17 : memref<1x1x128xi32, #tpu.memory_space<vmem>> -> memref<128xi32, #tpu.memory_space<vmem>>
      %dma_start3A_19 = arith.constant 0 : i32
      %dma_start3A_20 = arith.constant 0 : i32
      %dma_start3A_21 = tpu.memref_slice %arg2[%dma_start3A_19, %dma_start3A_20] : memref<10240x128xf32, #tpu.memory_space<hbm>> -> memref<10240x128xf32, #tpu.memory_space<hbm>>
      tpu.enqueue_indirect_dma source(%dma_start3A_21 : memref<10240x128xf32, #tpu.memory_space<hbm>>) target(%arg8 : memref<128x128xf32, #tpu.memory_space<vmem>>) offsets(%dma_start3A_18 : memref<128xi32, #tpu.memory_space<vmem>>) semaphore(%arg11 : memref<!tpu.dma_semaphore, #tpu.memory_space<semaphore_mem>>)
      %dma_start3A_22 = arith.constant 0 : i32
      %dma_start3A_23 = arith.constant 1 : i32
      %dma_start3A_24 = arith.constant 0 : i32
      %dma_start3A_25 = tpu.memref_slice %arg7[%dma_start3A_22, %dma_start3A_23, %dma_start3A_24] : memref<2x16x128xi32, #tpu.memory_space<vmem>> -> memref<1x1x128xi32, #tpu.memory_space<vmem>>
      %dma_start3A_26 = tpu.memref_squeeze %dma_start3A_25 : memref<1x1x128xi32, #tpu.memory_space<vmem>> -> memref<128xi32, #tpu.memory_space<vmem>>
      %dma_start3A_27 = arith.constant 0 : i32
      %dma_start3A_28 = arith.constant 0 : i32
      %dma_start3A_29 = tpu.memref_slice %arg2[%dma_start3A_27, %dma_start3A_28] : memref<10240x128xf32, #tpu.memory_space<hbm>> -> memref<10240x128xf32, #tpu.memory_space<hbm>>
      tpu.enqueue_indirect_dma source(%dma_start3A_29 : memref<10240x128xf32, #tpu.memory_space<hbm>>) target(%arg9 : memref<128x128xf32, #tpu.memory_space<vmem>>) offsets(%dma_start3A_26 : memref<128xi32, #tpu.memory_space<vmem>>) semaphore(%arg12 : memref<!tpu.dma_semaphore, #tpu.memory_space<semaphore_mem>>)
      %dma_wait3A = arith.constant 0 : i32
      %dma_wait3A_30 = arith.constant 0 : i32
      %dma_wait3A_31 = arith.constant 0 : i32
      %dma_wait3A_32 = tpu.memref_slice %arg7[%dma_wait3A, %dma_wait3A_30, %dma_wait3A_31] : memref<2x16x128xi32, #tpu.memory_space<vmem>> -> memref<1x1x128xi32, #tpu.memory_space<vmem>>
      %dma_wait3A_33 = tpu.memref_squeeze %dma_wait3A_32 : memref<1x1x128xi32, #tpu.memory_space<vmem>> -> memref<128xi32, #tpu.memory_space<vmem>>
      %dma_wait3A_34 = arith.constant 0 : i32
      %dma_wait3A_35 = arith.constant 0 : i32
      %dma_wait3A_36 = tpu.memref_slice %arg2[%dma_wait3A_34, %dma_wait3A_35] : memref<10240x128xf32, #tpu.memory_space<hbm>> -> memref<10240x128xf32, #tpu.memory_space<hbm>>
      tpu.wait_indirect_dma semaphore(%arg11 : memref<!tpu.dma_semaphore, #tpu.memory_space<semaphore_mem>>) src(%dma_wait3A_36 : memref<10240x128xf32, #tpu.memory_space<hbm>>) dst(%arg8 : memref<128x128xf32, #tpu.memory_space<vmem>>)
      %dma_start3A_37 = arith.constant 1 : i32
      %dma_start3A_38 = arith.constant 0 : i32
      %dma_start3A_39 = arith.constant 0 : i32
      %dma_start3A_40 = tpu.memref_slice %arg7[%dma_start3A_37, %dma_start3A_38, %dma_start3A_39] : memref<2x16x128xi32, #tpu.memory_space<vmem>> -> memref<1x1x128xi32, #tpu.memory_space<vmem>>
      %dma_start3A_41 = tpu.memref_squeeze %dma_start3A_40 : memref<1x1x128xi32, #tpu.memory_space<vmem>> -> memref<128xi32, #tpu.memory_space<vmem>>
      %dma_start3A_42 = arith.constant 0 : i32
      %dma_start3A_43 = arith.constant 0 : i32
      %dma_start3A_44 = tpu.memref_slice %arg10[%dma_start3A_42, %dma_start3A_43] : memref<10240x128xf32, #tpu.memory_space<vmem_shared>> -> memref<10240x128xf32, #tpu.memory_space<vmem_shared>>
      tpu.enqueue_indirect_dma source(%arg8 : memref<128x128xf32, #tpu.memory_space<vmem>>) target(%dma_start3A_44 : memref<10240x128xf32, #tpu.memory_space<vmem_shared>>) offsets(%dma_start3A_41 : memref<128xi32, #tpu.memory_space<vmem>>) semaphore(%arg13 : memref<!tpu.dma_semaphore, #tpu.memory_space<semaphore_mem>>) {add = true}
      %dma_wait3A_45 = arith.constant 1 : i32
      %dma_wait3A_46 = arith.constant 0 : i32
      %dma_wait3A_47 = arith.constant 0 : i32
      %dma_wait3A_48 = tpu.memref_slice %arg7[%dma_wait3A_45, %dma_wait3A_46, %dma_wait3A_47] : memref<2x16x128xi32, #tpu.memory_space<vmem>> -> memref<1x1x128xi32, #tpu.memory_space<vmem>>
      %dma_wait3A_49 = tpu.memref_squeeze %dma_wait3A_48 : memref<1x1x128xi32, #tpu.memory_space<vmem>> -> memref<128xi32, #tpu.memory_space<vmem>>
      %dma_wait3A_50 = arith.constant 0 : i32
      %dma_wait3A_51 = arith.constant 0 : i32
      %dma_wait3A_52 = tpu.memref_slice %arg10[%dma_wait3A_50, %dma_wait3A_51] : memref<10240x128xf32, #tpu.memory_space<vmem_shared>> -> memref<10240x128xf32, #tpu.memory_space<vmem_shared>>
      tpu.wait_indirect_dma semaphore(%arg13 : memref<!tpu.dma_semaphore, #tpu.memory_space<semaphore_mem>>) src(%arg8 : memref<128x128xf32, #tpu.memory_space<vmem>>) dst(%dma_wait3A_52 : memref<10240x128xf32, #tpu.memory_space<vmem_shared>>)
      %dma_start3A_53 = arith.constant 0 : i32
      %dma_start3A_54 = arith.constant 2 : i32
      %dma_start3A_55 = arith.constant 0 : i32
      %dma_start3A_56 = tpu.memref_slice %arg7[%dma_start3A_53, %dma_start3A_54, %dma_start3A_55] : memref<2x16x128xi32, #tpu.memory_space<vmem>> -> memref<1x1x128xi32, #tpu.memory_space<vmem>>
      %dma_start3A_57 = tpu.memref_squeeze %dma_start3A_56 : memref<1x1x128xi32, #tpu.memory_space<vmem>> -> memref<128xi32, #tpu.memory_space<vmem>>
      %dma_start3A_58 = arith.constant 0 : i32
      %dma_start3A_59 = arith.constant 0 : i32
      %dma_start3A_60 = tpu.memref_slice %arg2[%dma_start3A_58, %dma_start3A_59] : memref<10240x128xf32, #tpu.memory_space<hbm>> -> memref<10240x128xf32, #tpu.memory_space<hbm>>
      tpu.enqueue_indirect_dma source(%dma_start3A_60 : memref<10240x128xf32, #tpu.memory_space<hbm>>) target(%arg8 : memref<128x128xf32, #tpu.memory_space<vmem>>) offsets(%dma_start3A_57 : memref<128xi32, #tpu.memory_space<vmem>>) semaphore(%arg11 : memref<!tpu.dma_semaphore, #tpu.memory_space<semaphore_mem>>)
      %dma_wait3A_61 = arith.constant 0 : i32
      %dma_wait3A_62 = arith.constant 1 : i32
      %dma_wait3A_63 = arith.constant 0 : i32
      %dma_wait3A_64 = tpu.memref_slice %arg7[%dma_wait3A_61, %dma_wait3A_62, %dma_wait3A_63] : memref<2x16x128xi32, #tpu.memory_space<vmem>> -> memref<1x1x128xi32, #tpu.memory_space<vmem>>
      %dma_wait3A_65 = tpu.memref_squeeze %dma_wait3A_64 : memref<1x1x128xi32, #tpu.memory_space<vmem>> -> memref<128xi32, #tpu.memory_space<vmem>>
      %dma_wait3A_66 = arith.constant 0 : i32
      %dma_wait3A_67 = arith.constant 0 : i32
      %dma_wait3A_68 = tpu.memref_slice %arg2[%dma_wait3A_66, %dma_wait3A_67] : memref<10240x128xf32, #tpu.memory_space<hbm>> -> memref<10240x128xf32, #tpu.memory_space<hbm>>
      tpu.wait_indirect_dma semaphore(%arg12 : memref<!tpu.dma_semaphore, #tpu.memory_space<semaphore_mem>>) src(%dma_wait3A_68 : memref<10240x128xf32, #tpu.memory_space<hbm>>) dst(%arg9 : memref<128x128xf32, #tpu.memory_space<vmem>>)
      %dma_start3A_69 = arith.constant 1 : i32
      %dma_start3A_70 = arith.constant 1 : i32
      %dma_start3A_71 = arith.constant 0 : i32
      %dma_start3A_72 = tpu.memref_slice %arg7[%dma_start3A_69, %dma_start3A_70, %dma_start3A_71] : memref<2x16x128xi32, #tpu.memory_space<vmem>> -> memref<1x1x128xi32, #tpu.memory_space<vmem>>
      %dma_start3A_73 = tpu.memref_squeeze %dma_start3A_72 : memref<1x1x128xi32, #tpu.memory_space<vmem>> -> memref<128xi32, #tpu.memory_space<vmem>>
      %dma_start3A_74 = arith.constant 0 : i32
      %dma_start3A_75 = arith.constant 0 : i32
      %dma_start3A_76 = tpu.memref_slice %arg10[%dma_start3A_74, %dma_start3A_75] : memref<10240x128xf32, #tpu.memory_space<vmem_shared>> -> memref<10240x128xf32, #tpu.memory_space<vmem_shared>>
      tpu.enqueue_indirect_dma source(%arg9 : memref<128x128xf32, #tpu.memory_space<vmem>>) target(%dma_start3A_76 : memref<10240x128xf32, #tpu.memory_space<vmem_shared>>) offsets(%dma_start3A_73 : memref<128xi32, #tpu.memory_space<vmem>>) semaphore(%arg13 : memref<!tpu.dma_semaphore, #tpu.memory_space<semaphore_mem>>) {add = true}
      %dma_wait3A_77 = arith.constant 1 : i32
      %dma_wait3A_78 = arith.constant 1 : i32
      %dma_wait3A_79 = arith.constant 0 : i32
      %dma_wait3A_80 = tpu.memref_slice %arg7[%dma_wait3A_77, %dma_wait3A_78, %dma_wait3A_79] : memref<2x16x128xi32, #tpu.memory_space<vmem>> -> memref<1x1x128xi32, #tpu.memory_space<vmem>>
      %dma_wait3A_81 = tpu.memref_squeeze %dma_wait3A_80 : memref<1x1x128xi32, #tpu.memory_space<vmem>> -> memref<128xi32, #tpu.memory_space<vmem>>
      %dma_wait3A_82 = arith.constant 0 : i32
      %dma_wait3A_83 = arith.constant 0 : i32
      %dma_wait3A_84 = tpu.memref_slice %arg10[%dma_wait3A_82, %dma_wait3A_83] : memref<10240x128xf32, #tpu.memory_space<vmem_shared>> -> memref<10240x128xf32, #tpu.memory_space<vmem_shared>>
      tpu.wait_indirect_dma semaphore(%arg13 : memref<!tpu.dma_semaphore, #tpu.memory_space<semaphore_mem>>) src(%arg9 : memref<128x128xf32, #tpu.memory_space<vmem>>) dst(%dma_wait3A_84 : memref<10240x128xf32, #tpu.memory_space<vmem_shared>>)
      %dma_start3A_85 = arith.constant 0 : i32
      %dma_start3A_86 = arith.constant 3 : i32
      %dma_start3A_87 = arith.constant 0 : i32
      %dma_start3A_88 = tpu.memref_slice %arg7[%dma_start3A_85, %dma_start3A_86, %dma_start3A_87] : memref<2x16x128xi32, #tpu.memory_space<vmem>> -> memref<1x1x128xi32, #tpu.memory_space<vmem>>
      %dma_start3A_89 = tpu.memref_squeeze %dma_start3A_88 : memref<1x1x128xi32, #tpu.memory_space<vmem>> -> memref<128xi32, #tpu.memory_space<vmem>>
      %dma_start3A_90 = arith.constant 0 : i32
      %dma_start3A_91 = arith.constant 0 : i32
      %dma_start3A_92 = tpu.memref_slice %arg2[%dma_start3A_90, %dma_start3A_91] : memref<10240x128xf32, #tpu.memory_space<hbm>> -> memref<10240x128xf32, #tpu.memory_space<hbm>>
      tpu.enqueue_indirect_dma source(%dma_start3A_92 : memref<10240x128xf32, #tpu.memory_space<hbm>>) target(%arg9 : memref<128x128xf32, #tpu.memory_space<vmem>>) offsets(%dma_start3A_89 : memref<128xi32, #tpu.memory_space<vmem>>) semaphore(%arg12 : memref<!tpu.dma_semaphore, #tpu.memory_space<semaphore_mem>>)
      %dma_wait3A_93 = arith.constant 0 : i32
      %dma_wait3A_94 = arith.constant 2 : i32
      %dma_wait3A_95 = arith.constant 0 : i32
      %dma_wait3A_96 = tpu.memref_slice %arg7[%dma_wait3A_93, %dma_wait3A_94, %dma_wait3A_95] : memref<2x16x128xi32, #tpu.memory_space<vmem>> -> memref<1x1x128xi32, #tpu.memory_space<vmem>>
      %dma_wait3A_97 = tpu.memref_squeeze %dma_wait3A_96 : memref<1x1x128xi32, #tpu.memory_space<vmem>> -> memref<128xi32, #tpu.memory_space<vmem>>
      %dma_wait3A_98 = arith.constant 0 : i32
      %dma_wait3A_99 = arith.constant 0 : i32
      %dma_wait3A_100 = tpu.memref_slice %arg2[%dma_wait3A_98, %dma_wait3A_99] : memref<10240x128xf32, #tpu.memory_space<hbm>> -> memref<10240x128xf32, #tpu.memory_space<hbm>>
      tpu.wait_indirect_dma semaphore(%arg11 : memref<!tpu.dma_semaphore, #tpu.memory_space<semaphore_mem>>) src(%dma_wait3A_100 : memref<10240x128xf32, #tpu.memory_space<hbm>>) dst(%arg8 : memref<128x128xf32, #tpu.memory_space<vmem>>)
      %dma_start3A_101 = arith.constant 1 : i32
      %dma_start3A_102 = arith.constant 2 : i32
      %dma_start3A_103 = arith.constant 0 : i32
      %dma_start3A_104 = tpu.memref_slice %arg7[%dma_start3A_101, %dma_start3A_102, %dma_start3A_103] : memref<2x16x128xi32, #tpu.memory_space<vmem>> -> memref<1x1x128xi32, #tpu.memory_space<vmem>>
      %dma_start3A_105 = tpu.memref_squeeze %dma_start3A_104 : memref<1x1x128xi32, #tpu.memory_space<vmem>> -> memref<128xi32, #tpu.memory_space<vmem>>
      %dma_start3A_106 = arith.constant 0 : i32
      %dma_start3A_107 = arith.constant 0 : i32
      %dma_start3A_108 = tpu.memref_slice %arg10[%dma_start3A_106, %dma_start3A_107] : memref<10240x128xf32, #tpu.memory_space<vmem_shared>> -> memref<10240x128xf32, #tpu.memory_space<vmem_shared>>
      tpu.enqueue_indirect_dma source(%arg8 : memref<128x128xf32, #tpu.memory_space<vmem>>) target(%dma_start3A_108 : memref<10240x128xf32, #tpu.memory_space<vmem_shared>>) offsets(%dma_start3A_105 : memref<128xi32, #tpu.memory_space<vmem>>) semaphore(%arg13 : memref<!tpu.dma_semaphore, #tpu.memory_space<semaphore_mem>>) {add = true}
      %dma_wait3A_109 = arith.constant 1 : i32
      %dma_wait3A_110 = arith.constant 2 : i32
      %dma_wait3A_111 = arith.constant 0 : i32
      %dma_wait3A_112 = tpu.memref_slice %arg7[%dma_wait3A_109, %dma_wait3A_110, %dma_wait3A_111] : memref<2x16x128xi32, #tpu.memory_space<vmem>> -> memref<1x1x128xi32, #tpu.memory_space<vmem>>
      %dma_wait3A_113 = tpu.memref_squeeze %dma_wait3A_112 : memref<1x1x128xi32, #tpu.memory_space<vmem>> -> memref<128xi32, #tpu.memory_space<vmem>>
      %dma_wait3A_114 = arith.constant 0 : i32
      %dma_wait3A_115 = arith.constant 0 : i32
      %dma_wait3A_116 = tpu.memref_slice %arg10[%dma_wait3A_114, %dma_wait3A_115] : memref<10240x128xf32, #tpu.memory_space<vmem_shared>> -> memref<10240x128xf32, #tpu.memory_space<vmem_shared>>
      tpu.wait_indirect_dma semaphore(%arg13 : memref<!tpu.dma_semaphore, #tpu.memory_space<semaphore_mem>>) src(%arg8 : memref<128x128xf32, #tpu.memory_space<vmem>>) dst(%dma_wait3A_116 : memref<10240x128xf32, #tpu.memory_space<vmem_shared>>)
      %dma_start3A_117 = arith.constant 0 : i32
      %dma_start3A_118 = arith.constant 4 : i32
      %dma_start3A_119 = arith.constant 0 : i32
      %dma_start3A_120 = tpu.memref_slice %arg7[%dma_start3A_117, %dma_start3A_118, %dma_start3A_119] : memref<2x16x128xi32, #tpu.memory_space<vmem>> -> memref<1x1x128xi32, #tpu.memory_space<vmem>>
      %dma_start3A_121 = tpu.memref_squeeze %dma_start3A_120 : memref<1x1x128xi32, #tpu.memory_space<vmem>> -> memref<128xi32, #tpu.memory_space<vmem>>
      %dma_start3A_122 = arith.constant 0 : i32
      %dma_start3A_123 = arith.constant 0 : i32
      %dma_start3A_124 = tpu.memref_slice %arg2[%dma_start3A_122, %dma_start3A_123] : memref<10240x128xf32, #tpu.memory_space<hbm>> -> memref<10240x128xf32, #tpu.memory_space<hbm>>
      tpu.enqueue_indirect_dma source(%dma_start3A_124 : memref<10240x128xf32, #tpu.memory_space<hbm>>) target(%arg8 : memref<128x128xf32, #tpu.memory_space<vmem>>) offsets(%dma_start3A_121 : memref<128xi32, #tpu.memory_space<vmem>>) semaphore(%arg11 : memref<!tpu.dma_semaphore, #tpu.memory_space<semaphore_mem>>)
      %dma_wait3A_125 = arith.constant 0 : i32
      %dma_wait3A_126 = arith.constant 3 : i32
      %dma_wait3A_127 = arith.constant 0 : i32
      %dma_wait3A_128 = tpu.memref_slice %arg7[%dma_wait3A_125, %dma_wait3A_126, %dma_wait3A_127] : memref<2x16x128xi32, #tpu.memory_space<vmem>> -> memref<1x1x128xi32, #tpu.memory_space<vmem>>
      %dma_wait3A_129 = tpu.memref_squeeze %dma_wait3A_128 : memref<1x1x128xi32, #tpu.memory_space<vmem>> -> memref<128xi32, #tpu.memory_space<vmem>>
      %dma_wait3A_130 = arith.constant 0 : i32
      %dma_wait3A_131 = arith.constant 0 : i32
      %dma_wait3A_132 = tpu.memref_slice %arg2[%dma_wait3A_130, %dma_wait3A_131] : memref<10240x128xf32, #tpu.memory_space<hbm>> -> memref<10240x128xf32, #tpu.memory_space<hbm>>
      tpu.wait_indirect_dma semaphore(%arg12 : memref<!tpu.dma_semaphore, #tpu.memory_space<semaphore_mem>>) src(%dma_wait3A_132 : memref<10240x128xf32, #tpu.memory_space<hbm>>) dst(%arg9 : memref<128x128xf32, #tpu.memory_space<vmem>>)
      %dma_start3A_133 = arith.constant 1 : i32
      %dma_start3A_134 = arith.constant 3 : i32
      %dma_start3A_135 = arith.constant 0 : i32
      %dma_start3A_136 = tpu.memref_slice %arg7[%dma_start3A_133, %dma_start3A_134, %dma_start3A_135] : memref<2x16x128xi32, #tpu.memory_space<vmem>> -> memref<1x1x128xi32, #tpu.memory_space<vmem>>
      %dma_start3A_137 = tpu.memref_squeeze %dma_start3A_136 : memref<1x1x128xi32, #tpu.memory_space<vmem>> -> memref<128xi32, #tpu.memory_space<vmem>>
      %dma_start3A_138 = arith.constant 0 : i32
      %dma_start3A_139 = arith.constant 0 : i32
      %dma_start3A_140 = tpu.memref_slice %arg10[%dma_start3A_138, %dma_start3A_139] : memref<10240x128xf32, #tpu.memory_space<vmem_shared>> -> memref<10240x128xf32, #tpu.memory_space<vmem_shared>>
      tpu.enqueue_indirect_dma source(%arg9 : memref<128x128xf32, #tpu.memory_space<vmem>>) target(%dma_start3A_140 : memref<10240x128xf32, #tpu.memory_space<vmem_shared>>) offsets(%dma_start3A_137 : memref<128xi32, #tpu.memory_space<vmem>>) semaphore(%arg13 : memref<!tpu.dma_semaphore, #tpu.memory_space<semaphore_mem>>) {add = true}
      %dma_wait3A_141 = arith.constant 1 : i32
      %dma_wait3A_142 = arith.constant 3 : i32
      %dma_wait3A_143 = arith.constant 0 : i32
      %dma_wait3A_144 = tpu.memref_slice %arg7[%dma_wait3A_141, %dma_wait3A_142, %dma_wait3A_143] : memref<2x16x128xi32, #tpu.memory_space<vmem>> -> memref<1x1x128xi32, #tpu.memory_space<vmem>>
      %dma_wait3A_145 = tpu.memref_squeeze %dma_wait3A_144 : memref<1x1x128xi32, #tpu.memory_space<vmem>> -> memref<128xi32, #tpu.memory_space<vmem>>
      %dma_wait3A_146 = arith.constant 0 : i32
      %dma_wait3A_147 = arith.constant 0 : i32
      %dma_wait3A_148 = tpu.memref_slice %arg10[%dma_wait3A_146, %dma_wait3A_147] : memref<10240x128xf32, #tpu.memory_space<vmem_shared>> -> memref<10240x128xf32, #tpu.memory_space<vmem_shared>>
      tpu.wait_indirect_dma semaphore(%arg13 : memref<!tpu.dma_semaphore, #tpu.memory_space<semaphore_mem>>) src(%arg9 : memref<128x128xf32, #tpu.memory_space<vmem>>) dst(%dma_wait3A_148 : memref<10240x128xf32, #tpu.memory_space<vmem_shared>>)
      %dma_start3A_149 = arith.constant 0 : i32
      %dma_start3A_150 = arith.constant 5 : i32
      %dma_start3A_151 = arith.constant 0 : i32
      %dma_start3A_152 = tpu.memref_slice %arg7[%dma_start3A_149, %dma_start3A_150, %dma_start3A_151] : memref<2x16x128xi32, #tpu.memory_space<vmem>> -> memref<1x1x128xi32, #tpu.memory_space<vmem>>
      %dma_start3A_153 = tpu.memref_squeeze %dma_start3A_152 : memref<1x1x128xi32, #tpu.memory_space<vmem>> -> memref<128xi32, #tpu.memory_space<vmem>>
      %dma_start3A_154 = arith.constant 0 : i32
      %dma_start3A_155 = arith.constant 0 : i32
      %dma_start3A_156 = tpu.memref_slice %arg2[%dma_start3A_154, %dma_start3A_155] : memref<10240x128xf32, #tpu.memory_space<hbm>> -> memref<10240x128xf32, #tpu.memory_space<hbm>>
      tpu.enqueue_indirect_dma source(%dma_start3A_156 : memref<10240x128xf32, #tpu.memory_space<hbm>>) target(%arg9 : memref<128x128xf32, #tpu.memory_space<vmem>>) offsets(%dma_start3A_153 : memref<128xi32, #tpu.memory_space<vmem>>) semaphore(%arg12 : memref<!tpu.dma_semaphore, #tpu.memory_space<semaphore_mem>>)
      %dma_wait3A_157 = arith.constant 0 : i32
      %dma_wait3A_158 = arith.constant 4 : i32
      %dma_wait3A_159 = arith.constant 0 : i32
      %dma_wait3A_160 = tpu.memref_slice %arg7[%dma_wait3A_157, %dma_wait3A_158, %dma_wait3A_159] : memref<2x16x128xi32, #tpu.memory_space<vmem>> -> memref<1x1x128xi32, #tpu.memory_space<vmem>>
      %dma_wait3A_161 = tpu.memref_squeeze %dma_wait3A_160 : memref<1x1x128xi32, #tpu.memory_space<vmem>> -> memref<128xi32, #tpu.memory_space<vmem>>
      %dma_wait3A_162 = arith.constant 0 : i32
      %dma_wait3A_163 = arith.constant 0 : i32
      %dma_wait3A_164 = tpu.memref_slice %arg2[%dma_wait3A_162, %dma_wait3A_163] : memref<10240x128xf32, #tpu.memory_space<hbm>> -> memref<10240x128xf32, #tpu.memory_space<hbm>>
      tpu.wait_indirect_dma semaphore(%arg11 : memref<!tpu.dma_semaphore, #tpu.memory_space<semaphore_mem>>) src(%dma_wait3A_164 : memref<10240x128xf32, #tpu.memory_space<hbm>>) dst(%arg8 : memref<128x128xf32, #tpu.memory_space<vmem>>)
      %dma_start3A_165 = arith.constant 1 : i32
      %dma_start3A_166 = arith.constant 4 : i32
      %dma_start3A_167 = arith.constant 0 : i32
      %dma_start3A_168 = tpu.memref_slice %arg7[%dma_start3A_165, %dma_start3A_166, %dma_start3A_167] : memref<2x16x128xi32, #tpu.memory_space<vmem>> -> memref<1x1x128xi32, #tpu.memory_space<vmem>>
      %dma_start3A_169 = tpu.memref_squeeze %dma_start3A_168 : memref<1x1x128xi32, #tpu.memory_space<vmem>> -> memref<128xi32, #tpu.memory_space<vmem>>
      %dma_start3A_170 = arith.constant 0 : i32
      %dma_start3A_171 = arith.constant 0 : i32
      %dma_start3A_172 = tpu.memref_slice %arg10[%dma_start3A_170, %dma_start3A_171] : memref<10240x128xf32, #tpu.memory_space<vmem_shared>> -> memref<10240x128xf32, #tpu.memory_space<vmem_shared>>
      tpu.enqueue_indirect_dma source(%arg8 : memref<128x128xf32, #tpu.memory_space<vmem>>) target(%dma_start3A_172 : memref<10240x128xf32, #tpu.memory_space<vmem_shared>>) offsets(%dma_start3A_169 : memref<128xi32, #tpu.memory_space<vmem>>) semaphore(%arg13 : memref<!tpu.dma_semaphore, #tpu.memory_space<semaphore_mem>>) {add = true}
      %dma_wait3A_173 = arith.constant 1 : i32
      %dma_wait3A_174 = arith.constant 4 : i32
      %dma_wait3A_175 = arith.constant 0 : i32
      %dma_wait3A_176 = tpu.memref_slice %arg7[%dma_wait3A_173, %dma_wait3A_174, %dma_wait3A_175] : memref<2x16x128xi32, #tpu.memory_space<vmem>> -> memref<1x1x128xi32, #tpu.memory_space<vmem>>
      %dma_wait3A_177 = tpu.memref_squeeze %dma_wait3A_176 : memref<1x1x128xi32, #tpu.memory_space<vmem>> -> memref<128xi32, #tpu.memory_space<vmem>>
      %dma_wait3A_178 = arith.constant 0 : i32
      %dma_wait3A_179 = arith.constant 0 : i32
      %dma_wait3A_180 = tpu.memref_slice %arg10[%dma_wait3A_178, %dma_wait3A_179] : memref<10240x128xf32, #tpu.memory_space<vmem_shared>> -> memref<10240x128xf32, #tpu.memory_space<vmem_shared>>
      tpu.wait_indirect_dma semaphore(%arg13 : memref<!tpu.dma_semaphore, #tpu.memory_space<semaphore_mem>>) src(%arg8 : memref<128x128xf32, #tpu.memory_space<vmem>>) dst(%dma_wait3A_180 : memref<10240x128xf32, #tpu.memory_space<vmem_shared>>)
      %dma_start3A_181 = arith.constant 0 : i32
      %dma_start3A_182 = arith.constant 6 : i32
      %dma_start3A_183 = arith.constant 0 : i32
      %dma_start3A_184 = tpu.memref_slice %arg7[%dma_start3A_181, %dma_start3A_182, %dma_start3A_183] : memref<2x16x128xi32, #tpu.memory_space<vmem>> -> memref<1x1x128xi32, #tpu.memory_space<vmem>>
      %dma_start3A_185 = tpu.memref_squeeze %dma_start3A_184 : memref<1x1x128xi32, #tpu.memory_space<vmem>> -> memref<128xi32, #tpu.memory_space<vmem>>
      %dma_start3A_186 = arith.constant 0 : i32
      %dma_start3A_187 = arith.constant 0 : i32
      %dma_start3A_188 = tpu.memref_slice %arg2[%dma_start3A_186, %dma_start3A_187] : memref<10240x128xf32, #tpu.memory_space<hbm>> -> memref<10240x128xf32, #tpu.memory_space<hbm>>
      tpu.enqueue_indirect_dma source(%dma_start3A_188 : memref<10240x128xf32, #tpu.memory_space<hbm>>) target(%arg8 : memref<128x128xf32, #tpu.memory_space<vmem>>) offsets(%dma_start3A_185 : memref<128xi32, #tpu.memory_space<vmem>>) semaphore(%arg11 : memref<!tpu.dma_semaphore, #tpu.memory_space<semaphore_mem>>)
      %dma_wait3A_189 = arith.constant 0 : i32
      %dma_wait3A_190 = arith.constant 5 : i32
      %dma_wait3A_191 = arith.constant 0 : i32
      %dma_wait3A_192 = tpu.memref_slice %arg7[%dma_wait3A_189, %dma_wait3A_190, %dma_wait3A_191] : memref<2x16x128xi32, #tpu.memory_space<vmem>> -> memref<1x1x128xi32, #tpu.memory_space<vmem>>
      %dma_wait3A_193 = tpu.memref_squeeze %dma_wait3A_192 : memref<1x1x128xi32, #tpu.memory_space<vmem>> -> memref<128xi32, #tpu.memory_space<vmem>>
      %dma_wait3A_194 = arith.constant 0 : i32
      %dma_wait3A_195 = arith.constant 0 : i32
      %dma_wait3A_196 = tpu.memref_slice %arg2[%dma_wait3A_194, %dma_wait3A_195] : memref<10240x128xf32, #tpu.memory_space<hbm>> -> memref<10240x128xf32, #tpu.memory_space<hbm>>
      tpu.wait_indirect_dma semaphore(%arg12 : memref<!tpu.dma_semaphore, #tpu.memory_space<semaphore_mem>>) src(%dma_wait3A_196 : memref<10240x128xf32, #tpu.memory_space<hbm>>) dst(%arg9 : memref<128x128xf32, #tpu.memory_space<vmem>>)
      %dma_start3A_197 = arith.constant 1 : i32
      %dma_start3A_198 = arith.constant 5 : i32
      %dma_start3A_199 = arith.constant 0 : i32
      %dma_start3A_200 = tpu.memref_slice %arg7[%dma_start3A_197, %dma_start3A_198, %dma_start3A_199] : memref<2x16x128xi32, #tpu.memory_space<vmem>> -> memref<1x1x128xi32, #tpu.memory_space<vmem>>
      %dma_start3A_201 = tpu.memref_squeeze %dma_start3A_200 : memref<1x1x128xi32, #tpu.memory_space<vmem>> -> memref<128xi32, #tpu.memory_space<vmem>>
      %dma_start3A_202 = arith.constant 0 : i32
      %dma_start3A_203 = arith.constant 0 : i32
      %dma_start3A_204 = tpu.memref_slice %arg10[%dma_start3A_202, %dma_start3A_203] : memref<10240x128xf32, #tpu.memory_space<vmem_shared>> -> memref<10240x128xf32, #tpu.memory_space<vmem_shared>>
      tpu.enqueue_indirect_dma source(%arg9 : memref<128x128xf32, #tpu.memory_space<vmem>>) target(%dma_start3A_204 : memref<10240x128xf32, #tpu.memory_space<vmem_shared>>) offsets(%dma_start3A_201 : memref<128xi32, #tpu.memory_space<vmem>>) semaphore(%arg13 : memref<!tpu.dma_semaphore, #tpu.memory_space<semaphore_mem>>) {add = true}
      %dma_wait3A_205 = arith.constant 1 : i32
      %dma_wait3A_206 = arith.constant 5 : i32
      %dma_wait3A_207 = arith.constant 0 : i32
      %dma_wait3A_208 = tpu.memref_slice %arg7[%dma_wait3A_205, %dma_wait3A_206, %dma_wait3A_207] : memref<2x16x128xi32, #tpu.memory_space<vmem>> -> memref<1x1x128xi32, #tpu.memory_space<vmem>>
      %dma_wait3A_209 = tpu.memref_squeeze %dma_wait3A_208 : memref<1x1x128xi32, #tpu.memory_space<vmem>> -> memref<128xi32, #tpu.memory_space<vmem>>
      %dma_wait3A_210 = arith.constant 0 : i32
      %dma_wait3A_211 = arith.constant 0 : i32
      %dma_wait3A_212 = tpu.memref_slice %arg10[%dma_wait3A_210, %dma_wait3A_211] : memref<10240x128xf32, #tpu.memory_space<vmem_shared>> -> memref<10240x128xf32, #tpu.memory_space<vmem_shared>>
      tpu.wait_indirect_dma semaphore(%arg13 : memref<!tpu.dma_semaphore, #tpu.memory_space<semaphore_mem>>) src(%arg9 : memref<128x128xf32, #tpu.memory_space<vmem>>) dst(%dma_wait3A_212 : memref<10240x128xf32, #tpu.memory_space<vmem_shared>>)
      %dma_start3A_213 = arith.constant 0 : i32
      %dma_start3A_214 = arith.constant 7 : i32
      %dma_start3A_215 = arith.constant 0 : i32
      %dma_start3A_216 = tpu.memref_slice %arg7[%dma_start3A_213, %dma_start3A_214, %dma_start3A_215] : memref<2x16x128xi32, #tpu.memory_space<vmem>> -> memref<1x1x128xi32, #tpu.memory_space<vmem>>
      %dma_start3A_217 = tpu.memref_squeeze %dma_start3A_216 : memref<1x1x128xi32, #tpu.memory_space<vmem>> -> memref<128xi32, #tpu.memory_space<vmem>>
      %dma_start3A_218 = arith.constant 0 : i32
      %dma_start3A_219 = arith.constant 0 : i32
      %dma_start3A_220 = tpu.memref_slice %arg2[%dma_start3A_218, %dma_start3A_219] : memref<10240x128xf32, #tpu.memory_space<hbm>> -> memref<10240x128xf32, #tpu.memory_space<hbm>>
      tpu.enqueue_indirect_dma source(%dma_start3A_220 : memref<10240x128xf32, #tpu.memory_space<hbm>>) target(%arg9 : memref<128x128xf32, #tpu.memory_space<vmem>>) offsets(%dma_start3A_217 : memref<128xi32, #tpu.memory_space<vmem>>) semaphore(%arg12 : memref<!tpu.dma_semaphore, #tpu.memory_space<semaphore_mem>>)
      %dma_wait3A_221 = arith.constant 0 : i32
      %dma_wait3A_222 = arith.constant 6 : i32
      %dma_wait3A_223 = arith.constant 0 : i32
      %dma_wait3A_224 = tpu.memref_slice %arg7[%dma_wait3A_221, %dma_wait3A_222, %dma_wait3A_223] : memref<2x16x128xi32, #tpu.memory_space<vmem>> -> memref<1x1x128xi32, #tpu.memory_space<vmem>>
      %dma_wait3A_225 = tpu.memref_squeeze %dma_wait3A_224 : memref<1x1x128xi32, #tpu.memory_space<vmem>> -> memref<128xi32, #tpu.memory_space<vmem>>
      %dma_wait3A_226 = arith.constant 0 : i32
      %dma_wait3A_227 = arith.constant 0 : i32
      %dma_wait3A_228 = tpu.memref_slice %arg2[%dma_wait3A_226, %dma_wait3A_227] : memref<10240x128xf32, #tpu.memory_space<hbm>> -> memref<10240x128xf32, #tpu.memory_space<hbm>>
      tpu.wait_indirect_dma semaphore(%arg11 : memref<!tpu.dma_semaphore, #tpu.memory_space<semaphore_mem>>) src(%dma_wait3A_228 : memref<10240x128xf32, #tpu.memory_space<hbm>>) dst(%arg8 : memref<128x128xf32, #tpu.memory_space<vmem>>)
      %dma_start3A_229 = arith.constant 1 : i32
      %dma_start3A_230 = arith.constant 6 : i32
      %dma_start3A_231 = arith.constant 0 : i32
      %dma_start3A_232 = tpu.memref_slice %arg7[%dma_start3A_229, %dma_start3A_230, %dma_start3A_231] : memref<2x16x128xi32, #tpu.memory_space<vmem>> -> memref<1x1x128xi32, #tpu.memory_space<vmem>>
      %dma_start3A_233 = tpu.memref_squeeze %dma_start3A_232 : memref<1x1x128xi32, #tpu.memory_space<vmem>> -> memref<128xi32, #tpu.memory_space<vmem>>
      %dma_start3A_234 = arith.constant 0 : i32
      %dma_start3A_235 = arith.constant 0 : i32
      %dma_start3A_236 = tpu.memref_slice %arg10[%dma_start3A_234, %dma_start3A_235] : memref<10240x128xf32, #tpu.memory_space<vmem_shared>> -> memref<10240x128xf32, #tpu.memory_space<vmem_shared>>
      tpu.enqueue_indirect_dma source(%arg8 : memref<128x128xf32, #tpu.memory_space<vmem>>) target(%dma_start3A_236 : memref<10240x128xf32, #tpu.memory_space<vmem_shared>>) offsets(%dma_start3A_233 : memref<128xi32, #tpu.memory_space<vmem>>) semaphore(%arg13 : memref<!tpu.dma_semaphore, #tpu.memory_space<semaphore_mem>>) {add = true}
      %dma_wait3A_237 = arith.constant 1 : i32
      %dma_wait3A_238 = arith.constant 6 : i32
      %dma_wait3A_239 = arith.constant 0 : i32
      %dma_wait3A_240 = tpu.memref_slice %arg7[%dma_wait3A_237, %dma_wait3A_238, %dma_wait3A_239] : memref<2x16x128xi32, #tpu.memory_space<vmem>> -> memref<1x1x128xi32, #tpu.memory_space<vmem>>
      %dma_wait3A_241 = tpu.memref_squeeze %dma_wait3A_240 : memref<1x1x128xi32, #tpu.memory_space<vmem>> -> memref<128xi32, #tpu.memory_space<vmem>>
      %dma_wait3A_242 = arith.constant 0 : i32
      %dma_wait3A_243 = arith.constant 0 : i32
      %dma_wait3A_244 = tpu.memref_slice %arg10[%dma_wait3A_242, %dma_wait3A_243] : memref<10240x128xf32, #tpu.memory_space<vmem_shared>> -> memref<10240x128xf32, #tpu.memory_space<vmem_shared>>
      tpu.wait_indirect_dma semaphore(%arg13 : memref<!tpu.dma_semaphore, #tpu.memory_space<semaphore_mem>>) src(%arg8 : memref<128x128xf32, #tpu.memory_space<vmem>>) dst(%dma_wait3A_244 : memref<10240x128xf32, #tpu.memory_space<vmem_shared>>)
      %dma_start3A_245 = arith.constant 0 : i32
      %dma_start3A_246 = arith.constant 8 : i32
      %dma_start3A_247 = arith.constant 0 : i32
      %dma_start3A_248 = tpu.memref_slice %arg7[%dma_start3A_245, %dma_start3A_246, %dma_start3A_247] : memref<2x16x128xi32, #tpu.memory_space<vmem>> -> memref<1x1x128xi32, #tpu.memory_space<vmem>>
      %dma_start3A_249 = tpu.memref_squeeze %dma_start3A_248 : memref<1x1x128xi32, #tpu.memory_space<vmem>> -> memref<128xi32, #tpu.memory_space<vmem>>
      %dma_start3A_250 = arith.constant 0 : i32
      %dma_start3A_251 = arith.constant 0 : i32
      %dma_start3A_252 = tpu.memref_slice %arg2[%dma_start3A_250, %dma_start3A_251] : memref<10240x128xf32, #tpu.memory_space<hbm>> -> memref<10240x128xf32, #tpu.memory_space<hbm>>
      tpu.enqueue_indirect_dma source(%dma_start3A_252 : memref<10240x128xf32, #tpu.memory_space<hbm>>) target(%arg8 : memref<128x128xf32, #tpu.memory_space<vmem>>) offsets(%dma_start3A_249 : memref<128xi32, #tpu.memory_space<vmem>>) semaphore(%arg11 : memref<!tpu.dma_semaphore, #tpu.memory_space<semaphore_mem>>)
      %dma_wait3A_253 = arith.constant 0 : i32
      %dma_wait3A_254 = arith.constant 7 : i32
      %dma_wait3A_255 = arith.constant 0 : i32
      %dma_wait3A_256 = tpu.memref_slice %arg7[%dma_wait3A_253, %dma_wait3A_254, %dma_wait3A_255] : memref<2x16x128xi32, #tpu.memory_space<vmem>> -> memref<1x1x128xi32, #tpu.memory_space<vmem>>
      %dma_wait3A_257 = tpu.memref_squeeze %dma_wait3A_256 : memref<1x1x128xi32, #tpu.memory_space<vmem>> -> memref<128xi32, #tpu.memory_space<vmem>>
      %dma_wait3A_258 = arith.constant 0 : i32
      %dma_wait3A_259 = arith.constant 0 : i32
      %dma_wait3A_260 = tpu.memref_slice %arg2[%dma_wait3A_258, %dma_wait3A_259] : memref<10240x128xf32, #tpu.memory_space<hbm>> -> memref<10240x128xf32, #tpu.memory_space<hbm>>
      tpu.wait_indirect_dma semaphore(%arg12 : memref<!tpu.dma_semaphore, #tpu.memory_space<semaphore_mem>>) src(%dma_wait3A_260 : memref<10240x128xf32, #tpu.memory_space<hbm>>) dst(%arg9 : memref<128x128xf32, #tpu.memory_space<vmem>>)
      %dma_start3A_261 = arith.constant 1 : i32
      %dma_start3A_262 = arith.constant 7 : i32
      %dma_start3A_263 = arith.constant 0 : i32
      %dma_start3A_264 = tpu.memref_slice %arg7[%dma_start3A_261, %dma_start3A_262, %dma_start3A_263] : memref<2x16x128xi32, #tpu.memory_space<vmem>> -> memref<1x1x128xi32, #tpu.memory_space<vmem>>
      %dma_start3A_265 = tpu.memref_squeeze %dma_start3A_264 : memref<1x1x128xi32, #tpu.memory_space<vmem>> -> memref<128xi32, #tpu.memory_space<vmem>>
      %dma_start3A_266 = arith.constant 0 : i32
      %dma_start3A_267 = arith.constant 0 : i32
      %dma_start3A_268 = tpu.memref_slice %arg10[%dma_start3A_266, %dma_start3A_267] : memref<10240x128xf32, #tpu.memory_space<vmem_shared>> -> memref<10240x128xf32, #tpu.memory_space<vmem_shared>>
      tpu.enqueue_indirect_dma source(%arg9 : memref<128x128xf32, #tpu.memory_space<vmem>>) target(%dma_start3A_268 : memref<10240x128xf32, #tpu.memory_space<vmem_shared>>) offsets(%dma_start3A_265 : memref<128xi32, #tpu.memory_space<vmem>>) semaphore(%arg13 : memref<!tpu.dma_semaphore, #tpu.memory_space<semaphore_mem>>) {add = true}
      %dma_wait3A_269 = arith.constant 1 : i32
      %dma_wait3A_270 = arith.constant 7 : i32
      %dma_wait3A_271 = arith.constant 0 : i32
      %dma_wait3A_272 = tpu.memref_slice %arg7[%dma_wait3A_269, %dma_wait3A_270, %dma_wait3A_271] : memref<2x16x128xi32, #tpu.memory_space<vmem>> -> memref<1x1x128xi32, #tpu.memory_space<vmem>>
      %dma_wait3A_273 = tpu.memref_squeeze %dma_wait3A_272 : memref<1x1x128xi32, #tpu.memory_space<vmem>> -> memref<128xi32, #tpu.memory_space<vmem>>
      %dma_wait3A_274 = arith.constant 0 : i32
      %dma_wait3A_275 = arith.constant 0 : i32
      %dma_wait3A_276 = tpu.memref_slice %arg10[%dma_wait3A_274, %dma_wait3A_275] : memref<10240x128xf32, #tpu.memory_space<vmem_shared>> -> memref<10240x128xf32, #tpu.memory_space<vmem_shared>>
      tpu.wait_indirect_dma semaphore(%arg13 : memref<!tpu.dma_semaphore, #tpu.memory_space<semaphore_mem>>) src(%arg9 : memref<128x128xf32, #tpu.memory_space<vmem>>) dst(%dma_wait3A_276 : memref<10240x128xf32, #tpu.memory_space<vmem_shared>>)
      %dma_start3A_277 = arith.constant 0 : i32
      %dma_start3A_278 = arith.constant 9 : i32
      %dma_start3A_279 = arith.constant 0 : i32
      %dma_start3A_280 = tpu.memref_slice %arg7[%dma_start3A_277, %dma_start3A_278, %dma_start3A_279] : memref<2x16x128xi32, #tpu.memory_space<vmem>> -> memref<1x1x128xi32, #tpu.memory_space<vmem>>
      %dma_start3A_281 = tpu.memref_squeeze %dma_start3A_280 : memref<1x1x128xi32, #tpu.memory_space<vmem>> -> memref<128xi32, #tpu.memory_space<vmem>>
      %dma_start3A_282 = arith.constant 0 : i32
      %dma_start3A_283 = arith.constant 0 : i32
      %dma_start3A_284 = tpu.memref_slice %arg2[%dma_start3A_282, %dma_start3A_283] : memref<10240x128xf32, #tpu.memory_space<hbm>> -> memref<10240x128xf32, #tpu.memory_space<hbm>>
      tpu.enqueue_indirect_dma source(%dma_start3A_284 : memref<10240x128xf32, #tpu.memory_space<hbm>>) target(%arg9 : memref<128x128xf32, #tpu.memory_space<vmem>>) offsets(%dma_start3A_281 : memref<128xi32, #tpu.memory_space<vmem>>) semaphore(%arg12 : memref<!tpu.dma_semaphore, #tpu.memory_space<semaphore_mem>>)
      %dma_wait3A_285 = arith.constant 0 : i32
      %dma_wait3A_286 = arith.constant 8 : i32
      %dma_wait3A_287 = arith.constant 0 : i32
      %dma_wait3A_288 = tpu.memref_slice %arg7[%dma_wait3A_285, %dma_wait3A_286, %dma_wait3A_287] : memref<2x16x128xi32, #tpu.memory_space<vmem>> -> memref<1x1x128xi32, #tpu.memory_space<vmem>>
      %dma_wait3A_289 = tpu.memref_squeeze %dma_wait3A_288 : memref<1x1x128xi32, #tpu.memory_space<vmem>> -> memref<128xi32, #tpu.memory_space<vmem>>
      %dma_wait3A_290 = arith.constant 0 : i32
      %dma_wait3A_291 = arith.constant 0 : i32
      %dma_wait3A_292 = tpu.memref_slice %arg2[%dma_wait3A_290, %dma_wait3A_291] : memref<10240x128xf32, #tpu.memory_space<hbm>> -> memref<10240x128xf32, #tpu.memory_space<hbm>>
      tpu.wait_indirect_dma semaphore(%arg11 : memref<!tpu.dma_semaphore, #tpu.memory_space<semaphore_mem>>) src(%dma_wait3A_292 : memref<10240x128xf32, #tpu.memory_space<hbm>>) dst(%arg8 : memref<128x128xf32, #tpu.memory_space<vmem>>)
      %dma_start3A_293 = arith.constant 1 : i32
      %dma_start3A_294 = arith.constant 8 : i32
      %dma_start3A_295 = arith.constant 0 : i32
      %dma_start3A_296 = tpu.memref_slice %arg7[%dma_start3A_293, %dma_start3A_294, %dma_start3A_295] : memref<2x16x128xi32, #tpu.memory_space<vmem>> -> memref<1x1x128xi32, #tpu.memory_space<vmem>>
      %dma_start3A_297 = tpu.memref_squeeze %dma_start3A_296 : memref<1x1x128xi32, #tpu.memory_space<vmem>> -> memref<128xi32, #tpu.memory_space<vmem>>
      %dma_start3A_298 = arith.constant 0 : i32
      %dma_start3A_299 = arith.constant 0 : i32
      %dma_start3A_300 = tpu.memref_slice %arg10[%dma_start3A_298, %dma_start3A_299] : memref<10240x128xf32, #tpu.memory_space<vmem_shared>> -> memref<10240x128xf32, #tpu.memory_space<vmem_shared>>
      tpu.enqueue_indirect_dma source(%arg8 : memref<128x128xf32, #tpu.memory_space<vmem>>) target(%dma_start3A_300 : memref<10240x128xf32, #tpu.memory_space<vmem_shared>>) offsets(%dma_start3A_297 : memref<128xi32, #tpu.memory_space<vmem>>) semaphore(%arg13 : memref<!tpu.dma_semaphore, #tpu.memory_space<semaphore_mem>>) {add = true}
      %dma_wait3A_301 = arith.constant 1 : i32
      %dma_wait3A_302 = arith.constant 8 : i32
      %dma_wait3A_303 = arith.constant 0 : i32
      %dma_wait3A_304 = tpu.memref_slice %arg7[%dma_wait3A_301, %dma_wait3A_302, %dma_wait3A_303] : memref<2x16x128xi32, #tpu.memory_space<vmem>> -> memref<1x1x128xi32, #tpu.memory_space<vmem>>
      %dma_wait3A_305 = tpu.memref_squeeze %dma_wait3A_304 : memref<1x1x128xi32, #tpu.memory_space<vmem>> -> memref<128xi32, #tpu.memory_space<vmem>>
      %dma_wait3A_306 = arith.constant 0 : i32
      %dma_wait3A_307 = arith.constant 0 : i32
      %dma_wait3A_308 = tpu.memref_slice %arg10[%dma_wait3A_306, %dma_wait3A_307] : memref<10240x128xf32, #tpu.memory_space<vmem_shared>> -> memref<10240x128xf32, #tpu.memory_space<vmem_shared>>
      tpu.wait_indirect_dma semaphore(%arg13 : memref<!tpu.dma_semaphore, #tpu.memory_space<semaphore_mem>>) src(%arg8 : memref<128x128xf32, #tpu.memory_space<vmem>>) dst(%dma_wait3A_308 : memref<10240x128xf32, #tpu.memory_space<vmem_shared>>)
      %dma_start3A_309 = arith.constant 0 : i32
      %dma_start3A_310 = arith.constant 10 : i32
      %dma_start3A_311 = arith.constant 0 : i32
      %dma_start3A_312 = tpu.memref_slice %arg7[%dma_start3A_309, %dma_start3A_310, %dma_start3A_311] : memref<2x16x128xi32, #tpu.memory_space<vmem>> -> memref<1x1x128xi32, #tpu.memory_space<vmem>>
      %dma_start3A_313 = tpu.memref_squeeze %dma_start3A_312 : memref<1x1x128xi32, #tpu.memory_space<vmem>> -> memref<128xi32, #tpu.memory_space<vmem>>
      %dma_start3A_314 = arith.constant 0 : i32
      %dma_start3A_315 = arith.constant 0 : i32
      %dma_start3A_316 = tpu.memref_slice %arg2[%dma_start3A_314, %dma_start3A_315] : memref<10240x128xf32, #tpu.memory_space<hbm>> -> memref<10240x128xf32, #tpu.memory_space<hbm>>
      tpu.enqueue_indirect_dma source(%dma_start3A_316 : memref<10240x128xf32, #tpu.memory_space<hbm>>) target(%arg8 : memref<128x128xf32, #tpu.memory_space<vmem>>) offsets(%dma_start3A_313 : memref<128xi32, #tpu.memory_space<vmem>>) semaphore(%arg11 : memref<!tpu.dma_semaphore, #tpu.memory_space<semaphore_mem>>)
      %dma_wait3A_317 = arith.constant 0 : i32
      %dma_wait3A_318 = arith.constant 9 : i32
      %dma_wait3A_319 = arith.constant 0 : i32
      %dma_wait3A_320 = tpu.memref_slice %arg7[%dma_wait3A_317, %dma_wait3A_318, %dma_wait3A_319] : memref<2x16x128xi32, #tpu.memory_space<vmem>> -> memref<1x1x128xi32, #tpu.memory_space<vmem>>
      %dma_wait3A_321 = tpu.memref_squeeze %dma_wait3A_320 : memref<1x1x128xi32, #tpu.memory_space<vmem>> -> memref<128xi32, #tpu.memory_space<vmem>>
      %dma_wait3A_322 = arith.constant 0 : i32
      %dma_wait3A_323 = arith.constant 0 : i32
      %dma_wait3A_324 = tpu.memref_slice %arg2[%dma_wait3A_322, %dma_wait3A_323] : memref<10240x128xf32, #tpu.memory_space<hbm>> -> memref<10240x128xf32, #tpu.memory_space<hbm>>
      tpu.wait_indirect_dma semaphore(%arg12 : memref<!tpu.dma_semaphore, #tpu.memory_space<semaphore_mem>>) src(%dma_wait3A_324 : memref<10240x128xf32, #tpu.memory_space<hbm>>) dst(%arg9 : memref<128x128xf32, #tpu.memory_space<vmem>>)
      %dma_start3A_325 = arith.constant 1 : i32
      %dma_start3A_326 = arith.constant 9 : i32
      %dma_start3A_327 = arith.constant 0 : i32
      %dma_start3A_328 = tpu.memref_slice %arg7[%dma_start3A_325, %dma_start3A_326, %dma_start3A_327] : memref<2x16x128xi32, #tpu.memory_space<vmem>> -> memref<1x1x128xi32, #tpu.memory_space<vmem>>
      %dma_start3A_329 = tpu.memref_squeeze %dma_start3A_328 : memref<1x1x128xi32, #tpu.memory_space<vmem>> -> memref<128xi32, #tpu.memory_space<vmem>>
      %dma_start3A_330 = arith.constant 0 : i32
      %dma_start3A_331 = arith.constant 0 : i32
      %dma_start3A_332 = tpu.memref_slice %arg10[%dma_start3A_330, %dma_start3A_331] : memref<10240x128xf32, #tpu.memory_space<vmem_shared>> -> memref<10240x128xf32, #tpu.memory_space<vmem_shared>>
      tpu.enqueue_indirect_dma source(%arg9 : memref<128x128xf32, #tpu.memory_space<vmem>>) target(%dma_start3A_332 : memref<10240x128xf32, #tpu.memory_space<vmem_shared>>) offsets(%dma_start3A_329 : memref<128xi32, #tpu.memory_space<vmem>>) semaphore(%arg13 : memref<!tpu.dma_semaphore, #tpu.memory_space<semaphore_mem>>) {add = true}
      %dma_wait3A_333 = arith.constant 1 : i32
      %dma_wait3A_334 = arith.constant 9 : i32
      %dma_wait3A_335 = arith.constant 0 : i32
      %dma_wait3A_336 = tpu.memref_slice %arg7[%dma_wait3A_333, %dma_wait3A_334, %dma_wait3A_335] : memref<2x16x128xi32, #tpu.memory_space<vmem>> -> memref<1x1x128xi32, #tpu.memory_space<vmem>>
      %dma_wait3A_337 = tpu.memref_squeeze %dma_wait3A_336 : memref<1x1x128xi32, #tpu.memory_space<vmem>> -> memref<128xi32, #tpu.memory_space<vmem>>
      %dma_wait3A_338 = arith.constant 0 : i32
      %dma_wait3A_339 = arith.constant 0 : i32
      %dma_wait3A_340 = tpu.memref_slice %arg10[%dma_wait3A_338, %dma_wait3A_339] : memref<10240x128xf32, #tpu.memory_space<vmem_shared>> -> memref<10240x128xf32, #tpu.memory_space<vmem_shared>>
      tpu.wait_indirect_dma semaphore(%arg13 : memref<!tpu.dma_semaphore, #tpu.memory_space<semaphore_mem>>) src(%arg9 : memref<128x128xf32, #tpu.memory_space<vmem>>) dst(%dma_wait3A_340 : memref<10240x128xf32, #tpu.memory_space<vmem_shared>>)
      %dma_start3A_341 = arith.constant 0 : i32
      %dma_start3A_342 = arith.constant 11 : i32
      %dma_start3A_343 = arith.constant 0 : i32
      %dma_start3A_344 = tpu.memref_slice %arg7[%dma_start3A_341, %dma_start3A_342, %dma_start3A_343] : memref<2x16x128xi32, #tpu.memory_space<vmem>> -> memref<1x1x128xi32, #tpu.memory_space<vmem>>
      %dma_start3A_345 = tpu.memref_squeeze %dma_start3A_344 : memref<1x1x128xi32, #tpu.memory_space<vmem>> -> memref<128xi32, #tpu.memory_space<vmem>>
      %dma_start3A_346 = arith.constant 0 : i32
      %dma_start3A_347 = arith.constant 0 : i32
      %dma_start3A_348 = tpu.memref_slice %arg2[%dma_start3A_346, %dma_start3A_347] : memref<10240x128xf32, #tpu.memory_space<hbm>> -> memref<10240x128xf32, #tpu.memory_space<hbm>>
      tpu.enqueue_indirect_dma source(%dma_start3A_348 : memref<10240x128xf32, #tpu.memory_space<hbm>>) target(%arg9 : memref<128x128xf32, #tpu.memory_space<vmem>>) offsets(%dma_start3A_345 : memref<128xi32, #tpu.memory_space<vmem>>) semaphore(%arg12 : memref<!tpu.dma_semaphore, #tpu.memory_space<semaphore_mem>>)
      %dma_wait3A_349 = arith.constant 0 : i32
      %dma_wait3A_350 = arith.constant 10 : i32
      %dma_wait3A_351 = arith.constant 0 : i32
      %dma_wait3A_352 = tpu.memref_slice %arg7[%dma_wait3A_349, %dma_wait3A_350, %dma_wait3A_351] : memref<2x16x128xi32, #tpu.memory_space<vmem>> -> memref<1x1x128xi32, #tpu.memory_space<vmem>>
      %dma_wait3A_353 = tpu.memref_squeeze %dma_wait3A_352 : memref<1x1x128xi32, #tpu.memory_space<vmem>> -> memref<128xi32, #tpu.memory_space<vmem>>
      %dma_wait3A_354 = arith.constant 0 : i32
      %dma_wait3A_355 = arith.constant 0 : i32
      %dma_wait3A_356 = tpu.memref_slice %arg2[%dma_wait3A_354, %dma_wait3A_355] : memref<10240x128xf32, #tpu.memory_space<hbm>> -> memref<10240x128xf32, #tpu.memory_space<hbm>>
      tpu.wait_indirect_dma semaphore(%arg11 : memref<!tpu.dma_semaphore, #tpu.memory_space<semaphore_mem>>) src(%dma_wait3A_356 : memref<10240x128xf32, #tpu.memory_space<hbm>>) dst(%arg8 : memref<128x128xf32, #tpu.memory_space<vmem>>)
      %dma_start3A_357 = arith.constant 1 : i32
      %dma_start3A_358 = arith.constant 10 : i32
      %dma_start3A_359 = arith.constant 0 : i32
      %dma_start3A_360 = tpu.memref_slice %arg7[%dma_start3A_357, %dma_start3A_358, %dma_start3A_359] : memref<2x16x128xi32, #tpu.memory_space<vmem>> -> memref<1x1x128xi32, #tpu.memory_space<vmem>>
      %dma_start3A_361 = tpu.memref_squeeze %dma_start3A_360 : memref<1x1x128xi32, #tpu.memory_space<vmem>> -> memref<128xi32, #tpu.memory_space<vmem>>
      %dma_start3A_362 = arith.constant 0 : i32
      %dma_start3A_363 = arith.constant 0 : i32
      %dma_start3A_364 = tpu.memref_slice %arg10[%dma_start3A_362, %dma_start3A_363] : memref<10240x128xf32, #tpu.memory_space<vmem_shared>> -> memref<10240x128xf32, #tpu.memory_space<vmem_shared>>
      tpu.enqueue_indirect_dma source(%arg8 : memref<128x128xf32, #tpu.memory_space<vmem>>) target(%dma_start3A_364 : memref<10240x128xf32, #tpu.memory_space<vmem_shared>>) offsets(%dma_start3A_361 : memref<128xi32, #tpu.memory_space<vmem>>) semaphore(%arg13 : memref<!tpu.dma_semaphore, #tpu.memory_space<semaphore_mem>>) {add = true}
      %dma_wait3A_365 = arith.constant 1 : i32
      %dma_wait3A_366 = arith.constant 10 : i32
      %dma_wait3A_367 = arith.constant 0 : i32
      %dma_wait3A_368 = tpu.memref_slice %arg7[%dma_wait3A_365, %dma_wait3A_366, %dma_wait3A_367] : memref<2x16x128xi32, #tpu.memory_space<vmem>> -> memref<1x1x128xi32, #tpu.memory_space<vmem>>
      %dma_wait3A_369 = tpu.memref_squeeze %dma_wait3A_368 : memref<1x1x128xi32, #tpu.memory_space<vmem>> -> memref<128xi32, #tpu.memory_space<vmem>>
      %dma_wait3A_370 = arith.constant 0 : i32
      %dma_wait3A_371 = arith.constant 0 : i32
      %dma_wait3A_372 = tpu.memref_slice %arg10[%dma_wait3A_370, %dma_wait3A_371] : memref<10240x128xf32, #tpu.memory_space<vmem_shared>> -> memref<10240x128xf32, #tpu.memory_space<vmem_shared>>
      tpu.wait_indirect_dma semaphore(%arg13 : memref<!tpu.dma_semaphore, #tpu.memory_space<semaphore_mem>>) src(%arg8 : memref<128x128xf32, #tpu.memory_space<vmem>>) dst(%dma_wait3A_372 : memref<10240x128xf32, #tpu.memory_space<vmem_shared>>)
      %dma_start3A_373 = arith.constant 0 : i32
      %dma_start3A_374 = arith.constant 12 : i32
      %dma_start3A_375 = arith.constant 0 : i32
      %dma_start3A_376 = tpu.memref_slice %arg7[%dma_start3A_373, %dma_start3A_374, %dma_start3A_375] : memref<2x16x128xi32, #tpu.memory_space<vmem>> -> memref<1x1x128xi32, #tpu.memory_space<vmem>>
      %dma_start3A_377 = tpu.memref_squeeze %dma_start3A_376 : memref<1x1x128xi32, #tpu.memory_space<vmem>> -> memref<128xi32, #tpu.memory_space<vmem>>
      %dma_start3A_378 = arith.constant 0 : i32
      %dma_start3A_379 = arith.constant 0 : i32
      %dma_start3A_380 = tpu.memref_slice %arg2[%dma_start3A_378, %dma_start3A_379] : memref<10240x128xf32, #tpu.memory_space<hbm>> -> memref<10240x128xf32, #tpu.memory_space<hbm>>
      tpu.enqueue_indirect_dma source(%dma_start3A_380 : memref<10240x128xf32, #tpu.memory_space<hbm>>) target(%arg8 : memref<128x128xf32, #tpu.memory_space<vmem>>) offsets(%dma_start3A_377 : memref<128xi32, #tpu.memory_space<vmem>>) semaphore(%arg11 : memref<!tpu.dma_semaphore, #tpu.memory_space<semaphore_mem>>)
      %dma_wait3A_381 = arith.constant 0 : i32
      %dma_wait3A_382 = arith.constant 11 : i32
      %dma_wait3A_383 = arith.constant 0 : i32
      %dma_wait3A_384 = tpu.memref_slice %arg7[%dma_wait3A_381, %dma_wait3A_382, %dma_wait3A_383] : memref<2x16x128xi32, #tpu.memory_space<vmem>> -> memref<1x1x128xi32, #tpu.memory_space<vmem>>
      %dma_wait3A_385 = tpu.memref_squeeze %dma_wait3A_384 : memref<1x1x128xi32, #tpu.memory_space<vmem>> -> memref<128xi32, #tpu.memory_space<vmem>>
      %dma_wait3A_386 = arith.constant 0 : i32
      %dma_wait3A_387 = arith.constant 0 : i32
      %dma_wait3A_388 = tpu.memref_slice %arg2[%dma_wait3A_386, %dma_wait3A_387] : memref<10240x128xf32, #tpu.memory_space<hbm>> -> memref<10240x128xf32, #tpu.memory_space<hbm>>
      tpu.wait_indirect_dma semaphore(%arg12 : memref<!tpu.dma_semaphore, #tpu.memory_space<semaphore_mem>>) src(%dma_wait3A_388 : memref<10240x128xf32, #tpu.memory_space<hbm>>) dst(%arg9 : memref<128x128xf32, #tpu.memory_space<vmem>>)
      %dma_start3A_389 = arith.constant 1 : i32
      %dma_start3A_390 = arith.constant 11 : i32
      %dma_start3A_391 = arith.constant 0 : i32
      %dma_start3A_392 = tpu.memref_slice %arg7[%dma_start3A_389, %dma_start3A_390, %dma_start3A_391] : memref<2x16x128xi32, #tpu.memory_space<vmem>> -> memref<1x1x128xi32, #tpu.memory_space<vmem>>
      %dma_start3A_393 = tpu.memref_squeeze %dma_start3A_392 : memref<1x1x128xi32, #tpu.memory_space<vmem>> -> memref<128xi32, #tpu.memory_space<vmem>>
      %dma_start3A_394 = arith.constant 0 : i32
      %dma_start3A_395 = arith.constant 0 : i32
      %dma_start3A_396 = tpu.memref_slice %arg10[%dma_start3A_394, %dma_start3A_395] : memref<10240x128xf32, #tpu.memory_space<vmem_shared>> -> memref<10240x128xf32, #tpu.memory_space<vmem_shared>>
      tpu.enqueue_indirect_dma source(%arg9 : memref<128x128xf32, #tpu.memory_space<vmem>>) target(%dma_start3A_396 : memref<10240x128xf32, #tpu.memory_space<vmem_shared>>) offsets(%dma_start3A_393 : memref<128xi32, #tpu.memory_space<vmem>>) semaphore(%arg13 : memref<!tpu.dma_semaphore, #tpu.memory_space<semaphore_mem>>) {add = true}
      %dma_wait3A_397 = arith.constant 1 : i32
      %dma_wait3A_398 = arith.constant 11 : i32
      %dma_wait3A_399 = arith.constant 0 : i32
      %dma_wait3A_400 = tpu.memref_slice %arg7[%dma_wait3A_397, %dma_wait3A_398, %dma_wait3A_399] : memref<2x16x128xi32, #tpu.memory_space<vmem>> -> memref<1x1x128xi32, #tpu.memory_space<vmem>>
      %dma_wait3A_401 = tpu.memref_squeeze %dma_wait3A_400 : memref<1x1x128xi32, #tpu.memory_space<vmem>> -> memref<128xi32, #tpu.memory_space<vmem>>
      %dma_wait3A_402 = arith.constant 0 : i32
      %dma_wait3A_403 = arith.constant 0 : i32
      %dma_wait3A_404 = tpu.memref_slice %arg10[%dma_wait3A_402, %dma_wait3A_403] : memref<10240x128xf32, #tpu.memory_space<vmem_shared>> -> memref<10240x128xf32, #tpu.memory_space<vmem_shared>>
      tpu.wait_indirect_dma semaphore(%arg13 : memref<!tpu.dma_semaphore, #tpu.memory_space<semaphore_mem>>) src(%arg9 : memref<128x128xf32, #tpu.memory_space<vmem>>) dst(%dma_wait3A_404 : memref<10240x128xf32, #tpu.memory_space<vmem_shared>>)
      %dma_start3A_405 = arith.constant 0 : i32
      %dma_start3A_406 = arith.constant 13 : i32
      %dma_start3A_407 = arith.constant 0 : i32
      %dma_start3A_408 = tpu.memref_slice %arg7[%dma_start3A_405, %dma_start3A_406, %dma_start3A_407] : memref<2x16x128xi32, #tpu.memory_space<vmem>> -> memref<1x1x128xi32, #tpu.memory_space<vmem>>
      %dma_start3A_409 = tpu.memref_squeeze %dma_start3A_408 : memref<1x1x128xi32, #tpu.memory_space<vmem>> -> memref<128xi32, #tpu.memory_space<vmem>>
      %dma_start3A_410 = arith.constant 0 : i32
      %dma_start3A_411 = arith.constant 0 : i32
      %dma_start3A_412 = tpu.memref_slice %arg2[%dma_start3A_410, %dma_start3A_411] : memref<10240x128xf32, #tpu.memory_space<hbm>> -> memref<10240x128xf32, #tpu.memory_space<hbm>>
      tpu.enqueue_indirect_dma source(%dma_start3A_412 : memref<10240x128xf32, #tpu.memory_space<hbm>>) target(%arg9 : memref<128x128xf32, #tpu.memory_space<vmem>>) offsets(%dma_start3A_409 : memref<128xi32, #tpu.memory_space<vmem>>) semaphore(%arg12 : memref<!tpu.dma_semaphore, #tpu.memory_space<semaphore_mem>>)
      %dma_wait3A_413 = arith.constant 0 : i32
      %dma_wait3A_414 = arith.constant 12 : i32
      %dma_wait3A_415 = arith.constant 0 : i32
      %dma_wait3A_416 = tpu.memref_slice %arg7[%dma_wait3A_413, %dma_wait3A_414, %dma_wait3A_415] : memref<2x16x128xi32, #tpu.memory_space<vmem>> -> memref<1x1x128xi32, #tpu.memory_space<vmem>>
      %dma_wait3A_417 = tpu.memref_squeeze %dma_wait3A_416 : memref<1x1x128xi32, #tpu.memory_space<vmem>> -> memref<128xi32, #tpu.memory_space<vmem>>
      %dma_wait3A_418 = arith.constant 0 : i32
      %dma_wait3A_419 = arith.constant 0 : i32
      %dma_wait3A_420 = tpu.memref_slice %arg2[%dma_wait3A_418, %dma_wait3A_419] : memref<10240x128xf32, #tpu.memory_space<hbm>> -> memref<10240x128xf32, #tpu.memory_space<hbm>>
      tpu.wait_indirect_dma semaphore(%arg11 : memref<!tpu.dma_semaphore, #tpu.memory_space<semaphore_mem>>) src(%dma_wait3A_420 : memref<10240x128xf32, #tpu.memory_space<hbm>>) dst(%arg8 : memref<128x128xf32, #tpu.memory_space<vmem>>)
      %dma_start3A_421 = arith.constant 1 : i32
      %dma_start3A_422 = arith.constant 12 : i32
      %dma_start3A_423 = arith.constant 0 : i32
      %dma_start3A_424 = tpu.memref_slice %arg7[%dma_start3A_421, %dma_start3A_422, %dma_start3A_423] : memref<2x16x128xi32, #tpu.memory_space<vmem>> -> memref<1x1x128xi32, #tpu.memory_space<vmem>>
      %dma_start3A_425 = tpu.memref_squeeze %dma_start3A_424 : memref<1x1x128xi32, #tpu.memory_space<vmem>> -> memref<128xi32, #tpu.memory_space<vmem>>
      %dma_start3A_426 = arith.constant 0 : i32
      %dma_start3A_427 = arith.constant 0 : i32
      %dma_start3A_428 = tpu.memref_slice %arg10[%dma_start3A_426, %dma_start3A_427] : memref<10240x128xf32, #tpu.memory_space<vmem_shared>> -> memref<10240x128xf32, #tpu.memory_space<vmem_shared>>
      tpu.enqueue_indirect_dma source(%arg8 : memref<128x128xf32, #tpu.memory_space<vmem>>) target(%dma_start3A_428 : memref<10240x128xf32, #tpu.memory_space<vmem_shared>>) offsets(%dma_start3A_425 : memref<128xi32, #tpu.memory_space<vmem>>) semaphore(%arg13 : memref<!tpu.dma_semaphore, #tpu.memory_space<semaphore_mem>>) {add = true}
      %dma_wait3A_429 = arith.constant 1 : i32
      %dma_wait3A_430 = arith.constant 12 : i32
      %dma_wait3A_431 = arith.constant 0 : i32
      %dma_wait3A_432 = tpu.memref_slice %arg7[%dma_wait3A_429, %dma_wait3A_430, %dma_wait3A_431] : memref<2x16x128xi32, #tpu.memory_space<vmem>> -> memref<1x1x128xi32, #tpu.memory_space<vmem>>
      %dma_wait3A_433 = tpu.memref_squeeze %dma_wait3A_432 : memref<1x1x128xi32, #tpu.memory_space<vmem>> -> memref<128xi32, #tpu.memory_space<vmem>>
      %dma_wait3A_434 = arith.constant 0 : i32
      %dma_wait3A_435 = arith.constant 0 : i32
      %dma_wait3A_436 = tpu.memref_slice %arg10[%dma_wait3A_434, %dma_wait3A_435] : memref<10240x128xf32, #tpu.memory_space<vmem_shared>> -> memref<10240x128xf32, #tpu.memory_space<vmem_shared>>
      tpu.wait_indirect_dma semaphore(%arg13 : memref<!tpu.dma_semaphore, #tpu.memory_space<semaphore_mem>>) src(%arg8 : memref<128x128xf32, #tpu.memory_space<vmem>>) dst(%dma_wait3A_436 : memref<10240x128xf32, #tpu.memory_space<vmem_shared>>)
      %dma_start3A_437 = arith.constant 0 : i32
      %dma_start3A_438 = arith.constant 14 : i32
      %dma_start3A_439 = arith.constant 0 : i32
      %dma_start3A_440 = tpu.memref_slice %arg7[%dma_start3A_437, %dma_start3A_438, %dma_start3A_439] : memref<2x16x128xi32, #tpu.memory_space<vmem>> -> memref<1x1x128xi32, #tpu.memory_space<vmem>>
      %dma_start3A_441 = tpu.memref_squeeze %dma_start3A_440 : memref<1x1x128xi32, #tpu.memory_space<vmem>> -> memref<128xi32, #tpu.memory_space<vmem>>
      %dma_start3A_442 = arith.constant 0 : i32
      %dma_start3A_443 = arith.constant 0 : i32
      %dma_start3A_444 = tpu.memref_slice %arg2[%dma_start3A_442, %dma_start3A_443] : memref<10240x128xf32, #tpu.memory_space<hbm>> -> memref<10240x128xf32, #tpu.memory_space<hbm>>
      tpu.enqueue_indirect_dma source(%dma_start3A_444 : memref<10240x128xf32, #tpu.memory_space<hbm>>) target(%arg8 : memref<128x128xf32, #tpu.memory_space<vmem>>) offsets(%dma_start3A_441 : memref<128xi32, #tpu.memory_space<vmem>>) semaphore(%arg11 : memref<!tpu.dma_semaphore, #tpu.memory_space<semaphore_mem>>)
      %dma_wait3A_445 = arith.constant 0 : i32
      %dma_wait3A_446 = arith.constant 13 : i32
      %dma_wait3A_447 = arith.constant 0 : i32
      %dma_wait3A_448 = tpu.memref_slice %arg7[%dma_wait3A_445, %dma_wait3A_446, %dma_wait3A_447] : memref<2x16x128xi32, #tpu.memory_space<vmem>> -> memref<1x1x128xi32, #tpu.memory_space<vmem>>
      %dma_wait3A_449 = tpu.memref_squeeze %dma_wait3A_448 : memref<1x1x128xi32, #tpu.memory_space<vmem>> -> memref<128xi32, #tpu.memory_space<vmem>>
      %dma_wait3A_450 = arith.constant 0 : i32
      %dma_wait3A_451 = arith.constant 0 : i32
      %dma_wait3A_452 = tpu.memref_slice %arg2[%dma_wait3A_450, %dma_wait3A_451] : memref<10240x128xf32, #tpu.memory_space<hbm>> -> memref<10240x128xf32, #tpu.memory_space<hbm>>
      tpu.wait_indirect_dma semaphore(%arg12 : memref<!tpu.dma_semaphore, #tpu.memory_space<semaphore_mem>>) src(%dma_wait3A_452 : memref<10240x128xf32, #tpu.memory_space<hbm>>) dst(%arg9 : memref<128x128xf32, #tpu.memory_space<vmem>>)
      %dma_start3A_453 = arith.constant 1 : i32
      %dma_start3A_454 = arith.constant 13 : i32
      %dma_start3A_455 = arith.constant 0 : i32
      %dma_start3A_456 = tpu.memref_slice %arg7[%dma_start3A_453, %dma_start3A_454, %dma_start3A_455] : memref<2x16x128xi32, #tpu.memory_space<vmem>> -> memref<1x1x128xi32, #tpu.memory_space<vmem>>
      %dma_start3A_457 = tpu.memref_squeeze %dma_start3A_456 : memref<1x1x128xi32, #tpu.memory_space<vmem>> -> memref<128xi32, #tpu.memory_space<vmem>>
      %dma_start3A_458 = arith.constant 0 : i32
      %dma_start3A_459 = arith.constant 0 : i32
      %dma_start3A_460 = tpu.memref_slice %arg10[%dma_start3A_458, %dma_start3A_459] : memref<10240x128xf32, #tpu.memory_space<vmem_shared>> -> memref<10240x128xf32, #tpu.memory_space<vmem_shared>>
      tpu.enqueue_indirect_dma source(%arg9 : memref<128x128xf32, #tpu.memory_space<vmem>>) target(%dma_start3A_460 : memref<10240x128xf32, #tpu.memory_space<vmem_shared>>) offsets(%dma_start3A_457 : memref<128xi32, #tpu.memory_space<vmem>>) semaphore(%arg13 : memref<!tpu.dma_semaphore, #tpu.memory_space<semaphore_mem>>) {add = true}
      %dma_wait3A_461 = arith.constant 1 : i32
      %dma_wait3A_462 = arith.constant 13 : i32
      %dma_wait3A_463 = arith.constant 0 : i32
      %dma_wait3A_464 = tpu.memref_slice %arg7[%dma_wait3A_461, %dma_wait3A_462, %dma_wait3A_463] : memref<2x16x128xi32, #tpu.memory_space<vmem>> -> memref<1x1x128xi32, #tpu.memory_space<vmem>>
      %dma_wait3A_465 = tpu.memref_squeeze %dma_wait3A_464 : memref<1x1x128xi32, #tpu.memory_space<vmem>> -> memref<128xi32, #tpu.memory_space<vmem>>
      %dma_wait3A_466 = arith.constant 0 : i32
      %dma_wait3A_467 = arith.constant 0 : i32
      %dma_wait3A_468 = tpu.memref_slice %arg10[%dma_wait3A_466, %dma_wait3A_467] : memref<10240x128xf32, #tpu.memory_space<vmem_shared>> -> memref<10240x128xf32, #tpu.memory_space<vmem_shared>>
      tpu.wait_indirect_dma semaphore(%arg13 : memref<!tpu.dma_semaphore, #tpu.memory_space<semaphore_mem>>) src(%arg9 : memref<128x128xf32, #tpu.memory_space<vmem>>) dst(%dma_wait3A_468 : memref<10240x128xf32, #tpu.memory_space<vmem_shared>>)
      %dma_start3A_469 = arith.constant 0 : i32
      %dma_start3A_470 = arith.constant 15 : i32
      %dma_start3A_471 = arith.constant 0 : i32
      %dma_start3A_472 = tpu.memref_slice %arg7[%dma_start3A_469, %dma_start3A_470, %dma_start3A_471] : memref<2x16x128xi32, #tpu.memory_space<vmem>> -> memref<1x1x128xi32, #tpu.memory_space<vmem>>
      %dma_start3A_473 = tpu.memref_squeeze %dma_start3A_472 : memref<1x1x128xi32, #tpu.memory_space<vmem>> -> memref<128xi32, #tpu.memory_space<vmem>>
      %dma_start3A_474 = arith.constant 0 : i32
      %dma_start3A_475 = arith.constant 0 : i32
      %dma_start3A_476 = tpu.memref_slice %arg2[%dma_start3A_474, %dma_start3A_475] : memref<10240x128xf32, #tpu.memory_space<hbm>> -> memref<10240x128xf32, #tpu.memory_space<hbm>>
      tpu.enqueue_indirect_dma source(%dma_start3A_476 : memref<10240x128xf32, #tpu.memory_space<hbm>>) target(%arg9 : memref<128x128xf32, #tpu.memory_space<vmem>>) offsets(%dma_start3A_473 : memref<128xi32, #tpu.memory_space<vmem>>) semaphore(%arg12 : memref<!tpu.dma_semaphore, #tpu.memory_space<semaphore_mem>>)
      %dma_wait3A_477 = arith.constant 0 : i32
      %dma_wait3A_478 = arith.constant 14 : i32
      %dma_wait3A_479 = arith.constant 0 : i32
      %dma_wait3A_480 = tpu.memref_slice %arg7[%dma_wait3A_477, %dma_wait3A_478, %dma_wait3A_479] : memref<2x16x128xi32, #tpu.memory_space<vmem>> -> memref<1x1x128xi32, #tpu.memory_space<vmem>>
      %dma_wait3A_481 = tpu.memref_squeeze %dma_wait3A_480 : memref<1x1x128xi32, #tpu.memory_space<vmem>> -> memref<128xi32, #tpu.memory_space<vmem>>
      %dma_wait3A_482 = arith.constant 0 : i32
      %dma_wait3A_483 = arith.constant 0 : i32
      %dma_wait3A_484 = tpu.memref_slice %arg2[%dma_wait3A_482, %dma_wait3A_483] : memref<10240x128xf32, #tpu.memory_space<hbm>> -> memref<10240x128xf32, #tpu.memory_space<hbm>>
      tpu.wait_indirect_dma semaphore(%arg11 : memref<!tpu.dma_semaphore, #tpu.memory_space<semaphore_mem>>) src(%dma_wait3A_484 : memref<10240x128xf32, #tpu.memory_space<hbm>>) dst(%arg8 : memref<128x128xf32, #tpu.memory_space<vmem>>)
      %dma_start3A_485 = arith.constant 1 : i32
      %dma_start3A_486 = arith.constant 14 : i32
      %dma_start3A_487 = arith.constant 0 : i32
      %dma_start3A_488 = tpu.memref_slice %arg7[%dma_start3A_485, %dma_start3A_486, %dma_start3A_487] : memref<2x16x128xi32, #tpu.memory_space<vmem>> -> memref<1x1x128xi32, #tpu.memory_space<vmem>>
      %dma_start3A_489 = tpu.memref_squeeze %dma_start3A_488 : memref<1x1x128xi32, #tpu.memory_space<vmem>> -> memref<128xi32, #tpu.memory_space<vmem>>
      %dma_start3A_490 = arith.constant 0 : i32
      %dma_start3A_491 = arith.constant 0 : i32
      %dma_start3A_492 = tpu.memref_slice %arg10[%dma_start3A_490, %dma_start3A_491] : memref<10240x128xf32, #tpu.memory_space<vmem_shared>> -> memref<10240x128xf32, #tpu.memory_space<vmem_shared>>
      tpu.enqueue_indirect_dma source(%arg8 : memref<128x128xf32, #tpu.memory_space<vmem>>) target(%dma_start3A_492 : memref<10240x128xf32, #tpu.memory_space<vmem_shared>>) offsets(%dma_start3A_489 : memref<128xi32, #tpu.memory_space<vmem>>) semaphore(%arg13 : memref<!tpu.dma_semaphore, #tpu.memory_space<semaphore_mem>>) {add = true}
      %dma_wait3A_493 = arith.constant 1 : i32
      %dma_wait3A_494 = arith.constant 14 : i32
      %dma_wait3A_495 = arith.constant 0 : i32
      %dma_wait3A_496 = tpu.memref_slice %arg7[%dma_wait3A_493, %dma_wait3A_494, %dma_wait3A_495] : memref<2x16x128xi32, #tpu.memory_space<vmem>> -> memref<1x1x128xi32, #tpu.memory_space<vmem>>
      %dma_wait3A_497 = tpu.memref_squeeze %dma_wait3A_496 : memref<1x1x128xi32, #tpu.memory_space<vmem>> -> memref<128xi32, #tpu.memory_space<vmem>>
      %dma_wait3A_498 = arith.constant 0 : i32
      %dma_wait3A_499 = arith.constant 0 : i32
      %dma_wait3A_500 = tpu.memref_slice %arg10[%dma_wait3A_498, %dma_wait3A_499] : memref<10240x128xf32, #tpu.memory_space<vmem_shared>> -> memref<10240x128xf32, #tpu.memory_space<vmem_shared>>
      tpu.wait_indirect_dma semaphore(%arg13 : memref<!tpu.dma_semaphore, #tpu.memory_space<semaphore_mem>>) src(%arg8 : memref<128x128xf32, #tpu.memory_space<vmem>>) dst(%dma_wait3A_500 : memref<10240x128xf32, #tpu.memory_space<vmem_shared>>)
      %dma_wait3A_501 = arith.constant 0 : i32
      %dma_wait3A_502 = arith.constant 15 : i32
      %dma_wait3A_503 = arith.constant 0 : i32
      %dma_wait3A_504 = tpu.memref_slice %arg7[%dma_wait3A_501, %dma_wait3A_502, %dma_wait3A_503] : memref<2x16x128xi32, #tpu.memory_space<vmem>> -> memref<1x1x128xi32, #tpu.memory_space<vmem>>
      %dma_wait3A_505 = tpu.memref_squeeze %dma_wait3A_504 : memref<1x1x128xi32, #tpu.memory_space<vmem>> -> memref<128xi32, #tpu.memory_space<vmem>>
      %dma_wait3A_506 = arith.constant 0 : i32
      %dma_wait3A_507 = arith.constant 0 : i32
      %dma_wait3A_508 = tpu.memref_slice %arg2[%dma_wait3A_506, %dma_wait3A_507] : memref<10240x128xf32, #tpu.memory_space<hbm>> -> memref<10240x128xf32, #tpu.memory_space<hbm>>
      tpu.wait_indirect_dma semaphore(%arg12 : memref<!tpu.dma_semaphore, #tpu.memory_space<semaphore_mem>>) src(%dma_wait3A_508 : memref<10240x128xf32, #tpu.memory_space<hbm>>) dst(%arg9 : memref<128x128xf32, #tpu.memory_space<vmem>>)
      %dma_start3A_509 = arith.constant 1 : i32
      %dma_start3A_510 = arith.constant 15 : i32
      %dma_start3A_511 = arith.constant 0 : i32
      %dma_start3A_512 = tpu.memref_slice %arg7[%dma_start3A_509, %dma_start3A_510, %dma_start3A_511] : memref<2x16x128xi32, #tpu.memory_space<vmem>> -> memref<1x1x128xi32, #tpu.memory_space<vmem>>
      %dma_start3A_513 = tpu.memref_squeeze %dma_start3A_512 : memref<1x1x128xi32, #tpu.memory_space<vmem>> -> memref<128xi32, #tpu.memory_space<vmem>>
      %dma_start3A_514 = arith.constant 0 : i32
      %dma_start3A_515 = arith.constant 0 : i32
      %dma_start3A_516 = tpu.memref_slice %arg10[%dma_start3A_514, %dma_start3A_515] : memref<10240x128xf32, #tpu.memory_space<vmem_shared>> -> memref<10240x128xf32, #tpu.memory_space<vmem_shared>>
      tpu.enqueue_indirect_dma source(%arg9 : memref<128x128xf32, #tpu.memory_space<vmem>>) target(%dma_start3A_516 : memref<10240x128xf32, #tpu.memory_space<vmem_shared>>) offsets(%dma_start3A_513 : memref<128xi32, #tpu.memory_space<vmem>>) semaphore(%arg13 : memref<!tpu.dma_semaphore, #tpu.memory_space<semaphore_mem>>) {add = true}
      %dma_wait3A_517 = arith.constant 1 : i32
      %dma_wait3A_518 = arith.constant 15 : i32
      %dma_wait3A_519 = arith.constant 0 : i32
      %dma_wait3A_520 = tpu.memref_slice %arg7[%dma_wait3A_517, %dma_wait3A_518, %dma_wait3A_519] : memref<2x16x128xi32, #tpu.memory_space<vmem>> -> memref<1x1x128xi32, #tpu.memory_space<vmem>>
      %dma_wait3A_521 = tpu.memref_squeeze %dma_wait3A_520 : memref<1x1x128xi32, #tpu.memory_space<vmem>> -> memref<128xi32, #tpu.memory_space<vmem>>
      %dma_wait3A_522 = arith.constant 0 : i32
      %dma_wait3A_523 = arith.constant 0 : i32
      %dma_wait3A_524 = tpu.memref_slice %arg10[%dma_wait3A_522, %dma_wait3A_523] : memref<10240x128xf32, #tpu.memory_space<vmem_shared>> -> memref<10240x128xf32, #tpu.memory_space<vmem_shared>>
      tpu.wait_indirect_dma semaphore(%arg13 : memref<!tpu.dma_semaphore, #tpu.memory_space<semaphore_mem>>) src(%arg9 : memref<128x128xf32, #tpu.memory_space<vmem>>) dst(%dma_wait3A_524 : memref<10240x128xf32, #tpu.memory_space<vmem_shared>>)
    }
    %scan3A_7 = arith.constant 5 : i32
    %barrier3A_8 = arith.constant 0 : index
    tpu.barrier barrier_id(%barrier3A_8)
    %mul3A_9 = arith.constant 640 : i32
    %mul3A_10 = arith.muli %arg1, %mul3A_9 : i32
    %mul3A_11 = arith.constant 640 : i32
    %mul3A_12 = arith.muli %arg1, %mul3A_11 : i32
    "tpu.region"() ({
      %run_scoped3A = tpu.sem_alloc : memref<!tpu.dma_semaphore, #tpu.memory_space<semaphore_mem>>
      %dma_start3A = arith.constant 0 : i32
      %dma_start3A_13 = tpu.memref_slice %arg6[%arg0, %mul3A_12, %dma_start3A] : memref<2x10240x128xf32, #tpu.memory_space<hbm>> -> memref<1x640x128xf32, #tpu.memory_space<hbm>>
      %dma_start3A_14 = tpu.memref_squeeze %dma_start3A_13 : memref<1x640x128xf32, #tpu.memory_space<hbm>> -> memref<640x128xf32, #tpu.memory_space<hbm>>
      %dma_start3A_15 = arith.constant 0 : i32
      %dma_start3A_16 = tpu.memref_slice %arg10[%mul3A_10, %dma_start3A_15] : memref<10240x128xf32, #tpu.memory_space<vmem_shared>> -> memref<640x128xf32, #tpu.memory_space<vmem_shared>>
      tpu.enqueue_dma source(%dma_start3A_16 : memref<640x128xf32, #tpu.memory_space<vmem_shared>>) target(%dma_start3A_14 : memref<640x128xf32, #tpu.memory_space<hbm>>) target_semaphore(%run_scoped3A : memref<!tpu.dma_semaphore, #tpu.memory_space<semaphore_mem>>)
      %dma_wait3A = arith.constant 0 : i32
      %dma_wait3A_17 = tpu.memref_slice %arg6[%arg0, %mul3A_12, %dma_wait3A] : memref<2x10240x128xf32, #tpu.memory_space<hbm>> -> memref<1x640x128xf32, #tpu.memory_space<hbm>>
      %dma_wait3A_18 = tpu.memref_squeeze %dma_wait3A_17 : memref<1x640x128xf32, #tpu.memory_space<hbm>> -> memref<640x128xf32, #tpu.memory_space<hbm>>
      %dma_wait3A_19 = arith.constant 0 : i32
      %dma_wait3A_20 = tpu.memref_slice %arg10[%mul3A_10, %dma_wait3A_19] : memref<10240x128xf32, #tpu.memory_space<vmem_shared>> -> memref<640x128xf32, #tpu.memory_space<vmem_shared>>
      tpu.wait_dma2 semaphore(%run_scoped3A : memref<!tpu.dma_semaphore, #tpu.memory_space<semaphore_mem>>) src(%dma_wait3A_20 : memref<640x128xf32, #tpu.memory_space<vmem_shared>>) dst(%dma_wait3A_18 : memref<640x128xf32, #tpu.memory_space<hbm>>)
      tpu.yield
    }) : () -> ()
    return
  }
}

module attributes {stable_mosaic.version = 14 : i64} {
  func.func @_tc_a1_body(%arg0: i32, %arg1: memref<2048x128xf32, #tpu.memory_space<vmem>>, %arg2: memref<128x128xf32, #tpu.memory_space<vmem>>, %arg3: memref<2048x128xf32, #tpu.memory_space<vmem>>) attributes {dimension_semantics = [#tpu.dimension_semantics<arbitrary>], iteration_bounds = array<i64: 5>, scalar_prefetch = 0 : i64, scratch_operands = 0 : i64, tpu.core_type = #tpu.core_type<tc>, window_params = [{transform_indices = @transform_0, window_bounds = array<i64: 2048, 128>}, {pipeline_mode = #tpu.pipeline_mode<synchronous>, transform_indices = @transform_1, window_bounds = array<i64: 128, 128>}, {transform_indices = @transform_2, window_bounds = array<i64: 2048, 128>}]} {
    %get3A = arith.constant 0 : index
    %get3A_0 = arith.constant 0 : index
    %get3A_1 = vector.load %arg1[%get3A, %get3A_0] : memref<2048x128xf32, #tpu.memory_space<vmem>>, vector<2048x128xf32>
    %get3A_2 = arith.constant 0 : index
    %get3A_3 = arith.constant 0 : index
    %get3A_4 = vector.load %arg2[%get3A_2, %get3A_3] : memref<128x128xf32, #tpu.memory_space<vmem>>, vector<128x128xf32>
    %dot_general3A = arith.constant dense<0.000000e+00> : vector<2048x128xf32>
    %dot_general3A_5 = tpu.matmul %get3A_1, %get3A_4, %dot_general3A {dimension_numbers = #tpu.dot_dimension_numbers<[1], [0], [0], [1], [0, 0, 1, 1], [], []>, transpose_lhs_hint = false} : vector<2048x128xf32>, vector<128x128xf32>, vector<2048x128xf32> -> vector<2048x128xf32>
    %swap3A = arith.constant 0 : index
    %swap3A_6 = arith.constant 0 : index
    %swap3A_7 = vector.load %arg3[%swap3A, %swap3A_6] : memref<2048x128xf32, #tpu.memory_space<vmem>>, vector<2048x128xf32>
    tpu.vector_store %arg3[%swap3A, %swap3A_6], %dot_general3A_5 {strides = array<i32>} : memref<2048x128xf32, #tpu.memory_space<vmem>>, vector<2048x128xf32>,
    return
  }
  func.func @transform_0(%arg0: i32) -> (i32, i32) {
    %c0_i32 = arith.constant 0 : i32
    %c0_i32_0 = arith.constant 0 : i32
    return %arg0, %c0_i32 : i32, i32
  }
  func.func @transform_1(%arg0: i32) -> (i32, i32) {
    %c0_i32 = arith.constant 0 : i32
    %c0_i32_0 = arith.constant 0 : i32
    %c0_i32_1 = arith.constant 0 : i32
    return %c0_i32, %c0_i32_0 : i32, i32
  }
  func.func @transform_2(%arg0: i32) -> (i32, i32) {
    %c0_i32 = arith.constant 0 : i32
    %c0_i32_0 = arith.constant 0 : i32
    return %arg0, %c0_i32 : i32, i32
  }
}

module attributes {stable_mosaic.version = 14 : i64} {
  func.func @_tc_a2_body(%arg0: i32, %arg1: memref<2048x128xf32, #tpu.memory_space<vmem>>, %arg2: memref<1x2048x1xf32, #tpu.memory_space<vmem>>, %arg3: memref<1x2048x1xf32, #tpu.memory_space<vmem>>, %arg4: memref<2048x128xf32, #tpu.memory_space<vmem>>, %arg5: memref<2048x1xf32, #tpu.memory_space<vmem>>) attributes {dimension_semantics = [#tpu.dimension_semantics<arbitrary>], iteration_bounds = array<i64: 5>, scalar_prefetch = 0 : i64, scratch_operands = 0 : i64, tpu.core_type = #tpu.core_type<tc>, window_params = [{transform_indices = @transform_0, window_bounds = array<i64: 2048, 128>}, {transform_indices = @transform_1, window_bounds = array<i64: 1, 2048, 1>}, {transform_indices = @transform_2, window_bounds = array<i64: 1, 2048, 1>}, {transform_indices = @transform_3, window_bounds = array<i64: 2048, 128>}, {transform_indices = @transform_4, window_bounds = array<i64: 2048, 1>}]} {
    %get3A = arith.constant 0 : index
    %get3A_0 = arith.constant 0 : index
    %get3A_1 = arith.constant 0 : index
    %get3A_2 = vector.load %arg2[%get3A, %get3A_0, %get3A_1] : memref<1x2048x1xf32, #tpu.memory_space<vmem>>, vector<1x2048x1xf32>
    %get3A_3 = vector.shape_cast %get3A_2 : vector<1x2048x1xf32> to vector<2048x1xf32>
    %get3A_4 = arith.constant 0 : index
    %get3A_5 = arith.constant 0 : index
    %get3A_6 = arith.constant 0 : index
    %get3A_7 = vector.load %arg3[%get3A_4, %get3A_5, %get3A_6] : memref<1x2048x1xf32, #tpu.memory_space<vmem>>, vector<1x2048x1xf32>
    %get3A_8 = vector.shape_cast %get3A_7 : vector<1x2048x1xf32> to vector<2048x1xf32>
    %add3A = arith.addf %get3A_3, %get3A_8 : vector<2048x1xf32>
    %add3A_9 = arith.constant 1.000000e+00 : f32
    %add3A_10 = vector.broadcast %add3A_9 : f32 to vector<2048x1xf32>
    %add3A_11 = arith.addf %add3A, %add3A_10 : vector<2048x1xf32>
    %max3A = arith.constant 1.000000e+00 : f32
    %max3A_12 = vector.broadcast %max3A : f32 to vector<2048x1xf32>
    %max3A_13 = arith.maximumf %add3A_11, %max3A_12 : vector<2048x1xf32>
    %rsqrt3A = math.rsqrt %max3A_13 : vector<2048x1xf32>
    %get3A_14 = arith.constant 0 : index
    %get3A_15 = arith.constant 0 : index
    %get3A_16 = vector.load %arg1[%get3A_14, %get3A_15] : memref<2048x128xf32, #tpu.memory_space<vmem>>, vector<2048x128xf32>
    %mul3A = vector.broadcast %rsqrt3A : vector<2048x1xf32> to vector<2048x128xf32>
    %mul3A_17 = arith.mulf %get3A_16, %mul3A : vector<2048x128xf32>
    %swap3A = arith.constant 0 : index
    %swap3A_18 = arith.constant 0 : index
    %swap3A_19 = vector.load %arg4[%swap3A, %swap3A_18] : memref<2048x128xf32, #tpu.memory_space<vmem>>, vector<2048x128xf32>
    tpu.vector_store %arg4[%swap3A, %swap3A_18], %mul3A_17 {strides = array<i32>} : memref<2048x128xf32, #tpu.memory_space<vmem>>, vector<2048x128xf32>,
    %swap3A_20 = arith.constant 0 : index
    %swap3A_21 = arith.constant 0 : index
    %swap3A_22 = vector.load %arg5[%swap3A_20, %swap3A_21] : memref<2048x1xf32, #tpu.memory_space<vmem>>, vector<2048x1xf32>
    tpu.vector_store %arg5[%swap3A_20, %swap3A_21], %rsqrt3A {strides = array<i32>} : memref<2048x1xf32, #tpu.memory_space<vmem>>, vector<2048x1xf32>,
    return
  }
  func.func @transform_0(%arg0: i32) -> (i32, i32) {
    %c0_i32 = arith.constant 0 : i32
    %c0_i32_0 = arith.constant 0 : i32
    return %arg0, %c0_i32 : i32, i32
  }
  func.func @transform_1(%arg0: i32) -> (i32, i32, i32) {
    %c0_i32 = arith.constant 0 : i32
    %c0_i32_0 = arith.constant 0 : i32
    %c0_i32_1 = arith.constant 0 : i32
    return %c0_i32, %arg0, %c0_i32_0 : i32, i32, i32
  }
  func.func @transform_2(%arg0: i32) -> (i32, i32, i32) {
    %c1_i32 = arith.constant 1 : i32
    %c0_i32 = arith.constant 0 : i32
    %c0_i32_0 = arith.constant 0 : i32
    return %c1_i32, %arg0, %c0_i32 : i32, i32, i32
  }
  func.func @transform_3(%arg0: i32) -> (i32, i32) {
    %c0_i32 = arith.constant 0 : i32
    %c0_i32_0 = arith.constant 0 : i32
    return %arg0, %c0_i32 : i32, i32
  }
  func.func @transform_4(%arg0: i32) -> (i32, i32) {
    %c0_i32 = arith.constant 0 : i32
    %c0_i32_0 = arith.constant 0 : i32
    return %arg0, %c0_i32 : i32, i32
  }
}

module attributes {stable_mosaic.version = 14 : i64} {
  func.func @_tc_b_body(%arg0: i32, %arg1: memref<1x2048x128xf32, #tpu.memory_space<vmem>>, %arg2: memref<1x2048x128xf32, #tpu.memory_space<vmem>>, %arg3: memref<2048x128xf32, #tpu.memory_space<vmem>>, %arg4: memref<2048x1xf32, #tpu.memory_space<vmem>>, %arg5: memref<1x128xf32, #tpu.memory_space<vmem>>, %arg6: memref<128x128xf32, #tpu.memory_space<vmem>>, %arg7: memref<2048x128xf32, #tpu.memory_space<vmem>>) attributes {dimension_semantics = [#tpu.dimension_semantics<arbitrary>], iteration_bounds = array<i64: 5>, scalar_prefetch = 0 : i64, scratch_operands = 0 : i64, tpu.core_type = #tpu.core_type<tc>, window_params = [{transform_indices = @transform_0, window_bounds = array<i64: 1, 2048, 128>}, {transform_indices = @transform_1, window_bounds = array<i64: 1, 2048, 128>}, {transform_indices = @transform_2, window_bounds = array<i64: 2048, 128>}, {transform_indices = @transform_3, window_bounds = array<i64: 2048, 1>}, {pipeline_mode = #tpu.pipeline_mode<synchronous>, transform_indices = @transform_4, window_bounds = array<i64: 1, 128>}, {pipeline_mode = #tpu.pipeline_mode<synchronous>, transform_indices = @transform_5, window_bounds = array<i64: 128, 128>}, {transform_indices = @transform_6, window_bounds = array<i64: 2048, 128>}]} {
    %get3A = arith.constant 0 : index
    %get3A_0 = arith.constant 0 : index
    %get3A_1 = vector.load %arg4[%get3A, %get3A_0] : memref<2048x1xf32, #tpu.memory_space<vmem>>, vector<2048x1xf32>
    %get3A_2 = arith.constant 0 : index
    %get3A_3 = arith.constant 0 : index
    %get3A_4 = arith.constant 0 : index
    %get3A_5 = vector.load %arg1[%get3A_2, %get3A_3, %get3A_4] : memref<1x2048x128xf32, #tpu.memory_space<vmem>>, vector<1x2048x128xf32>
    %get3A_6 = vector.shape_cast %get3A_5 : vector<1x2048x128xf32> to vector<2048x128xf32>
    %get3A_7 = arith.constant 0 : index
    %get3A_8 = arith.constant 0 : index
    %get3A_9 = arith.constant 0 : index
    %get3A_10 = vector.load %arg2[%get3A_7, %get3A_8, %get3A_9] : memref<1x2048x128xf32, #tpu.memory_space<vmem>>, vector<1x2048x128xf32>
    %get3A_11 = vector.shape_cast %get3A_10 : vector<1x2048x128xf32> to vector<2048x128xf32>
    %add3A = arith.addf %get3A_6, %get3A_11 : vector<2048x128xf32>
    %get3A_12 = arith.constant 0 : index
    %get3A_13 = arith.constant 0 : index
    %get3A_14 = vector.load %arg3[%get3A_12, %get3A_13] : memref<2048x128xf32, #tpu.memory_space<vmem>>, vector<2048x128xf32>
    %add3A_15 = arith.addf %add3A, %get3A_14 : vector<2048x128xf32>
    %mul3A = vector.broadcast %get3A_1 : vector<2048x1xf32> to vector<2048x128xf32>
    %mul3A_16 = arith.mulf %add3A_15, %mul3A : vector<2048x128xf32>
    %get3A_17 = arith.constant 0 : index
    %get3A_18 = arith.constant 0 : index
    %get3A_19 = vector.load %arg5[%get3A_17, %get3A_18] : memref<1x128xf32, #tpu.memory_space<vmem>>, vector<1x128xf32>
    %add3A_20 = vector.broadcast %get3A_19 : vector<1x128xf32> to vector<2048x128xf32>
    %add3A_21 = arith.addf %mul3A_16, %add3A_20 : vector<2048x128xf32>
    %max3A = arith.constant 0.000000e+00 : f32
    %max3A_22 = vector.broadcast %max3A : f32 to vector<2048x128xf32>
    %max3A_23 = arith.maximumf %add3A_21, %max3A_22 : vector<2048x128xf32>
    %get3A_24 = arith.constant 0 : index
    %get3A_25 = arith.constant 0 : index
    %get3A_26 = vector.load %arg6[%get3A_24, %get3A_25] : memref<128x128xf32, #tpu.memory_space<vmem>>, vector<128x128xf32>
    %dot_general3A = arith.constant dense<0.000000e+00> : vector<2048x128xf32>
    %dot_general3A_27 = tpu.matmul %max3A_23, %get3A_26, %dot_general3A {dimension_numbers = #tpu.dot_dimension_numbers<[1], [0], [0], [1], [0, 0, 1, 1], [], []>, transpose_lhs_hint = false} : vector<2048x128xf32>, vector<128x128xf32>, vector<2048x128xf32> -> vector<2048x128xf32>
    %mul3A_28 = vector.broadcast %get3A_1 : vector<2048x1xf32> to vector<2048x128xf32>
    %mul3A_29 = arith.mulf %dot_general3A_27, %mul3A_28 : vector<2048x128xf32>
    %swap3A = arith.constant 0 : index
    %swap3A_30 = arith.constant 0 : index
    %swap3A_31 = vector.load %arg7[%swap3A, %swap3A_30] : memref<2048x128xf32, #tpu.memory_space<vmem>>, vector<2048x128xf32>
    tpu.vector_store %arg7[%swap3A, %swap3A_30], %mul3A_29 {strides = array<i32>} : memref<2048x128xf32, #tpu.memory_space<vmem>>, vector<2048x128xf32>,
    return
  }
  func.func @transform_0(%arg0: i32) -> (i32, i32, i32) {
    %c0_i32 = arith.constant 0 : i32
    %c0_i32_0 = arith.constant 0 : i32
    %c0_i32_1 = arith.constant 0 : i32
    return %c0_i32, %arg0, %c0_i32_0 : i32, i32, i32
  }
  func.func @transform_1(%arg0: i32) -> (i32, i32, i32) {
    %c1_i32 = arith.constant 1 : i32
    %c0_i32 = arith.constant 0 : i32
    %c0_i32_0 = arith.constant 0 : i32
    return %c1_i32, %arg0, %c0_i32 : i32, i32, i32
  }
  func.func @transform_2(%arg0: i32) -> (i32, i32) {
    %c0_i32 = arith.constant 0 : i32
    %c0_i32_0 = arith.constant 0 : i32
    return %arg0, %c0_i32 : i32, i32
  }
  func.func @transform_3(%arg0: i32) -> (i32, i32) {
    %c0_i32 = arith.constant 0 : i32
    %c0_i32_0 = arith.constant 0 : i32
    return %arg0, %c0_i32 : i32, i32
  }
  func.func @transform_4(%arg0: i32) -> (i32, i32) {
    %c0_i32 = arith.constant 0 : i32
    %c0_i32_0 = arith.constant 0 : i32
    %c0_i32_1 = arith.constant 0 : i32
    return %c0_i32, %c0_i32_0 : i32, i32
  }
  func.func @transform_5(%arg0: i32) -> (i32, i32) {
    %c0_i32 = arith.constant 0 : i32
    %c0_i32_0 = arith.constant 0 : i32
    %c0_i32_1 = arith.constant 0 : i32
    return %c0_i32, %c0_i32_0 : i32, i32
  }
  func.func @transform_6(%arg0: i32) -> (i32, i32) {
    %c0_i32 = arith.constant 0 : i32
    %c0_i32_0 = arith.constant 0 : i32
    return %arg0, %c0_i32 : i32, i32
  }
}

module attributes {stable_mosaic.version = 14 : i64} {
  func.func @_tc_c_body(%arg0: i32, %arg1: memref<1x2048x128xf32, #tpu.memory_space<vmem>>, %arg2: memref<1x2048x128xf32, #tpu.memory_space<vmem>>, %arg3: memref<2048x128xf32, #tpu.memory_space<vmem>>, %arg4: memref<2048x1xf32, #tpu.memory_space<vmem>>, %arg5: memref<1x128xf32, #tpu.memory_space<vmem>>, %arg6: memref<1x128xf32, #tpu.memory_space<vmem>>, %arg7: memref<1x128xf32, #tpu.memory_space<vmem>>, %arg8: memref<1x128xf32, #tpu.memory_space<vmem>>, %arg9: memref<1x128xf32, #tpu.memory_space<vmem>>) attributes {dimension_semantics = [#tpu.dimension_semantics<arbitrary>], iteration_bounds = array<i64: 5>, scalar_prefetch = 0 : i64, scratch_operands = 1 : i64, tpu.core_type = #tpu.core_type<tc>, window_params = [{transform_indices = @transform_0, window_bounds = array<i64: 1, 2048, 128>}, {transform_indices = @transform_1, window_bounds = array<i64: 1, 2048, 128>}, {transform_indices = @transform_2, window_bounds = array<i64: 2048, 128>}, {transform_indices = @transform_3, window_bounds = array<i64: 2048, 1>}, {pipeline_mode = #tpu.pipeline_mode<synchronous>, transform_indices = @transform_4, window_bounds = array<i64: 1, 128>}, {pipeline_mode = #tpu.pipeline_mode<synchronous>, transform_indices = @transform_5, window_bounds = array<i64: 1, 128>}, {pipeline_mode = #tpu.pipeline_mode<synchronous>, transform_indices = @transform_6, window_bounds = array<i64: 1, 128>}, {pipeline_mode = #tpu.pipeline_mode<synchronous>, transform_indices = @transform_7, window_bounds = array<i64: 1, 128>}]} {
    %get3A = arith.constant 0 : index
    %get3A_0 = arith.constant 0 : index
    %get3A_1 = arith.constant 0 : index
    %get3A_2 = vector.load %arg1[%get3A, %get3A_0, %get3A_1] : memref<1x2048x128xf32, #tpu.memory_space<vmem>>, vector<1x2048x128xf32>
    %get3A_3 = vector.shape_cast %get3A_2 : vector<1x2048x128xf32> to vector<2048x128xf32>
    %get3A_4 = arith.constant 0 : index
    %get3A_5 = arith.constant 0 : index
    %get3A_6 = arith.constant 0 : index
    %get3A_7 = vector.load %arg2[%get3A_4, %get3A_5, %get3A_6] : memref<1x2048x128xf32, #tpu.memory_space<vmem>>, vector<1x2048x128xf32>
    %get3A_8 = vector.shape_cast %get3A_7 : vector<1x2048x128xf32> to vector<2048x128xf32>
    %add3A = arith.addf %get3A_3, %get3A_8 : vector<2048x128xf32>
    %get3A_9 = arith.constant 0 : index
    %get3A_10 = arith.constant 0 : index
    %get3A_11 = vector.load %arg3[%get3A_9, %get3A_10] : memref<2048x128xf32, #tpu.memory_space<vmem>>, vector<2048x128xf32>
    %add3A_12 = arith.addf %add3A, %get3A_11 : vector<2048x128xf32>
    %get3A_13 = arith.constant 0 : index
    %get3A_14 = arith.constant 0 : index
    %get3A_15 = vector.load %arg4[%get3A_13, %get3A_14] : memref<2048x1xf32, #tpu.memory_space<vmem>>, vector<2048x1xf32>
    %mul3A = vector.broadcast %get3A_15 : vector<2048x1xf32> to vector<2048x128xf32>
    %mul3A_16 = arith.mulf %add3A_12, %mul3A : vector<2048x128xf32>
    %get3A_17 = arith.constant 0 : index
    %get3A_18 = arith.constant 0 : index
    %get3A_19 = vector.load %arg5[%get3A_17, %get3A_18] : memref<1x128xf32, #tpu.memory_space<vmem>>, vector<1x128xf32>
    %add3A_20 = vector.broadcast %get3A_19 : vector<1x128xf32> to vector<2048x128xf32>
    %add3A_21 = arith.addf %mul3A_16, %add3A_20 : vector<2048x128xf32>
    %max3A = arith.constant 0.000000e+00 : f32
    %max3A_22 = vector.broadcast %max3A : f32 to vector<2048x128xf32>
    %max3A_23 = arith.maximumf %add3A_21, %max3A_22 : vector<2048x128xf32>
    %iota3A = tpu.iota {dimensions = array<i32: 0>} : vector<2048x128xi32>
    %mul3A_24 = arith.constant 2048 : i32
    %mul3A_25 = arith.muli %arg0, %mul3A_24 : i32
    %add3A_26 = vector.broadcast %mul3A_25 : i32 to vector<2048x128xi32>
    %add3A_27 = arith.addi %iota3A, %add3A_26 : vector<2048x128xi32>
    %lt3A = arith.constant 10000 : i32
    %lt3A_28 = vector.broadcast %lt3A : i32 to vector<2048x128xi32>
    %lt3A_29 = arith.cmpi slt, %add3A_27, %lt3A_28 : vector<2048x128xi32>
    %jit3A = arith.constant 0.000000e+00 : f32
    %broadcast_in_dim3A = vector.broadcast %jit3A : f32 to vector<2048x128xf32>
    %select_n3A = arith.select %lt3A_29, %max3A_23, %broadcast_in_dim3A : vector<2048x128xi1>, vector<2048x128xf32>
    %reduce_sum3A = arith.constant dense<0.000000e+00> : vector<128xf32>
    %reduce_sum3A_30 = vector.multi_reduction <add>, %select_n3A, %reduce_sum3A [0] : vector<2048x128xf32> to vector<128xf32>
    %broadcast_in_dim3A_31 = vector.shape_cast %reduce_sum3A_30 : vector<128xf32> to vector<1x128xf32>
    %eq3A = arith.constant 0 : i32
    %eq3A_32 = arith.cmpi eq, %arg0, %eq3A : i32
    %convert_element_type3A = arith.extui %eq3A_32 : i1 to i32
    %cond3A = arith.constant 0 : i32
    %cond3A_33 = arith.cmpi ne, %convert_element_type3A, %cond3A : i32
    scf.if %cond3A_33 {
      %swap3A = arith.constant 0 : index
      %swap3A_43 = arith.constant 0 : index
      %swap3A_44 = vector.load %arg9[%swap3A, %swap3A_43] : memref<1x128xf32, #tpu.memory_space<vmem>>, vector<1x128xf32>
      tpu.vector_store %arg9[%swap3A, %swap3A_43], %broadcast_in_dim3A_31 {strides = array<i32>} : memref<1x128xf32, #tpu.memory_space<vmem>>, vector<1x128xf32>,
    } else {
    }
    %gt3A = arith.constant 0 : i32
    %gt3A_34 = arith.cmpi sgt, %arg0, %gt3A : i32
    %convert_element_type3A_35 = arith.extui %gt3A_34 : i1 to i32
    %cond3A_36 = arith.constant 0 : i32
    %cond3A_37 = arith.cmpi ne, %convert_element_type3A_35, %cond3A_36 : i32
    scf.if %cond3A_37 {
      %get3A_43 = arith.constant 0 : index
      %get3A_44 = arith.constant 0 : index
      %get3A_45 = vector.load %arg9[%get3A_43, %get3A_44] : memref<1x128xf32, #tpu.memory_space<vmem>>, vector<1x128xf32>
      %add3A_46 = arith.addf %get3A_45, %broadcast_in_dim3A_31 : vector<1x128xf32>
      %swap3A = arith.constant 0 : index
      %swap3A_47 = arith.constant 0 : index
      %swap3A_48 = vector.load %arg9[%swap3A, %swap3A_47] : memref<1x128xf32, #tpu.memory_space<vmem>>, vector<1x128xf32>
      tpu.vector_store %arg9[%swap3A, %swap3A_47], %add3A_46 {strides = array<i32>} : memref<1x128xf32, #tpu.memory_space<vmem>>, vector<1x128xf32>,
    } else {
    }
    %eq3A_38 = arith.constant 4 : i32
    %eq3A_39 = arith.cmpi eq, %arg0, %eq3A_38 : i32
    %convert_element_type3A_40 = arith.extui %eq3A_39 : i1 to i32
    %cond3A_41 = arith.constant 0 : i32
    %cond3A_42 = arith.cmpi ne, %convert_element_type3A_40, %cond3A_41 : i32
    scf.if %cond3A_42 {
      %get3A_43 = arith.constant 0 : index
      %get3A_44 = arith.constant 0 : index
      %get3A_45 = vector.load %arg9[%get3A_43, %get3A_44] : memref<1x128xf32, #tpu.memory_space<vmem>>, vector<1x128xf32>
      %div3A = arith.constant 1.000000e+04 : f32
      %div3A_46 = vector.broadcast %div3A : f32 to vector<1x128xf32>
      %div3A_47 = arith.divf %get3A_45, %div3A_46 : vector<1x128xf32>
      %get3A_48 = arith.constant 0 : index
      %get3A_49 = arith.constant 0 : index
      %get3A_50 = vector.load %arg6[%get3A_48, %get3A_49] : memref<1x128xf32, #tpu.memory_space<vmem>>, vector<1x128xf32>
      %mul3A_51 = arith.mulf %div3A_47, %get3A_50 : vector<1x128xf32>
      %reduce_sum3A_52 = arith.constant dense<0.000000e+00> : vector<1xf32>
      %reduce_sum3A_53 = vector.multi_reduction <add>, %mul3A_51, %reduce_sum3A_52 [1] : vector<1x128xf32> to vector<1xf32>
      %broadcast_in_dim3A_54 = vector.shape_cast %reduce_sum3A_53 : vector<1xf32> to vector<1x1xf32>
      %broadcast_in_dim3A_55 = vector.shape_cast %broadcast_in_dim3A_54 : vector<1x1xf32> to vector<1x1xf32>
      %broadcast_in_dim3A_56 = vector.broadcast %broadcast_in_dim3A_55 : vector<1x1xf32> to vector<1x128xf32>
      %get3A_57 = arith.constant 0 : index
      %get3A_58 = arith.constant 0 : index
      %get3A_59 = vector.load %arg7[%get3A_57, %get3A_58] : memref<1x128xf32, #tpu.memory_space<vmem>>, vector<1x128xf32>
      %add3A_60 = arith.addf %broadcast_in_dim3A_56, %get3A_59 : vector<1x128xf32>
      %logistic3A = arith.negf %add3A_60 : vector<1x128xf32>
      %logistic3A_61 = math.exp %logistic3A : vector<1x128xf32>
      %logistic3A_62 = arith.constant 1.000000e+00 : f32
      %logistic3A_63 = vector.broadcast %logistic3A_62 : f32 to vector<1x128xf32>
      %logistic3A_64 = arith.addf %logistic3A_63, %logistic3A_61 : vector<1x128xf32>
      %logistic3A_65 = arith.divf %logistic3A_63, %logistic3A_64 : vector<1x128xf32>
      %swap3A = arith.constant 0 : index
      %swap3A_66 = arith.constant 0 : index
      %swap3A_67 = vector.load %arg8[%swap3A, %swap3A_66] : memref<1x128xf32, #tpu.memory_space<vmem>>, vector<1x128xf32>
      tpu.vector_store %arg8[%swap3A, %swap3A_66], %logistic3A_65 {strides = array<i32>} : memref<1x128xf32, #tpu.memory_space<vmem>>, vector<1x128xf32>,
    } else {
    }
    return
  }
  func.func @transform_0(%arg0: i32) -> (i32, i32, i32) {
    %c0_i32 = arith.constant 0 : i32
    %c0_i32_0 = arith.constant 0 : i32
    %c0_i32_1 = arith.constant 0 : i32
    return %c0_i32, %arg0, %c0_i32_0 : i32, i32, i32
  }
  func.func @transform_1(%arg0: i32) -> (i32, i32, i32) {
    %c1_i32 = arith.constant 1 : i32
    %c0_i32 = arith.constant 0 : i32
    %c0_i32_0 = arith.constant 0 : i32
    return %c1_i32, %arg0, %c0_i32 : i32, i32, i32
  }
  func.func @transform_2(%arg0: i32) -> (i32, i32) {
    %c0_i32 = arith.constant 0 : i32
    %c0_i32_0 = arith.constant 0 : i32
    return %arg0, %c0_i32 : i32, i32
  }
  func.func @transform_3(%arg0: i32) -> (i32, i32) {
    %c0_i32 = arith.constant 0 : i32
    %c0_i32_0 = arith.constant 0 : i32
    return %arg0, %c0_i32 : i32, i32
  }
  func.func @transform_4(%arg0: i32) -> (i32, i32) {
    %c0_i32 = arith.constant 0 : i32
    %c0_i32_0 = arith.constant 0 : i32
    %c0_i32_1 = arith.constant 0 : i32
    return %c0_i32, %c0_i32_0 : i32, i32
  }
  func.func @transform_5(%arg0: i32) -> (i32, i32) {
    %c0_i32 = arith.constant 0 : i32
    %c0_i32_0 = arith.constant 0 : i32
    %c0_i32_1 = arith.constant 0 : i32
    return %c0_i32, %c0_i32_0 : i32, i32
  }
  func.func @transform_6(%arg0: i32) -> (i32, i32) {
    %c0_i32 = arith.constant 0 : i32
    %c0_i32_0 = arith.constant 0 : i32
    %c0_i32_1 = arith.constant 0 : i32
    return %c0_i32, %c0_i32_0 : i32, i32
  }
  func.func @transform_7(%arg0: i32) -> (i32, i32) {
    %c0_i32 = arith.constant 0 : i32
    %c0_i32_0 = arith.constant 0 : i32
    %c0_i32_1 = arith.constant 0 : i32
    return %c0_i32, %c0_i32_0 : i32, i32
  }
}

</mosaic_0001>

<sc_bundles>
// kernel: kernel.12.cloned.1.call-start
scs
__scs_entry_jumppad:
0x0: {  	(pc) =	sbr.rel $0x88, $3  }
0x1: {  	(tag) =	ssettag $0x0;
	lr =	simm.s32 $0x1  }
0x2: {  	[smem:$0x3F99] =	sst lr;
	_ =	strace $0xD0000000  }
0x3: {  	_ = 	snop  }
0x4: {  	_ = 	snop  }
0x5: {  	_ = 	snop  }
0x6: {  	_ = 	snop  }
0x7: {  	_ = 	snop  }
__scs_overlays_trampoline_lowered:
0x8: {  	[smem:$0x3FA8] =	sst s0  }
0x9: {  	[smem:$0x3FA9] =	sst s1  }
0xa: {  	[smem:$0x3FAA] =	sst s2  }
0xb: {  	[smem:$0x3FAB] =	sst s3  }
0xc: {  	[smem:$0x3FAC] =	sst s4  }
0xd: {  	[smem:$0x3FAD] =	sst s5  }
0xe: {  	[smem:$0x3FAE] =	sst s6  }
0xf: {  	[smem:$0x3FAF] =	sst s7  }
0x10: {  	[smem:$0x3FB0] =	sst s8  }
0x11: {  	[smem:$0x3FB1] =	sst s9;
	s0 =	simm.s32 @!p0 $0x0  }
0x12: {  	s1 =	sld [smem:$0x3F97];
	s0 =	simm.s32 @p0 $0x1  }
0x13: {  	[smem:$0x3FB2] =	sst s0;
	s0 =	simm.s32 @!p1 $0x0  }
0x14: {  	s2 =	sld [smem:$0x3F96];
	s0 =	simm.s32 @p1 $0x1  }
0x15: {  	[smem:$0x3FB3] =	sst s0;
	s0 =	simm.s32 @!p2 $0x0  }
0x16: {  	s3 =	sld [smem:$0x3FDB];
	s0 =	simm.s32 @p2 $0x1  }
0x17: {  	s4 =	simm.s32 $0x1BF5;
	[smem:$0x3FB5] =	sst s0  }
0x18: {  	s0 =	sld [smem:$0x3F98];
	_ =	swait.ge [sflag:s4], $0x0  }
0x19: {  	s7 =	sld [smem:$0x3F99]  }
0x1a: {  	s8 =	sadd.s32 $0xFFFFE003, lr  }
0x1b: {  	s9 =	sadd.s32 $0xFFFFFEF7, lr;
	s5 =	simm.s32 $0xFFFFFFFF;
	p2 =	slt.u32 s8, $0xFFFFF086  }
0x1c: {  	p1 =	slt.u32 s9, $0xF7A;
	s5 =	simm.s32 @!p2 $0x0  }
0x1d: {  	s5 =	simm.s32 @p1 $0x1;
	p0 =	seq.s32 s7, s2  }
0x1e: {  	s7 =	smul.u32 @!p0 $0xF7A, s2;
	p2 =	seq.s32 @!p0 s5, $0x0  }
0x1f: {  	s9 =	smul.u32 $0xF7A, s1;
	s8 =	simm.s32 @!p0 $0x1BF5;
	p2 =	por !p2, p0  }
0x20: {  	[sflag:s8] =	ssyncset.s32 @!p0 $0xFFFFF086;
	s6 =	sadd.s32 @!p0 s3, s7;
	s7 =	simm.s32 @!p0 $0x108  }
0x21: {  	s3 =	sadd.s32 s3, s9;
	s6 =	sadd.s32 @!p0 $0x88, s6;
	s7 =	simm.s32 @p2 $0x1082  }
0x22: {  	[simem:s7], [sflag:s8] =	dma.local @!p0 [hbm:s6], $0xF7A  }
0x23: {  	s9 =	sor.u32 $0xD0000000, s2;
	s6 =	simm.s32 $0x108;
	_ =	swait.ge @!p0 [sflag:s8], $0x0  }
0x24: {  	s3 =	sadd.s32 $0x88, s3;
	s6 =	simm.s32 @!p1 $0x1082;
	[sflag:s4] =	ssyncset.s32 $0xFFFFF086  }
0x25: {  	[simem:s6], [sflag:s4] =	dma.local [hbm:s3], $0xF7A  }
0x26: {  	[smem:$0x3F99] =	sst s1;
	(tag) =	ssettag s2;
	_ =	strace s9  }
0x27: {  	s1 =	sld [smem:$0x3FA9]  }
0x28: {  	s2 =	sld [smem:$0x3FAA]  }
0x29: {  	s4 =	sld [smem:$0x3FAC]  }
0x2a: {  	p0 =	seq.s32 s5, $0x0;
	s5 =	sld [smem:$0x3FAD]  }
0x2b: {  	s6 =	sld [smem:$0x3FAE]  }
0x2c: {  	s7 =	sld [smem:$0x3FAF]  }
0x2d: {  	s3 =	simm.s32 $0x108;
	s8 =	sld [smem:$0x3FB0]  }
0x2e: {  	s3 =	simm.s32 @!p0 $0x1082;
	s9 =	sld [smem:$0x3FB1]  }
0x2f: {  	lr =	sadd.s32 s0, s3;
	s0 =	sld [smem:$0x3FA8]  }
0x30: {  	s3 =	sld [smem:$0x3FAB]  }
0x31: {  	[smem:$0x3FB4] =	sst s10  }
0x32: {  	s10 =	sld [smem:$0x3FB2];
	_ =	sdelay $0x3  }
0x33: {  	p0 =	seq.s32 s10, $0x1;
	s10 =	sld [smem:$0x3FB4];
	_ =	sdelay $0x3  }
0x34: {  	[smem:$0x3FB4] =	sst s10  }
0x35: {  	s10 =	sld [smem:$0x3FB3];
	_ =	sdelay $0x3  }
0x36: {  	p1 =	seq.s32 s10, $0x1;
	s10 =	sld [smem:$0x3FB4];
	_ =	sdelay $0x3  }
0x37: {  	[smem:$0x3FB4] =	sst s10  }
0x38: {  	s10 =	sld [smem:$0x3FB5]  }
0x39: {  	_ = 	snop;
	(pc) =	sbr.ind lr, $3  }
0x3a: {  	_ = 	snop  }
0x3b: {  	_ = 	snop  }
0x3c: {  	p2 =	seq.s32 s10, $0x1;
	s10 =	sld [smem:$0x3FB4]  }
0x3d: {  	_ =	shalt  }
0x3e: {  	_ =	shalt  }
0x3f: {  	_ =	shalt  }
0x40: {  	_ =	shalt  }
0x41: {  	_ =	shalt  }
0x42: {  	_ =	shalt  }
0x43: {  	_ =	shalt  }
0x44: {  	_ =	shalt  }
0x45: {  	_ =	shalt  }
0x46: {  	_ =	shalt  }
0x47: {  	_ =	shalt  }
0x48: {  	_ =	shalt  }
0x49: {  	_ =	shalt  }
0x4a: {  	_ =	shalt  }
0x4b: {  	_ =	shalt  }
0x4c: {  	_ =	shalt  }
0x4d: {  	_ =	shalt  }
0x4e: {  	_ =	shalt  }
0x4f: {  	_ =	shalt  }
0x50: {  	_ =	shalt  }
0x51: {  	_ =	shalt  }
0x52: {  	_ =	shalt  }
0x53: {  	_ =	shalt  }
0x54: {  	_ =	shalt  }
0x55: {  	_ =	shalt  }
0x56: {  	_ =	shalt  }
0x57: {  	_ =	shalt  }
0x58: {  	_ =	shalt  }
0x59: {  	_ =	shalt  }
0x5a: {  	_ =	shalt  }
0x5b: {  	_ =	shalt  }
0x5c: {  	_ =	shalt  }
0x5d: {  	_ =	shalt  }
0x5e: {  	_ =	shalt  }
0x5f: {  	_ =	shalt  }
0x60: {  	_ =	shalt  }
0x61: {  	_ =	shalt  }
0x62: {  	_ =	shalt  }
0x63: {  	_ =	shalt  }
0x64: {  	_ =	shalt  }
0x65: {  	_ =	shalt  }
0x66: {  	_ =	shalt  }
0x67: {  	_ =	shalt  }
0x68: {  	_ =	shalt  }
0x69: {  	_ =	shalt  }
0x6a: {  	_ =	shalt  }
0x6b: {  	_ =	shalt  }
0x6c: {  	_ =	shalt  }
0x6d: {  	_ =	shalt  }
0x6e: {  	_ =	shalt  }
0x6f: {  	_ =	shalt  }
0x70: {  	_ =	shalt  }
0x71: {  	_ =	shalt  }
0x72: {  	_ =	shalt  }
0x73: {  	_ =	shalt  }
0x74: {  	_ =	shalt  }
0x75: {  	_ =	shalt  }
0x76: {  	_ =	shalt  }
0x77: {  	_ =	shalt  }
0x78: {  	_ =	shalt  }
0x79: {  	_ =	shalt  }
0x7a: {  	_ =	shalt  }
0x7b: {  	_ =	shalt  }
0x7c: {  	_ =	shalt  }
0x7d: {  	_ =	shalt  }
0x7e: {  	_ =	shalt  }
0x7f: {  	_ =	shalt  }
0x80: {  	_ =	shalt  }
0x81: {  	_ =	shalt  }
0x82: {  	_ =	shalt  }
0x83: {  	_ =	shalt  }
0x84: {  	_ =	shalt  }
0x85: {  	_ =	shalt  }
0x86: {  	_ =	shalt  }
0x87: {  	_ =	shalt  }
.Lfunc_end0:
.L_simem_size_0:
called_computation.1_lowered:
.L_overlay_start_0:
0x88: {  	s2 =	sld [smem:$0x3FD9]  }
0x89: {  	s3 =	sld [smem:$0x3FFE];
	_ =	sdelay $0x1  }
0x8a: {  	s1 =	srdreg.scid  }
0x8b: {  	s0 =	sand.u32 $0x1, s1  }
0x8c: {  	s16 =	sshll.u32 s0, $0xA;
	s2 =	sadd.s32 s3, s2  }
0x8d: {  	s2 =	sadd.s32 s2, s16  }
0x8e: {  	[smem:$0x3FC0] =	sst s2  }
0x8f: {  	_ = 	snop  }
0x90: {  	(tm) =	ssettm $0x1  }
0x91: {  	s17 =	sld [smem:$0x3FFB];
	_ =	sdelay $0x3  }
0x92: {  	_ =	strace s17  }
0x93: {  	s2 =	sld [smem:$0x3FFC];
	_ =	sdelay $0x3  }
0x94: {  	_ =	strace s2  }
0x95: {  	s2 =	sld [smem:$0x3FFD];
	_ =	sdelay $0x3  }
0x96: {  	_ =	strace s2  }
0x97: {  	_ =	strace $0x8FFFFFFF  }
0x98: {  	s18 =	sld [smem:$0x3FDB];
	_ =	sdelay $0x1  }
0x99: {  	s19 =	simm.s32 $_scs_section_size  }
0x9a: {  	s4 =	simm.s32 $_size__tile_overlayer_lowered;
	s5 =	simm.s32 $_tile_overlayer_lowered  }
0x9b: {  	s22 =	simm.s32 $0x1BFF;
	s21 =	sshll.u32 s5, $0x1;
	s2 =	sadd.s32 s19, s18  }
0x9c: {  	s6 =	simm.s32 $0x0;
	s20 =	sshll.u32 s4, $0x1;
	s4 =	sadd.s32 s21, s2  }
0x9d: {  	[timem:s6], [sflag:s22] =	dma.local [hbm:s4], s20  }
0x9e: {  	_ =	swait.ge [sflag:s22], s20  }
0x9f: {  	s3 =	ssub.s32 $0x0, s20;
	[sflag:s22] =	ssyncset.done $0x0  }
0xa0: {  	[sflag:s22] =	ssyncadd.s32 s3;
	_ =	sdelay $0x1  }
0xa1: {  	s23 =	simm.s32 $0x1B8B  }
0xa2: {  	_ =	swait.ge [sflag:s23], $0x1  }
0xa3: {  	[sflag:s23] =	ssyncset.done $0x0  }
0xa4: {  	s25 =	simm.s32 $0x1B8E;
	s24 =	sld [smem:$0x3FFE];
	[sflag:s23] =	ssyncadd.s32 $0xFFFFFFFF  }
0xa5: {  	s26 =	simm.s32 $execute0_lowered;
	[smem:$0x3FD2] =	sst s25  }
0xa6: {  	s4 =	sshll.u32 s26, $0x1;
	_ =	strace $0x80000049;
	[dreg:$0x1] =	wrdreg $0xFFFFFFFF  }
0xa7: {  	s28 =	simm.s32 $_size_execute0_lowered;
	s2 =	sadd.s32 s2, s4;
	[dreg:$0x0] =	wrdreg $0x0  }
0xa8: {  	s4 =	sshll.u32 s28, $0x1;
	[dreg:$0x2] =	wrdreg s2  }
0xa9: {  	[dreg:$0x3] =	wrdreg s4  }
0xaa: {  	[dreg:$0x4] =	wrdreg $0xC0  }
0xab: {  	_ =	task [dreg:s6], $0x5FFFF  }
0xac: {  	[dreg:$0x1] =	wrdreg $0xFFFFFFFF  }
0xad: {  	[dreg:$0x0] =	wrdreg $0x60  }
0xae: {  	[dreg:$0x2] =	wrdreg s24  }
0xaf: {  	[dreg:$0x3] =	wrdreg $0x90000  }
0xb0: {  	[dreg:$0x4] =	wrdreg $0x9  }
0xb1: {  	_ =	task.clear_ibuf [dreg:s6], $0x5FFFF;
	_ =	strace $0x90000049  }
0xb2: {  	s29 =	simm.s32 $0x9;
	_ =	strace $0x8000004B  }
0xb3: {  	_ =	swait.ge [sflag:s29], $0x1  }
0xb4: {  	[sflag:s29] =	ssyncadd.s32 $0xFFFFFFFF  }
0xb5: {  	_ =	strace $0x9000004B  }
0xb6: {  	_ =	sfence  }
0xb7: {  	s30 =	sld [smem:$0x0];
	_ =	sdelay $0x2  }
0xb8: {  	s31 =	sshll.u32 s1, $0xD;
	s1 =	sshrl.u32 s1, $0x2  }
0xb9: {  	s3 =	sand.u32 $0x4000, s31;
	s1 =	sadd.s32 s1, s30  }
0xba: {  	s0 =	sor.u32 s3, s0;
	s1 =	sshll.u32 s1, $0x11  }
0xbb: {  	s0 =	sor.u32 s1, s0  }
0xbc: {  	s0 =	sadd.s32 $0x8F2B, s0  }
0xbd: {  	[sflag:s0] =	ssyncadd.remote.s32 $0x1  }
0xbe: {  	_ =	sfence.sel $0xFFFF  }
0xbf: {  	[dreg:$0x0] =	wrdreg $0xFFFFFFFF;
	(pc) =	sbr.abs _section_cstart, $3  }
0xc0: {  	[dreg:$0x1] =	wrdreg $0xFFFFFFFF  }
0xc1: {  	_ =	task.clear_ibuf [dreg:s6], $0x2FFFF;
	_ =	strace $0x9FFFFFFF  }
0xc2: {  	(tm) =	ssettm $0x7FFFFFFF  }
0xc3: {  	_ =	shalt  }
tec
execute0_lowered:
.L_overlay_start_1:
0x0: {  	(tag) =	ssettag $0x1  }
0x1: {  	s0 =	srdreg.scid;
	s1 =	rddreg [dreg:$0x0]  }
0x2: {  	s8 =	stileid.u32;
	s2 =	rddreg [dreg:$0x1]  }
0x3: {  	s3 =	simm.s32 $0x0;
	s14 =	simm.s32 $0x100;
	s15 =	simm.s32 $0x880  }
0x4: {  	s16 =	simm.s32 $0x180;
	[smem:$0x7FF] =	sst s3;
	s9 =	sadd.s32 $0x3EA00, s1  }
0x5: {  	s17 =	simm.s32 $0x900;
	_ =	strace $0x8000004A;
	[dreg:$0x12] =	wrdreg s9  }
0x6: {  	s18 =	simm.s32 $0x200;
	s19 =	simm.s32 $0x980;
	[dreg:$0x5] =	wrdreg s14  }
0x7: {  	s20 =	simm.s32 $0x280;
	s21 =	simm.s32 $0xA00;
	[dreg:$0x6] =	wrdreg s15  }
0x8: {  	s22 =	simm.s32 $0x300;
	s23 =	simm.s32 $0xA80;
	[dreg:$0x7] =	wrdreg s16  }
0x9: {  	s24 =	simm.s32 $0x380;
	s28 =	simm.s32 $0x680;
	[dreg:$0x8] =	wrdreg s17  }
0xa: {  	s29 =	simm.s32 $0xE00;
	s4 =	smul.u32 $0x5000, s8;
	[dreg:$0x9] =	wrdreg s18  }
0xb: {  	s30 =	simm.s32 $0x700;
	s25 =	smul.u32 $0x14000, s8;
	[dreg:$0xa] =	wrdreg s19  }
0xc: {  	s0 =	sand.u32 $0x1, s0;
	s26 =	smul.u32 $0x50000, s8;
	[dreg:$0xb] =	wrdreg s20  }
0xd: {  	s31 =	simm.s32 $0xE80;
	s5 =	smul.u32 $0x2800, s0;
	[dreg:$0xc] =	wrdreg s21  }
0xe: {  	s13 =	sshll.u32 s8, $0x6;
	s6 =	smul.u32 $0x140000, s0;
	[dreg:$0xd] =	wrdreg s22  }
0xf: {  	s0 =	ssub.s32 $0x2, s0;
	s14 =	simm.s32 $0x5000;
	[dreg:$0xe] =	wrdreg s23  }
0x10: {  	s15 =	simm.s32 $0x1;
	s16 =	simm.s32 $0x3;
	[dreg:$0xf] =	wrdreg s24  }
0x11: {  	s17 =	simm.s32 $0x2;
	s18 =	simm.s32 $0xB80;
	s19 =	simm.s32 $0x480  }
0x12: {  	s20 =	simm.s32 $0xC00;
	s21 =	simm.s32 $0x500;
	s22 =	simm.s32 $0xC80  }
0x13: {  	s23 =	simm.s32 $0x580;
	s24 =	simm.s32 $0xD00;
	s9 =	sshrl.u32 s0, $0x1  }
0x14: {  	s10 =	sshrl.u32 s26, $0x2;
	s26 =	simm.s32 $0x400;
	s4 =	sadd.s32 s5, s4  }
0x15: {  	s5 =	sadd.s32 s25, s6;
	s0 =	ssub.s32 s0, s9;
	s25 =	simm.s32 $0xB00  }
0x16: {  	[dreg:$0x11] =	wrdreg s26;
	s26 =	simm.s32 $0xD80;
	s9 =	simm.s32 $0x0  }
0x17: {  	s7 =	sshrl.u32 s4, $0x3;
	s4 =	sadd.s32 $0x16A00, s1;
	s5 =	sshrl.u32 s5, $0x3  }
0x18: {  	s0 =	smax.u32 s0, $0x1;
	[dreg:$0x10] =	wrdreg s25;
	s25 =	simm.s32 $0x600  }
0x19: {  	s7 =	sadd.s32 s7, s1;
	s1 =	sadd.s32 s5, s1;
	s5 =	sadd.s32 s10, s2  }
0x1a: {  	[dreg:$0x15] =	wrdreg s0;
	s10 =	simm.s32 $0x4;
	s11 =	sadd.s32 $0xCA00, s7  }
0x1b: {  	s0 =	simm.s32 $0xF00;
	s12 =	sadd.s32 $0x2A00, s7;
	[dreg:$0x3] =	wrdreg s11  }
0x1c: {  	s7 =	sor.u32 $0x1C04, s13;
	s1 =	sadd.s32 $0x41200, s1;
	[dreg:$0x4] =	wrdreg s12  }
0x1d: {  	s8 =	sshrl.u32 s5, $0x3;
	s13 =	simm.s32 $0x1000;
	[dreg:$0x14] =	wrdreg s1  }
0x1e: {  	s5 =	simm.s32 $0xF80;
	s11 =	simm.s32 $0x800;
	[dreg:$0x13] =	wrdreg s7  }
0x1f: {  	s12 =	simm.s32 $0x80;
	s1 =	simm.s32 $0x780;
	[dreg:$0x16] =	wrdreg s8  }
.LBB2_1:
0x20: {  	[dreg:$0x17] =	wrdreg s9  }
0x21: {  	s6 =	rddreg [dreg:$0x12]  }
0x22: {  	[spmem:s8], [sflag:s7] =	dma.local [hbm:s6], $0x2800  }
0x23: {  	_ =	swait.ge [sflag:s10], $0x2800  }
0x24: {  	[sflag:s10] =	ssyncset.done $0x0  }
0x25: {  	[sflag:s10] =	ssyncadd.s32 $0xFFFFD800  }
0x26: {  	[bflag:$0x0] =	sbarrier.arrive $0xFFFF  }
0x27: {  	s7 =	rddreg [dreg:$0x4]  }
0x28: {  	s6 =	sadd.s32 $0x0, s7  }
0x29: {  	[tilespmem:s3], [sflag:$0x4] =	stream.linear.gather [hbm4b:s6+s3], $0x800, $0x38;
	[tilespmem:$0x1D000] =	vst v63  }
0x2a: {  	_ =	swait.ge [sflag:s10], $0x800  }
0x2b: {  	s8 =	rddreg [dreg:$0x3];
	[sflag:s10] =	ssyncset.done $0x0  }
0x2c: {  	[sflag:s10] =	ssyncadd.s32 $0xFFFFF800;
	s6 =	sadd.s32 $0x0, s8  }
0x2d: {  	[tilespmem:s11], [sflag:$0x4] =	stream.linear.gather [hbm4b:s6+s3], $0x800, $0x38;
	[tilespmem:$0x1D000] =	vst v63  }
0x2e: {  	_ =	swait.ge [sflag:s10], $0x800  }
0x2f: {  	[sflag:s10] =	ssyncset.done $0x0  }
0x30: {  	[sflag:s10] =	ssyncadd.s32 $0xFFFFF800  }
0x31: {  	[tilespmem:s13], [sflag:$0x1] =	stream.indirect.gather [hbm4b:s4+s12], $0x80, s3, s12, $0xb8;
	[tilespmem:$0x1D000] =	vst v63  }
0x32: {  	_ = 	snop  }
0x33: {  	[tilespmem:s14], [sflag:$0x2] =	stream.indirect.gather [hbm4b:s4+s12], $0x80, s12, s12, $0xb8;
	[tilespmem:$0x1D000] =	vst v63  }
0x34: {  	_ =	swait.ge [sflag:s15], $0x4000  }
0x35: {  	[sflag:s15] =	ssyncset.done $0x0  }
0x36: {  	[sflag:s15] =	ssyncadd.s32 $0xFFFFC000  }
0x37: {  	[spmem:s2] =	stream.indirect.scatter.add.f32 [tilespmem:s13], [sflag:$0x3], $0x80, s11, s12, $0xb8;
	[tilespmem:$0x1D000] =	vst v63  }
0x38: {  	_ =	swait.ge [sflag:s16], $0x4000  }
0x39: {  	[sflag:s16] =	ssyncset.done $0x0  }
0x3a: {  	s9 =	rddreg [dreg:$0x5];
	[sflag:s16] =	ssyncadd.s32 $0xFFFFC000  }
0x3b: {  	[tilespmem:s13], [sflag:$0x1] =	stream.indirect.gather [hbm4b:s4+s12], $0x80, s9, s12, $0xb8;
	[tilespmem:$0x1D000] =	vst v63  }
0x3c: {  	_ =	swait.ge [sflag:s17], $0x4000  }
0x3d: {  	[sflag:s17] =	ssyncset.done $0x0  }
0x3e: {  	s7 =	rddreg [dreg:$0x6];
	[sflag:s17] =	ssyncadd.s32 $0xFFFFC000  }
0x3f: {  	[spmem:s2] =	stream.indirect.scatter.add.f32 [tilespmem:s14], [sflag:$0x3], $0x80, s7, s12, $0xb8;
	[tilespmem:$0x1D000] =	vst v63  }
0x40: {  	_ =	swait.ge [sflag:s16], $0x4000  }
0x41: {  	[sflag:s16] =	ssyncset.done $0x0  }
0x42: {  	s8 =	rddreg [dreg:$0x7];
	[sflag:s16] =	ssyncadd.s32 $0xFFFFC000  }
0x43: {  	[tilespmem:s14], [sflag:$0x2] =	stream.indirect.gather [hbm4b:s4+s12], $0x80, s8, s12, $0xb8;
	[tilespmem:$0x1D000] =	vst v63  }
0x44: {  	_ =	swait.ge [sflag:s15], $0x4000  }
0x45: {  	[sflag:s15] =	ssyncset.done $0x0  }
0x46: {  	s9 =	rddreg [dreg:$0x8];
	[sflag:s15] =	ssyncadd.s32 $0xFFFFC000  }
0x47: {  	[spmem:s2] =	stream.indirect.scatter.add.f32 [tilespmem:s13], [sflag:$0x3], $0x80, s9, s12, $0xb8;
	[tilespmem:$0x1D000] =	vst v63  }
0x48: {  	_ =	swait.ge [sflag:s16], $0x4000  }
0x49: {  	[sflag:s16] =	ssyncset.done $0x0  }
0x4a: {  	s7 =	rddreg [dreg:$0x9];
	[sflag:s16] =	ssyncadd.s32 $0xFFFFC000  }
0x4b: {  	[tilespmem:s13], [sflag:$0x1] =	stream.indirect.gather [hbm4b:s4+s12], $0x80, s7, s12, $0xb8;
	[tilespmem:$0x1D000] =	vst v63  }
0x4c: {  	_ =	swait.ge [sflag:s17], $0x4000  }
0x4d: {  	[sflag:s17] =	ssyncset.done $0x0  }
0x4e: {  	s8 =	rddreg [dreg:$0xa];
	[sflag:s17] =	ssyncadd.s32 $0xFFFFC000  }
0x4f: {  	[spmem:s2] =	stream.indirect.scatter.add.f32 [tilespmem:s14], [sflag:$0x3], $0x80, s8, s12, $0xb8;
	[tilespmem:$0x1D000] =	vst v63  }
0x50: {  	_ =	swait.ge [sflag:s16], $0x4000  }
0x51: {  	[sflag:s16] =	ssyncset.done $0x0  }
0x52: {  	s9 =	rddreg [dreg:$0xb];
	[sflag:s16] =	ssyncadd.s32 $0xFFFFC000  }
0x53: {  	[tilespmem:s14], [sflag:$0x2] =	stream.indirect.gather [hbm4b:s4+s12], $0x80, s9, s12, $0xb8;
	[tilespmem:$0x1D000] =	vst v63  }
0x54: {  	_ =	swait.ge [sflag:s15], $0x4000  }
0x55: {  	[sflag:s15] =	ssyncset.done $0x0  }
0x56: {  	s7 =	rddreg [dreg:$0xc];
	[sflag:s15] =	ssyncadd.s32 $0xFFFFC000  }
0x57: {  	[spmem:s2] =	stream.indirect.scatter.add.f32 [tilespmem:s13], [sflag:$0x3], $0x80, s7, s12, $0xb8;
	[tilespmem:$0x1D000] =	vst v63  }
0x58: {  	_ =	swait.ge [sflag:s16], $0x4000  }
0x59: {  	[sflag:s16] =	ssyncset.done $0x0  }
0x5a: {  	s8 =	rddreg [dreg:$0xd];
	[sflag:s16] =	ssyncadd.s32 $0xFFFFC000  }
0x5b: {  	[tilespmem:s13], [sflag:$0x1] =	stream.indirect.gather [hbm4b:s4+s12], $0x80, s8, s12, $0xb8;
	[tilespmem:$0x1D000] =	vst v63  }
0x5c: {  	_ =	swait.ge [sflag:s17], $0x4000  }
0x5d: {  	[sflag:s17] =	ssyncset.done $0x0  }
0x5e: {  	s9 =	rddreg [dreg:$0xe];
	[sflag:s17] =	ssyncadd.s32 $0xFFFFC000  }
0x5f: {  	[spmem:s2] =	stream.indirect.scatter.add.f32 [tilespmem:s14], [sflag:$0x3], $0x80, s9, s12, $0xb8;
	[tilespmem:$0x1D000] =	vst v63  }
0x60: {  	_ =	swait.ge [sflag:s16], $0x4000  }
0x61: {  	[sflag:s16] =	ssyncset.done $0x0  }
0x62: {  	s7 =	rddreg [dreg:$0xf];
	[sflag:s16] =	ssyncadd.s32 $0xFFFFC000  }
0x63: {  	[tilespmem:s14], [sflag:$0x2] =	stream.indirect.gather [hbm4b:s4+s12], $0x80, s7, s12, $0xb8;
	[tilespmem:$0x1D000] =	vst v63  }
0x64: {  	_ =	swait.ge [sflag:s15], $0x4000  }
0x65: {  	[sflag:s15] =	ssyncset.done $0x0  }
0x66: {  	s8 =	rddreg [dreg:$0x10];
	[sflag:s15] =	ssyncadd.s32 $0xFFFFC000  }
0x67: {  	[spmem:s2] =	stream.indirect.scatter.add.f32 [tilespmem:s13], [sflag:$0x3], $0x80, s8, s12, $0xb8;
	[tilespmem:$0x1D000] =	vst v63  }
0x68: {  	_ =	swait.ge [sflag:s16], $0x4000  }
0x69: {  	[sflag:s16] =	ssyncset.done $0x0  }
0x6a: {  	s9 =	rddreg [dreg:$0x11];
	[sflag:s16] =	ssyncadd.s32 $0xFFFFC000  }
0x6b: {  	[tilespmem:s13], [sflag:$0x1] =	stream.indirect.gather [hbm4b:s4+s12], $0x80, s9, s12, $0xb8;
	[tilespmem:$0x1D000] =	vst v63  }
0x6c: {  	_ =	swait.ge [sflag:s17], $0x4000  }
0x6d: {  	[sflag:s17] =	ssyncset.done $0x0  }
0x6e: {  	[sflag:s17] =	ssyncadd.s32 $0xFFFFC000  }
0x6f: {  	[spmem:s2] =	stream.indirect.scatter.add.f32 [tilespmem:s14], [sflag:$0x3], $0x80, s18, s12, $0xb8;
	[tilespmem:$0x1D000] =	vst v63  }
0x70: {  	_ =	swait.ge [sflag:s16], $0x4000  }
0x71: {  	[sflag:s16] =	ssyncset.done $0x0  }
0x72: {  	[sflag:s16] =	ssyncadd.s32 $0xFFFFC000  }
0x73: {  	[tilespmem:s14], [sflag:$0x2] =	stream.indirect.gather [hbm4b:s4+s12], $0x80, s19, s12, $0xb8;
	[tilespmem:$0x1D000] =	vst v63  }
0x74: {  	_ =	swait.ge [sflag:s15], $0x4000  }
0x75: {  	[sflag:s15] =	ssyncset.done $0x0  }
0x76: {  	[sflag:s15] =	ssyncadd.s32 $0xFFFFC000  }
0x77: {  	[spmem:s2] =	stream.indirect.scatter.add.f32 [tilespmem:s13], [sflag:$0x3], $0x80, s20, s12, $0xb8;
	[tilespmem:$0x1D000] =	vst v63  }
0x78: {  	_ =	swait.ge [sflag:s16], $0x4000  }
0x79: {  	[sflag:s16] =	ssyncset.done $0x0  }
0x7a: {  	[sflag:s16] =	ssyncadd.s32 $0xFFFFC000  }
0x7b: {  	[tilespmem:s13], [sflag:$0x1] =	stream.indirect.gather [hbm4b:s4+s12], $0x80, s21, s12, $0xb8;
	[tilespmem:$0x1D000] =	vst v63  }
0x7c: {  	_ =	swait.ge [sflag:s17], $0x4000  }
0x7d: {  	[sflag:s17] =	ssyncset.done $0x0  }
0x7e: {  	[sflag:s17] =	ssyncadd.s32 $0xFFFFC000  }
0x7f: {  	[spmem:s2] =	stream.indirect.scatter.add.f32 [tilespmem:s14], [sflag:$0x3], $0x80, s22, s12, $0xb8;
	[tilespmem:$0x1D000] =	vst v63  }
0x80: {  	_ =	swait.ge [sflag:s16], $0x4000  }
0x81: {  	[sflag:s16] =	ssyncset.done $0x0  }
0x82: {  	[sflag:s16] =	ssyncadd.s32 $0xFFFFC000  }
0x83: {  	[tilespmem:s14], [sflag:$0x2] =	stream.indirect.gather [hbm4b:s4+s12], $0x80, s23, s12, $0xb8;
	[tilespmem:$0x1D000] =	vst v63  }
0x84: {  	_ =	swait.ge [sflag:s15], $0x4000  }
0x85: {  	[sflag:s15] =	ssyncset.done $0x0  }
0x86: {  	[sflag:s15] =	ssyncadd.s32 $0xFFFFC000  }
0x87: {  	[spmem:s2] =	stream.indirect.scatter.add.f32 [tilespmem:s13], [sflag:$0x3], $0x80, s24, s12, $0xb8;
	[tilespmem:$0x1D000] =	vst v63  }
0x88: {  	_ =	swait.ge [sflag:s16], $0x4000  }
0x89: {  	[sflag:s16] =	ssyncset.done $0x0  }
0x8a: {  	[sflag:s16] =	ssyncadd.s32 $0xFFFFC000  }
0x8b: {  	[tilespmem:s13], [sflag:$0x1] =	stream.indirect.gather [hbm4b:s4+s12], $0x80, s25, s12, $0xb8;
	[tilespmem:$0x1D000] =	vst v63  }
0x8c: {  	_ =	swait.ge [sflag:s17], $0x4000  }
0x8d: {  	[sflag:s17] =	ssyncset.done $0x0  }
0x8e: {  	[sflag:s17] =	ssyncadd.s32 $0xFFFFC000  }
0x8f: {  	[spmem:s2] =	stream.indirect.scatter.add.f32 [tilespmem:s14], [sflag:$0x3], $0x80, s26, s12, $0xb8;
	[tilespmem:$0x1D000] =	vst v63  }
0x90: {  	_ =	swait.ge [sflag:s16], $0x4000  }
0x91: {  	[sflag:s16] =	ssyncset.done $0x0  }
0x92: {  	[sflag:s16] =	ssyncadd.s32 $0xFFFFC000  }
0x93: {  	[tilespmem:s14], [sflag:$0x2] =	stream.indirect.gather [hbm4b:s4+s12], $0x80, s28, s12, $0xb8;
	[tilespmem:$0x1D000] =	vst v63  }
0x94: {  	_ =	swait.ge [sflag:s15], $0x4000  }
0x95: {  	[sflag:s15] =	ssyncset.done $0x0  }
0x96: {  	[sflag:s15] =	ssyncadd.s32 $0xFFFFC000  }
0x97: {  	[spmem:s2] =	stream.indirect.scatter.add.f32 [tilespmem:s13], [sflag:$0x3], $0x80, s29, s12, $0xb8;
	[tilespmem:$0x1D000] =	vst v63  }
0x98: {  	_ =	swait.ge [sflag:s16], $0x4000  }
0x99: {  	[sflag:s16] =	ssyncset.done $0x0  }
0x9a: {  	[sflag:s16] =	ssyncadd.s32 $0xFFFFC000  }
0x9b: {  	[tilespmem:s13], [sflag:$0x1] =	stream.indirect.gather [hbm4b:s4+s12], $0x80, s30, s12, $0xb8;
	[tilespmem:$0x1D000] =	vst v63  }
0x9c: {  	_ =	swait.ge [sflag:s17], $0x4000  }
0x9d: {  	[sflag:s17] =	ssyncset.done $0x0  }
0x9e: {  	[sflag:s17] =	ssyncadd.s32 $0xFFFFC000  }
0x9f: {  	[spmem:s2] =	stream.indirect.scatter.add.f32 [tilespmem:s14], [sflag:$0x3], $0x80, s31, s12, $0xb8;
	[tilespmem:$0x1D000] =	vst v63  }
0xa0: {  	_ =	swait.ge [sflag:s16], $0x4000  }
0xa1: {  	[sflag:s16] =	ssyncset.done $0x0  }
0xa2: {  	[sflag:s16] =	ssyncadd.s32 $0xFFFFC000  }
0xa3: {  	[tilespmem:s14], [sflag:$0x2] =	stream.indirect.gather [hbm4b:s4+s12], $0x80, s1, s12, $0xb8;
	[tilespmem:$0x1D000] =	vst v63  }
0xa4: {  	_ =	swait.ge [sflag:s15], $0x4000  }
0xa5: {  	[sflag:s15] =	ssyncset.done $0x0  }
0xa6: {  	[sflag:s15] =	ssyncadd.s32 $0xFFFFC000  }
0xa7: {  	[spmem:s2] =	stream.indirect.scatter.add.f32 [tilespmem:s13], [sflag:$0x3], $0x80, s0, s12, $0xb8;
	[tilespmem:$0x1D000] =	vst v63  }
0xa8: {  	_ =	swait.ge [sflag:s16], $0x4000  }
0xa9: {  	[sflag:s16] =	ssyncset.done $0x0  }
0xaa: {  	[sflag:s16] =	ssyncadd.s32 $0xFFFFC000  }
0xab: {  	_ =	swait.ge [sflag:s17], $0x4000  }
0xac: {  	[sflag:s17] =	ssyncset.done $0x0  }
0xad: {  	[sflag:s17] =	ssyncadd.s32 $0xFFFFC000  }
0xae: {  	[spmem:s2] =	stream.indirect.scatter.add.f32 [tilespmem:s14], [sflag:$0x3], $0x80, s5, s12, $0xb8;
	[tilespmem:$0x1D000] =	vst v63  }
0xaf: {  	s6 =	simm.s32 $0x200;
	_ =	swait.ge [sflag:s16], $0x4000  }
0xb0: {  	s8 =	simm.s32 $0x100;
	s9 =	rddreg [dreg:$0x4];
	[sflag:s16] =	ssyncset.done $0x0  }
.LBB2_2:
0xb1: {  	[sflag:s16] =	ssyncadd.s32 $0xFFFFC000;
	s9 =	sadd.s32 s8, s9  }
0xb2: {  	[tilespmem:s3], [sflag:$0x4] =	stream.linear.gather [hbm4b:s9+s3], $0x800, $0x38;
	[tilespmem:$0x1D000] =	vst v63  }
0xb3: {  	_ =	swait.ge [sflag:s10], $0x800  }
0xb4: {  	s9 =	rddreg [dreg:$0x3];
	[sflag:s10] =	ssyncset.done $0x0  }
0xb5: {  	[sflag:s10] =	ssyncadd.s32 $0xFFFFF800;
	s9 =	sadd.s32 s8, s9  }
0xb6: {  	[tilespmem:s11], [sflag:$0x4] =	stream.linear.gather [hbm4b:s9+s3], $0x800, $0x38;
	[tilespmem:$0x1D000] =	vst v63  }
0xb7: {  	_ =	swait.ge [sflag:s10], $0x800  }
0xb8: {  	[sflag:s10] =	ssyncset.done $0x0  }
0xb9: {  	[sflag:s10] =	ssyncadd.s32 $0xFFFFF800  }
0xba: {  	[tilespmem:s13], [sflag:$0x1] =	stream.indirect.gather [hbm4b:s4+s12], $0x80, s3, s12, $0xb8;
	[tilespmem:$0x1D000] =	vst v63  }
0xbb: {  	_ = 	snop  }
0xbc: {  	[tilespmem:s14], [sflag:$0x2] =	stream.indirect.gather [hbm4b:s4+s12], $0x80, s12, s12, $0xb8;
	[tilespmem:$0x1D000] =	vst v63  }
0xbd: {  	_ =	swait.ge [sflag:s15], $0x4000  }
0xbe: {  	[sflag:s15] =	ssyncset.done $0x0  }
0xbf: {  	[sflag:s15] =	ssyncadd.s32 $0xFFFFC000  }
0xc0: {  	[spmem:s2] =	stream.indirect.scatter.add.f32 [tilespmem:s13], [sflag:$0x3], $0x80, s11, s12, $0xb8;
	[tilespmem:$0x1D000] =	vst v63  }
0xc1: {  	_ =	swait.ge [sflag:s16], $0x4000  }
0xc2: {  	[sflag:s16] =	ssyncset.done $0x0  }
0xc3: {  	s9 =	rddreg [dreg:$0x5];
	[sflag:s16] =	ssyncadd.s32 $0xFFFFC000  }
0xc4: {  	[tilespmem:s13], [sflag:$0x1] =	stream.indirect.gather [hbm4b:s4+s12], $0x80, s9, s12, $0xb8;
	[tilespmem:$0x1D000] =	vst v63  }
0xc5: {  	_ =	swait.ge [sflag:s17], $0x4000  }
0xc6: {  	[sflag:s17] =	ssyncset.done $0x0  }
0xc7: {  	s9 =	rddreg [dreg:$0x6];
	[sflag:s17] =	ssyncadd.s32 $0xFFFFC000  }
0xc8: {  	[spmem:s2] =	stream.indirect.scatter.add.f32 [tilespmem:s14], [sflag:$0x3], $0x80, s9, s12, $0xb8;
	[tilespmem:$0x1D000] =	vst v63  }
0xc9: {  	_ =	swait.ge [sflag:s16], $0x4000  }
0xca: {  	[sflag:s16] =	ssyncset.done $0x0  }
0xcb: {  	s9 =	rddreg [dreg:$0x7];
	[sflag:s16] =	ssyncadd.s32 $0xFFFFC000  }
0xcc: {  	[tilespmem:s14], [sflag:$0x2] =	stream.indirect.gather [hbm4b:s4+s12], $0x80, s9, s12, $0xb8;
	[tilespmem:$0x1D000] =	vst v63  }
0xcd: {  	_ =	swait.ge [sflag:s15], $0x4000  }
0xce: {  	[sflag:s15] =	ssyncset.done $0x0  }
0xcf: {  	s9 =	rddreg [dreg:$0x8];
	[sflag:s15] =	ssyncadd.s32 $0xFFFFC000  }
0xd0: {  	[spmem:s2] =	stream.indirect.scatter.add.f32 [tilespmem:s13], [sflag:$0x3], $0x80, s9, s12, $0xb8;
	[tilespmem:$0x1D000] =	vst v63  }
0xd1: {  	_ =	swait.ge [sflag:s16], $0x4000  }
0xd2: {  	[sflag:s16] =	ssyncset.done $0x0  }
0xd3: {  	s9 =	rddreg [dreg:$0x9];
	[sflag:s16] =	ssyncadd.s32 $0xFFFFC000  }
0xd4: {  	[tilespmem:s13], [sflag:$0x1] =	stream.indirect.gather [hbm4b:s4+s12], $0x80, s9, s12, $0xb8;
	[tilespmem:$0x1D000] =	vst v63  }
0xd5: {  	_ =	swait.ge [sflag:s17], $0x4000  }
0xd6: {  	[sflag:s17] =	ssyncset.done $0x0  }
0xd7: {  	s9 =	rddreg [dreg:$0xa];
	[sflag:s17] =	ssyncadd.s32 $0xFFFFC000  }
0xd8: {  	[spmem:s2] =	stream.indirect.scatter.add.f32 [tilespmem:s14], [sflag:$0x3], $0x80, s9, s12, $0xb8;
	[tilespmem:$0x1D000] =	vst v63  }
0xd9: {  	_ =	swait.ge [sflag:s16], $0x4000  }
0xda: {  	[sflag:s16] =	ssyncset.done $0x0  }
0xdb: {  	s9 =	rddreg [dreg:$0xb];
	[sflag:s16] =	ssyncadd.s32 $0xFFFFC000  }
0xdc: {  	[tilespmem:s14], [sflag:$0x2] =	stream.indirect.gather [hbm4b:s4+s12], $0x80, s9, s12, $0xb8;
	[tilespmem:$0x1D000] =	vst v63  }
0xdd: {  	_ =	swait.ge [sflag:s15], $0x4000  }
0xde: {  	[sflag:s15] =	ssyncset.done $0x0  }
0xdf: {  	s9 =	rddreg [dreg:$0xc];
	[sflag:s15] =	ssyncadd.s32 $0xFFFFC000  }
0xe0: {  	[spmem:s2] =	stream.indirect.scatter.add.f32 [tilespmem:s13], [sflag:$0x3], $0x80, s9, s12, $0xb8;
	[tilespmem:$0x1D000] =	vst v63  }
0xe1: {  	_ =	swait.ge [sflag:s16], $0x4000  }
0xe2: {  	[sflag:s16] =	ssyncset.done $0x0  }
0xe3: {  	s9 =	rddreg [dreg:$0xd];
	[sflag:s16] =	ssyncadd.s32 $0xFFFFC000  }
0xe4: {  	[tilespmem:s13], [sflag:$0x1] =	stream.indirect.gather [hbm4b:s4+s12], $0x80, s9, s12, $0xb8;
	[tilespmem:$0x1D000] =	vst v63  }
0xe5: {  	_ =	swait.ge [sflag:s17], $0x4000  }
0xe6: {  	[sflag:s17] =	ssyncset.done $0x0  }
0xe7: {  	s9 =	rddreg [dreg:$0xe];
	[sflag:s17] =	ssyncadd.s32 $0xFFFFC000  }
0xe8: {  	[spmem:s2] =	stream.indirect.scatter.add.f32 [tilespmem:s14], [sflag:$0x3], $0x80, s9, s12, $0xb8;
	[tilespmem:$0x1D000] =	vst v63  }
0xe9: {  	_ =	swait.ge [sflag:s16], $0x4000  }
0xea: {  	[sflag:s16] =	ssyncset.done $0x0  }
0xeb: {  	s9 =	rddreg [dreg:$0xf];
	[sflag:s16] =	ssyncadd.s32 $0xFFFFC000  }
0xec: {  	[tilespmem:s14], [sflag:$0x2] =	stream.indirect.gather [hbm4b:s4+s12], $0x80, s9, s12, $0xb8;
	[tilespmem:$0x1D000] =	vst v63  }
0xed: {  	_ =	swait.ge [sflag:s15], $0x4000  }
0xee: {  	[sflag:s15] =	ssyncset.done $0x0  }
0xef: {  	s9 =	rddreg [dreg:$0x10];
	[sflag:s15] =	ssyncadd.s32 $0xFFFFC000  }
0xf0: {  	[spmem:s2] =	stream.indirect.scatter.add.f32 [tilespmem:s13], [sflag:$0x3], $0x80, s9, s12, $0xb8;
	[tilespmem:$0x1D000] =	vst v63  }
0xf1: {  	_ =	swait.ge [sflag:s16], $0x4000  }
0xf2: {  	[sflag:s16] =	ssyncset.done $0x0  }
0xf3: {  	s9 =	rddreg [dreg:$0x11];
	[sflag:s16] =	ssyncadd.s32 $0xFFFFC000  }
0xf4: {  	[tilespmem:s13], [sflag:$0x1] =	stream.indirect.gather [hbm4b:s4+s12], $0x80, s9, s12, $0xb8;
	[tilespmem:$0x1D000] =	vst v63  }
0xf5: {  	_ =	swait.ge [sflag:s17], $0x4000  }
0xf6: {  	[sflag:s17] =	ssyncset.done $0x0  }
0xf7: {  	[sflag:s17] =	ssyncadd.s32 $0xFFFFC000  }
0xf8: {  	[spmem:s2] =	stream.indirect.scatter.add.f32 [tilespmem:s14], [sflag:$0x3], $0x80, s18, s12, $0xb8;
	[tilespmem:$0x1D000] =	vst v63  }
0xf9: {  	_ =	swait.ge [sflag:s16], $0x4000  }
0xfa: {  	[sflag:s16] =	ssyncset.done $0x0  }
0xfb: {  	[sflag:s16] =	ssyncadd.s32 $0xFFFFC000  }
0xfc: {  	[tilespmem:s14], [sflag:$0x2] =	stream.indirect.gather [hbm4b:s4+s12], $0x80, s19, s12, $0xb8;
	[tilespmem:$0x1D000] =	vst v63  }
0xfd: {  	_ =	swait.ge [sflag:s15], $0x4000  }
0xfe: {  	[sflag:s15] =	ssyncset.done $0x0  }
0xff: {  	[sflag:s15] =	ssyncadd.s32 $0xFFFFC000  }
0x100: {  	[spmem:s2] =	stream.indirect.scatter.add.f32 [tilespmem:s13], [sflag:$0x3], $0x80, s20, s12, $0xb8;
	[tilespmem:$0x1D000] =	vst v63  }
0x101: {  	_ =	swait.ge [sflag:s16], $0x4000  }
0x102: {  	[sflag:s16] =	ssyncset.done $0x0  }
0x103: {  	[sflag:s16] =	ssyncadd.s32 $0xFFFFC000  }
0x104: {  	[tilespmem:s13], [sflag:$0x1] =	stream.indirect.gather [hbm4b:s4+s12], $0x80, s21, s12, $0xb8;
	[tilespmem:$0x1D000] =	vst v63  }
0x105: {  	_ =	swait.ge [sflag:s17], $0x4000  }
0x106: {  	[sflag:s17] =	ssyncset.done $0x0  }
0x107: {  	[sflag:s17] =	ssyncadd.s32 $0xFFFFC000  }
0x108: {  	[spmem:s2] =	stream.indirect.scatter.add.f32 [tilespmem:s14], [sflag:$0x3], $0x80, s22, s12, $0xb8;
	[tilespmem:$0x1D000] =	vst v63  }
0x109: {  	_ =	swait.ge [sflag:s16], $0x4000  }
0x10a: {  	[sflag:s16] =	ssyncset.done $0x0  }
0x10b: {  	[sflag:s16] =	ssyncadd.s32 $0xFFFFC000  }
0x10c: {  	[tilespmem:s14], [sflag:$0x2] =	stream.indirect.gather [hbm4b:s4+s12], $0x80, s23, s12, $0xb8;
	[tilespmem:$0x1D000] =	vst v63  }
0x10d: {  	_ =	swait.ge [sflag:s15], $0x4000  }
0x10e: {  	[sflag:s15] =	ssyncset.done $0x0  }
0x10f: {  	[sflag:s15] =	ssyncadd.s32 $0xFFFFC000  }
0x110: {  	[spmem:s2] =	stream.indirect.scatter.add.f32 [tilespmem:s13], [sflag:$0x3], $0x80, s24, s12, $0xb8;
	[tilespmem:$0x1D000] =	vst v63  }
0x111: {  	_ =	swait.ge [sflag:s16], $0x4000  }
0x112: {  	[sflag:s16] =	ssyncset.done $0x0  }
0x113: {  	[sflag:s16] =	ssyncadd.s32 $0xFFFFC000  }
0x114: {  	[tilespmem:s13], [sflag:$0x1] =	stream.indirect.gather [hbm4b:s4+s12], $0x80, s25, s12, $0xb8;
	[tilespmem:$0x1D000] =	vst v63  }
0x115: {  	_ =	swait.ge [sflag:s17], $0x4000  }
0x116: {  	[sflag:s17] =	ssyncset.done $0x0  }
0x117: {  	[sflag:s17] =	ssyncadd.s32 $0xFFFFC000  }
0x118: {  	[spmem:s2] =	stream.indirect.scatter.add.f32 [tilespmem:s14], [sflag:$0x3], $0x80, s26, s12, $0xb8;
	[tilespmem:$0x1D000] =	vst v63  }
0x119: {  	_ =	swait.ge [sflag:s16], $0x4000  }
0x11a: {  	[sflag:s16] =	ssyncset.done $0x0  }
0x11b: {  	[sflag:s16] =	ssyncadd.s32 $0xFFFFC000  }
0x11c: {  	[tilespmem:s14], [sflag:$0x2] =	stream.indirect.gather [hbm4b:s4+s12], $0x80, s28, s12, $0xb8;
	[tilespmem:$0x1D000] =	vst v63  }
0x11d: {  	_ =	swait.ge [sflag:s15], $0x4000  }
0x11e: {  	[sflag:s15] =	ssyncset.done $0x0  }
0x11f: {  	[sflag:s15] =	ssyncadd.s32 $0xFFFFC000  }
0x120: {  	[spmem:s2] =	stream.indirect.scatter.add.f32 [tilespmem:s13], [sflag:$0x3], $0x80, s29, s12, $0xb8;
	[tilespmem:$0x1D000] =	vst v63  }
0x121: {  	_ =	swait.ge [sflag:s16], $0x4000  }
0x122: {  	[sflag:s16] =	ssyncset.done $0x0  }
0x123: {  	[sflag:s16] =	ssyncadd.s32 $0xFFFFC000  }
0x124: {  	[tilespmem:s13], [sflag:$0x1] =	stream.indirect.gather [hbm4b:s4+s12], $0x80, s30, s12, $0xb8;
	[tilespmem:$0x1D000] =	vst v63  }
0x125: {  	_ =	swait.ge [sflag:s17], $0x4000  }
0x126: {  	[sflag:s17] =	ssyncset.done $0x0  }
0x127: {  	[sflag:s17] =	ssyncadd.s32 $0xFFFFC000  }
0x128: {  	[spmem:s2] =	stream.indirect.scatter.add.f32 [tilespmem:s14], [sflag:$0x3], $0x80, s31, s12, $0xb8;
	[tilespmem:$0x1D000] =	vst v63  }
0x129: {  	_ =	swait.ge [sflag:s16], $0x4000  }
0x12a: {  	[sflag:s16] =	ssyncset.done $0x0  }
0x12b: {  	[sflag:s16] =	ssyncadd.s32 $0xFFFFC000  }
0x12c: {  	[tilespmem:s14], [sflag:$0x2] =	stream.indirect.gather [hbm4b:s4+s12], $0x80, s1, s12, $0xb8;
	[tilespmem:$0x1D000] =	vst v63  }
0x12d: {  	_ =	swait.ge [sflag:s15], $0x4000  }
0x12e: {  	[sflag:s15] =	ssyncset.done $0x0  }
0x12f: {  	[sflag:s15] =	ssyncadd.s32 $0xFFFFC000  }
0x130: {  	[spmem:s2] =	stream.indirect.scatter.add.f32 [tilespmem:s13], [sflag:$0x3], $0x80, s0, s12, $0xb8;
	[tilespmem:$0x1D000] =	vst v63  }
0x131: {  	_ =	swait.ge [sflag:s16], $0x4000  }
0x132: {  	[sflag:s16] =	ssyncset.done $0x0  }
0x133: {  	[sflag:s16] =	ssyncadd.s32 $0xFFFFC000  }
0x134: {  	p0 =	sne.s32 s6, $0x400;
	_ =	swait.ge [sflag:s17], $0x4000  }
.Ltmp0:
0x135: {  	[sflag:s17] =	ssyncset.done $0x0;
	(pc) =	sbr.rel @p0 .LBB2_2-.Ltmp0, $4  }
0x136: {  	[sflag:s17] =	ssyncadd.s32 $0xFFFFC000  }
0x137: {  	[spmem:s2] =	stream.indirect.scatter.add.f32 [tilespmem:s14], [sflag:$0x3], $0x80, s5, s12, $0xb8;
	[tilespmem:$0x1D000] =	vst v63  }
0x138: {  	s7 =	smov.u32 s6;
	s6 =	sadd.s32 $0x100, s6;
	_ =	swait.ge [sflag:s16], $0x4000  }
0x139: {  	s8 =	smov.u32 s7;
	s9 =	rddreg [dreg:$0x4];
	[sflag:s16] =	ssyncset.done $0x0  }
0x13a: {  	[sflag:s16] =	ssyncadd.s32 $0xFFFFC000;
	s6 =	sadd.s32 s8, s9  }
0x13b: {  	[tilespmem:s3], [sflag:$0x4] =	stream.linear.gather [hbm4b:s6+s3], $0x800, $0x38;
	[tilespmem:$0x1D000] =	vst v63  }
0x13c: {  	_ =	swait.ge [sflag:s10], $0x800  }
0x13d: {  	s7 =	rddreg [dreg:$0x3];
	[sflag:s10] =	ssyncset.done $0x0  }
0x13e: {  	s6 =	sadd.s32 s8, s7;
	[sflag:s10] =	ssyncadd.s32 $0xFFFFF800  }
0x13f: {  	[tilespmem:s11], [sflag:$0x4] =	stream.linear.gather [hbm4b:s6+s3], $0x800, $0x38;
	[tilespmem:$0x1D000] =	vst v63  }
0x140: {  	_ =	swait.ge [sflag:s10], $0x800  }
0x141: {  	[sflag:s10] =	ssyncset.done $0x0  }
0x142: {  	[sflag:s10] =	ssyncadd.s32 $0xFFFFF800  }
0x143: {  	[tilespmem:s13], [sflag:$0x1] =	stream.indirect.gather [hbm4b:s4+s12], $0x80, s3, s12, $0xb8;
	[tilespmem:$0x1D000] =	vst v63  }
0x144: {  	_ = 	snop  }
0x145: {  	[tilespmem:s14], [sflag:$0x2] =	stream.indirect.gather [hbm4b:s4+s12], $0x80, s12, s12, $0xb8;
	[tilespmem:$0x1D000] =	vst v63  }
0x146: {  	_ =	swait.ge [sflag:s15], $0x4000  }
0x147: {  	[sflag:s15] =	ssyncset.done $0x0  }
0x148: {  	[sflag:s15] =	ssyncadd.s32 $0xFFFFC000  }
0x149: {  	[spmem:s2] =	stream.indirect.scatter.add.f32 [tilespmem:s13], [sflag:$0x3], $0x80, s11, s12, $0xb8;
	[tilespmem:$0x1D000] =	vst v63  }
0x14a: {  	_ =	swait.ge [sflag:s16], $0x4000  }
0x14b: {  	[sflag:s16] =	ssyncset.done $0x0  }
0x14c: {  	s8 =	rddreg [dreg:$0x5];
	[sflag:s16] =	ssyncadd.s32 $0xFFFFC000  }
0x14d: {  	[tilespmem:s13], [sflag:$0x1] =	stream.indirect.gather [hbm4b:s4+s12], $0x80, s8, s12, $0xb8;
	[tilespmem:$0x1D000] =	vst v63  }
0x14e: {  	_ =	swait.ge [sflag:s17], $0x4000  }
0x14f: {  	[sflag:s17] =	ssyncset.done $0x0  }
0x150: {  	s9 =	rddreg [dreg:$0x6];
	[sflag:s17] =	ssyncadd.s32 $0xFFFFC000  }
0x151: {  	[spmem:s2] =	stream.indirect.scatter.add.f32 [tilespmem:s14], [sflag:$0x3], $0x80, s9, s12, $0xb8;
	[tilespmem:$0x1D000] =	vst v63  }
0x152: {  	_ =	swait.ge [sflag:s16], $0x4000  }
0x153: {  	[sflag:s16] =	ssyncset.done $0x0  }
0x154: {  	s7 =	rddreg [dreg:$0x7];
	[sflag:s16] =	ssyncadd.s32 $0xFFFFC000  }
0x155: {  	[tilespmem:s14], [sflag:$0x2] =	stream.indirect.gather [hbm4b:s4+s12], $0x80, s7, s12, $0xb8;
	[tilespmem:$0x1D000] =	vst v63  }
0x156: {  	_ =	swait.ge [sflag:s15], $0x4000  }
0x157: {  	[sflag:s15] =	ssyncset.done $0x0  }
0x158: {  	s8 =	rddreg [dreg:$0x8];
	[sflag:s15] =	ssyncadd.s32 $0xFFFFC000  }
0x159: {  	[spmem:s2] =	stream.indirect.scatter.add.f32 [tilespmem:s13], [sflag:$0x3], $0x80, s8, s12, $0xb8;
	[tilespmem:$0x1D000] =	vst v63  }
0x15a: {  	_ =	swait.ge [sflag:s16], $0x4000  }
0x15b: {  	[sflag:s16] =	ssyncset.done $0x0  }
0x15c: {  	s9 =	rddreg [dreg:$0x9];
	[sflag:s16] =	ssyncadd.s32 $0xFFFFC000  }
0x15d: {  	[tilespmem:s13], [sflag:$0x1] =	stream.indirect.gather [hbm4b:s4+s12], $0x80, s9, s12, $0xb8;
	[tilespmem:$0x1D000] =	vst v63  }
0x15e: {  	_ =	swait.ge [sflag:s17], $0x4000  }
0x15f: {  	[sflag:s17] =	ssyncset.done $0x0  }
0x160: {  	s7 =	rddreg [dreg:$0xa];
	[sflag:s17] =	ssyncadd.s32 $0xFFFFC000  }
0x161: {  	[spmem:s2] =	stream.indirect.scatter.add.f32 [tilespmem:s14], [sflag:$0x3], $0x80, s7, s12, $0xb8;
	[tilespmem:$0x1D000] =	vst v63  }
0x162: {  	_ =	swait.ge [sflag:s16], $0x4000  }
0x163: {  	[sflag:s16] =	ssyncset.done $0x0  }
0x164: {  	s8 =	rddreg [dreg:$0xb];
	[sflag:s16] =	ssyncadd.s32 $0xFFFFC000  }
0x165: {  	[tilespmem:s14], [sflag:$0x2] =	stream.indirect.gather [hbm4b:s4+s12], $0x80, s8, s12, $0xb8;
	[tilespmem:$0x1D000] =	vst v63  }
0x166: {  	_ =	swait.ge [sflag:s15], $0x4000  }
0x167: {  	[sflag:s15] =	ssyncset.done $0x0  }
0x168: {  	s9 =	rddreg [dreg:$0xc];
	[sflag:s15] =	ssyncadd.s32 $0xFFFFC000  }
0x169: {  	[spmem:s2] =	stream.indirect.scatter.add.f32 [tilespmem:s13], [sflag:$0x3], $0x80, s9, s12, $0xb8;
	[tilespmem:$0x1D000] =	vst v63  }
0x16a: {  	_ =	swait.ge [sflag:s16], $0x4000  }
0x16b: {  	[sflag:s16] =	ssyncset.done $0x0  }
0x16c: {  	s7 =	rddreg [dreg:$0xd];
	[sflag:s16] =	ssyncadd.s32 $0xFFFFC000  }
0x16d: {  	[tilespmem:s13], [sflag:$0x1] =	stream.indirect.gather [hbm4b:s4+s12], $0x80, s7, s12, $0xb8;
	[tilespmem:$0x1D000] =	vst v63  }
0x16e: {  	_ =	swait.ge [sflag:s17], $0x4000  }
0x16f: {  	[sflag:s17] =	ssyncset.done $0x0  }
0x170: {  	s8 =	rddreg [dreg:$0xe];
	[sflag:s17] =	ssyncadd.s32 $0xFFFFC000  }
0x171: {  	[spmem:s2] =	stream.indirect.scatter.add.f32 [tilespmem:s14], [sflag:$0x3], $0x80, s8, s12, $0xb8;
	[tilespmem:$0x1D000] =	vst v63  }
0x172: {  	_ =	swait.ge [sflag:s16], $0x4000  }
0x173: {  	[sflag:s16] =	ssyncset.done $0x0  }
0x174: {  	s9 =	rddreg [dreg:$0xf];
	[sflag:s16] =	ssyncadd.s32 $0xFFFFC000  }
0x175: {  	[tilespmem:s14], [sflag:$0x2] =	stream.indirect.gather [hbm4b:s4+s12], $0x80, s9, s12, $0xb8;
	[tilespmem:$0x1D000] =	vst v63  }
0x176: {  	_ =	swait.ge [sflag:s15], $0x4000  }
0x177: {  	[sflag:s15] =	ssyncset.done $0x0  }
0x178: {  	s7 =	rddreg [dreg:$0x10];
	[sflag:s15] =	ssyncadd.s32 $0xFFFFC000  }
0x179: {  	[spmem:s2] =	stream.indirect.scatter.add.f32 [tilespmem:s13], [sflag:$0x3], $0x80, s7, s12, $0xb8;
	[tilespmem:$0x1D000] =	vst v63  }
0x17a: {  	_ =	swait.ge [sflag:s16], $0x4000  }
0x17b: {  	[sflag:s16] =	ssyncset.done $0x0  }
0x17c: {  	s8 =	rddreg [dreg:$0x11];
	[sflag:s16] =	ssyncadd.s32 $0xFFFFC000  }
0x17d: {  	[tilespmem:s13], [sflag:$0x1] =	stream.indirect.gather [hbm4b:s4+s12], $0x80, s8, s12, $0xb8;
	[tilespmem:$0x1D000] =	vst v63  }
0x17e: {  	_ =	swait.ge [sflag:s17], $0x4000  }
0x17f: {  	[sflag:s17] =	ssyncset.done $0x0  }
0x180: {  	[sflag:s17] =	ssyncadd.s32 $0xFFFFC000  }
0x181: {  	[spmem:s2] =	stream.indirect.scatter.add.f32 [tilespmem:s14], [sflag:$0x3], $0x80, s18, s12, $0xb8;
	[tilespmem:$0x1D000] =	vst v63  }
0x182: {  	_ =	swait.ge [sflag:s16], $0x4000  }
0x183: {  	[sflag:s16] =	ssyncset.done $0x0  }
0x184: {  	[sflag:s16] =	ssyncadd.s32 $0xFFFFC000  }
0x185: {  	[tilespmem:s14], [sflag:$0x2] =	stream.indirect.gather [hbm4b:s4+s12], $0x80, s19, s12, $0xb8;
	[tilespmem:$0x1D000] =	vst v63  }
0x186: {  	_ =	swait.ge [sflag:s15], $0x4000  }
0x187: {  	[sflag:s15] =	ssyncset.done $0x0  }
0x188: {  	[sflag:s15] =	ssyncadd.s32 $0xFFFFC000  }
0x189: {  	[spmem:s2] =	stream.indirect.scatter.add.f32 [tilespmem:s13], [sflag:$0x3], $0x80, s20, s12, $0xb8;
	[tilespmem:$0x1D000] =	vst v63  }
0x18a: {  	_ =	swait.ge [sflag:s16], $0x4000  }
0x18b: {  	[sflag:s16] =	ssyncset.done $0x0  }
0x18c: {  	[sflag:s16] =	ssyncadd.s32 $0xFFFFC000  }
0x18d: {  	[tilespmem:s13], [sflag:$0x1] =	stream.indirect.gather [hbm4b:s4+s12], $0x80, s21, s12, $0xb8;
	[tilespmem:$0x1D000] =	vst v63  }
0x18e: {  	_ =	swait.ge [sflag:s17], $0x4000  }
0x18f: {  	[sflag:s17] =	ssyncset.done $0x0  }
0x190: {  	[sflag:s17] =	ssyncadd.s32 $0xFFFFC000  }
0x191: {  	[spmem:s2] =	stream.indirect.scatter.add.f32 [tilespmem:s14], [sflag:$0x3], $0x80, s22, s12, $0xb8;
	[tilespmem:$0x1D000] =	vst v63  }
0x192: {  	_ =	swait.ge [sflag:s16], $0x4000  }
0x193: {  	[sflag:s16] =	ssyncset.done $0x0  }
0x194: {  	[sflag:s16] =	ssyncadd.s32 $0xFFFFC000  }
0x195: {  	[tilespmem:s14], [sflag:$0x2] =	stream.indirect.gather [hbm4b:s4+s12], $0x80, s23, s12, $0xb8;
	[tilespmem:$0x1D000] =	vst v63  }
0x196: {  	_ =	swait.ge [sflag:s15], $0x4000  }
0x197: {  	[sflag:s15] =	ssyncset.done $0x0  }
0x198: {  	[sflag:s15] =	ssyncadd.s32 $0xFFFFC000  }
0x199: {  	[spmem:s2] =	stream.indirect.scatter.add.f32 [tilespmem:s13], [sflag:$0x3], $0x80, s24, s12, $0xb8;
	[tilespmem:$0x1D000] =	vst v63  }
0x19a: {  	_ =	swait.ge [sflag:s16], $0x4000  }
0x19b: {  	[sflag:s16] =	ssyncset.done $0x0  }
0x19c: {  	[sflag:s16] =	ssyncadd.s32 $0xFFFFC000  }
0x19d: {  	[tilespmem:s13], [sflag:$0x1] =	stream.indirect.gather [hbm4b:s4+s12], $0x80, s25, s12, $0xb8;
	[tilespmem:$0x1D000] =	vst v63  }
0x19e: {  	_ =	swait.ge [sflag:s17], $0x4000  }
0x19f: {  	[sflag:s17] =	ssyncset.done $0x0  }
0x1a0: {  	[sflag:s17] =	ssyncadd.s32 $0xFFFFC000  }
0x1a1: {  	[spmem:s2] =	stream.indirect.scatter.add.f32 [tilespmem:s14], [sflag:$0x3], $0x80, s26, s12, $0xb8;
	[tilespmem:$0x1D000] =	vst v63  }
0x1a2: {  	_ =	swait.ge [sflag:s16], $0x4000  }
0x1a3: {  	[sflag:s16] =	ssyncset.done $0x0  }
0x1a4: {  	[sflag:s16] =	ssyncadd.s32 $0xFFFFC000  }
0x1a5: {  	[tilespmem:s14], [sflag:$0x2] =	stream.indirect.gather [hbm4b:s4+s12], $0x80, s28, s12, $0xb8;
	[tilespmem:$0x1D000] =	vst v63  }
0x1a6: {  	_ =	swait.ge [sflag:s15], $0x4000  }
0x1a7: {  	[sflag:s15] =	ssyncset.done $0x0  }
0x1a8: {  	[sflag:s15] =	ssyncadd.s32 $0xFFFFC000  }
0x1a9: {  	[spmem:s2] =	stream.indirect.scatter.add.f32 [tilespmem:s13], [sflag:$0x3], $0x80, s29, s12, $0xb8;
	[tilespmem:$0x1D000] =	vst v63  }
0x1aa: {  	_ =	swait.ge [sflag:s16], $0x4000  }
0x1ab: {  	[sflag:s16] =	ssyncset.done $0x0  }
0x1ac: {  	[sflag:s16] =	ssyncadd.s32 $0xFFFFC000  }
0x1ad: {  	[tilespmem:s13], [sflag:$0x1] =	stream.indirect.gather [hbm4b:s4+s12], $0x80, s30, s12, $0xb8;
	[tilespmem:$0x1D000] =	vst v63  }
0x1ae: {  	_ =	swait.ge [sflag:s17], $0x4000  }
0x1af: {  	[sflag:s17] =	ssyncset.done $0x0  }
0x1b0: {  	[sflag:s17] =	ssyncadd.s32 $0xFFFFC000  }
0x1b1: {  	[spmem:s2] =	stream.indirect.scatter.add.f32 [tilespmem:s14], [sflag:$0x3], $0x80, s31, s12, $0xb8;
	[tilespmem:$0x1D000] =	vst v63  }
0x1b2: {  	_ =	swait.ge [sflag:s16], $0x4000  }
0x1b3: {  	[sflag:s16] =	ssyncset.done $0x0  }
0x1b4: {  	[sflag:s16] =	ssyncadd.s32 $0xFFFFC000  }
0x1b5: {  	[tilespmem:s14], [sflag:$0x2] =	stream.indirect.gather [hbm4b:s4+s12], $0x80, s1, s12, $0xb8;
	[tilespmem:$0x1D000] =	vst v63  }
0x1b6: {  	_ =	swait.ge [sflag:s15], $0x4000  }
0x1b7: {  	[sflag:s15] =	ssyncset.done $0x0  }
0x1b8: {  	[sflag:s15] =	ssyncadd.s32 $0xFFFFC000  }
0x1b9: {  	[spmem:s2] =	stream.indirect.scatter.add.f32 [tilespmem:s13], [sflag:$0x3], $0x80, s0, s12, $0xb8;
	[tilespmem:$0x1D000] =	vst v63  }
0x1ba: {  	_ =	swait.ge [sflag:s16], $0x4000  }
0x1bb: {  	[sflag:s16] =	ssyncset.done $0x0  }
0x1bc: {  	[sflag:s16] =	ssyncadd.s32 $0xFFFFC000  }
0x1bd: {  	_ =	swait.ge [sflag:s17], $0x4000  }
0x1be: {  	[sflag:s17] =	ssyncset.done $0x0  }
0x1bf: {  	[sflag:s17] =	ssyncadd.s32 $0xFFFFC000  }
0x1c0: {  	[spmem:s2] =	stream.indirect.scatter.add.f32 [tilespmem:s14], [sflag:$0x3], $0x80, s5, s12, $0xb8;
	[tilespmem:$0x1D000] =	vst v63  }
0x1c1: {  	_ =	swait.ge [sflag:s16], $0x4000  }
0x1c2: {  	[sflag:s16] =	ssyncset.done $0x0  }
0x1c3: {  	[sflag:s16] =	ssyncadd.s32 $0xFFFFC000  }
0x1c4: {  	[bflag:$0x0] =	sbarrier.arrive $0xFFFF  }
0x1c5: {  	s7 =	rddreg [dreg:$0x13]  }
0x1c6: {  	s9 =	rddreg [dreg:$0x14]  }
0x1c7: {  	s8 =	rddreg [dreg:$0x16]  }
0x1c8: {  	[hbm:s9], [sflag:s7] =	dma.local [spmem:s8], $0x2800  }
0x1c9: {  	_ =	swait.ge [sflag:s10], $0x2800  }
0x1ca: {  	s6 =	rddreg [dreg:$0x17]  }
0x1cb: {  	s9 =	sadd.s32 $0x1, s6;
	s6 =	rddreg [dreg:$0x15]  }
0x1cc: {  	p0 =	sne.s32 s9, s6  }
.Ltmp1:
0x1cd: {  	_ = 	snop;
	(pc) =	sbr.rel @p0 .LBB2_1-.Ltmp1, $3  }
0x1ce: {  	_ =	sdelay $0x1  }
0x1cf: {  	[sflag:s10] =	ssyncset.done $0x0  }
0x1d0: {  	[sflag:s10] =	ssyncadd.s32 $0xFFFFD800  }
0x1d1: {  	_ =	sfence.sel $0x180000  }
0x1d2: {  	[bflag:$0x0] =	sbarrier.arrive $0xFFFF  }
0x1d3: {  	_ =	strace $0x9000004A  }
0x1d4: {  	s0 =	stileid.u32;
	[bflag:$0x2] =	sbarrier.arrive $0xFFFF  }
0x1d5: {  	p0 =	sne.s32 s0, $0x0;
	s0 =	rddreg [dreg:$0x2]  }
0x1d6: {  	s0 =	sadd.s32 @!p0 $0x100000, s0  }
0x1d7: {  	[sflag:s0] =	ssyncadd.tile.s32 @!p0 $0x1;
	_ =	shalt  }
.Lfunc_end2:
_tile_overlayer_lowered:
.L_overlay_start_2:
0x1d8: {  	(tag) =	ssettag $0x2  }
0x1d9: {  	s0 =	rddreg [dreg:$0x0];
	s2 =	stileid.u32  }
0x1da: {  	s1 =	rddreg [dreg:$0x1];
	p0 =	sne.s32 s2, $0x0  }
0x1db: {  	s3 =	rddreg [dreg:$0x2];
	[bflag:$0x3] =	sbarrier.arrive $0xFFFF;
	s2 =	simm.s32 @!p0 $0x1C04  }
0x1dc: {  	[timem:s3], [sflag:s2] =	dma.local @!p0 [hbm:s0], s1  }
0x1dd: {  	s0 =	simm.s32 @!p0 $0x4  }
0x1de: {  	_ =	swait.ge @!p0 [sflag:s0], s1  }
0x1df: {  	s1 =	ssub.s32 @!p0 $0x0, s1;
	[sflag:s0] =	ssyncset.done @!p0 $0x0  }
0x1e0: {  	[sflag:s0] =	ssyncadd.s32 @!p0 s1  }
0x1e1: {  	[bflag:$0x3] =	sbarrier.arrive $0xFFFF  }
0x1e2: {  	_ =	shalt  }

// kernel: kernel.15.cloned.1.call-start
scs
__scs_entry_jumppad:
0x0: {  	(pc) =	sbr.rel $0x88, $3  }
0x1: {  	(tag) =	ssettag $0x0;
	lr =	simm.s32 $0x1  }
0x2: {  	[smem:$0x3F99] =	sst lr;
	_ =	strace $0xD0000000  }
0x3: {  	_ = 	snop  }
0x4: {  	_ = 	snop  }
0x5: {  	_ = 	snop  }
0x6: {  	_ = 	snop  }
0x7: {  	_ = 	snop  }
__scs_overlays_trampoline_lowered:
0x8: {  	[smem:$0x3FA8] =	sst s0  }
0x9: {  	[smem:$0x3FA9] =	sst s1  }
0xa: {  	[smem:$0x3FAA] =	sst s2  }
0xb: {  	[smem:$0x3FAB] =	sst s3  }
0xc: {  	[smem:$0x3FAC] =	sst s4  }
0xd: {  	[smem:$0x3FAD] =	sst s5  }
0xe: {  	[smem:$0x3FAE] =	sst s6  }
0xf: {  	[smem:$0x3FAF] =	sst s7  }
0x10: {  	[smem:$0x3FB0] =	sst s8  }
0x11: {  	[smem:$0x3FB1] =	sst s9;
	s0 =	simm.s32 @!p0 $0x0  }
0x12: {  	s1 =	sld [smem:$0x3F97];
	s0 =	simm.s32 @p0 $0x1  }
0x13: {  	[smem:$0x3FB2] =	sst s0;
	s0 =	simm.s32 @!p1 $0x0  }
0x14: {  	s2 =	sld [smem:$0x3F96];
	s0 =	simm.s32 @p1 $0x1  }
0x15: {  	[smem:$0x3FB3] =	sst s0;
	s0 =	simm.s32 @!p2 $0x0  }
0x16: {  	s3 =	sld [smem:$0x3FDB];
	s0 =	simm.s32 @p2 $0x1  }
0x17: {  	s4 =	simm.s32 $0x1BF5;
	[smem:$0x3FB5] =	sst s0  }
0x18: {  	s0 =	sld [smem:$0x3F98];
	_ =	swait.ge [sflag:s4], $0x0  }
0x19: {  	s7 =	sld [smem:$0x3F99]  }
0x1a: {  	s8 =	sadd.s32 $0xFFFFE003, lr  }
0x1b: {  	s9 =	sadd.s32 $0xFFFFFEF7, lr;
	s5 =	simm.s32 $0xFFFFFFFF;
	p2 =	slt.u32 s8, $0xFFFFF086  }
0x1c: {  	p1 =	slt.u32 s9, $0xF7A;
	s5 =	simm.s32 @!p2 $0x0  }
0x1d: {  	s5 =	simm.s32 @p1 $0x1;
	p0 =	seq.s32 s7, s2  }
0x1e: {  	s7 =	smul.u32 @!p0 $0xF7A, s2;
	p2 =	seq.s32 @!p0 s5, $0x0  }
0x1f: {  	s9 =	smul.u32 $0xF7A, s1;
	s8 =	simm.s32 @!p0 $0x1BF5;
	p2 =	por !p2, p0  }
0x20: {  	[sflag:s8] =	ssyncset.s32 @!p0 $0xFFFFF086;
	s6 =	sadd.s32 @!p0 s3, s7;
	s7 =	simm.s32 @!p0 $0x108  }
0x21: {  	s3 =	sadd.s32 s3, s9;
	s6 =	sadd.s32 @!p0 $0x88, s6;
	s7 =	simm.s32 @p2 $0x1082  }
0x22: {  	[simem:s7], [sflag:s8] =	dma.local @!p0 [hbm:s6], $0xF7A  }
0x23: {  	s9 =	sor.u32 $0xD0000000, s2;
	s6 =	simm.s32 $0x108;
	_ =	swait.ge @!p0 [sflag:s8], $0x0  }
0x24: {  	s3 =	sadd.s32 $0x88, s3;
	s6 =	simm.s32 @!p1 $0x1082;
	[sflag:s4] =	ssyncset.s32 $0xFFFFF086  }
0x25: {  	[simem:s6], [sflag:s4] =	dma.local [hbm:s3], $0xF7A  }
0x26: {  	[smem:$0x3F99] =	sst s1;
	(tag) =	ssettag s2;
	_ =	strace s9  }
0x27: {  	s1 =	sld [smem:$0x3FA9]  }
0x28: {  	s2 =	sld [smem:$0x3FAA]  }
0x29: {  	s4 =	sld [smem:$0x3FAC]  }
0x2a: {  	p0 =	seq.s32 s5, $0x0;
	s5 =	sld [smem:$0x3FAD]  }
0x2b: {  	s6 =	sld [smem:$0x3FAE]  }
0x2c: {  	s7 =	sld [smem:$0x3FAF]  }
0x2d: {  	s3 =	simm.s32 $0x108;
	s8 =	sld [smem:$0x3FB0]  }
0x2e: {  	s3 =	simm.s32 @!p0 $0x1082;
	s9 =	sld [smem:$0x3FB1]  }
0x2f: {  	lr =	sadd.s32 s0, s3;
	s0 =	sld [smem:$0x3FA8]  }
0x30: {  	s3 =	sld [smem:$0x3FAB]  }
0x31: {  	[smem:$0x3FB4] =	sst s10  }
0x32: {  	s10 =	sld [smem:$0x3FB2];
	_ =	sdelay $0x3  }
0x33: {  	p0 =	seq.s32 s10, $0x1;
	s10 =	sld [smem:$0x3FB4];
	_ =	sdelay $0x3  }
0x34: {  	[smem:$0x3FB4] =	sst s10  }
0x35: {  	s10 =	sld [smem:$0x3FB3];
	_ =	sdelay $0x3  }
0x36: {  	p1 =	seq.s32 s10, $0x1;
	s10 =	sld [smem:$0x3FB4];
	_ =	sdelay $0x3  }
0x37: {  	[smem:$0x3FB4] =	sst s10  }
0x38: {  	s10 =	sld [smem:$0x3FB5]  }
0x39: {  	_ = 	snop;
	(pc) =	sbr.ind lr, $3  }
0x3a: {  	_ = 	snop  }
0x3b: {  	_ = 	snop  }
0x3c: {  	p2 =	seq.s32 s10, $0x1;
	s10 =	sld [smem:$0x3FB4]  }
0x3d: {  	_ =	shalt  }
0x3e: {  	_ =	shalt  }
0x3f: {  	_ =	shalt  }
0x40: {  	_ =	shalt  }
0x41: {  	_ =	shalt  }
0x42: {  	_ =	shalt  }
0x43: {  	_ =	shalt  }
0x44: {  	_ =	shalt  }
0x45: {  	_ =	shalt  }
0x46: {  	_ =	shalt  }
0x47: {  	_ =	shalt  }
0x48: {  	_ =	shalt  }
0x49: {  	_ =	shalt  }
0x4a: {  	_ =	shalt  }
0x4b: {  	_ =	shalt  }
0x4c: {  	_ =	shalt  }
0x4d: {  	_ =	shalt  }
0x4e: {  	_ =	shalt  }
0x4f: {  	_ =	shalt  }
0x50: {  	_ =	shalt  }
0x51: {  	_ =	shalt  }
0x52: {  	_ =	shalt  }
0x53: {  	_ =	shalt  }
0x54: {  	_ =	shalt  }
0x55: {  	_ =	shalt  }
0x56: {  	_ =	shalt  }
0x57: {  	_ =	shalt  }
0x58: {  	_ =	shalt  }
0x59: {  	_ =	shalt  }
0x5a: {  	_ =	shalt  }
0x5b: {  	_ =	shalt  }
0x5c: {  	_ =	shalt  }
0x5d: {  	_ =	shalt  }
0x5e: {  	_ =	shalt  }
0x5f: {  	_ =	shalt  }
0x60: {  	_ =	shalt  }
0x61: {  	_ =	shalt  }
0x62: {  	_ =	shalt  }
0x63: {  	_ =	shalt  }
0x64: {  	_ =	shalt  }
0x65: {  	_ =	shalt  }
0x66: {  	_ =	shalt  }
0x67: {  	_ =	shalt  }
0x68: {  	_ =	shalt  }
0x69: {  	_ =	shalt  }
0x6a: {  	_ =	shalt  }
0x6b: {  	_ =	shalt  }
0x6c: {  	_ =	shalt  }
0x6d: {  	_ =	shalt  }
0x6e: {  	_ =	shalt  }
0x6f: {  	_ =	shalt  }
0x70: {  	_ =	shalt  }
0x71: {  	_ =	shalt  }
0x72: {  	_ =	shalt  }
0x73: {  	_ =	shalt  }
0x74: {  	_ =	shalt  }
0x75: {  	_ =	shalt  }
0x76: {  	_ =	shalt  }
0x77: {  	_ =	shalt  }
0x78: {  	_ =	shalt  }
0x79: {  	_ =	shalt  }
0x7a: {  	_ =	shalt  }
0x7b: {  	_ =	shalt  }
0x7c: {  	_ =	shalt  }
0x7d: {  	_ =	shalt  }
0x7e: {  	_ =	shalt  }
0x7f: {  	_ =	shalt  }
0x80: {  	_ =	shalt  }
0x81: {  	_ =	shalt  }
0x82: {  	_ =	shalt  }
0x83: {  	_ =	shalt  }
0x84: {  	_ =	shalt  }
0x85: {  	_ =	shalt  }
0x86: {  	_ =	shalt  }
0x87: {  	_ =	shalt  }
.Lfunc_end0:
.L_simem_size_0:
called_computation.2_lowered:
.L_overlay_start_0:
0x88: {  	s2 =	sld [smem:$0x3FD9]  }
0x89: {  	s3 =	sld [smem:$0x3FFE];
	_ =	sdelay $0x1  }
0x8a: {  	s1 =	srdreg.scid  }
0x8b: {  	s0 =	sand.u32 $0x1, s1  }
0x8c: {  	s16 =	sshll.u32 s0, $0xA;
	s2 =	sadd.s32 s3, s2  }
0x8d: {  	s2 =	sadd.s32 s2, s16  }
0x8e: {  	[smem:$0x3FC0] =	sst s2  }
0x8f: {  	_ = 	snop  }
0x90: {  	(tm) =	ssettm $0x1  }
0x91: {  	s17 =	sld [smem:$0x3FFB];
	_ =	sdelay $0x3  }
0x92: {  	_ =	strace s17  }
0x93: {  	s2 =	sld [smem:$0x3FFC];
	_ =	sdelay $0x3  }
0x94: {  	_ =	strace s2  }
0x95: {  	s2 =	sld [smem:$0x3FFD];
	_ =	sdelay $0x3  }
0x96: {  	_ =	strace s2  }
0x97: {  	_ =	strace $0x8FFFFFFF  }
0x98: {  	s18 =	sld [smem:$0x3FDB];
	_ =	sdelay $0x1  }
0x99: {  	s19 =	simm.s32 $_scs_section_size  }
0x9a: {  	s4 =	simm.s32 $_size__tile_overlayer_lowered;
	s5 =	simm.s32 $_tile_overlayer_lowered  }
0x9b: {  	s22 =	simm.s32 $0x1BFF;
	s21 =	sshll.u32 s5, $0x1;
	s2 =	sadd.s32 s19, s18  }
0x9c: {  	s6 =	simm.s32 $0x0;
	s20 =	sshll.u32 s4, $0x1;
	s4 =	sadd.s32 s21, s2  }
0x9d: {  	[timem:s6], [sflag:s22] =	dma.local [hbm:s4], s20  }
0x9e: {  	_ =	swait.ge [sflag:s22], s20  }
0x9f: {  	s3 =	ssub.s32 $0x0, s20;
	[sflag:s22] =	ssyncset.done $0x0  }
0xa0: {  	[sflag:s22] =	ssyncadd.s32 s3;
	_ =	sdelay $0x1  }
0xa1: {  	s23 =	simm.s32 $0x1B8B  }
0xa2: {  	_ =	swait.ge [sflag:s23], $0x1  }
0xa3: {  	[sflag:s23] =	ssyncset.done $0x0  }
0xa4: {  	s25 =	simm.s32 $0x1B8E;
	s24 =	sld [smem:$0x3FFE];
	[sflag:s23] =	ssyncadd.s32 $0xFFFFFFFF  }
0xa5: {  	s26 =	simm.s32 $execute0_lowered;
	[smem:$0x3FD2] =	sst s25  }
0xa6: {  	s4 =	sshll.u32 s26, $0x1;
	_ =	strace $0x8000004C;
	[dreg:$0x1] =	wrdreg $0xFFFFFFFF  }
0xa7: {  	s28 =	simm.s32 $_size_execute0_lowered;
	s2 =	sadd.s32 s2, s4;
	[dreg:$0x0] =	wrdreg $0x0  }
0xa8: {  	s4 =	sshll.u32 s28, $0x1;
	[dreg:$0x2] =	wrdreg s2  }
0xa9: {  	[dreg:$0x3] =	wrdreg s4  }
0xaa: {  	[dreg:$0x4] =	wrdreg $0xC0  }
0xab: {  	_ =	task [dreg:s6], $0x5FFFF  }
0xac: {  	[dreg:$0x1] =	wrdreg $0xFFFFFFFF  }
0xad: {  	[dreg:$0x0] =	wrdreg $0x60  }
0xae: {  	[dreg:$0x2] =	wrdreg s24  }
0xaf: {  	[dreg:$0x3] =	wrdreg $0x90000  }
0xb0: {  	[dreg:$0x4] =	wrdreg $0x9  }
0xb1: {  	_ =	task.clear_ibuf [dreg:s6], $0x5FFFF;
	_ =	strace $0x9000004C  }
0xb2: {  	s29 =	simm.s32 $0x9;
	_ =	strace $0x8000004E  }
0xb3: {  	_ =	swait.ge [sflag:s29], $0x1  }
0xb4: {  	[sflag:s29] =	ssyncadd.s32 $0xFFFFFFFF  }
0xb5: {  	_ =	strace $0x9000004E  }
0xb6: {  	_ =	sfence  }
0xb7: {  	s30 =	sld [smem:$0x0];
	_ =	sdelay $0x2  }
0xb8: {  	s31 =	sshll.u32 s1, $0xD;
	s1 =	sshrl.u32 s1, $0x2  }
0xb9: {  	s3 =	sand.u32 $0x4000, s31;
	s1 =	sadd.s32 s1, s30  }
0xba: {  	s0 =	sor.u32 s3, s0;
	s1 =	sshll.u32 s1, $0x11  }
0xbb: {  	s0 =	sor.u32 s1, s0  }
0xbc: {  	s0 =	sadd.s32 $0x8F2B, s0  }
0xbd: {  	[sflag:s0] =	ssyncadd.remote.s32 $0x1  }
0xbe: {  	_ =	sfence.sel $0xFFFF  }
0xbf: {  	[dreg:$0x0] =	wrdreg $0xFFFFFFFF;
	(pc) =	sbr.abs _section_cstart, $3  }
0xc0: {  	[dreg:$0x1] =	wrdreg $0xFFFFFFFF  }
0xc1: {  	_ =	task.clear_ibuf [dreg:s6], $0x2FFFF;
	_ =	strace $0x9FFFFFFF  }
0xc2: {  	(tm) =	ssettm $0x7FFFFFFF  }
0xc3: {  	_ =	shalt  }
tec
execute0_lowered:
.L_overlay_start_1:
0x0: {  	(tag) =	ssettag $0x1  }
0x1: {  	s0 =	srdreg.scid;
	s1 =	rddreg [dreg:$0x0]  }
0x2: {  	s8 =	stileid.u32;
	s2 =	rddreg [dreg:$0x1]  }
0x3: {  	s3 =	simm.s32 $0x0;
	s14 =	simm.s32 $0x100;
	s15 =	simm.s32 $0x880  }
0x4: {  	s16 =	simm.s32 $0x180;
	[smem:$0x7FF] =	sst s3;
	s9 =	sadd.s32 $0x3EA00, s1  }
0x5: {  	s17 =	simm.s32 $0x900;
	_ =	strace $0x8000004D;
	[dreg:$0x12] =	wrdreg s9  }
0x6: {  	s18 =	simm.s32 $0x200;
	s19 =	simm.s32 $0x980;
	[dreg:$0x5] =	wrdreg s14  }
0x7: {  	s20 =	simm.s32 $0x280;
	s21 =	simm.s32 $0xA00;
	[dreg:$0x6] =	wrdreg s15  }
0x8: {  	s22 =	simm.s32 $0x300;
	s23 =	simm.s32 $0xA80;
	[dreg:$0x7] =	wrdreg s16  }
0x9: {  	s24 =	simm.s32 $0x380;
	s28 =	simm.s32 $0x680;
	[dreg:$0x8] =	wrdreg s17  }
0xa: {  	s29 =	simm.s32 $0xE00;
	s4 =	smul.u32 $0x5000, s8;
	[dreg:$0x9] =	wrdreg s18  }
0xb: {  	s30 =	simm.s32 $0x700;
	s25 =	smul.u32 $0x14000, s8;
	[dreg:$0xa] =	wrdreg s19  }
0xc: {  	s0 =	sand.u32 $0x1, s0;
	s26 =	smul.u32 $0x50000, s8;
	[dreg:$0xb] =	wrdreg s20  }
0xd: {  	s31 =	simm.s32 $0xE80;
	s5 =	smul.u32 $0x2800, s0;
	[dreg:$0xc] =	wrdreg s21  }
0xe: {  	s13 =	sshll.u32 s8, $0x6;
	s6 =	smul.u32 $0x140000, s0;
	[dreg:$0xd] =	wrdreg s22  }
0xf: {  	s0 =	ssub.s32 $0x2, s0;
	s14 =	simm.s32 $0x5000;
	[dreg:$0xe] =	wrdreg s23  }
0x10: {  	s15 =	simm.s32 $0x1;
	s16 =	simm.s32 $0x3;
	[dreg:$0xf] =	wrdreg s24  }
0x11: {  	s17 =	simm.s32 $0x2;
	s18 =	simm.s32 $0xB80;
	s19 =	simm.s32 $0x480  }
0x12: {  	s20 =	simm.s32 $0xC00;
	s21 =	simm.s32 $0x500;
	s22 =	simm.s32 $0xC80  }
0x13: {  	s23 =	simm.s32 $0x580;
	s24 =	simm.s32 $0xD00;
	s9 =	sshrl.u32 s0, $0x1  }
0x14: {  	s10 =	sshrl.u32 s26, $0x2;
	s26 =	simm.s32 $0x400;
	s4 =	sadd.s32 s5, s4  }
0x15: {  	s5 =	sadd.s32 s25, s6;
	s0 =	ssub.s32 s0, s9;
	s25 =	simm.s32 $0xB00  }
0x16: {  	[dreg:$0x11] =	wrdreg s26;
	s26 =	simm.s32 $0xD80;
	s9 =	simm.s32 $0x0  }
0x17: {  	s7 =	sshrl.u32 s4, $0x3;
	s4 =	sadd.s32 $0x16A00, s1;
	s5 =	sshrl.u32 s5, $0x3  }
0x18: {  	s0 =	smax.u32 s0, $0x1;
	[dreg:$0x10] =	wrdreg s25;
	s25 =	simm.s32 $0x600  }
0x19: {  	s7 =	sadd.s32 s7, s1;
	s1 =	sadd.s32 s5, s1;
	s5 =	sadd.s32 s10, s2  }
0x1a: {  	[dreg:$0x15] =	wrdreg s0;
	s10 =	simm.s32 $0x4;
	s11 =	sadd.s32 $0xCA00, s7  }
0x1b: {  	s0 =	simm.s32 $0xF00;
	s12 =	sadd.s32 $0x2A00, s7;
	[dreg:$0x3] =	wrdreg s11  }
0x1c: {  	s7 =	sor.u32 $0x1C04, s13;
	s1 =	sadd.s32 $0x41200, s1;
	[dreg:$0x4] =	wrdreg s12  }
0x1d: {  	s8 =	sshrl.u32 s5, $0x3;
	s13 =	simm.s32 $0x1000;
	[dreg:$0x14] =	wrdreg s1  }
0x1e: {  	s5 =	simm.s32 $0xF80;
	s11 =	simm.s32 $0x800;
	[dreg:$0x13] =	wrdreg s7  }
0x1f: {  	s12 =	simm.s32 $0x80;
	s1 =	simm.s32 $0x780;
	[dreg:$0x16] =	wrdreg s8  }
.LBB2_1:
0x20: {  	[dreg:$0x17] =	wrdreg s9  }
0x21: {  	s6 =	rddreg [dreg:$0x12]  }
0x22: {  	[spmem:s8], [sflag:s7] =	dma.local [hbm:s6], $0x2800  }
0x23: {  	_ =	swait.ge [sflag:s10], $0x2800  }
0x24: {  	[sflag:s10] =	ssyncset.done $0x0  }
0x25: {  	[sflag:s10] =	ssyncadd.s32 $0xFFFFD800  }
0x26: {  	[bflag:$0x0] =	sbarrier.arrive $0xFFFF  }
0x27: {  	s7 =	rddreg [dreg:$0x4]  }
0x28: {  	s6 =	sadd.s32 $0x0, s7  }
0x29: {  	[tilespmem:s3], [sflag:$0x4] =	stream.linear.gather [hbm4b:s6+s3], $0x800, $0x38;
	[tilespmem:$0x1D000] =	vst v63  }
0x2a: {  	_ =	swait.ge [sflag:s10], $0x800  }
0x2b: {  	s8 =	rddreg [dreg:$0x3];
	[sflag:s10] =	ssyncset.done $0x0  }
0x2c: {  	[sflag:s10] =	ssyncadd.s32 $0xFFFFF800;
	s6 =	sadd.s32 $0x0, s8  }
0x2d: {  	[tilespmem:s11], [sflag:$0x4] =	stream.linear.gather [hbm4b:s6+s3], $0x800, $0x38;
	[tilespmem:$0x1D000] =	vst v63  }
0x2e: {  	_ =	swait.ge [sflag:s10], $0x800  }
0x2f: {  	[sflag:s10] =	ssyncset.done $0x0  }
0x30: {  	[sflag:s10] =	ssyncadd.s32 $0xFFFFF800  }
0x31: {  	[tilespmem:s13], [sflag:$0x1] =	stream.indirect.gather [hbm4b:s4+s12], $0x80, s3, s12, $0xb8;
	[tilespmem:$0x1D000] =	vst v63  }
0x32: {  	_ = 	snop  }
0x33: {  	[tilespmem:s14], [sflag:$0x2] =	stream.indirect.gather [hbm4b:s4+s12], $0x80, s12, s12, $0xb8;
	[tilespmem:$0x1D000] =	vst v63  }
0x34: {  	_ =	swait.ge [sflag:s15], $0x4000  }
0x35: {  	[sflag:s15] =	ssyncset.done $0x0  }
0x36: {  	[sflag:s15] =	ssyncadd.s32 $0xFFFFC000  }
0x37: {  	[spmem:s2] =	stream.indirect.scatter.add.f32 [tilespmem:s13], [sflag:$0x3], $0x80, s11, s12, $0xb8;
	[tilespmem:$0x1D000] =	vst v63  }
0x38: {  	_ =	swait.ge [sflag:s16], $0x4000  }
0x39: {  	[sflag:s16] =	ssyncset.done $0x0  }
0x3a: {  	s9 =	rddreg [dreg:$0x5];
	[sflag:s16] =	ssyncadd.s32 $0xFFFFC000  }
0x3b: {  	[tilespmem:s13], [sflag:$0x1] =	stream.indirect.gather [hbm4b:s4+s12], $0x80, s9, s12, $0xb8;
	[tilespmem:$0x1D000] =	vst v63  }
0x3c: {  	_ =	swait.ge [sflag:s17], $0x4000  }
0x3d: {  	[sflag:s17] =	ssyncset.done $0x0  }
0x3e: {  	s7 =	rddreg [dreg:$0x6];
	[sflag:s17] =	ssyncadd.s32 $0xFFFFC000  }
0x3f: {  	[spmem:s2] =	stream.indirect.scatter.add.f32 [tilespmem:s14], [sflag:$0x3], $0x80, s7, s12, $0xb8;
	[tilespmem:$0x1D000] =	vst v63  }
0x40: {  	_ =	swait.ge [sflag:s16], $0x4000  }
0x41: {  	[sflag:s16] =	ssyncset.done $0x0  }
0x42: {  	s8 =	rddreg [dreg:$0x7];
	[sflag:s16] =	ssyncadd.s32 $0xFFFFC000  }
0x43: {  	[tilespmem:s14], [sflag:$0x2] =	stream.indirect.gather [hbm4b:s4+s12], $0x80, s8, s12, $0xb8;
	[tilespmem:$0x1D000] =	vst v63  }
0x44: {  	_ =	swait.ge [sflag:s15], $0x4000  }
0x45: {  	[sflag:s15] =	ssyncset.done $0x0  }
0x46: {  	s9 =	rddreg [dreg:$0x8];
	[sflag:s15] =	ssyncadd.s32 $0xFFFFC000  }
0x47: {  	[spmem:s2] =	stream.indirect.scatter.add.f32 [tilespmem:s13], [sflag:$0x3], $0x80, s9, s12, $0xb8;
	[tilespmem:$0x1D000] =	vst v63  }
0x48: {  	_ =	swait.ge [sflag:s16], $0x4000  }
0x49: {  	[sflag:s16] =	ssyncset.done $0x0  }
0x4a: {  	s7 =	rddreg [dreg:$0x9];
	[sflag:s16] =	ssyncadd.s32 $0xFFFFC000  }
0x4b: {  	[tilespmem:s13], [sflag:$0x1] =	stream.indirect.gather [hbm4b:s4+s12], $0x80, s7, s12, $0xb8;
	[tilespmem:$0x1D000] =	vst v63  }
0x4c: {  	_ =	swait.ge [sflag:s17], $0x4000  }
0x4d: {  	[sflag:s17] =	ssyncset.done $0x0  }
0x4e: {  	s8 =	rddreg [dreg:$0xa];
	[sflag:s17] =	ssyncadd.s32 $0xFFFFC000  }
0x4f: {  	[spmem:s2] =	stream.indirect.scatter.add.f32 [tilespmem:s14], [sflag:$0x3], $0x80, s8, s12, $0xb8;
	[tilespmem:$0x1D000] =	vst v63  }
0x50: {  	_ =	swait.ge [sflag:s16], $0x4000  }
0x51: {  	[sflag:s16] =	ssyncset.done $0x0  }
0x52: {  	s9 =	rddreg [dreg:$0xb];
	[sflag:s16] =	ssyncadd.s32 $0xFFFFC000  }
0x53: {  	[tilespmem:s14], [sflag:$0x2] =	stream.indirect.gather [hbm4b:s4+s12], $0x80, s9, s12, $0xb8;
	[tilespmem:$0x1D000] =	vst v63  }
0x54: {  	_ =	swait.ge [sflag:s15], $0x4000  }
0x55: {  	[sflag:s15] =	ssyncset.done $0x0  }
0x56: {  	s7 =	rddreg [dreg:$0xc];
	[sflag:s15] =	ssyncadd.s32 $0xFFFFC000  }
0x57: {  	[spmem:s2] =	stream.indirect.scatter.add.f32 [tilespmem:s13], [sflag:$0x3], $0x80, s7, s12, $0xb8;
	[tilespmem:$0x1D000] =	vst v63  }
0x58: {  	_ =	swait.ge [sflag:s16], $0x4000  }
0x59: {  	[sflag:s16] =	ssyncset.done $0x0  }
0x5a: {  	s8 =	rddreg [dreg:$0xd];
	[sflag:s16] =	ssyncadd.s32 $0xFFFFC000  }
0x5b: {  	[tilespmem:s13], [sflag:$0x1] =	stream.indirect.gather [hbm4b:s4+s12], $0x80, s8, s12, $0xb8;
	[tilespmem:$0x1D000] =	vst v63  }
0x5c: {  	_ =	swait.ge [sflag:s17], $0x4000  }
0x5d: {  	[sflag:s17] =	ssyncset.done $0x0  }
0x5e: {  	s9 =	rddreg [dreg:$0xe];
	[sflag:s17] =	ssyncadd.s32 $0xFFFFC000  }
0x5f: {  	[spmem:s2] =	stream.indirect.scatter.add.f32 [tilespmem:s14], [sflag:$0x3], $0x80, s9, s12, $0xb8;
	[tilespmem:$0x1D000] =	vst v63  }
0x60: {  	_ =	swait.ge [sflag:s16], $0x4000  }
0x61: {  	[sflag:s16] =	ssyncset.done $0x0  }
0x62: {  	s7 =	rddreg [dreg:$0xf];
	[sflag:s16] =	ssyncadd.s32 $0xFFFFC000  }
0x63: {  	[tilespmem:s14], [sflag:$0x2] =	stream.indirect.gather [hbm4b:s4+s12], $0x80, s7, s12, $0xb8;
	[tilespmem:$0x1D000] =	vst v63  }
0x64: {  	_ =	swait.ge [sflag:s15], $0x4000  }
0x65: {  	[sflag:s15] =	ssyncset.done $0x0  }
0x66: {  	s8 =	rddreg [dreg:$0x10];
	[sflag:s15] =	ssyncadd.s32 $0xFFFFC000  }
0x67: {  	[spmem:s2] =	stream.indirect.scatter.add.f32 [tilespmem:s13], [sflag:$0x3], $0x80, s8, s12, $0xb8;
	[tilespmem:$0x1D000] =	vst v63  }
0x68: {  	_ =	swait.ge [sflag:s16], $0x4000  }
0x69: {  	[sflag:s16] =	ssyncset.done $0x0  }
0x6a: {  	s9 =	rddreg [dreg:$0x11];
	[sflag:s16] =	ssyncadd.s32 $0xFFFFC000  }
0x6b: {  	[tilespmem:s13], [sflag:$0x1] =	stream.indirect.gather [hbm4b:s4+s12], $0x80, s9, s12, $0xb8;
	[tilespmem:$0x1D000] =	vst v63  }
0x6c: {  	_ =	swait.ge [sflag:s17], $0x4000  }
0x6d: {  	[sflag:s17] =	ssyncset.done $0x0  }
0x6e: {  	[sflag:s17] =	ssyncadd.s32 $0xFFFFC000  }
0x6f: {  	[spmem:s2] =	stream.indirect.scatter.add.f32 [tilespmem:s14], [sflag:$0x3], $0x80, s18, s12, $0xb8;
	[tilespmem:$0x1D000] =	vst v63  }
0x70: {  	_ =	swait.ge [sflag:s16], $0x4000  }
0x71: {  	[sflag:s16] =	ssyncset.done $0x0  }
0x72: {  	[sflag:s16] =	ssyncadd.s32 $0xFFFFC000  }
0x73: {  	[tilespmem:s14], [sflag:$0x2] =	stream.indirect.gather [hbm4b:s4+s12], $0x80, s19, s12, $0xb8;
	[tilespmem:$0x1D000] =	vst v63  }
0x74: {  	_ =	swait.ge [sflag:s15], $0x4000  }
0x75: {  	[sflag:s15] =	ssyncset.done $0x0  }
0x76: {  	[sflag:s15] =	ssyncadd.s32 $0xFFFFC000  }
0x77: {  	[spmem:s2] =	stream.indirect.scatter.add.f32 [tilespmem:s13], [sflag:$0x3], $0x80, s20, s12, $0xb8;
	[tilespmem:$0x1D000] =	vst v63  }
0x78: {  	_ =	swait.ge [sflag:s16], $0x4000  }
0x79: {  	[sflag:s16] =	ssyncset.done $0x0  }
0x7a: {  	[sflag:s16] =	ssyncadd.s32 $0xFFFFC000  }
0x7b: {  	[tilespmem:s13], [sflag:$0x1] =	stream.indirect.gather [hbm4b:s4+s12], $0x80, s21, s12, $0xb8;
	[tilespmem:$0x1D000] =	vst v63  }
0x7c: {  	_ =	swait.ge [sflag:s17], $0x4000  }
0x7d: {  	[sflag:s17] =	ssyncset.done $0x0  }
0x7e: {  	[sflag:s17] =	ssyncadd.s32 $0xFFFFC000  }
0x7f: {  	[spmem:s2] =	stream.indirect.scatter.add.f32 [tilespmem:s14], [sflag:$0x3], $0x80, s22, s12, $0xb8;
	[tilespmem:$0x1D000] =	vst v63  }
0x80: {  	_ =	swait.ge [sflag:s16], $0x4000  }
0x81: {  	[sflag:s16] =	ssyncset.done $0x0  }
0x82: {  	[sflag:s16] =	ssyncadd.s32 $0xFFFFC000  }
0x83: {  	[tilespmem:s14], [sflag:$0x2] =	stream.indirect.gather [hbm4b:s4+s12], $0x80, s23, s12, $0xb8;
	[tilespmem:$0x1D000] =	vst v63  }
0x84: {  	_ =	swait.ge [sflag:s15], $0x4000  }
0x85: {  	[sflag:s15] =	ssyncset.done $0x0  }
0x86: {  	[sflag:s15] =	ssyncadd.s32 $0xFFFFC000  }
0x87: {  	[spmem:s2] =	stream.indirect.scatter.add.f32 [tilespmem:s13], [sflag:$0x3], $0x80, s24, s12, $0xb8;
	[tilespmem:$0x1D000] =	vst v63  }
0x88: {  	_ =	swait.ge [sflag:s16], $0x4000  }
0x89: {  	[sflag:s16] =	ssyncset.done $0x0  }
0x8a: {  	[sflag:s16] =	ssyncadd.s32 $0xFFFFC000  }
0x8b: {  	[tilespmem:s13], [sflag:$0x1] =	stream.indirect.gather [hbm4b:s4+s12], $0x80, s25, s12, $0xb8;
	[tilespmem:$0x1D000] =	vst v63  }
0x8c: {  	_ =	swait.ge [sflag:s17], $0x4000  }
0x8d: {  	[sflag:s17] =	ssyncset.done $0x0  }
0x8e: {  	[sflag:s17] =	ssyncadd.s32 $0xFFFFC000  }
0x8f: {  	[spmem:s2] =	stream.indirect.scatter.add.f32 [tilespmem:s14], [sflag:$0x3], $0x80, s26, s12, $0xb8;
	[tilespmem:$0x1D000] =	vst v63  }
0x90: {  	_ =	swait.ge [sflag:s16], $0x4000  }
0x91: {  	[sflag:s16] =	ssyncset.done $0x0  }
0x92: {  	[sflag:s16] =	ssyncadd.s32 $0xFFFFC000  }
0x93: {  	[tilespmem:s14], [sflag:$0x2] =	stream.indirect.gather [hbm4b:s4+s12], $0x80, s28, s12, $0xb8;
	[tilespmem:$0x1D000] =	vst v63  }
0x94: {  	_ =	swait.ge [sflag:s15], $0x4000  }
0x95: {  	[sflag:s15] =	ssyncset.done $0x0  }
0x96: {  	[sflag:s15] =	ssyncadd.s32 $0xFFFFC000  }
0x97: {  	[spmem:s2] =	stream.indirect.scatter.add.f32 [tilespmem:s13], [sflag:$0x3], $0x80, s29, s12, $0xb8;
	[tilespmem:$0x1D000] =	vst v63  }
0x98: {  	_ =	swait.ge [sflag:s16], $0x4000  }
0x99: {  	[sflag:s16] =	ssyncset.done $0x0  }
0x9a: {  	[sflag:s16] =	ssyncadd.s32 $0xFFFFC000  }
0x9b: {  	[tilespmem:s13], [sflag:$0x1] =	stream.indirect.gather [hbm4b:s4+s12], $0x80, s30, s12, $0xb8;
	[tilespmem:$0x1D000] =	vst v63  }
0x9c: {  	_ =	swait.ge [sflag:s17], $0x4000  }
0x9d: {  	[sflag:s17] =	ssyncset.done $0x0  }
0x9e: {  	[sflag:s17] =	ssyncadd.s32 $0xFFFFC000  }
0x9f: {  	[spmem:s2] =	stream.indirect.scatter.add.f32 [tilespmem:s14], [sflag:$0x3], $0x80, s31, s12, $0xb8;
	[tilespmem:$0x1D000] =	vst v63  }
0xa0: {  	_ =	swait.ge [sflag:s16], $0x4000  }
0xa1: {  	[sflag:s16] =	ssyncset.done $0x0  }
0xa2: {  	[sflag:s16] =	ssyncadd.s32 $0xFFFFC000  }
0xa3: {  	[tilespmem:s14], [sflag:$0x2] =	stream.indirect.gather [hbm4b:s4+s12], $0x80, s1, s12, $0xb8;
	[tilespmem:$0x1D000] =	vst v63  }
0xa4: {  	_ =	swait.ge [sflag:s15], $0x4000  }
0xa5: {  	[sflag:s15] =	ssyncset.done $0x0  }
0xa6: {  	[sflag:s15] =	ssyncadd.s32 $0xFFFFC000  }
0xa7: {  	[spmem:s2] =	stream.indirect.scatter.add.f32 [tilespmem:s13], [sflag:$0x3], $0x80, s0, s12, $0xb8;
	[tilespmem:$0x1D000] =	vst v63  }
0xa8: {  	_ =	swait.ge [sflag:s16], $0x4000  }
0xa9: {  	[sflag:s16] =	ssyncset.done $0x0  }
0xaa: {  	[sflag:s16] =	ssyncadd.s32 $0xFFFFC000  }
0xab: {  	_ =	swait.ge [sflag:s17], $0x4000  }
0xac: {  	[sflag:s17] =	ssyncset.done $0x0  }
0xad: {  	[sflag:s17] =	ssyncadd.s32 $0xFFFFC000  }
0xae: {  	[spmem:s2] =	stream.indirect.scatter.add.f32 [tilespmem:s14], [sflag:$0x3], $0x80, s5, s12, $0xb8;
	[tilespmem:$0x1D000] =	vst v63  }
0xaf: {  	s6 =	simm.s32 $0x200;
	_ =	swait.ge [sflag:s16], $0x4000  }
0xb0: {  	s8 =	simm.s32 $0x100;
	s9 =	rddreg [dreg:$0x4];
	[sflag:s16] =	ssyncset.done $0x0  }
.LBB2_2:
0xb1: {  	[sflag:s16] =	ssyncadd.s32 $0xFFFFC000;
	s9 =	sadd.s32 s8, s9  }
0xb2: {  	[tilespmem:s3], [sflag:$0x4] =	stream.linear.gather [hbm4b:s9+s3], $0x800, $0x38;
	[tilespmem:$0x1D000] =	vst v63  }
0xb3: {  	_ =	swait.ge [sflag:s10], $0x800  }
0xb4: {  	s9 =	rddreg [dreg:$0x3];
	[sflag:s10] =	ssyncset.done $0x0  }
0xb5: {  	[sflag:s10] =	ssyncadd.s32 $0xFFFFF800;
	s9 =	sadd.s32 s8, s9  }
0xb6: {  	[tilespmem:s11], [sflag:$0x4] =	stream.linear.gather [hbm4b:s9+s3], $0x800, $0x38;
	[tilespmem:$0x1D000] =	vst v63  }
0xb7: {  	_ =	swait.ge [sflag:s10], $0x800  }
0xb8: {  	[sflag:s10] =	ssyncset.done $0x0  }
0xb9: {  	[sflag:s10] =	ssyncadd.s32 $0xFFFFF800  }
0xba: {  	[tilespmem:s13], [sflag:$0x1] =	stream.indirect.gather [hbm4b:s4+s12], $0x80, s3, s12, $0xb8;
	[tilespmem:$0x1D000] =	vst v63  }
0xbb: {  	_ = 	snop  }
0xbc: {  	[tilespmem:s14], [sflag:$0x2] =	stream.indirect.gather [hbm4b:s4+s12], $0x80, s12, s12, $0xb8;
	[tilespmem:$0x1D000] =	vst v63  }
0xbd: {  	_ =	swait.ge [sflag:s15], $0x4000  }
0xbe: {  	[sflag:s15] =	ssyncset.done $0x0  }
0xbf: {  	[sflag:s15] =	ssyncadd.s32 $0xFFFFC000  }
0xc0: {  	[spmem:s2] =	stream.indirect.scatter.add.f32 [tilespmem:s13], [sflag:$0x3], $0x80, s11, s12, $0xb8;
	[tilespmem:$0x1D000] =	vst v63  }
0xc1: {  	_ =	swait.ge [sflag:s16], $0x4000  }
0xc2: {  	[sflag:s16] =	ssyncset.done $0x0  }
0xc3: {  	s9 =	rddreg [dreg:$0x5];
	[sflag:s16] =	ssyncadd.s32 $0xFFFFC000  }
0xc4: {  	[tilespmem:s13], [sflag:$0x1] =	stream.indirect.gather [hbm4b:s4+s12], $0x80, s9, s12, $0xb8;
	[tilespmem:$0x1D000] =	vst v63  }
0xc5: {  	_ =	swait.ge [sflag:s17], $0x4000  }
0xc6: {  	[sflag:s17] =	ssyncset.done $0x0  }
0xc7: {  	s9 =	rddreg [dreg:$0x6];
	[sflag:s17] =	ssyncadd.s32 $0xFFFFC000  }
0xc8: {  	[spmem:s2] =	stream.indirect.scatter.add.f32 [tilespmem:s14], [sflag:$0x3], $0x80, s9, s12, $0xb8;
	[tilespmem:$0x1D000] =	vst v63  }
0xc9: {  	_ =	swait.ge [sflag:s16], $0x4000  }
0xca: {  	[sflag:s16] =	ssyncset.done $0x0  }
0xcb: {  	s9 =	rddreg [dreg:$0x7];
	[sflag:s16] =	ssyncadd.s32 $0xFFFFC000  }
0xcc: {  	[tilespmem:s14], [sflag:$0x2] =	stream.indirect.gather [hbm4b:s4+s12], $0x80, s9, s12, $0xb8;
	[tilespmem:$0x1D000] =	vst v63  }
0xcd: {  	_ =	swait.ge [sflag:s15], $0x4000  }
0xce: {  	[sflag:s15] =	ssyncset.done $0x0  }
0xcf: {  	s9 =	rddreg [dreg:$0x8];
	[sflag:s15] =	ssyncadd.s32 $0xFFFFC000  }
0xd0: {  	[spmem:s2] =	stream.indirect.scatter.add.f32 [tilespmem:s13], [sflag:$0x3], $0x80, s9, s12, $0xb8;
	[tilespmem:$0x1D000] =	vst v63  }
0xd1: {  	_ =	swait.ge [sflag:s16], $0x4000  }
0xd2: {  	[sflag:s16] =	ssyncset.done $0x0  }
0xd3: {  	s9 =	rddreg [dreg:$0x9];
	[sflag:s16] =	ssyncadd.s32 $0xFFFFC000  }
0xd4: {  	[tilespmem:s13], [sflag:$0x1] =	stream.indirect.gather [hbm4b:s4+s12], $0x80, s9, s12, $0xb8;
	[tilespmem:$0x1D000] =	vst v63  }
0xd5: {  	_ =	swait.ge [sflag:s17], $0x4000  }
0xd6: {  	[sflag:s17] =	ssyncset.done $0x0  }
0xd7: {  	s9 =	rddreg [dreg:$0xa];
	[sflag:s17] =	ssyncadd.s32 $0xFFFFC000  }
0xd8: {  	[spmem:s2] =	stream.indirect.scatter.add.f32 [tilespmem:s14], [sflag:$0x3], $0x80, s9, s12, $0xb8;
	[tilespmem:$0x1D000] =	vst v63  }
0xd9: {  	_ =	swait.ge [sflag:s16], $0x4000  }
0xda: {  	[sflag:s16] =	ssyncset.done $0x0  }
0xdb: {  	s9 =	rddreg [dreg:$0xb];
	[sflag:s16] =	ssyncadd.s32 $0xFFFFC000  }
0xdc: {  	[tilespmem:s14], [sflag:$0x2] =	stream.indirect.gather [hbm4b:s4+s12], $0x80, s9, s12, $0xb8;
	[tilespmem:$0x1D000] =	vst v63  }
0xdd: {  	_ =	swait.ge [sflag:s15], $0x4000  }
0xde: {  	[sflag:s15] =	ssyncset.done $0x0  }
0xdf: {  	s9 =	rddreg [dreg:$0xc];
	[sflag:s15] =	ssyncadd.s32 $0xFFFFC000  }
0xe0: {  	[spmem:s2] =	stream.indirect.scatter.add.f32 [tilespmem:s13], [sflag:$0x3], $0x80, s9, s12, $0xb8;
	[tilespmem:$0x1D000] =	vst v63  }
0xe1: {  	_ =	swait.ge [sflag:s16], $0x4000  }
0xe2: {  	[sflag:s16] =	ssyncset.done $0x0  }
0xe3: {  	s9 =	rddreg [dreg:$0xd];
	[sflag:s16] =	ssyncadd.s32 $0xFFFFC000  }
0xe4: {  	[tilespmem:s13], [sflag:$0x1] =	stream.indirect.gather [hbm4b:s4+s12], $0x80, s9, s12, $0xb8;
	[tilespmem:$0x1D000] =	vst v63  }
0xe5: {  	_ =	swait.ge [sflag:s17], $0x4000  }
0xe6: {  	[sflag:s17] =	ssyncset.done $0x0  }
0xe7: {  	s9 =	rddreg [dreg:$0xe];
	[sflag:s17] =	ssyncadd.s32 $0xFFFFC000  }
0xe8: {  	[spmem:s2] =	stream.indirect.scatter.add.f32 [tilespmem:s14], [sflag:$0x3], $0x80, s9, s12, $0xb8;
	[tilespmem:$0x1D000] =	vst v63  }
0xe9: {  	_ =	swait.ge [sflag:s16], $0x4000  }
0xea: {  	[sflag:s16] =	ssyncset.done $0x0  }
0xeb: {  	s9 =	rddreg [dreg:$0xf];
	[sflag:s16] =	ssyncadd.s32 $0xFFFFC000  }
0xec: {  	[tilespmem:s14], [sflag:$0x2] =	stream.indirect.gather [hbm4b:s4+s12], $0x80, s9, s12, $0xb8;
	[tilespmem:$0x1D000] =	vst v63  }
0xed: {  	_ =	swait.ge [sflag:s15], $0x4000  }
0xee: {  	[sflag:s15] =	ssyncset.done $0x0  }
0xef: {  	s9 =	rddreg [dreg:$0x10];
	[sflag:s15] =	ssyncadd.s32 $0xFFFFC000  }
0xf0: {  	[spmem:s2] =	stream.indirect.scatter.add.f32 [tilespmem:s13], [sflag:$0x3], $0x80, s9, s12, $0xb8;
	[tilespmem:$0x1D000] =	vst v63  }
0xf1: {  	_ =	swait.ge [sflag:s16], $0x4000  }
0xf2: {  	[sflag:s16] =	ssyncset.done $0x0  }
0xf3: {  	s9 =	rddreg [dreg:$0x11];
	[sflag:s16] =	ssyncadd.s32 $0xFFFFC000  }
0xf4: {  	[tilespmem:s13], [sflag:$0x1] =	stream.indirect.gather [hbm4b:s4+s12], $0x80, s9, s12, $0xb8;
	[tilespmem:$0x1D000] =	vst v63  }
0xf5: {  	_ =	swait.ge [sflag:s17], $0x4000  }
0xf6: {  	[sflag:s17] =	ssyncset.done $0x0  }
0xf7: {  	[sflag:s17] =	ssyncadd.s32 $0xFFFFC000  }
0xf8: {  	[spmem:s2] =	stream.indirect.scatter.add.f32 [tilespmem:s14], [sflag:$0x3], $0x80, s18, s12, $0xb8;
	[tilespmem:$0x1D000] =	vst v63  }
0xf9: {  	_ =	swait.ge [sflag:s16], $0x4000  }
0xfa: {  	[sflag:s16] =	ssyncset.done $0x0  }
0xfb: {  	[sflag:s16] =	ssyncadd.s32 $0xFFFFC000  }
0xfc: {  	[tilespmem:s14], [sflag:$0x2] =	stream.indirect.gather [hbm4b:s4+s12], $0x80, s19, s12, $0xb8;
	[tilespmem:$0x1D000] =	vst v63  }
0xfd: {  	_ =	swait.ge [sflag:s15], $0x4000  }
0xfe: {  	[sflag:s15] =	ssyncset.done $0x0  }
0xff: {  	[sflag:s15] =	ssyncadd.s32 $0xFFFFC000  }
0x100: {  	[spmem:s2] =	stream.indirect.scatter.add.f32 [tilespmem:s13], [sflag:$0x3], $0x80, s20, s12, $0xb8;
	[tilespmem:$0x1D000] =	vst v63  }
0x101: {  	_ =	swait.ge [sflag:s16], $0x4000  }
0x102: {  	[sflag:s16] =	ssyncset.done $0x0  }
0x103: {  	[sflag:s16] =	ssyncadd.s32 $0xFFFFC000  }
0x104: {  	[tilespmem:s13], [sflag:$0x1] =	stream.indirect.gather [hbm4b:s4+s12], $0x80, s21, s12, $0xb8;
	[tilespmem:$0x1D000] =	vst v63  }
0x105: {  	_ =	swait.ge [sflag:s17], $0x4000  }
0x106: {  	[sflag:s17] =	ssyncset.done $0x0  }
0x107: {  	[sflag:s17] =	ssyncadd.s32 $0xFFFFC000  }
0x108: {  	[spmem:s2] =	stream.indirect.scatter.add.f32 [tilespmem:s14], [sflag:$0x3], $0x80, s22, s12, $0xb8;
	[tilespmem:$0x1D000] =	vst v63  }
0x109: {  	_ =	swait.ge [sflag:s16], $0x4000  }
0x10a: {  	[sflag:s16] =	ssyncset.done $0x0  }
0x10b: {  	[sflag:s16] =	ssyncadd.s32 $0xFFFFC000  }
0x10c: {  	[tilespmem:s14], [sflag:$0x2] =	stream.indirect.gather [hbm4b:s4+s12], $0x80, s23, s12, $0xb8;
	[tilespmem:$0x1D000] =	vst v63  }
0x10d: {  	_ =	swait.ge [sflag:s15], $0x4000  }
0x10e: {  	[sflag:s15] =	ssyncset.done $0x0  }
0x10f: {  	[sflag:s15] =	ssyncadd.s32 $0xFFFFC000  }
0x110: {  	[spmem:s2] =	stream.indirect.scatter.add.f32 [tilespmem:s13], [sflag:$0x3], $0x80, s24, s12, $0xb8;
	[tilespmem:$0x1D000] =	vst v63  }
0x111: {  	_ =	swait.ge [sflag:s16], $0x4000  }
0x112: {  	[sflag:s16] =	ssyncset.done $0x0  }
0x113: {  	[sflag:s16] =	ssyncadd.s32 $0xFFFFC000  }
0x114: {  	[tilespmem:s13], [sflag:$0x1] =	stream.indirect.gather [hbm4b:s4+s12], $0x80, s25, s12, $0xb8;
	[tilespmem:$0x1D000] =	vst v63  }
0x115: {  	_ =	swait.ge [sflag:s17], $0x4000  }
0x116: {  	[sflag:s17] =	ssyncset.done $0x0  }
0x117: {  	[sflag:s17] =	ssyncadd.s32 $0xFFFFC000  }
0x118: {  	[spmem:s2] =	stream.indirect.scatter.add.f32 [tilespmem:s14], [sflag:$0x3], $0x80, s26, s12, $0xb8;
	[tilespmem:$0x1D000] =	vst v63  }
0x119: {  	_ =	swait.ge [sflag:s16], $0x4000  }
0x11a: {  	[sflag:s16] =	ssyncset.done $0x0  }
0x11b: {  	[sflag:s16] =	ssyncadd.s32 $0xFFFFC000  }
0x11c: {  	[tilespmem:s14], [sflag:$0x2] =	stream.indirect.gather [hbm4b:s4+s12], $0x80, s28, s12, $0xb8;
	[tilespmem:$0x1D000] =	vst v63  }
0x11d: {  	_ =	swait.ge [sflag:s15], $0x4000  }
0x11e: {  	[sflag:s15] =	ssyncset.done $0x0  }
0x11f: {  	[sflag:s15] =	ssyncadd.s32 $0xFFFFC000  }
0x120: {  	[spmem:s2] =	stream.indirect.scatter.add.f32 [tilespmem:s13], [sflag:$0x3], $0x80, s29, s12, $0xb8;
	[tilespmem:$0x1D000] =	vst v63  }
0x121: {  	_ =	swait.ge [sflag:s16], $0x4000  }
0x122: {  	[sflag:s16] =	ssyncset.done $0x0  }
0x123: {  	[sflag:s16] =	ssyncadd.s32 $0xFFFFC000  }
0x124: {  	[tilespmem:s13], [sflag:$0x1] =	stream.indirect.gather [hbm4b:s4+s12], $0x80, s30, s12, $0xb8;
	[tilespmem:$0x1D000] =	vst v63  }
0x125: {  	_ =	swait.ge [sflag:s17], $0x4000  }
0x126: {  	[sflag:s17] =	ssyncset.done $0x0  }
0x127: {  	[sflag:s17] =	ssyncadd.s32 $0xFFFFC000  }
0x128: {  	[spmem:s2] =	stream.indirect.scatter.add.f32 [tilespmem:s14], [sflag:$0x3], $0x80, s31, s12, $0xb8;
	[tilespmem:$0x1D000] =	vst v63  }
0x129: {  	_ =	swait.ge [sflag:s16], $0x4000  }
0x12a: {  	[sflag:s16] =	ssyncset.done $0x0  }
0x12b: {  	[sflag:s16] =	ssyncadd.s32 $0xFFFFC000  }
0x12c: {  	[tilespmem:s14], [sflag:$0x2] =	stream.indirect.gather [hbm4b:s4+s12], $0x80, s1, s12, $0xb8;
	[tilespmem:$0x1D000] =	vst v63  }
0x12d: {  	_ =	swait.ge [sflag:s15], $0x4000  }
0x12e: {  	[sflag:s15] =	ssyncset.done $0x0  }
0x12f: {  	[sflag:s15] =	ssyncadd.s32 $0xFFFFC000  }
0x130: {  	[spmem:s2] =	stream.indirect.scatter.add.f32 [tilespmem:s13], [sflag:$0x3], $0x80, s0, s12, $0xb8;
	[tilespmem:$0x1D000] =	vst v63  }
0x131: {  	_ =	swait.ge [sflag:s16], $0x4000  }
0x132: {  	[sflag:s16] =	ssyncset.done $0x0  }
0x133: {  	[sflag:s16] =	ssyncadd.s32 $0xFFFFC000  }
0x134: {  	p0 =	sne.s32 s6, $0x400;
	_ =	swait.ge [sflag:s17], $0x4000  }
.Ltmp0:
0x135: {  	[sflag:s17] =	ssyncset.done $0x0;
	(pc) =	sbr.rel @p0 .LBB2_2-.Ltmp0, $4  }
0x136: {  	[sflag:s17] =	ssyncadd.s32 $0xFFFFC000  }
0x137: {  	[spmem:s2] =	stream.indirect.scatter.add.f32 [tilespmem:s14], [sflag:$0x3], $0x80, s5, s12, $0xb8;
	[tilespmem:$0x1D000] =	vst v63  }
0x138: {  	s7 =	smov.u32 s6;
	s6 =	sadd.s32 $0x100, s6;
	_ =	swait.ge [sflag:s16], $0x4000  }
0x139: {  	s8 =	smov.u32 s7;
	s9 =	rddreg [dreg:$0x4];
	[sflag:s16] =	ssyncset.done $0x0  }
0x13a: {  	[sflag:s16] =	ssyncadd.s32 $0xFFFFC000;
	s6 =	sadd.s32 s8, s9  }
0x13b: {  	[tilespmem:s3], [sflag:$0x4] =	stream.linear.gather [hbm4b:s6+s3], $0x800, $0x38;
	[tilespmem:$0x1D000] =	vst v63  }
0x13c: {  	_ =	swait.ge [sflag:s10], $0x800  }
0x13d: {  	s7 =	rddreg [dreg:$0x3];
	[sflag:s10] =	ssyncset.done $0x0  }
0x13e: {  	s6 =	sadd.s32 s8, s7;
	[sflag:s10] =	ssyncadd.s32 $0xFFFFF800  }
0x13f: {  	[tilespmem:s11], [sflag:$0x4] =	stream.linear.gather [hbm4b:s6+s3], $0x800, $0x38;
	[tilespmem:$0x1D000] =	vst v63  }
0x140: {  	_ =	swait.ge [sflag:s10], $0x800  }
0x141: {  	[sflag:s10] =	ssyncset.done $0x0  }
0x142: {  	[sflag:s10] =	ssyncadd.s32 $0xFFFFF800  }
0x143: {  	[tilespmem:s13], [sflag:$0x1] =	stream.indirect.gather [hbm4b:s4+s12], $0x80, s3, s12, $0xb8;
	[tilespmem:$0x1D000] =	vst v63  }
0x144: {  	_ = 	snop  }
0x145: {  	[tilespmem:s14], [sflag:$0x2] =	stream.indirect.gather [hbm4b:s4+s12], $0x80, s12, s12, $0xb8;
	[tilespmem:$0x1D000] =	vst v63  }
0x146: {  	_ =	swait.ge [sflag:s15], $0x4000  }
0x147: {  	[sflag:s15] =	ssyncset.done $0x0  }
0x148: {  	[sflag:s15] =	ssyncadd.s32 $0xFFFFC000  }
0x149: {  	[spmem:s2] =	stream.indirect.scatter.add.f32 [tilespmem:s13], [sflag:$0x3], $0x80, s11, s12, $0xb8;
	[tilespmem:$0x1D000] =	vst v63  }
0x14a: {  	_ =	swait.ge [sflag:s16], $0x4000  }
0x14b: {  	[sflag:s16] =	ssyncset.done $0x0  }
0x14c: {  	s8 =	rddreg [dreg:$0x5];
	[sflag:s16] =	ssyncadd.s32 $0xFFFFC000  }
0x14d: {  	[tilespmem:s13], [sflag:$0x1] =	stream.indirect.gather [hbm4b:s4+s12], $0x80, s8, s12, $0xb8;
	[tilespmem:$0x1D000] =	vst v63  }
0x14e: {  	_ =	swait.ge [sflag:s17], $0x4000  }
0x14f: {  	[sflag:s17] =	ssyncset.done $0x0  }
0x150: {  	s9 =	rddreg [dreg:$0x6];
	[sflag:s17] =	ssyncadd.s32 $0xFFFFC000  }
0x151: {  	[spmem:s2] =	stream.indirect.scatter.add.f32 [tilespmem:s14], [sflag:$0x3], $0x80, s9, s12, $0xb8;
	[tilespmem:$0x1D000] =	vst v63  }
0x152: {  	_ =	swait.ge [sflag:s16], $0x4000  }
0x153: {  	[sflag:s16] =	ssyncset.done $0x0  }
0x154: {  	s7 =	rddreg [dreg:$0x7];
	[sflag:s16] =	ssyncadd.s32 $0xFFFFC000  }
0x155: {  	[tilespmem:s14], [sflag:$0x2] =	stream.indirect.gather [hbm4b:s4+s12], $0x80, s7, s12, $0xb8;
	[tilespmem:$0x1D000] =	vst v63  }
0x156: {  	_ =	swait.ge [sflag:s15], $0x4000  }
0x157: {  	[sflag:s15] =	ssyncset.done $0x0  }
0x158: {  	s8 =	rddreg [dreg:$0x8];
	[sflag:s15] =	ssyncadd.s32 $0xFFFFC000  }
0x159: {  	[spmem:s2] =	stream.indirect.scatter.add.f32 [tilespmem:s13], [sflag:$0x3], $0x80, s8, s12, $0xb8;
	[tilespmem:$0x1D000] =	vst v63  }
0x15a: {  	_ =	swait.ge [sflag:s16], $0x4000  }
0x15b: {  	[sflag:s16] =	ssyncset.done $0x0  }
0x15c: {  	s9 =	rddreg [dreg:$0x9];
	[sflag:s16] =	ssyncadd.s32 $0xFFFFC000  }
0x15d: {  	[tilespmem:s13], [sflag:$0x1] =	stream.indirect.gather [hbm4b:s4+s12], $0x80, s9, s12, $0xb8;
	[tilespmem:$0x1D000] =	vst v63  }
0x15e: {  	_ =	swait.ge [sflag:s17], $0x4000  }
0x15f: {  	[sflag:s17] =	ssyncset.done $0x0  }
0x160: {  	s7 =	rddreg [dreg:$0xa];
	[sflag:s17] =	ssyncadd.s32 $0xFFFFC000  }
0x161: {  	[spmem:s2] =	stream.indirect.scatter.add.f32 [tilespmem:s14], [sflag:$0x3], $0x80, s7, s12, $0xb8;
	[tilespmem:$0x1D000] =	vst v63  }
0x162: {  	_ =	swait.ge [sflag:s16], $0x4000  }
0x163: {  	[sflag:s16] =	ssyncset.done $0x0  }
0x164: {  	s8 =	rddreg [dreg:$0xb];
	[sflag:s16] =	ssyncadd.s32 $0xFFFFC000  }
0x165: {  	[tilespmem:s14], [sflag:$0x2] =	stream.indirect.gather [hbm4b:s4+s12], $0x80, s8, s12, $0xb8;
	[tilespmem:$0x1D000] =	vst v63  }
0x166: {  	_ =	swait.ge [sflag:s15], $0x4000  }
0x167: {  	[sflag:s15] =	ssyncset.done $0x0  }
0x168: {  	s9 =	rddreg [dreg:$0xc];
	[sflag:s15] =	ssyncadd.s32 $0xFFFFC000  }
0x169: {  	[spmem:s2] =	stream.indirect.scatter.add.f32 [tilespmem:s13], [sflag:$0x3], $0x80, s9, s12, $0xb8;
	[tilespmem:$0x1D000] =	vst v63  }
0x16a: {  	_ =	swait.ge [sflag:s16], $0x4000  }
0x16b: {  	[sflag:s16] =	ssyncset.done $0x0  }
0x16c: {  	s7 =	rddreg [dreg:$0xd];
	[sflag:s16] =	ssyncadd.s32 $0xFFFFC000  }
0x16d: {  	[tilespmem:s13], [sflag:$0x1] =	stream.indirect.gather [hbm4b:s4+s12], $0x80, s7, s12, $0xb8;
	[tilespmem:$0x1D000] =	vst v63  }
0x16e: {  	_ =	swait.ge [sflag:s17], $0x4000  }
0x16f: {  	[sflag:s17] =	ssyncset.done $0x0  }
0x170: {  	s8 =	rddreg [dreg:$0xe];
	[sflag:s17] =	ssyncadd.s32 $0xFFFFC000  }
0x171: {  	[spmem:s2] =	stream.indirect.scatter.add.f32 [tilespmem:s14], [sflag:$0x3], $0x80, s8, s12, $0xb8;
	[tilespmem:$0x1D000] =	vst v63  }
0x172: {  	_ =	swait.ge [sflag:s16], $0x4000  }
0x173: {  	[sflag:s16] =	ssyncset.done $0x0  }
0x174: {  	s9 =	rddreg [dreg:$0xf];
	[sflag:s16] =	ssyncadd.s32 $0xFFFFC000  }
0x175: {  	[tilespmem:s14], [sflag:$0x2] =	stream.indirect.gather [hbm4b:s4+s12], $0x80, s9, s12, $0xb8;
	[tilespmem:$0x1D000] =	vst v63  }
0x176: {  	_ =	swait.ge [sflag:s15], $0x4000  }
0x177: {  	[sflag:s15] =	ssyncset.done $0x0  }
0x178: {  	s7 =	rddreg [dreg:$0x10];
	[sflag:s15] =	ssyncadd.s32 $0xFFFFC000  }
0x179: {  	[spmem:s2] =	stream.indirect.scatter.add.f32 [tilespmem:s13], [sflag:$0x3], $0x80, s7, s12, $0xb8;
	[tilespmem:$0x1D000] =	vst v63  }
0x17a: {  	_ =	swait.ge [sflag:s16], $0x4000  }
0x17b: {  	[sflag:s16] =	ssyncset.done $0x0  }
0x17c: {  	s8 =	rddreg [dreg:$0x11];
	[sflag:s16] =	ssyncadd.s32 $0xFFFFC000  }
0x17d: {  	[tilespmem:s13], [sflag:$0x1] =	stream.indirect.gather [hbm4b:s4+s12], $0x80, s8, s12, $0xb8;
	[tilespmem:$0x1D000] =	vst v63  }
0x17e: {  	_ =	swait.ge [sflag:s17], $0x4000  }
0x17f: {  	[sflag:s17] =	ssyncset.done $0x0  }
0x180: {  	[sflag:s17] =	ssyncadd.s32 $0xFFFFC000  }
0x181: {  	[spmem:s2] =	stream.indirect.scatter.add.f32 [tilespmem:s14], [sflag:$0x3], $0x80, s18, s12, $0xb8;
	[tilespmem:$0x1D000] =	vst v63  }
0x182: {  	_ =	swait.ge [sflag:s16], $0x4000  }
0x183: {  	[sflag:s16] =	ssyncset.done $0x0  }
0x184: {  	[sflag:s16] =	ssyncadd.s32 $0xFFFFC000  }
0x185: {  	[tilespmem:s14], [sflag:$0x2] =	stream.indirect.gather [hbm4b:s4+s12], $0x80, s19, s12, $0xb8;
	[tilespmem:$0x1D000] =	vst v63  }
0x186: {  	_ =	swait.ge [sflag:s15], $0x4000  }
0x187: {  	[sflag:s15] =	ssyncset.done $0x0  }
0x188: {  	[sflag:s15] =	ssyncadd.s32 $0xFFFFC000  }
0x189: {  	[spmem:s2] =	stream.indirect.scatter.add.f32 [tilespmem:s13], [sflag:$0x3], $0x80, s20, s12, $0xb8;
	[tilespmem:$0x1D000] =	vst v63  }
0x18a: {  	_ =	swait.ge [sflag:s16], $0x4000  }
0x18b: {  	[sflag:s16] =	ssyncset.done $0x0  }
0x18c: {  	[sflag:s16] =	ssyncadd.s32 $0xFFFFC000  }
0x18d: {  	[tilespmem:s13], [sflag:$0x1] =	stream.indirect.gather [hbm4b:s4+s12], $0x80, s21, s12, $0xb8;
	[tilespmem:$0x1D000] =	vst v63  }
0x18e: {  	_ =	swait.ge [sflag:s17], $0x4000  }
0x18f: {  	[sflag:s17] =	ssyncset.done $0x0  }
0x190: {  	[sflag:s17] =	ssyncadd.s32 $0xFFFFC000  }
0x191: {  	[spmem:s2] =	stream.indirect.scatter.add.f32 [tilespmem:s14], [sflag:$0x3], $0x80, s22, s12, $0xb8;
	[tilespmem:$0x1D000] =	vst v63  }
0x192: {  	_ =	swait.ge [sflag:s16], $0x4000  }
0x193: {  	[sflag:s16] =	ssyncset.done $0x0  }
0x194: {  	[sflag:s16] =	ssyncadd.s32 $0xFFFFC000  }
0x195: {  	[tilespmem:s14], [sflag:$0x2] =	stream.indirect.gather [hbm4b:s4+s12], $0x80, s23, s12, $0xb8;
	[tilespmem:$0x1D000] =	vst v63  }
0x196: {  	_ =	swait.ge [sflag:s15], $0x4000  }
0x197: {  	[sflag:s15] =	ssyncset.done $0x0  }
0x198: {  	[sflag:s15] =	ssyncadd.s32 $0xFFFFC000  }
0x199: {  	[spmem:s2] =	stream.indirect.scatter.add.f32 [tilespmem:s13], [sflag:$0x3], $0x80, s24, s12, $0xb8;
	[tilespmem:$0x1D000] =	vst v63  }
0x19a: {  	_ =	swait.ge [sflag:s16], $0x4000  }
0x19b: {  	[sflag:s16] =	ssyncset.done $0x0  }
0x19c: {  	[sflag:s16] =	ssyncadd.s32 $0xFFFFC000  }
0x19d: {  	[tilespmem:s13], [sflag:$0x1] =	stream.indirect.gather [hbm4b:s4+s12], $0x80, s25, s12, $0xb8;
	[tilespmem:$0x1D000] =	vst v63  }
0x19e: {  	_ =	swait.ge [sflag:s17], $0x4000  }
0x19f: {  	[sflag:s17] =	ssyncset.done $0x0  }
0x1a0: {  	[sflag:s17] =	ssyncadd.s32 $0xFFFFC000  }
0x1a1: {  	[spmem:s2] =	stream.indirect.scatter.add.f32 [tilespmem:s14], [sflag:$0x3], $0x80, s26, s12, $0xb8;
	[tilespmem:$0x1D000] =	vst v63  }
0x1a2: {  	_ =	swait.ge [sflag:s16], $0x4000  }
0x1a3: {  	[sflag:s16] =	ssyncset.done $0x0  }
0x1a4: {  	[sflag:s16] =	ssyncadd.s32 $0xFFFFC000  }
0x1a5: {  	[tilespmem:s14], [sflag:$0x2] =	stream.indirect.gather [hbm4b:s4+s12], $0x80, s28, s12, $0xb8;
	[tilespmem:$0x1D000] =	vst v63  }
0x1a6: {  	_ =	swait.ge [sflag:s15], $0x4000  }
0x1a7: {  	[sflag:s15] =	ssyncset.done $0x0  }
0x1a8: {  	[sflag:s15] =	ssyncadd.s32 $0xFFFFC000  }
0x1a9: {  	[spmem:s2] =	stream.indirect.scatter.add.f32 [tilespmem:s13], [sflag:$0x3], $0x80, s29, s12, $0xb8;
	[tilespmem:$0x1D000] =	vst v63  }
0x1aa: {  	_ =	swait.ge [sflag:s16], $0x4000  }
0x1ab: {  	[sflag:s16] =	ssyncset.done $0x0  }
0x1ac: {  	[sflag:s16] =	ssyncadd.s32 $0xFFFFC000  }
0x1ad: {  	[tilespmem:s13], [sflag:$0x1] =	stream.indirect.gather [hbm4b:s4+s12], $0x80, s30, s12, $0xb8;
	[tilespmem:$0x1D000] =	vst v63  }
0x1ae: {  	_ =	swait.ge [sflag:s17], $0x4000  }
0x1af: {  	[sflag:s17] =	ssyncset.done $0x0  }
0x1b0: {  	[sflag:s17] =	ssyncadd.s32 $0xFFFFC000  }
0x1b1: {  	[spmem:s2] =	stream.indirect.scatter.add.f32 [tilespmem:s14], [sflag:$0x3], $0x80, s31, s12, $0xb8;
	[tilespmem:$0x1D000] =	vst v63  }
0x1b2: {  	_ =	swait.ge [sflag:s16], $0x4000  }
0x1b3: {  	[sflag:s16] =	ssyncset.done $0x0  }
0x1b4: {  	[sflag:s16] =	ssyncadd.s32 $0xFFFFC000  }
0x1b5: {  	[tilespmem:s14], [sflag:$0x2] =	stream.indirect.gather [hbm4b:s4+s12], $0x80, s1, s12, $0xb8;
	[tilespmem:$0x1D000] =	vst v63  }
0x1b6: {  	_ =	swait.ge [sflag:s15], $0x4000  }
0x1b7: {  	[sflag:s15] =	ssyncset.done $0x0  }
0x1b8: {  	[sflag:s15] =	ssyncadd.s32 $0xFFFFC000  }
0x1b9: {  	[spmem:s2] =	stream.indirect.scatter.add.f32 [tilespmem:s13], [sflag:$0x3], $0x80, s0, s12, $0xb8;
	[tilespmem:$0x1D000] =	vst v63  }
0x1ba: {  	_ =	swait.ge [sflag:s16], $0x4000  }
0x1bb: {  	[sflag:s16] =	ssyncset.done $0x0  }
0x1bc: {  	[sflag:s16] =	ssyncadd.s32 $0xFFFFC000  }
0x1bd: {  	_ =	swait.ge [sflag:s17], $0x4000  }
0x1be: {  	[sflag:s17] =	ssyncset.done $0x0  }
0x1bf: {  	[sflag:s17] =	ssyncadd.s32 $0xFFFFC000  }
0x1c0: {  	[spmem:s2] =	stream.indirect.scatter.add.f32 [tilespmem:s14], [sflag:$0x3], $0x80, s5, s12, $0xb8;
	[tilespmem:$0x1D000] =	vst v63  }
0x1c1: {  	_ =	swait.ge [sflag:s16], $0x4000  }
0x1c2: {  	[sflag:s16] =	ssyncset.done $0x0  }
0x1c3: {  	[sflag:s16] =	ssyncadd.s32 $0xFFFFC000  }
0x1c4: {  	[bflag:$0x0] =	sbarrier.arrive $0xFFFF  }
0x1c5: {  	s7 =	rddreg [dreg:$0x13]  }
0x1c6: {  	s9 =	rddreg [dreg:$0x14]  }
0x1c7: {  	s8 =	rddreg [dreg:$0x16]  }
0x1c8: {  	[hbm:s9], [sflag:s7] =	dma.local [spmem:s8], $0x2800  }
0x1c9: {  	_ =	swait.ge [sflag:s10], $0x2800  }
0x1ca: {  	s6 =	rddreg [dreg:$0x17]  }
0x1cb: {  	s9 =	sadd.s32 $0x1, s6;
	s6 =	rddreg [dreg:$0x15]  }
0x1cc: {  	p0 =	sne.s32 s9, s6  }
.Ltmp1:
0x1cd: {  	_ = 	snop;
	(pc) =	sbr.rel @p0 .LBB2_1-.Ltmp1, $3  }
0x1ce: {  	_ =	sdelay $0x1  }
0x1cf: {  	[sflag:s10] =	ssyncset.done $0x0  }
0x1d0: {  	[sflag:s10] =	ssyncadd.s32 $0xFFFFD800  }
0x1d1: {  	_ =	sfence.sel $0x180000  }
0x1d2: {  	[bflag:$0x0] =	sbarrier.arrive $0xFFFF  }
0x1d3: {  	_ =	strace $0x9000004D  }
0x1d4: {  	s0 =	stileid.u32;
	[bflag:$0x2] =	sbarrier.arrive $0xFFFF  }
0x1d5: {  	p0 =	sne.s32 s0, $0x0;
	s0 =	rddreg [dreg:$0x2]  }
0x1d6: {  	s0 =	sadd.s32 @!p0 $0x100000, s0  }
0x1d7: {  	[sflag:s0] =	ssyncadd.tile.s32 @!p0 $0x1;
	_ =	shalt  }
.Lfunc_end2:
_tile_overlayer_lowered:
.L_overlay_start_2:
0x1d8: {  	(tag) =	ssettag $0x2  }
0x1d9: {  	s0 =	rddreg [dreg:$0x0];
	s2 =	stileid.u32  }
0x1da: {  	s1 =	rddreg [dreg:$0x1];
	p0 =	sne.s32 s2, $0x0  }
0x1db: {  	s3 =	rddreg [dreg:$0x2];
	[bflag:$0x3] =	sbarrier.arrive $0xFFFF;
	s2 =	simm.s32 @!p0 $0x1C04  }
0x1dc: {  	[timem:s3], [sflag:s2] =	dma.local @!p0 [hbm:s0], s1  }
0x1dd: {  	s0 =	simm.s32 @!p0 $0x4  }
0x1de: {  	_ =	swait.ge @!p0 [sflag:s0], s1  }
0x1df: {  	s1 =	ssub.s32 @!p0 $0x0, s1;
	[sflag:s0] =	ssyncset.done @!p0 $0x0  }
0x1e0: {  	[sflag:s0] =	ssyncadd.s32 @!p0 s1  }
0x1e1: {  	[bflag:$0x3] =	sbarrier.arrive $0xFFFF  }
0x1e2: {  	_ =	shalt  }

// kernel: kernel.9.cloned.1.call-start
scs
__scs_entry_jumppad:
0x0: {  	(pc) =	sbr.rel $0x88, $3  }
0x1: {  	(tag) =	ssettag $0x0;
	lr =	simm.s32 $0x1  }
0x2: {  	[smem:$0x3F99] =	sst lr;
	_ =	strace $0xD0000000  }
0x3: {  	_ = 	snop  }
0x4: {  	_ = 	snop  }
0x5: {  	_ = 	snop  }
0x6: {  	_ = 	snop  }
0x7: {  	_ = 	snop  }
__scs_overlays_trampoline_lowered:
0x8: {  	[smem:$0x3FA8] =	sst s0  }
0x9: {  	[smem:$0x3FA9] =	sst s1  }
0xa: {  	[smem:$0x3FAA] =	sst s2  }
0xb: {  	[smem:$0x3FAB] =	sst s3  }
0xc: {  	[smem:$0x3FAC] =	sst s4  }
0xd: {  	[smem:$0x3FAD] =	sst s5  }
0xe: {  	[smem:$0x3FAE] =	sst s6  }
0xf: {  	[smem:$0x3FAF] =	sst s7  }
0x10: {  	[smem:$0x3FB0] =	sst s8  }
0x11: {  	[smem:$0x3FB1] =	sst s9;
	s0 =	simm.s32 @!p0 $0x0  }
0x12: {  	s1 =	sld [smem:$0x3F97];
	s0 =	simm.s32 @p0 $0x1  }
0x13: {  	[smem:$0x3FB2] =	sst s0;
	s0 =	simm.s32 @!p1 $0x0  }
0x14: {  	s2 =	sld [smem:$0x3F96];
	s0 =	simm.s32 @p1 $0x1  }
0x15: {  	[smem:$0x3FB3] =	sst s0;
	s0 =	simm.s32 @!p2 $0x0  }
0x16: {  	s3 =	sld [smem:$0x3FDB];
	s0 =	simm.s32 @p2 $0x1  }
0x17: {  	s4 =	simm.s32 $0x1BF5;
	[smem:$0x3FB5] =	sst s0  }
0x18: {  	s0 =	sld [smem:$0x3F98];
	_ =	swait.ge [sflag:s4], $0x0  }
0x19: {  	s7 =	sld [smem:$0x3F99]  }
0x1a: {  	s8 =	sadd.s32 $0xFFFFE003, lr  }
0x1b: {  	s9 =	sadd.s32 $0xFFFFFEF7, lr;
	s5 =	simm.s32 $0xFFFFFFFF;
	p2 =	slt.u32 s8, $0xFFFFF086  }
0x1c: {  	p1 =	slt.u32 s9, $0xF7A;
	s5 =	simm.s32 @!p2 $0x0  }
0x1d: {  	s5 =	simm.s32 @p1 $0x1;
	p0 =	seq.s32 s7, s2  }
0x1e: {  	s7 =	smul.u32 @!p0 $0xF7A, s2;
	p2 =	seq.s32 @!p0 s5, $0x0  }
0x1f: {  	s9 =	smul.u32 $0xF7A, s1;
	s8 =	simm.s32 @!p0 $0x1BF5;
	p2 =	por !p2, p0  }
0x20: {  	[sflag:s8] =	ssyncset.s32 @!p0 $0xFFFFF086;
	s6 =	sadd.s32 @!p0 s3, s7;
	s7 =	simm.s32 @!p0 $0x108  }
0x21: {  	s3 =	sadd.s32 s3, s9;
	s6 =	sadd.s32 @!p0 $0x88, s6;
	s7 =	simm.s32 @p2 $0x1082  }
0x22: {  	[simem:s7], [sflag:s8] =	dma.local @!p0 [hbm:s6], $0xF7A  }
0x23: {  	s9 =	sor.u32 $0xD0000000, s2;
	s6 =	simm.s32 $0x108;
	_ =	swait.ge @!p0 [sflag:s8], $0x0  }
0x24: {  	s3 =	sadd.s32 $0x88, s3;
	s6 =	simm.s32 @!p1 $0x1082;
	[sflag:s4] =	ssyncset.s32 $0xFFFFF086  }
0x25: {  	[simem:s6], [sflag:s4] =	dma.local [hbm:s3], $0xF7A  }
0x26: {  	[smem:$0x3F99] =	sst s1;
	(tag) =	ssettag s2;
	_ =	strace s9  }
0x27: {  	s1 =	sld [smem:$0x3FA9]  }
0x28: {  	s2 =	sld [smem:$0x3FAA]  }
0x29: {  	s4 =	sld [smem:$0x3FAC]  }
0x2a: {  	p0 =	seq.s32 s5, $0x0;
	s5 =	sld [smem:$0x3FAD]  }
0x2b: {  	s6 =	sld [smem:$0x3FAE]  }
0x2c: {  	s7 =	sld [smem:$0x3FAF]  }
0x2d: {  	s3 =	simm.s32 $0x108;
	s8 =	sld [smem:$0x3FB0]  }
0x2e: {  	s3 =	simm.s32 @!p0 $0x1082;
	s9 =	sld [smem:$0x3FB1]  }
0x2f: {  	lr =	sadd.s32 s0, s3;
	s0 =	sld [smem:$0x3FA8]  }
0x30: {  	s3 =	sld [smem:$0x3FAB]  }
0x31: {  	[smem:$0x3FB4] =	sst s10  }
0x32: {  	s10 =	sld [smem:$0x3FB2];
	_ =	sdelay $0x3  }
0x33: {  	p0 =	seq.s32 s10, $0x1;
	s10 =	sld [smem:$0x3FB4];
	_ =	sdelay $0x3  }
0x34: {  	[smem:$0x3FB4] =	sst s10  }
0x35: {  	s10 =	sld [smem:$0x3FB3];
	_ =	sdelay $0x3  }
0x36: {  	p1 =	seq.s32 s10, $0x1;
	s10 =	sld [smem:$0x3FB4];
	_ =	sdelay $0x3  }
0x37: {  	[smem:$0x3FB4] =	sst s10  }
0x38: {  	s10 =	sld [smem:$0x3FB5]  }
0x39: {  	_ = 	snop;
	(pc) =	sbr.ind lr, $3  }
0x3a: {  	_ = 	snop  }
0x3b: {  	_ = 	snop  }
0x3c: {  	p2 =	seq.s32 s10, $0x1;
	s10 =	sld [smem:$0x3FB4]  }
0x3d: {  	_ =	shalt  }
0x3e: {  	_ =	shalt  }
0x3f: {  	_ =	shalt  }
0x40: {  	_ =	shalt  }
0x41: {  	_ =	shalt  }
0x42: {  	_ =	shalt  }
0x43: {  	_ =	shalt  }
0x44: {  	_ =	shalt  }
0x45: {  	_ =	shalt  }
0x46: {  	_ =	shalt  }
0x47: {  	_ =	shalt  }
0x48: {  	_ =	shalt  }
0x49: {  	_ =	shalt  }
0x4a: {  	_ =	shalt  }
0x4b: {  	_ =	shalt  }
0x4c: {  	_ =	shalt  }
0x4d: {  	_ =	shalt  }
0x4e: {  	_ =	shalt  }
0x4f: {  	_ =	shalt  }
0x50: {  	_ =	shalt  }
0x51: {  	_ =	shalt  }
0x52: {  	_ =	shalt  }
0x53: {  	_ =	shalt  }
0x54: {  	_ =	shalt  }
0x55: {  	_ =	shalt  }
0x56: {  	_ =	shalt  }
0x57: {  	_ =	shalt  }
0x58: {  	_ =	shalt  }
0x59: {  	_ =	shalt  }
0x5a: {  	_ =	shalt  }
0x5b: {  	_ =	shalt  }
0x5c: {  	_ =	shalt  }
0x5d: {  	_ =	shalt  }
0x5e: {  	_ =	shalt  }
0x5f: {  	_ =	shalt  }
0x60: {  	_ =	shalt  }
0x61: {  	_ =	shalt  }
0x62: {  	_ =	shalt  }
0x63: {  	_ =	shalt  }
0x64: {  	_ =	shalt  }
0x65: {  	_ =	shalt  }
0x66: {  	_ =	shalt  }
0x67: {  	_ =	shalt  }
0x68: {  	_ =	shalt  }
0x69: {  	_ =	shalt  }
0x6a: {  	_ =	shalt  }
0x6b: {  	_ =	shalt  }
0x6c: {  	_ =	shalt  }
0x6d: {  	_ =	shalt  }
0x6e: {  	_ =	shalt  }
0x6f: {  	_ =	shalt  }
0x70: {  	_ =	shalt  }
0x71: {  	_ =	shalt  }
0x72: {  	_ =	shalt  }
0x73: {  	_ =	shalt  }
0x74: {  	_ =	shalt  }
0x75: {  	_ =	shalt  }
0x76: {  	_ =	shalt  }
0x77: {  	_ =	shalt  }
0x78: {  	_ =	shalt  }
0x79: {  	_ =	shalt  }
0x7a: {  	_ =	shalt  }
0x7b: {  	_ =	shalt  }
0x7c: {  	_ =	shalt  }
0x7d: {  	_ =	shalt  }
0x7e: {  	_ =	shalt  }
0x7f: {  	_ =	shalt  }
0x80: {  	_ =	shalt  }
0x81: {  	_ =	shalt  }
0x82: {  	_ =	shalt  }
0x83: {  	_ =	shalt  }
0x84: {  	_ =	shalt  }
0x85: {  	_ =	shalt  }
0x86: {  	_ =	shalt  }
0x87: {  	_ =	shalt  }
.Lfunc_end0:
.L_simem_size_0:
called_computation_lowered:
.L_overlay_start_0:
0x88: {  	s2 =	sld [smem:$0x3FD9]  }
0x89: {  	s3 =	sld [smem:$0x3FFE];
	_ =	sdelay $0x1  }
0x8a: {  	s1 =	srdreg.scid  }
0x8b: {  	s0 =	sand.u32 $0x1, s1  }
0x8c: {  	s17 =	sshll.u32 s0, $0xA;
	s2 =	sadd.s32 s3, s2  }
0x8d: {  	s2 =	sadd.s32 s2, s17  }
0x8e: {  	[smem:$0x3FC0] =	sst s2  }
0x8f: {  	_ = 	snop  }
0x90: {  	s2 =	sld [smem:$0x3FD0];
	(tm) =	ssettm $0x1  }
0x91: {  	s18 =	sld [smem:$0x3FFB];
	_ =	sdelay $0x3  }
0x92: {  	_ =	strace s18  }
0x93: {  	s3 =	sld [smem:$0x3FFC];
	_ =	sdelay $0x3  }
0x94: {  	_ =	strace s3  }
0x95: {  	s3 =	sld [smem:$0x3FFD];
	_ =	sdelay $0x3  }
0x96: {  	_ =	strace s3  }
0x97: {  	_ =	strace $0x8FFFFFFF  }
0x98: {  	s19 =	sld [smem:$0x3FDB];
	_ =	sdelay $0x1  }
0x99: {  	s4 =	simm.s32 $_scs_section_size  }
0x9a: {  	s5 =	simm.s32 $_size__tile_overlayer_lowered;
	s6 =	simm.s32 $_tile_overlayer_lowered  }
0x9b: {  	s22 =	simm.s32 $0x1BFF;
	s21 =	sshll.u32 s6, $0x1;
	s3 =	sadd.s32 s4, s19  }
0x9c: {  	s7 =	simm.s32 $0x0;
	s20 =	sshll.u32 s5, $0x1;
	s5 =	sadd.s32 s21, s3  }
0x9d: {  	[timem:s7], [sflag:s22] =	dma.local [hbm:s5], s20  }
0x9e: {  	_ =	swait.ge [sflag:s22], s20  }
0x9f: {  	s4 =	ssub.s32 $0x0, s20;
	[sflag:s22] =	ssyncset.done $0x0  }
0xa0: {  	[sflag:s22] =	ssyncadd.s32 s4;
	_ =	sdelay $0x1  }
0xa1: {  	s23 =	simm.s32 $0x1B8B  }
0xa2: {  	_ =	swait.ge [sflag:s23], $0x1  }
0xa3: {  	[sflag:s23] =	ssyncset.done $0x0  }
0xa4: {  	s25 =	simm.s32 $0x1B8E;
	s24 =	sld [smem:$0x3FFE];
	[sflag:s23] =	ssyncadd.s32 $0xFFFFFFFF  }
0xa5: {  	s26 =	simm.s32 $execute0_lowered;
	[smem:$0x3FD2] =	sst s25  }
0xa6: {  	s5 =	sshll.u32 s26, $0x1;
	_ =	strace $0x80000046;
	[dreg:$0x1] =	wrdreg $0xFFFFFFFF  }
0xa7: {  	s28 =	simm.s32 $_size_execute0_lowered;
	s3 =	sadd.s32 s3, s5;
	[dreg:$0x0] =	wrdreg $0x0  }
0xa8: {  	s5 =	sshll.u32 s28, $0x1;
	[dreg:$0x2] =	wrdreg s3  }
0xa9: {  	[dreg:$0x3] =	wrdreg s5  }
0xaa: {  	[dreg:$0x4] =	wrdreg $0xC0  }
0xab: {  	_ =	task [dreg:s7], $0x5FFFF  }
0xac: {  	[dreg:$0x1] =	wrdreg $0xFFFFFFFF  }
0xad: {  	[dreg:$0x0] =	wrdreg $0x60  }
0xae: {  	[dreg:$0x2] =	wrdreg s24  }
0xaf: {  	[dreg:$0x3] =	wrdreg s2  }
0xb0: {  	[dreg:$0x4] =	wrdreg $0x28800  }
0xb1: {  	[dreg:$0x5] =	wrdreg $0x9  }
0xb2: {  	_ =	task.clear_ibuf [dreg:s7], $0x6FFFF;
	_ =	strace $0x90000046  }
0xb3: {  	s29 =	simm.s32 $0x9;
	_ =	strace $0x80000048  }
0xb4: {  	_ =	swait.ge [sflag:s29], $0x1  }
0xb5: {  	[sflag:s29] =	ssyncadd.s32 $0xFFFFFFFF  }
0xb6: {  	_ =	strace $0x90000048  }
0xb7: {  	_ =	sfence  }
0xb8: {  	s30 =	sld [smem:$0x0];
	_ =	sdelay $0x2  }
0xb9: {  	s31 =	sshll.u32 s1, $0xD;
	s1 =	sshrl.u32 s1, $0x2  }
0xba: {  	s3 =	sand.u32 $0x4000, s31;
	s1 =	sadd.s32 s1, s30  }
0xbb: {  	s0 =	sor.u32 s3, s0;
	s1 =	sshll.u32 s1, $0x11  }
0xbc: {  	s0 =	sor.u32 s1, s0  }
0xbd: {  	s0 =	sadd.s32 $0x8F2B, s0  }
0xbe: {  	[sflag:s0] =	ssyncadd.remote.s32 $0x1  }
0xbf: {  	_ =	sfence.sel $0xFFFF  }
0xc0: {  	[dreg:$0x0] =	wrdreg $0xFFFFFFFF;
	(pc) =	sbr.abs _section_cstart, $3  }
0xc1: {  	[dreg:$0x1] =	wrdreg $0xFFFFFFFF  }
0xc2: {  	_ =	task.clear_ibuf [dreg:s7], $0x2FFFF;
	_ =	strace $0x9FFFFFFF  }
0xc3: {  	(tm) =	ssettm $0x7FFFFFFF  }
tec
execute0_lowered:
.L_overlay_start_1:
0x0: {  	(tag) =	ssettag $0x1  }
0x1: {  	s5 =	rddreg [dreg:$0x0];
	s1 =	srdreg.scid  }
0x2: {  	s0 =	stileid.u32;
	s2 =	rddreg [dreg:$0x1]  }
0x3: {  	s3 =	rddreg [dreg:$0x2];
	s4 =	simm.s32 $0x0;
	s13 =	simm.s32 $0x80  }
0x4: {  	s14 =	simm.s32 $0x100;
	s15 =	simm.s32 $0x180;
	s16 =	simm.s32 $0x200  }
0x5: {  	s17 =	simm.s32 $0x280;
	s18 =	simm.s32 $0x300;
	s19 =	simm.s32 $0x380  }
0x6: {  	s20 =	simm.s32 $0x1;
	s21 =	simm.s32 $0x20;
	s22 =	simm.s32 $0x10  }
0x7: {  	s23 =	simm.s32 $0x0;
	s6 =	sand.u32 $0x1, s1;
	s1 =	rddreg [dreg:$0x3]  }
0x8: {  	s29 =	sshll.u32 s0, $0x1;
	[smem:$0x7FF] =	sst s4;
	s8 =	smul.u32 $0x500, s0  }
0x9: {  	s9 =	smul.u32 $0x280, s0;
	s31 =	sshll.u32 s0, $0x6;
	s7 =	sor.u32 s6, s29  }
0xa: {  	_ =	strace $0x80000047;
	s10 =	sshll.u32 s6, $0x7;
	s6 =	ssub.s32 $0x2, s6  }
0xb: {  	s7 =	smul.u32 $0x500, s7;
	s8 =	sor.u32 s10, s8;
	s30 =	sshrl.u32 s9, $0x3  }
0xc: {  	s11 =	sshrl.u32 s6, $0x1;
	s12 =	sadd.s32 s9, s3;
	s9 =	simm.s32 $0x2800  }
0xd: {  	s8 =	sshrl.u32 s8, $0x3;
	s10 =	sadd.s32 s30, s5;
	s11 =	ssub.s32 s6, s11  }
0xe: {  	s12 =	sshrl.u32 s12, $0x3;
	s7 =	sadd.s32 s7, s5;
	s8 =	sadd.s32 s8, s5  }
0xf: {  	s5 =	sadd.s32 $0x16A00, s10;
	s10 =	simm.s32 $0x2;
	s6 =	sadd.s32 $0xCA00, s7  }
0x10: {  	s7 =	sadd.s32 $0x17000, s8;
	s8 =	smax.u32 s11, $0x1;
	s11 =	sor.u32 $0x1C02, s31  }
.LBB2_1:
0x11: {  	[tilespmem:s9], [sflag:$0x2] =	stream.linear.gather [hbm4b:s2+s4], $0x80, $0x38;
	[tilespmem:$0x2B00] =	vst v63  }
0x12: {  	_ =	swait.ge [sflag:s10], $0x80  }
0x13: {  	[sflag:s10] =	ssyncset.done $0x0  }
0x14: {  	[sflag:s10] =	ssyncadd.s32 $0xFFFFFF80  }
0x15: {  	[spmem:s12], [sflag:s11] =	dma.local [hbm:s5], $0x50  }
0x16: {  	_ =	swait.ge [sflag:s10], $0x50  }
0x17: {  	[sflag:s10] =	ssyncset.done $0x0  }
0x18: {  	[sflag:s10] =	ssyncadd.s32 $0xFFFFFFB0  }
0x19: {  	[tilespmem:s4], [sflag:$0x2] =	stream.linear.gather [hbm4b:s6+s4], $0x2800, $0x38;
	[tilespmem:$0x2B00] =	vst v63  }
0x1a: {  	_ =	swait.ge [sflag:s10], $0x2800  }
0x1b: {  	[sflag:s10] =	ssyncset.done $0x0  }
0x1c: {  	[sflag:s10] =	ssyncadd.s32 $0xFFFFD800  }
0x1d: {  	[bflag:$0x0] =	sbarrier.arrive $0xFFFF  }
0x1e: {  	[spmem:s3] =	stream.indirect.scatter.add.f32 [tilespmem:s9], [sflag:$0x1], $0x1, s4, s13, $0xb8;
	[tilespmem:$0x2B00] =	vst v63  }
0x1f: {  	_ = 	snop  }
0x20: {  	[spmem:s3] =	stream.indirect.scatter.add.f32 [tilespmem:s9], [sflag:$0x1], $0x1, s13, s13, $0xb8;
	[tilespmem:$0x2B00] =	vst v63  }
0x21: {  	_ = 	snop  }
0x22: {  	[spmem:s3] =	stream.indirect.scatter.add.f32 [tilespmem:s9], [sflag:$0x1], $0x1, s14, s13, $0xb8;
	[tilespmem:$0x2B00] =	vst v63  }
0x23: {  	_ = 	snop  }
0x24: {  	[spmem:s3] =	stream.indirect.scatter.add.f32 [tilespmem:s9], [sflag:$0x1], $0x1, s15, s13, $0xb8;
	[tilespmem:$0x2B00] =	vst v63  }
0x25: {  	_ = 	snop  }
0x26: {  	[spmem:s3] =	stream.indirect.scatter.add.f32 [tilespmem:s9], [sflag:$0x1], $0x1, s16, s13, $0xb8;
	[tilespmem:$0x2B00] =	vst v63  }
0x27: {  	_ = 	snop  }
0x28: {  	[spmem:s3] =	stream.indirect.scatter.add.f32 [tilespmem:s9], [sflag:$0x1], $0x1, s17, s13, $0xb8;
	[tilespmem:$0x2B00] =	vst v63  }
0x29: {  	_ = 	snop  }
0x2a: {  	[spmem:s3] =	stream.indirect.scatter.add.f32 [tilespmem:s9], [sflag:$0x1], $0x1, s18, s13, $0xb8;
	[tilespmem:$0x2B00] =	vst v63  }
0x2b: {  	_ = 	snop  }
0x2c: {  	[spmem:s3] =	stream.indirect.scatter.add.f32 [tilespmem:s9], [sflag:$0x1], $0x1, s19, s13, $0xb8;
	[tilespmem:$0x2B00] =	vst v63  }
0x2d: {  	_ =	swait.ge [sflag:s20], $0x80  }
0x2e: {  	[sflag:s20] =	ssyncset.done $0x0  }
0x2f: {  	s24 =	simm.s32 $0x1200;
	s25 =	simm.s32 $0x400;
	[sflag:s20] =	ssyncadd.s32 $0xFFFFFF80  }
.LBB2_2:
0x30: {  	[spmem:s3] =	stream.indirect.scatter.add.f32 [tilespmem:s9], [sflag:$0x1], $0x1, s25, s13, $0xb8;
	[tilespmem:$0x2B00] =	vst v63  }
0x31: {  	s25 =	smov.u32 s24;
	p0 =	sne.s32 s24, $0x9E00  }
.Ltmp0:
0x32: {  	s24 =	sadd.s32 $0x200, s24;
	(pc) =	sbr.rel @p0 .LBB2_2-.Ltmp0, $4  }
0x33: {  	_ = 	snop  }
0x34: {  	_ =	swait.ge [sflag:s20], $0x80  }
0x35: {  	[sflag:s20] =	ssyncset.done $0x0  }
0x36: {  	s25 =	sshra.s32 s25, $0x2;
	[sflag:s20] =	ssyncadd.s32 $0xFFFFFF80  }
0x37: {  	[spmem:s3] =	stream.indirect.scatter.add.f32 [tilespmem:s9], [sflag:$0x1], $0x1, s25, s13, $0xb8;
	[tilespmem:$0x2B00] =	vst v63  }
0x38: {  	_ =	swait.ge [sflag:s20], $0x80  }
0x39: {  	[sflag:s20] =	ssyncset.done $0x0  }
0x3a: {  	[sflag:s20] =	ssyncadd.s32 $0xFFFFFF80  }
0x3b: {  	_ =	swait.ge [sflag:s20], $0x80  }
0x3c: {  	[sflag:s20] =	ssyncset.done $0x0  }
0x3d: {  	[sflag:s20] =	ssyncadd.s32 $0xFFFFFF80  }
0x3e: {  	_ =	swait.ge [sflag:s20], $0x80  }
0x3f: {  	[sflag:s20] =	ssyncset.done $0x0  }
0x40: {  	[sflag:s20] =	ssyncadd.s32 $0xFFFFFF80  }
0x41: {  	_ =	swait.ge [sflag:s20], $0x80  }
0x42: {  	[sflag:s20] =	ssyncset.done $0x0  }
0x43: {  	[sflag:s20] =	ssyncadd.s32 $0xFFFFFF80  }
0x44: {  	_ =	swait.ge [sflag:s20], $0x80  }
0x45: {  	[sflag:s20] =	ssyncset.done $0x0  }
0x46: {  	[sflag:s20] =	ssyncadd.s32 $0xFFFFFF80  }
0x47: {  	_ =	swait.ge [sflag:s20], $0x80  }
0x48: {  	[sflag:s20] =	ssyncset.done $0x0  }
0x49: {  	[sflag:s20] =	ssyncadd.s32 $0xFFFFFF80  }
0x4a: {  	_ =	swait.ge [sflag:s20], $0x80  }
0x4b: {  	[sflag:s20] =	ssyncset.done $0x0  }
0x4c: {  	[sflag:s20] =	ssyncadd.s32 $0xFFFFFF80  }
0x4d: {  	_ =	swait.ge [sflag:s20], $0x80  }
0x4e: {  	s23 =	sadd.s32 $0x1, s23;
	[sflag:s20] =	ssyncset.done $0x0  }
0x4f: {  	p0 =	sne.s32 s23, s8;
	[sflag:s20] =	ssyncadd.s32 $0xFFFFFF80  }
.Ltmp1:
0x50: {  	[bflag:$0x0] =	sbarrier.arrive $0xFFFF;
	(pc) =	sbr.rel @p0 .LBB2_1-.Ltmp1, $4  }
0x51: {  	[hbm:s7@s21], [sflag:s11] =	dma.strided [spmem:s12@s22], $0x50, s20, $0x10   }
0x52: {  	_ =	swait.ge [sflag:s10], $0x50  }
0x53: {  	[sflag:s10] =	ssyncset.done $0x0  }
0x54: {  	[sflag:s10] =	ssyncadd.s32 $0xFFFFFFB0  }
0x55: {  	_ =	sfence.sel $0x180000  }
0x56: {  	[bflag:$0x0] =	sbarrier.arrive $0xFFFF  }
0x57: {  	p0 =	sne.s32 s0, $0x0;
	_ =	strace $0x90000047  }
0x58: {  	s0 =	sadd.s32 @!p0 $0x100000, s1;
	[bflag:$0x2] =	sbarrier.arrive $0xFFFF  }
0x59: {  	[sflag:s0] =	ssyncadd.tile.s32 @!p0 $0x1;
	_ =	shalt  }
.Lfunc_end2:
_tile_overlayer_lowered:
.L_overlay_start_2:
0x5a: {  	(tag) =	ssettag $0x2  }
0x5b: {  	s0 =	rddreg [dreg:$0x0];
	s2 =	stileid.u32  }
0x5c: {  	s1 =	rddreg [dreg:$0x1];
	p0 =	sne.s32 s2, $0x0  }
0x5d: {  	s3 =	rddreg [dreg:$0x2];
	[bflag:$0x3] =	sbarrier.arrive $0xFFFF;
	s2 =	simm.s32 @!p0 $0x1C02  }
0x5e: {  	[timem:s3], [sflag:s2] =	dma.local @!p0 [hbm:s0], s1  }
0x5f: {  	s0 =	simm.s32 @!p0 $0x2  }
0x60: {  	_ =	swait.ge @!p0 [sflag:s0], s1  }
0x61: {  	s1 =	ssub.s32 @!p0 $0x0, s1;
	[sflag:s0] =	ssyncset.done @!p0 $0x0  }
0x62: {  	[sflag:s0] =	ssyncadd.s32 @!p0 s1  }
0x63: {  	[bflag:$0x3] =	sbarrier.arrive $0xFFFF  }
0x64: {  	_ =	shalt  }

</sc_bundles>
